<compile_context>
chip_gen: v7x
topology: tpu7x:2x2x1
jax: 0.10.2.dev20260603
libtpu: 0.0.44.dev20260713+nightly
codegen_flags: <defaults>
</compile_context>

<pallas_src>
import jax
import jax.numpy as jnp
from jax import lax
from jax.experimental import pallas as pl
from jax.experimental.pallas import tpu as pltpu
from jax.experimental.pallas import tpu_sc as plsc

_B = 4096
_F = 26
_V = 100000
_D = 32
_NC = 16

_NW = 32
_BPW = _B // _NW
_F2 = 2 * _F
_VBLK = 102400
_NVB = (_V + _VBLK - 1) // _VBLK
_VPAD = _NVB * _VBLK


def _proj_body(w_ref, e_ref, s_ref):
    x = e_ref[0]
    w = w_ref[0]
    s_ref[...] = jnp.sum(x * w, axis=0)


def _project(embT, wT):
    return pl.pallas_call(
        _proj_body,
        grid=(_F, _NVB),
        in_specs=[
            pl.BlockSpec((1, _D, 1), lambda f, vb: (f, 0, 0)),
            pl.BlockSpec((1, _D, _VBLK), lambda f, vb: (f, 0, vb)),
        ],
        out_specs=pl.BlockSpec((_VBLK,), lambda f, vb: (f * _NVB + vb,)),
        out_shape=jax.ShapeDtypeStruct((_F * _VPAD,), jnp.float32),
        compiler_params=pltpu.CompilerParams(
            vmem_limit_bytes=100 * 1024 * 1024),
    )(wT, embT)


def _sc_body(s1, cat2, num2, kdup, foff, out,
             catv, numv, kv, foffv, idxv, sv, outv, sem):
    wid = lax.axis_index("s") * 2 + lax.axis_index("c")
    b0 = wid * _BPW
    iota = lax.iota(jnp.int32, 16)
    zero16 = jnp.zeros((16,), jnp.float32)

    stage = [
        pltpu.async_copy(cat2.at[pl.ds(b0, _BPW), :], catv, sem),
        pltpu.async_copy(num2.at[pl.ds(b0, _BPW), :], numv, sem),
        pltpu.async_copy(kdup, kv, sem),
        pltpu.async_copy(foff, foffv, sem),
    ]
    for d in stage:
        d.wait()

    def build(fp, _):
        fpv = jnp.full((16,), fp, dtype=jnp.int32)
        fofb = plsc.load_gather(foffv, [fpv])
        for g in range(8):
            jvec = iota + (g * 16)
            catg = plsc.load_gather(catv, [jvec, fpv])
            idxv[fp, pl.ds(g * 16, 16)] = catg + fofb
        return 0

    lax.fori_loop(0, _F2, build, 0, unroll=4)

    descs = [
        pltpu.async_copy(s1.at[idxv.at[f]], sv.at[f], sem)
        for f in range(_F2)
    ]
    for d in descs:
        d.wait()

    for g in range(8):
        jvec = iota + (g * 16)

        def body_add(fp, a):
            return a + sv[fp, pl.ds(g * 16, 16)]

        accp = lax.fori_loop(0, _F, body_add, zero16, unroll=13)
        accn = lax.fori_loop(_F, _F2, body_add, zero16, unroll=13)
        acc = accp - accn

        def body_num(l, a):
            kb = plsc.load_gather(kv, [jnp.full((16,), l, dtype=jnp.int32)])
            nv = plsc.load_gather(numv, [jvec,
                                         jnp.full((16,), l, dtype=jnp.int32)])
            return a + kb * nv

        acc = lax.fori_loop(0, 2 * _NC, body_num, acc, unroll=8)
        outv[pl.ds(g * 16, 16)] = acc

    pltpu.sync_copy(outv, out.at[pl.ds(b0, _BPW)])


def _gather_reduce(s1, cat2, num2, kdup, foff):
    mesh = plsc.VectorSubcoreMesh(core_axis_name="c", subcore_axis_name="s",
                                  num_cores=2, num_subcores=16)
    fn = pl.kernel(
        _sc_body,
        out_type=jax.ShapeDtypeStruct((_B,), jnp.float32),
        mesh=mesh,
        scratch_types=[
            pltpu.VMEM((_BPW, _F2), jnp.int32),
            pltpu.VMEM((_BPW, 2 * _NC), jnp.float32),
            pltpu.VMEM((2 * _NC,), jnp.float32),
            pltpu.VMEM((_F2,), jnp.int32),
            pltpu.VMEM((_F2, _BPW), jnp.int32),
            pltpu.VMEM((_F2, _BPW), jnp.float32),
            pltpu.VMEM((_BPW,), jnp.float32),
            pltpu.SemaphoreType.DMA,
        ],
        compiler_params=pltpu.CompilerParams(needs_layout_passes=False,
                                             use_tc_tiling_on_sc=False),
    )
    return fn(s1, cat2, num2, kdup, foff)


@jax.jit
def _run(embT, wT, cat2, num2, kdup, foff):
    s = _project(embT, wT)
    return _gather_reduce(s, cat2, num2, kdup, foff)


def kernel(pos_cat, pos_num, neg_cat, neg_num, emb_tables, lin_w, lin_b,
           bn_gamma, bn_beta, bn_mean, bn_var):
    embT = jnp.transpose(emb_tables, (0, 2, 1))
    w_emb = lin_w[0, : _F * _D].reshape(_F, _D)
    wT = w_emb.reshape(_F, _D, 1)
    cat2 = jnp.concatenate([pos_cat, neg_cat], axis=1)
    num2 = jnp.concatenate([pos_num, neg_num], axis=1)
    knum = lin_w[0, _F * _D:] * bn_gamma * lax.rsqrt(bn_var + 1e-5)
    kdup = jnp.concatenate([knum, -knum], axis=0)
    foff = jnp.tile(jnp.arange(_F, dtype=jnp.int32) * _VPAD, 2)
    out = _run(embT, wT, cat2, num2, kdup, foff)
    return out.reshape(_B, 1)

# --- scband reference (transcript-rebuilt; emitter-appended) ---
"""Pipeline reference for scband-bprmodule-mlp-1992864825391 (READ-ONLY COPY).

The authoritative reference and input builder live on the scoring server;
editing this copy changes nothing except your own understanding.
"""

import jax, jax.numpy as jnp
import numpy as np

B = 4096
F = 26
V = 100000
D = 32
NC = 16

def setup_inputs(seed: int = 0) -> dict:
    key = jax.random.key(seed)
    ks = jax.random.split(key, 8)
    pos_cat = jax.random.randint(ks[0], (B, F), 0, V, dtype=jnp.int32)
    neg_cat = jax.random.randint(ks[1], (B, F), 0, V, dtype=jnp.int32)
    pos_num = jax.random.normal(ks[2], (B, NC), dtype=jnp.float32)
    neg_num = jax.random.normal(ks[3], (B, NC), dtype=jnp.float32)
    emb_tables = jax.random.normal(ks[4], (F, V, D), dtype=jnp.float32) * 0.05
    lin_w = jax.random.normal(ks[5], (1, F * D + NC), dtype=jnp.float32) * 0.02
    lin_b = jnp.zeros((1,), dtype=jnp.float32)
    bn_gamma = jnp.ones((NC,), dtype=jnp.float32)
    bn_beta = jnp.zeros((NC,), dtype=jnp.float32)
    bn_mean = jnp.zeros((NC,), dtype=jnp.float32)
    bn_var = jnp.ones((NC,), dtype=jnp.float32)
    return {"pos_cat": pos_cat, "pos_num": pos_num, "neg_cat": neg_cat, "neg_num": neg_num,
            "emb_tables": emb_tables, "lin_w": lin_w, "lin_b": lin_b,
            "bn_gamma": bn_gamma, "bn_beta": bn_beta, "bn_mean": bn_mean, "bn_var": bn_var}

def _calc_pred(x_cat, x_cont, emb_tables, lin_w, lin_b, bn_gamma, bn_beta, bn_mean, bn_var):
    # per-field embedding lookup: emb_tables[f][x_cat[:, f]] for each field f
    field_idx = jnp.arange(emb_tables.shape[0])
    emb = emb_tables[field_idx[None, :], x_cat]          # [B, F, D] gather
    emb = emb.reshape(emb.shape[0], -1)                  # torch.cat of per-field embeddings
    # emb_drop (p=0.6): identity in eval mode
    # BatchNorm1d in eval mode: running stats
    x2 = (x_cont - bn_mean) / jnp.sqrt(bn_var + 1e-5) * bn_gamma + bn_beta
    x = jnp.concatenate([emb, x2], axis=1)
    return x @ lin_w.T + lin_b

def reference(pos_cat, pos_num, neg_cat, neg_num, emb_tables, lin_w, lin_b, bn_gamma, bn_beta, bn_mean, bn_var):
    pos_preds = _calc_pred(pos_cat, pos_num, emb_tables, lin_w, lin_b, bn_gamma, bn_beta, bn_mean, bn_var)
    neg_preds = _calc_pred(neg_cat, neg_num, emb_tables, lin_w, lin_b, bn_gamma, bn_beta, bn_mean, bn_var)
    return pos_preds - neg_preds

if __name__ == "__main__":
    import jax
    _d = setup_inputs()
    print(jax.jit(kernel)(*tuple(_d.values())))

</pallas_src>

<mosaic_0001>
#map = affine_map<(d0, d1) -> (0)>
#map1 = affine_map<(d0, d1) -> (0, 0)>
module attributes {stable_mosaic.version = 14 : i64} {
  func.func @_sc_body(%arg0: i32, %arg1: i32, %arg2: memref<2662400xf32, #tpu.memory_space<hbm>>, %arg3: memref<4096x52xi32, #tpu.memory_space<hbm>>, %arg4: memref<4096x32xf32, #tpu.memory_space<hbm>>, %arg5: memref<32xf32, #tpu.memory_space<hbm>>, %arg6: memref<52xi32, #tpu.memory_space<hbm>>, %arg7: memref<4096xf32, #tpu.memory_space<hbm>>, %arg8: memref<128x52xi32, #tpu.memory_space<vmem>>, %arg9: memref<128x32xf32, #tpu.memory_space<vmem>>, %arg10: memref<32xf32, #tpu.memory_space<vmem>>, %arg11: memref<52xi32, #tpu.memory_space<vmem>>, %arg12: memref<52x128xi32, #tpu.memory_space<vmem>>, %arg13: memref<52x128xf32, #tpu.memory_space<vmem>>, %arg14: memref<128xf32, #tpu.memory_space<vmem>>, %arg15: memref<!tpu.dma_semaphore, #tpu.memory_space<semaphore_mem>>) attributes {dimension_semantics = [#tpu.dimension_semantics<core_parallel>, #tpu.dimension_semantics<subcore_parallel>], iteration_bounds = array<i64: 2, 16>, scalar_prefetch = 0 : i64, scratch_operands = 8 : i64, tpu.core_type = #tpu.core_type<sc_vector_subcore>, window_params = [{transform_indices = #map}, {transform_indices = #map1}, {transform_indices = #map1}, {transform_indices = #map}, {transform_indices = #map}, {transform_indices = #map}]} {
    %mul3A = arith.constant 2 : i32
    %mul3A_0 = arith.muli %arg1, %mul3A : i32
    %add3A = arith.addi %mul3A_0, %arg0 : i32
    %mul3A_1 = arith.constant 128 : i32
    %mul3A_2 = arith.muli %add3A, %mul3A_1 : i32
    %iota3A = tpu.iota {dimensions = array<i32: 0>} : vector<16xi32>
    %broadcast_in_dim3A = arith.constant 0.000000e+00 : f32
    %broadcast_in_dim3A_3 = vector.broadcast %broadcast_in_dim3A : f32 to vector<16xf32>
    %dma_start3A = arith.constant 0 : i32
    %dma_start3A_4 = tpu.memref_slice %arg3[%mul3A_2, %dma_start3A] : memref<4096x52xi32, #tpu.memory_space<hbm>> -> memref<128x52xi32, #tpu.memory_space<hbm>>
    %dma_start3A_5 = arith.constant 0 : i32
    %dma_start3A_6 = tpu.memref_slice %arg3[%mul3A_2, %dma_start3A_5] : memref<4096x52xi32, #tpu.memory_space<hbm>> -> memref<128x52xi32, #tpu.memory_space<hbm>>
    tpu.enqueue_dma source(%dma_start3A_6 : memref<128x52xi32, #tpu.memory_space<hbm>>) target(%arg8 : memref<128x52xi32, #tpu.memory_space<vmem>>) target_semaphore(%arg15 : memref<!tpu.dma_semaphore, #tpu.memory_space<semaphore_mem>>)
    %dma_start3A_7 = arith.constant 0 : i32
    %dma_start3A_8 = tpu.memref_slice %arg4[%mul3A_2, %dma_start3A_7] : memref<4096x32xf32, #tpu.memory_space<hbm>> -> memref<128x32xf32, #tpu.memory_space<hbm>>
    %dma_start3A_9 = arith.constant 0 : i32
    %dma_start3A_10 = tpu.memref_slice %arg4[%mul3A_2, %dma_start3A_9] : memref<4096x32xf32, #tpu.memory_space<hbm>> -> memref<128x32xf32, #tpu.memory_space<hbm>>
    tpu.enqueue_dma source(%dma_start3A_10 : memref<128x32xf32, #tpu.memory_space<hbm>>) target(%arg9 : memref<128x32xf32, #tpu.memory_space<vmem>>) target_semaphore(%arg15 : memref<!tpu.dma_semaphore, #tpu.memory_space<semaphore_mem>>)
    tpu.enqueue_dma source(%arg5 : memref<32xf32, #tpu.memory_space<hbm>>) target(%arg10 : memref<32xf32, #tpu.memory_space<vmem>>) target_semaphore(%arg15 : memref<!tpu.dma_semaphore, #tpu.memory_space<semaphore_mem>>)
    tpu.enqueue_dma source(%arg6 : memref<52xi32, #tpu.memory_space<hbm>>) target(%arg11 : memref<52xi32, #tpu.memory_space<vmem>>) target_semaphore(%arg15 : memref<!tpu.dma_semaphore, #tpu.memory_space<semaphore_mem>>)
    %dma_wait3A = arith.constant 0 : i32
    %dma_wait3A_11 = tpu.memref_slice %arg3[%mul3A_2, %dma_wait3A] : memref<4096x52xi32, #tpu.memory_space<hbm>> -> memref<128x52xi32, #tpu.memory_space<hbm>>
    %dma_wait3A_12 = arith.constant 0 : i32
    %dma_wait3A_13 = tpu.memref_slice %arg3[%mul3A_2, %dma_wait3A_12] : memref<4096x52xi32, #tpu.memory_space<hbm>> -> memref<128x52xi32, #tpu.memory_space<hbm>>
    tpu.wait_dma2 semaphore(%arg15 : memref<!tpu.dma_semaphore, #tpu.memory_space<semaphore_mem>>) src(%dma_wait3A_13 : memref<128x52xi32, #tpu.memory_space<hbm>>) dst(%arg8 : memref<128x52xi32, #tpu.memory_space<vmem>>)
    %dma_wait3A_14 = arith.constant 0 : i32
    %dma_wait3A_15 = tpu.memref_slice %arg4[%mul3A_2, %dma_wait3A_14] : memref<4096x32xf32, #tpu.memory_space<hbm>> -> memref<128x32xf32, #tpu.memory_space<hbm>>
    %dma_wait3A_16 = arith.constant 0 : i32
    %dma_wait3A_17 = tpu.memref_slice %arg4[%mul3A_2, %dma_wait3A_16] : memref<4096x32xf32, #tpu.memory_space<hbm>> -> memref<128x32xf32, #tpu.memory_space<hbm>>
    tpu.wait_dma2 semaphore(%arg15 : memref<!tpu.dma_semaphore, #tpu.memory_space<semaphore_mem>>) src(%dma_wait3A_17 : memref<128x32xf32, #tpu.memory_space<hbm>>) dst(%arg9 : memref<128x32xf32, #tpu.memory_space<vmem>>)
    tpu.wait_dma2 semaphore(%arg15 : memref<!tpu.dma_semaphore, #tpu.memory_space<semaphore_mem>>) src(%arg5 : memref<32xf32, #tpu.memory_space<hbm>>) dst(%arg10 : memref<32xf32, #tpu.memory_space<vmem>>)
    tpu.wait_dma2 semaphore(%arg15 : memref<!tpu.dma_semaphore, #tpu.memory_space<semaphore_mem>>) src(%arg6 : memref<52xi32, #tpu.memory_space<hbm>>) dst(%arg11 : memref<52xi32, #tpu.memory_space<vmem>>)
    %scan3A = arith.constant 0 : i32
    %scan3A_18 = arith.constant 0 : i32
    %scan3A_19 = arith.constant 52 : i32
    %scan3A_20 = arith.addi %scan3A_18, %scan3A_19 : i32
    %scan3A_21 = arith.constant 4 : i32
    %scan3A_22 = scf.for %scan3A_1254 = %scan3A_18 to %scan3A_20 step %scan3A_21 iter_args(%scan3A_1255 = %scan3A) -> (i32)  : i32 {
      %broadcast_in_dim3A_1256 = vector.broadcast %scan3A_1254 : i32 to vector<16xi32>
      %gather3A = tpu.vector_load_idx %arg11[%broadcast_in_dim3A_1256] : memref<52xi32, #tpu.memory_space<vmem>>[vector<16xi32>], vector<16xi32>,
      %add3A_1257 = arith.constant 0 : i32
      %add3A_1258 = vector.broadcast %add3A_1257 : i32 to vector<16xi32>
      %add3A_1259 = arith.addi %iota3A, %add3A_1258 : vector<16xi32>
      %gather3A_1260 = tpu.vector_load_idx %arg8[%add3A_1259, %broadcast_in_dim3A_1256] : memref<128x52xi32, #tpu.memory_space<vmem>>[vector<16xi32>, vector<16xi32>], vector<16xi32>,
      %add3A_1261 = arith.addi %gather3A_1260, %gather3A : vector<16xi32>
      %swap3A_1262 = arith.index_cast %scan3A_1254 : i32 to index
      %swap3A_1263 = arith.constant 0 : index
      %swap3A_1264 = tpu.vector_load %arg12[%swap3A_1262, %swap3A_1263] {strides = array<i32>} : memref<52x128xi32, #tpu.memory_space<vmem>>, vector<16xi32>,
      tpu.vector_store %arg12[%swap3A_1262, %swap3A_1263], %add3A_1261 {strides = array<i32>} : memref<52x128xi32, #tpu.memory_space<vmem>>, vector<16xi32>,
      %add3A_1265 = arith.constant 16 : i32
      %add3A_1266 = vector.broadcast %add3A_1265 : i32 to vector<16xi32>
      %add3A_1267 = arith.addi %iota3A, %add3A_1266 : vector<16xi32>
      %gather3A_1268 = tpu.vector_load_idx %arg8[%add3A_1267, %broadcast_in_dim3A_1256] : memref<128x52xi32, #tpu.memory_space<vmem>>[vector<16xi32>, vector<16xi32>], vector<16xi32>,
      %add3A_1269 = arith.addi %gather3A_1268, %gather3A : vector<16xi32>
      %swap3A_1270 = arith.index_cast %scan3A_1254 : i32 to index
      %swap3A_1271 = arith.constant 16 : index
      %swap3A_1272 = tpu.vector_load %arg12[%swap3A_1270, %swap3A_1271] {strides = array<i32>} : memref<52x128xi32, #tpu.memory_space<vmem>>, vector<16xi32>,
      tpu.vector_store %arg12[%swap3A_1270, %swap3A_1271], %add3A_1269 {strides = array<i32>} : memref<52x128xi32, #tpu.memory_space<vmem>>, vector<16xi32>,
      %add3A_1273 = arith.constant 32 : i32
      %add3A_1274 = vector.broadcast %add3A_1273 : i32 to vector<16xi32>
      %add3A_1275 = arith.addi %iota3A, %add3A_1274 : vector<16xi32>
      %gather3A_1276 = tpu.vector_load_idx %arg8[%add3A_1275, %broadcast_in_dim3A_1256] : memref<128x52xi32, #tpu.memory_space<vmem>>[vector<16xi32>, vector<16xi32>], vector<16xi32>,
      %add3A_1277 = arith.addi %gather3A_1276, %gather3A : vector<16xi32>
      %swap3A_1278 = arith.index_cast %scan3A_1254 : i32 to index
      %swap3A_1279 = arith.constant 32 : index
      %swap3A_1280 = tpu.vector_load %arg12[%swap3A_1278, %swap3A_1279] {strides = array<i32>} : memref<52x128xi32, #tpu.memory_space<vmem>>, vector<16xi32>,
      tpu.vector_store %arg12[%swap3A_1278, %swap3A_1279], %add3A_1277 {strides = array<i32>} : memref<52x128xi32, #tpu.memory_space<vmem>>, vector<16xi32>,
      %add3A_1281 = arith.constant 48 : i32
      %add3A_1282 = vector.broadcast %add3A_1281 : i32 to vector<16xi32>
      %add3A_1283 = arith.addi %iota3A, %add3A_1282 : vector<16xi32>
      %gather3A_1284 = tpu.vector_load_idx %arg8[%add3A_1283, %broadcast_in_dim3A_1256] : memref<128x52xi32, #tpu.memory_space<vmem>>[vector<16xi32>, vector<16xi32>], vector<16xi32>,
      %add3A_1285 = arith.addi %gather3A_1284, %gather3A : vector<16xi32>
      %swap3A_1286 = arith.index_cast %scan3A_1254 : i32 to index
      %swap3A_1287 = arith.constant 48 : index
      %swap3A_1288 = tpu.vector_load %arg12[%swap3A_1286, %swap3A_1287] {strides = array<i32>} : memref<52x128xi32, #tpu.memory_space<vmem>>, vector<16xi32>,
      tpu.vector_store %arg12[%swap3A_1286, %swap3A_1287], %add3A_1285 {strides = array<i32>} : memref<52x128xi32, #tpu.memory_space<vmem>>, vector<16xi32>,
      %add3A_1289 = arith.constant 64 : i32
      %add3A_1290 = vector.broadcast %add3A_1289 : i32 to vector<16xi32>
      %add3A_1291 = arith.addi %iota3A, %add3A_1290 : vector<16xi32>
      %gather3A_1292 = tpu.vector_load_idx %arg8[%add3A_1291, %broadcast_in_dim3A_1256] : memref<128x52xi32, #tpu.memory_space<vmem>>[vector<16xi32>, vector<16xi32>], vector<16xi32>,
      %add3A_1293 = arith.addi %gather3A_1292, %gather3A : vector<16xi32>
      %swap3A_1294 = arith.index_cast %scan3A_1254 : i32 to index
      %swap3A_1295 = arith.constant 64 : index
      %swap3A_1296 = tpu.vector_load %arg12[%swap3A_1294, %swap3A_1295] {strides = array<i32>} : memref<52x128xi32, #tpu.memory_space<vmem>>, vector<16xi32>,
      tpu.vector_store %arg12[%swap3A_1294, %swap3A_1295], %add3A_1293 {strides = array<i32>} : memref<52x128xi32, #tpu.memory_space<vmem>>, vector<16xi32>,
      %add3A_1297 = arith.constant 80 : i32
      %add3A_1298 = vector.broadcast %add3A_1297 : i32 to vector<16xi32>
      %add3A_1299 = arith.addi %iota3A, %add3A_1298 : vector<16xi32>
      %gather3A_1300 = tpu.vector_load_idx %arg8[%add3A_1299, %broadcast_in_dim3A_1256] : memref<128x52xi32, #tpu.memory_space<vmem>>[vector<16xi32>, vector<16xi32>], vector<16xi32>,
      %add3A_1301 = arith.addi %gather3A_1300, %gather3A : vector<16xi32>
      %swap3A_1302 = arith.index_cast %scan3A_1254 : i32 to index
      %swap3A_1303 = arith.constant 80 : index
      %swap3A_1304 = tpu.vector_load %arg12[%swap3A_1302, %swap3A_1303] {strides = array<i32>} : memref<52x128xi32, #tpu.memory_space<vmem>>, vector<16xi32>,
      tpu.vector_store %arg12[%swap3A_1302, %swap3A_1303], %add3A_1301 {strides = array<i32>} : memref<52x128xi32, #tpu.memory_space<vmem>>, vector<16xi32>,
      %add3A_1305 = arith.constant 96 : i32
      %add3A_1306 = vector.broadcast %add3A_1305 : i32 to vector<16xi32>
      %add3A_1307 = arith.addi %iota3A, %add3A_1306 : vector<16xi32>
      %gather3A_1308 = tpu.vector_load_idx %arg8[%add3A_1307, %broadcast_in_dim3A_1256] : memref<128x52xi32, #tpu.memory_space<vmem>>[vector<16xi32>, vector<16xi32>], vector<16xi32>,
      %add3A_1309 = arith.addi %gather3A_1308, %gather3A : vector<16xi32>
      %swap3A_1310 = arith.index_cast %scan3A_1254 : i32 to index
      %swap3A_1311 = arith.constant 96 : index
      %swap3A_1312 = tpu.vector_load %arg12[%swap3A_1310, %swap3A_1311] {strides = array<i32>} : memref<52x128xi32, #tpu.memory_space<vmem>>, vector<16xi32>,
      tpu.vector_store %arg12[%swap3A_1310, %swap3A_1311], %add3A_1309 {strides = array<i32>} : memref<52x128xi32, #tpu.memory_space<vmem>>, vector<16xi32>,
      %add3A_1313 = arith.constant 112 : i32
      %add3A_1314 = vector.broadcast %add3A_1313 : i32 to vector<16xi32>
      %add3A_1315 = arith.addi %iota3A, %add3A_1314 : vector<16xi32>
      %gather3A_1316 = tpu.vector_load_idx %arg8[%add3A_1315, %broadcast_in_dim3A_1256] : memref<128x52xi32, #tpu.memory_space<vmem>>[vector<16xi32>, vector<16xi32>], vector<16xi32>,
      %add3A_1317 = arith.addi %gather3A_1316, %gather3A : vector<16xi32>
      %swap3A_1318 = arith.index_cast %scan3A_1254 : i32 to index
      %swap3A_1319 = arith.constant 112 : index
      %swap3A_1320 = tpu.vector_load %arg12[%swap3A_1318, %swap3A_1319] {strides = array<i32>} : memref<52x128xi32, #tpu.memory_space<vmem>>, vector<16xi32>,
      tpu.vector_store %arg12[%swap3A_1318, %swap3A_1319], %add3A_1317 {strides = array<i32>} : memref<52x128xi32, #tpu.memory_space<vmem>>, vector<16xi32>,
      %scan3A_1321 = arith.constant 0 : i32
      %scan3A_1322 = arith.constant 1 : i32
      %scan3A_1323 = arith.addi %scan3A_1254, %scan3A_1322 : i32
      %broadcast_in_dim3A_1324 = vector.broadcast %scan3A_1323 : i32 to vector<16xi32>
      %gather3A_1325 = tpu.vector_load_idx %arg11[%broadcast_in_dim3A_1324] : memref<52xi32, #tpu.memory_space<vmem>>[vector<16xi32>], vector<16xi32>,
      %add3A_1326 = arith.constant 0 : i32
      %add3A_1327 = vector.broadcast %add3A_1326 : i32 to vector<16xi32>
      %add3A_1328 = arith.addi %iota3A, %add3A_1327 : vector<16xi32>
      %gather3A_1329 = tpu.vector_load_idx %arg8[%add3A_1328, %broadcast_in_dim3A_1324] : memref<128x52xi32, #tpu.memory_space<vmem>>[vector<16xi32>, vector<16xi32>], vector<16xi32>,
      %add3A_1330 = arith.addi %gather3A_1329, %gather3A_1325 : vector<16xi32>
      %swap3A_1331 = arith.index_cast %scan3A_1323 : i32 to index
      %swap3A_1332 = arith.constant 0 : index
      %swap3A_1333 = tpu.vector_load %arg12[%swap3A_1331, %swap3A_1332] {strides = array<i32>} : memref<52x128xi32, #tpu.memory_space<vmem>>, vector<16xi32>,
      tpu.vector_store %arg12[%swap3A_1331, %swap3A_1332], %add3A_1330 {strides = array<i32>} : memref<52x128xi32, #tpu.memory_space<vmem>>, vector<16xi32>,
      %add3A_1334 = arith.constant 16 : i32
      %add3A_1335 = vector.broadcast %add3A_1334 : i32 to vector<16xi32>
      %add3A_1336 = arith.addi %iota3A, %add3A_1335 : vector<16xi32>
      %gather3A_1337 = tpu.vector_load_idx %arg8[%add3A_1336, %broadcast_in_dim3A_1324] : memref<128x52xi32, #tpu.memory_space<vmem>>[vector<16xi32>, vector<16xi32>], vector<16xi32>,
      %add3A_1338 = arith.addi %gather3A_1337, %gather3A_1325 : vector<16xi32>
      %swap3A_1339 = arith.index_cast %scan3A_1323 : i32 to index
      %swap3A_1340 = arith.constant 16 : index
      %swap3A_1341 = tpu.vector_load %arg12[%swap3A_1339, %swap3A_1340] {strides = array<i32>} : memref<52x128xi32, #tpu.memory_space<vmem>>, vector<16xi32>,
      tpu.vector_store %arg12[%swap3A_1339, %swap3A_1340], %add3A_1338 {strides = array<i32>} : memref<52x128xi32, #tpu.memory_space<vmem>>, vector<16xi32>,
      %add3A_1342 = arith.constant 32 : i32
      %add3A_1343 = vector.broadcast %add3A_1342 : i32 to vector<16xi32>
      %add3A_1344 = arith.addi %iota3A, %add3A_1343 : vector<16xi32>
      %gather3A_1345 = tpu.vector_load_idx %arg8[%add3A_1344, %broadcast_in_dim3A_1324] : memref<128x52xi32, #tpu.memory_space<vmem>>[vector<16xi32>, vector<16xi32>], vector<16xi32>,
      %add3A_1346 = arith.addi %gather3A_1345, %gather3A_1325 : vector<16xi32>
      %swap3A_1347 = arith.index_cast %scan3A_1323 : i32 to index
      %swap3A_1348 = arith.constant 32 : index
      %swap3A_1349 = tpu.vector_load %arg12[%swap3A_1347, %swap3A_1348] {strides = array<i32>} : memref<52x128xi32, #tpu.memory_space<vmem>>, vector<16xi32>,
      tpu.vector_store %arg12[%swap3A_1347, %swap3A_1348], %add3A_1346 {strides = array<i32>} : memref<52x128xi32, #tpu.memory_space<vmem>>, vector<16xi32>,
      %add3A_1350 = arith.constant 48 : i32
      %add3A_1351 = vector.broadcast %add3A_1350 : i32 to vector<16xi32>
      %add3A_1352 = arith.addi %iota3A, %add3A_1351 : vector<16xi32>
      %gather3A_1353 = tpu.vector_load_idx %arg8[%add3A_1352, %broadcast_in_dim3A_1324] : memref<128x52xi32, #tpu.memory_space<vmem>>[vector<16xi32>, vector<16xi32>], vector<16xi32>,
      %add3A_1354 = arith.addi %gather3A_1353, %gather3A_1325 : vector<16xi32>
      %swap3A_1355 = arith.index_cast %scan3A_1323 : i32 to index
      %swap3A_1356 = arith.constant 48 : index
      %swap3A_1357 = tpu.vector_load %arg12[%swap3A_1355, %swap3A_1356] {strides = array<i32>} : memref<52x128xi32, #tpu.memory_space<vmem>>, vector<16xi32>,
      tpu.vector_store %arg12[%swap3A_1355, %swap3A_1356], %add3A_1354 {strides = array<i32>} : memref<52x128xi32, #tpu.memory_space<vmem>>, vector<16xi32>,
      %add3A_1358 = arith.constant 64 : i32
      %add3A_1359 = vector.broadcast %add3A_1358 : i32 to vector<16xi32>
      %add3A_1360 = arith.addi %iota3A, %add3A_1359 : vector<16xi32>
      %gather3A_1361 = tpu.vector_load_idx %arg8[%add3A_1360, %broadcast_in_dim3A_1324] : memref<128x52xi32, #tpu.memory_space<vmem>>[vector<16xi32>, vector<16xi32>], vector<16xi32>,
      %add3A_1362 = arith.addi %gather3A_1361, %gather3A_1325 : vector<16xi32>
      %swap3A_1363 = arith.index_cast %scan3A_1323 : i32 to index
      %swap3A_1364 = arith.constant 64 : index
      %swap3A_1365 = tpu.vector_load %arg12[%swap3A_1363, %swap3A_1364] {strides = array<i32>} : memref<52x128xi32, #tpu.memory_space<vmem>>, vector<16xi32>,
      tpu.vector_store %arg12[%swap3A_1363, %swap3A_1364], %add3A_1362 {strides = array<i32>} : memref<52x128xi32, #tpu.memory_space<vmem>>, vector<16xi32>,
      %add3A_1366 = arith.constant 80 : i32
      %add3A_1367 = vector.broadcast %add3A_1366 : i32 to vector<16xi32>
      %add3A_1368 = arith.addi %iota3A, %add3A_1367 : vector<16xi32>
      %gather3A_1369 = tpu.vector_load_idx %arg8[%add3A_1368, %broadcast_in_dim3A_1324] : memref<128x52xi32, #tpu.memory_space<vmem>>[vector<16xi32>, vector<16xi32>], vector<16xi32>,
      %add3A_1370 = arith.addi %gather3A_1369, %gather3A_1325 : vector<16xi32>
      %swap3A_1371 = arith.index_cast %scan3A_1323 : i32 to index
      %swap3A_1372 = arith.constant 80 : index
      %swap3A_1373 = tpu.vector_load %arg12[%swap3A_1371, %swap3A_1372] {strides = array<i32>} : memref<52x128xi32, #tpu.memory_space<vmem>>, vector<16xi32>,
      tpu.vector_store %arg12[%swap3A_1371, %swap3A_1372], %add3A_1370 {strides = array<i32>} : memref<52x128xi32, #tpu.memory_space<vmem>>, vector<16xi32>,
      %add3A_1374 = arith.constant 96 : i32
      %add3A_1375 = vector.broadcast %add3A_1374 : i32 to vector<16xi32>
      %add3A_1376 = arith.addi %iota3A, %add3A_1375 : vector<16xi32>
      %gather3A_1377 = tpu.vector_load_idx %arg8[%add3A_1376, %broadcast_in_dim3A_1324] : memref<128x52xi32, #tpu.memory_space<vmem>>[vector<16xi32>, vector<16xi32>], vector<16xi32>,
      %add3A_1378 = arith.addi %gather3A_1377, %gather3A_1325 : vector<16xi32>
      %swap3A_1379 = arith.index_cast %scan3A_1323 : i32 to index
      %swap3A_1380 = arith.constant 96 : index
      %swap3A_1381 = tpu.vector_load %arg12[%swap3A_1379, %swap3A_1380] {strides = array<i32>} : memref<52x128xi32, #tpu.memory_space<vmem>>, vector<16xi32>,
      tpu.vector_store %arg12[%swap3A_1379, %swap3A_1380], %add3A_1378 {strides = array<i32>} : memref<52x128xi32, #tpu.memory_space<vmem>>, vector<16xi32>,
      %add3A_1382 = arith.constant 112 : i32
      %add3A_1383 = vector.broadcast %add3A_1382 : i32 to vector<16xi32>
      %add3A_1384 = arith.addi %iota3A, %add3A_1383 : vector<16xi32>
      %gather3A_1385 = tpu.vector_load_idx %arg8[%add3A_1384, %broadcast_in_dim3A_1324] : memref<128x52xi32, #tpu.memory_space<vmem>>[vector<16xi32>, vector<16xi32>], vector<16xi32>,
      %add3A_1386 = arith.addi %gather3A_1385, %gather3A_1325 : vector<16xi32>
      %swap3A_1387 = arith.index_cast %scan3A_1323 : i32 to index
      %swap3A_1388 = arith.constant 112 : index
      %swap3A_1389 = tpu.vector_load %arg12[%swap3A_1387, %swap3A_1388] {strides = array<i32>} : memref<52x128xi32, #tpu.memory_space<vmem>>, vector<16xi32>,
      tpu.vector_store %arg12[%swap3A_1387, %swap3A_1388], %add3A_1386 {strides = array<i32>} : memref<52x128xi32, #tpu.memory_space<vmem>>, vector<16xi32>,
      %scan3A_1390 = arith.constant 0 : i32
      %scan3A_1391 = arith.constant 2 : i32
      %scan3A_1392 = arith.addi %scan3A_1254, %scan3A_1391 : i32
      %broadcast_in_dim3A_1393 = vector.broadcast %scan3A_1392 : i32 to vector<16xi32>
      %gather3A_1394 = tpu.vector_load_idx %arg11[%broadcast_in_dim3A_1393] : memref<52xi32, #tpu.memory_space<vmem>>[vector<16xi32>], vector<16xi32>,
      %add3A_1395 = arith.constant 0 : i32
      %add3A_1396 = vector.broadcast %add3A_1395 : i32 to vector<16xi32>
      %add3A_1397 = arith.addi %iota3A, %add3A_1396 : vector<16xi32>
      %gather3A_1398 = tpu.vector_load_idx %arg8[%add3A_1397, %broadcast_in_dim3A_1393] : memref<128x52xi32, #tpu.memory_space<vmem>>[vector<16xi32>, vector<16xi32>], vector<16xi32>,
      %add3A_1399 = arith.addi %gather3A_1398, %gather3A_1394 : vector<16xi32>
      %swap3A_1400 = arith.index_cast %scan3A_1392 : i32 to index
      %swap3A_1401 = arith.constant 0 : index
      %swap3A_1402 = tpu.vector_load %arg12[%swap3A_1400, %swap3A_1401] {strides = array<i32>} : memref<52x128xi32, #tpu.memory_space<vmem>>, vector<16xi32>,
      tpu.vector_store %arg12[%swap3A_1400, %swap3A_1401], %add3A_1399 {strides = array<i32>} : memref<52x128xi32, #tpu.memory_space<vmem>>, vector<16xi32>,
      %add3A_1403 = arith.constant 16 : i32
      %add3A_1404 = vector.broadcast %add3A_1403 : i32 to vector<16xi32>
      %add3A_1405 = arith.addi %iota3A, %add3A_1404 : vector<16xi32>
      %gather3A_1406 = tpu.vector_load_idx %arg8[%add3A_1405, %broadcast_in_dim3A_1393] : memref<128x52xi32, #tpu.memory_space<vmem>>[vector<16xi32>, vector<16xi32>], vector<16xi32>,
      %add3A_1407 = arith.addi %gather3A_1406, %gather3A_1394 : vector<16xi32>
      %swap3A_1408 = arith.index_cast %scan3A_1392 : i32 to index
      %swap3A_1409 = arith.constant 16 : index
      %swap3A_1410 = tpu.vector_load %arg12[%swap3A_1408, %swap3A_1409] {strides = array<i32>} : memref<52x128xi32, #tpu.memory_space<vmem>>, vector<16xi32>,
      tpu.vector_store %arg12[%swap3A_1408, %swap3A_1409], %add3A_1407 {strides = array<i32>} : memref<52x128xi32, #tpu.memory_space<vmem>>, vector<16xi32>,
      %add3A_1411 = arith.constant 32 : i32
      %add3A_1412 = vector.broadcast %add3A_1411 : i32 to vector<16xi32>
      %add3A_1413 = arith.addi %iota3A, %add3A_1412 : vector<16xi32>
      %gather3A_1414 = tpu.vector_load_idx %arg8[%add3A_1413, %broadcast_in_dim3A_1393] : memref<128x52xi32, #tpu.memory_space<vmem>>[vector<16xi32>, vector<16xi32>], vector<16xi32>,
      %add3A_1415 = arith.addi %gather3A_1414, %gather3A_1394 : vector<16xi32>
      %swap3A_1416 = arith.index_cast %scan3A_1392 : i32 to index
      %swap3A_1417 = arith.constant 32 : index
      %swap3A_1418 = tpu.vector_load %arg12[%swap3A_1416, %swap3A_1417] {strides = array<i32>} : memref<52x128xi32, #tpu.memory_space<vmem>>, vector<16xi32>,
      tpu.vector_store %arg12[%swap3A_1416, %swap3A_1417], %add3A_1415 {strides = array<i32>} : memref<52x128xi32, #tpu.memory_space<vmem>>, vector<16xi32>,
      %add3A_1419 = arith.constant 48 : i32
      %add3A_1420 = vector.broadcast %add3A_1419 : i32 to vector<16xi32>
      %add3A_1421 = arith.addi %iota3A, %add3A_1420 : vector<16xi32>
      %gather3A_1422 = tpu.vector_load_idx %arg8[%add3A_1421, %broadcast_in_dim3A_1393] : memref<128x52xi32, #tpu.memory_space<vmem>>[vector<16xi32>, vector<16xi32>], vector<16xi32>,
      %add3A_1423 = arith.addi %gather3A_1422, %gather3A_1394 : vector<16xi32>
      %swap3A_1424 = arith.index_cast %scan3A_1392 : i32 to index
      %swap3A_1425 = arith.constant 48 : index
      %swap3A_1426 = tpu.vector_load %arg12[%swap3A_1424, %swap3A_1425] {strides = array<i32>} : memref<52x128xi32, #tpu.memory_space<vmem>>, vector<16xi32>,
      tpu.vector_store %arg12[%swap3A_1424, %swap3A_1425], %add3A_1423 {strides = array<i32>} : memref<52x128xi32, #tpu.memory_space<vmem>>, vector<16xi32>,
      %add3A_1427 = arith.constant 64 : i32
      %add3A_1428 = vector.broadcast %add3A_1427 : i32 to vector<16xi32>
      %add3A_1429 = arith.addi %iota3A, %add3A_1428 : vector<16xi32>
      %gather3A_1430 = tpu.vector_load_idx %arg8[%add3A_1429, %broadcast_in_dim3A_1393] : memref<128x52xi32, #tpu.memory_space<vmem>>[vector<16xi32>, vector<16xi32>], vector<16xi32>,
      %add3A_1431 = arith.addi %gather3A_1430, %gather3A_1394 : vector<16xi32>
      %swap3A_1432 = arith.index_cast %scan3A_1392 : i32 to index
      %swap3A_1433 = arith.constant 64 : index
      %swap3A_1434 = tpu.vector_load %arg12[%swap3A_1432, %swap3A_1433] {strides = array<i32>} : memref<52x128xi32, #tpu.memory_space<vmem>>, vector<16xi32>,
      tpu.vector_store %arg12[%swap3A_1432, %swap3A_1433], %add3A_1431 {strides = array<i32>} : memref<52x128xi32, #tpu.memory_space<vmem>>, vector<16xi32>,
      %add3A_1435 = arith.constant 80 : i32
      %add3A_1436 = vector.broadcast %add3A_1435 : i32 to vector<16xi32>
      %add3A_1437 = arith.addi %iota3A, %add3A_1436 : vector<16xi32>
      %gather3A_1438 = tpu.vector_load_idx %arg8[%add3A_1437, %broadcast_in_dim3A_1393] : memref<128x52xi32, #tpu.memory_space<vmem>>[vector<16xi32>, vector<16xi32>], vector<16xi32>,
      %add3A_1439 = arith.addi %gather3A_1438, %gather3A_1394 : vector<16xi32>
      %swap3A_1440 = arith.index_cast %scan3A_1392 : i32 to index
      %swap3A_1441 = arith.constant 80 : index
      %swap3A_1442 = tpu.vector_load %arg12[%swap3A_1440, %swap3A_1441] {strides = array<i32>} : memref<52x128xi32, #tpu.memory_space<vmem>>, vector<16xi32>,
      tpu.vector_store %arg12[%swap3A_1440, %swap3A_1441], %add3A_1439 {strides = array<i32>} : memref<52x128xi32, #tpu.memory_space<vmem>>, vector<16xi32>,
      %add3A_1443 = arith.constant 96 : i32
      %add3A_1444 = vector.broadcast %add3A_1443 : i32 to vector<16xi32>
      %add3A_1445 = arith.addi %iota3A, %add3A_1444 : vector<16xi32>
      %gather3A_1446 = tpu.vector_load_idx %arg8[%add3A_1445, %broadcast_in_dim3A_1393] : memref<128x52xi32, #tpu.memory_space<vmem>>[vector<16xi32>, vector<16xi32>], vector<16xi32>,
      %add3A_1447 = arith.addi %gather3A_1446, %gather3A_1394 : vector<16xi32>
      %swap3A_1448 = arith.index_cast %scan3A_1392 : i32 to index
      %swap3A_1449 = arith.constant 96 : index
      %swap3A_1450 = tpu.vector_load %arg12[%swap3A_1448, %swap3A_1449] {strides = array<i32>} : memref<52x128xi32, #tpu.memory_space<vmem>>, vector<16xi32>,
      tpu.vector_store %arg12[%swap3A_1448, %swap3A_1449], %add3A_1447 {strides = array<i32>} : memref<52x128xi32, #tpu.memory_space<vmem>>, vector<16xi32>,
      %add3A_1451 = arith.constant 112 : i32
      %add3A_1452 = vector.broadcast %add3A_1451 : i32 to vector<16xi32>
      %add3A_1453 = arith.addi %iota3A, %add3A_1452 : vector<16xi32>
      %gather3A_1454 = tpu.vector_load_idx %arg8[%add3A_1453, %broadcast_in_dim3A_1393] : memref<128x52xi32, #tpu.memory_space<vmem>>[vector<16xi32>, vector<16xi32>], vector<16xi32>,
      %add3A_1455 = arith.addi %gather3A_1454, %gather3A_1394 : vector<16xi32>
      %swap3A_1456 = arith.index_cast %scan3A_1392 : i32 to index
      %swap3A_1457 = arith.constant 112 : index
      %swap3A_1458 = tpu.vector_load %arg12[%swap3A_1456, %swap3A_1457] {strides = array<i32>} : memref<52x128xi32, #tpu.memory_space<vmem>>, vector<16xi32>,
      tpu.vector_store %arg12[%swap3A_1456, %swap3A_1457], %add3A_1455 {strides = array<i32>} : memref<52x128xi32, #tpu.memory_space<vmem>>, vector<16xi32>,
      %scan3A_1459 = arith.constant 0 : i32
      %scan3A_1460 = arith.constant 3 : i32
      %scan3A_1461 = arith.addi %scan3A_1254, %scan3A_1460 : i32
      %broadcast_in_dim3A_1462 = vector.broadcast %scan3A_1461 : i32 to vector<16xi32>
      %gather3A_1463 = tpu.vector_load_idx %arg11[%broadcast_in_dim3A_1462] : memref<52xi32, #tpu.memory_space<vmem>>[vector<16xi32>], vector<16xi32>,
      %add3A_1464 = arith.constant 0 : i32
      %add3A_1465 = vector.broadcast %add3A_1464 : i32 to vector<16xi32>
      %add3A_1466 = arith.addi %iota3A, %add3A_1465 : vector<16xi32>
      %gather3A_1467 = tpu.vector_load_idx %arg8[%add3A_1466, %broadcast_in_dim3A_1462] : memref<128x52xi32, #tpu.memory_space<vmem>>[vector<16xi32>, vector<16xi32>], vector<16xi32>,
      %add3A_1468 = arith.addi %gather3A_1467, %gather3A_1463 : vector<16xi32>
      %swap3A_1469 = arith.index_cast %scan3A_1461 : i32 to index
      %swap3A_1470 = arith.constant 0 : index
      %swap3A_1471 = tpu.vector_load %arg12[%swap3A_1469, %swap3A_1470] {strides = array<i32>} : memref<52x128xi32, #tpu.memory_space<vmem>>, vector<16xi32>,
      tpu.vector_store %arg12[%swap3A_1469, %swap3A_1470], %add3A_1468 {strides = array<i32>} : memref<52x128xi32, #tpu.memory_space<vmem>>, vector<16xi32>,
      %add3A_1472 = arith.constant 16 : i32
      %add3A_1473 = vector.broadcast %add3A_1472 : i32 to vector<16xi32>
      %add3A_1474 = arith.addi %iota3A, %add3A_1473 : vector<16xi32>
      %gather3A_1475 = tpu.vector_load_idx %arg8[%add3A_1474, %broadcast_in_dim3A_1462] : memref<128x52xi32, #tpu.memory_space<vmem>>[vector<16xi32>, vector<16xi32>], vector<16xi32>,
      %add3A_1476 = arith.addi %gather3A_1475, %gather3A_1463 : vector<16xi32>
      %swap3A_1477 = arith.index_cast %scan3A_1461 : i32 to index
      %swap3A_1478 = arith.constant 16 : index
      %swap3A_1479 = tpu.vector_load %arg12[%swap3A_1477, %swap3A_1478] {strides = array<i32>} : memref<52x128xi32, #tpu.memory_space<vmem>>, vector<16xi32>,
      tpu.vector_store %arg12[%swap3A_1477, %swap3A_1478], %add3A_1476 {strides = array<i32>} : memref<52x128xi32, #tpu.memory_space<vmem>>, vector<16xi32>,
      %add3A_1480 = arith.constant 32 : i32
      %add3A_1481 = vector.broadcast %add3A_1480 : i32 to vector<16xi32>
      %add3A_1482 = arith.addi %iota3A, %add3A_1481 : vector<16xi32>
      %gather3A_1483 = tpu.vector_load_idx %arg8[%add3A_1482, %broadcast_in_dim3A_1462] : memref<128x52xi32, #tpu.memory_space<vmem>>[vector<16xi32>, vector<16xi32>], vector<16xi32>,
      %add3A_1484 = arith.addi %gather3A_1483, %gather3A_1463 : vector<16xi32>
      %swap3A_1485 = arith.index_cast %scan3A_1461 : i32 to index
      %swap3A_1486 = arith.constant 32 : index
      %swap3A_1487 = tpu.vector_load %arg12[%swap3A_1485, %swap3A_1486] {strides = array<i32>} : memref<52x128xi32, #tpu.memory_space<vmem>>, vector<16xi32>,
      tpu.vector_store %arg12[%swap3A_1485, %swap3A_1486], %add3A_1484 {strides = array<i32>} : memref<52x128xi32, #tpu.memory_space<vmem>>, vector<16xi32>,
      %add3A_1488 = arith.constant 48 : i32
      %add3A_1489 = vector.broadcast %add3A_1488 : i32 to vector<16xi32>
      %add3A_1490 = arith.addi %iota3A, %add3A_1489 : vector<16xi32>
      %gather3A_1491 = tpu.vector_load_idx %arg8[%add3A_1490, %broadcast_in_dim3A_1462] : memref<128x52xi32, #tpu.memory_space<vmem>>[vector<16xi32>, vector<16xi32>], vector<16xi32>,
      %add3A_1492 = arith.addi %gather3A_1491, %gather3A_1463 : vector<16xi32>
      %swap3A_1493 = arith.index_cast %scan3A_1461 : i32 to index
      %swap3A_1494 = arith.constant 48 : index
      %swap3A_1495 = tpu.vector_load %arg12[%swap3A_1493, %swap3A_1494] {strides = array<i32>} : memref<52x128xi32, #tpu.memory_space<vmem>>, vector<16xi32>,
      tpu.vector_store %arg12[%swap3A_1493, %swap3A_1494], %add3A_1492 {strides = array<i32>} : memref<52x128xi32, #tpu.memory_space<vmem>>, vector<16xi32>,
      %add3A_1496 = arith.constant 64 : i32
      %add3A_1497 = vector.broadcast %add3A_1496 : i32 to vector<16xi32>
      %add3A_1498 = arith.addi %iota3A, %add3A_1497 : vector<16xi32>
      %gather3A_1499 = tpu.vector_load_idx %arg8[%add3A_1498, %broadcast_in_dim3A_1462] : memref<128x52xi32, #tpu.memory_space<vmem>>[vector<16xi32>, vector<16xi32>], vector<16xi32>,
      %add3A_1500 = arith.addi %gather3A_1499, %gather3A_1463 : vector<16xi32>
      %swap3A_1501 = arith.index_cast %scan3A_1461 : i32 to index
      %swap3A_1502 = arith.constant 64 : index
      %swap3A_1503 = tpu.vector_load %arg12[%swap3A_1501, %swap3A_1502] {strides = array<i32>} : memref<52x128xi32, #tpu.memory_space<vmem>>, vector<16xi32>,
      tpu.vector_store %arg12[%swap3A_1501, %swap3A_1502], %add3A_1500 {strides = array<i32>} : memref<52x128xi32, #tpu.memory_space<vmem>>, vector<16xi32>,
      %add3A_1504 = arith.constant 80 : i32
      %add3A_1505 = vector.broadcast %add3A_1504 : i32 to vector<16xi32>
      %add3A_1506 = arith.addi %iota3A, %add3A_1505 : vector<16xi32>
      %gather3A_1507 = tpu.vector_load_idx %arg8[%add3A_1506, %broadcast_in_dim3A_1462] : memref<128x52xi32, #tpu.memory_space<vmem>>[vector<16xi32>, vector<16xi32>], vector<16xi32>,
      %add3A_1508 = arith.addi %gather3A_1507, %gather3A_1463 : vector<16xi32>
      %swap3A_1509 = arith.index_cast %scan3A_1461 : i32 to index
      %swap3A_1510 = arith.constant 80 : index
      %swap3A_1511 = tpu.vector_load %arg12[%swap3A_1509, %swap3A_1510] {strides = array<i32>} : memref<52x128xi32, #tpu.memory_space<vmem>>, vector<16xi32>,
      tpu.vector_store %arg12[%swap3A_1509, %swap3A_1510], %add3A_1508 {strides = array<i32>} : memref<52x128xi32, #tpu.memory_space<vmem>>, vector<16xi32>,
      %add3A_1512 = arith.constant 96 : i32
      %add3A_1513 = vector.broadcast %add3A_1512 : i32 to vector<16xi32>
      %add3A_1514 = arith.addi %iota3A, %add3A_1513 : vector<16xi32>
      %gather3A_1515 = tpu.vector_load_idx %arg8[%add3A_1514, %broadcast_in_dim3A_1462] : memref<128x52xi32, #tpu.memory_space<vmem>>[vector<16xi32>, vector<16xi32>], vector<16xi32>,
      %add3A_1516 = arith.addi %gather3A_1515, %gather3A_1463 : vector<16xi32>
      %swap3A_1517 = arith.index_cast %scan3A_1461 : i32 to index
      %swap3A_1518 = arith.constant 96 : index
      %swap3A_1519 = tpu.vector_load %arg12[%swap3A_1517, %swap3A_1518] {strides = array<i32>} : memref<52x128xi32, #tpu.memory_space<vmem>>, vector<16xi32>,
      tpu.vector_store %arg12[%swap3A_1517, %swap3A_1518], %add3A_1516 {strides = array<i32>} : memref<52x128xi32, #tpu.memory_space<vmem>>, vector<16xi32>,
      %add3A_1520 = arith.constant 112 : i32
      %add3A_1521 = vector.broadcast %add3A_1520 : i32 to vector<16xi32>
      %add3A_1522 = arith.addi %iota3A, %add3A_1521 : vector<16xi32>
      %gather3A_1523 = tpu.vector_load_idx %arg8[%add3A_1522, %broadcast_in_dim3A_1462] : memref<128x52xi32, #tpu.memory_space<vmem>>[vector<16xi32>, vector<16xi32>], vector<16xi32>,
      %add3A_1524 = arith.addi %gather3A_1523, %gather3A_1463 : vector<16xi32>
      %swap3A_1525 = arith.index_cast %scan3A_1461 : i32 to index
      %swap3A_1526 = arith.constant 112 : index
      %swap3A_1527 = tpu.vector_load %arg12[%swap3A_1525, %swap3A_1526] {strides = array<i32>} : memref<52x128xi32, #tpu.memory_space<vmem>>, vector<16xi32>,
      tpu.vector_store %arg12[%swap3A_1525, %swap3A_1526], %add3A_1524 {strides = array<i32>} : memref<52x128xi32, #tpu.memory_space<vmem>>, vector<16xi32>,
      %scan3A_1528 = arith.constant 0 : i32
      scf.yield %scan3A_1528 : i32
    }
    %scan3A_23 = arith.constant 52 : i32
    %dma_start3A_24 = arith.constant 0 : i32
    %dma_start3A_25 = arith.constant 0 : i32
    %dma_start3A_26 = arith.constant 0 : i32
    %dma_start3A_27 = tpu.memref_slice %arg13[%dma_start3A_25, %dma_start3A_26] : memref<52x128xf32, #tpu.memory_space<vmem>> -> memref<1x128xf32, #tpu.memory_space<vmem>>
    %dma_start3A_28 = tpu.memref_squeeze %dma_start3A_27 : memref<1x128xf32, #tpu.memory_space<vmem>> -> memref<128xf32, #tpu.memory_space<vmem>>
    %dma_start3A_29 = arith.constant 0 : i32
    %dma_start3A_30 = tpu.memref_slice %arg12[%dma_start3A_24, %dma_start3A_29] : memref<52x128xi32, #tpu.memory_space<vmem>> -> memref<1x128xi32, #tpu.memory_space<vmem>>
    %dma_start3A_31 = tpu.memref_squeeze %dma_start3A_30 : memref<1x128xi32, #tpu.memory_space<vmem>> -> memref<128xi32, #tpu.memory_space<vmem>>
    %dma_start3A_32 = arith.constant 0 : i32
    %dma_start3A_33 = tpu.memref_slice %arg2[%dma_start3A_32] : memref<2662400xf32, #tpu.memory_space<hbm>> -> memref<2662400xf32, #tpu.memory_space<hbm>>
    tpu.enqueue_indirect_dma source(%dma_start3A_33 : memref<2662400xf32, #tpu.memory_space<hbm>>) target(%dma_start3A_28 : memref<128xf32, #tpu.memory_space<vmem>>) offsets(%dma_start3A_31 : memref<128xi32, #tpu.memory_space<vmem>>) semaphore(%arg15 : memref<!tpu.dma_semaphore, #tpu.memory_space<semaphore_mem>>)
    %dma_start3A_34 = arith.constant 1 : i32
    %dma_start3A_35 = arith.constant 1 : i32
    %dma_start3A_36 = arith.constant 0 : i32
    %dma_start3A_37 = tpu.memref_slice %arg13[%dma_start3A_35, %dma_start3A_36] : memref<52x128xf32, #tpu.memory_space<vmem>> -> memref<1x128xf32, #tpu.memory_space<vmem>>
    %dma_start3A_38 = tpu.memref_squeeze %dma_start3A_37 : memref<1x128xf32, #tpu.memory_space<vmem>> -> memref<128xf32, #tpu.memory_space<vmem>>
    %dma_start3A_39 = arith.constant 0 : i32
    %dma_start3A_40 = tpu.memref_slice %arg12[%dma_start3A_34, %dma_start3A_39] : memref<52x128xi32, #tpu.memory_space<vmem>> -> memref<1x128xi32, #tpu.memory_space<vmem>>
    %dma_start3A_41 = tpu.memref_squeeze %dma_start3A_40 : memref<1x128xi32, #tpu.memory_space<vmem>> -> memref<128xi32, #tpu.memory_space<vmem>>
    %dma_start3A_42 = arith.constant 0 : i32
    %dma_start3A_43 = tpu.memref_slice %arg2[%dma_start3A_42] : memref<2662400xf32, #tpu.memory_space<hbm>> -> memref<2662400xf32, #tpu.memory_space<hbm>>
    tpu.enqueue_indirect_dma source(%dma_start3A_43 : memref<2662400xf32, #tpu.memory_space<hbm>>) target(%dma_start3A_38 : memref<128xf32, #tpu.memory_space<vmem>>) offsets(%dma_start3A_41 : memref<128xi32, #tpu.memory_space<vmem>>) semaphore(%arg15 : memref<!tpu.dma_semaphore, #tpu.memory_space<semaphore_mem>>)
    %dma_start3A_44 = arith.constant 2 : i32
    %dma_start3A_45 = arith.constant 2 : i32
    %dma_start3A_46 = arith.constant 0 : i32
    %dma_start3A_47 = tpu.memref_slice %arg13[%dma_start3A_45, %dma_start3A_46] : memref<52x128xf32, #tpu.memory_space<vmem>> -> memref<1x128xf32, #tpu.memory_space<vmem>>
    %dma_start3A_48 = tpu.memref_squeeze %dma_start3A_47 : memref<1x128xf32, #tpu.memory_space<vmem>> -> memref<128xf32, #tpu.memory_space<vmem>>
    %dma_start3A_49 = arith.constant 0 : i32
    %dma_start3A_50 = tpu.memref_slice %arg12[%dma_start3A_44, %dma_start3A_49] : memref<52x128xi32, #tpu.memory_space<vmem>> -> memref<1x128xi32, #tpu.memory_space<vmem>>
    %dma_start3A_51 = tpu.memref_squeeze %dma_start3A_50 : memref<1x128xi32, #tpu.memory_space<vmem>> -> memref<128xi32, #tpu.memory_space<vmem>>
    %dma_start3A_52 = arith.constant 0 : i32
    %dma_start3A_53 = tpu.memref_slice %arg2[%dma_start3A_52] : memref<2662400xf32, #tpu.memory_space<hbm>> -> memref<2662400xf32, #tpu.memory_space<hbm>>
    tpu.enqueue_indirect_dma source(%dma_start3A_53 : memref<2662400xf32, #tpu.memory_space<hbm>>) target(%dma_start3A_48 : memref<128xf32, #tpu.memory_space<vmem>>) offsets(%dma_start3A_51 : memref<128xi32, #tpu.memory_space<vmem>>) semaphore(%arg15 : memref<!tpu.dma_semaphore, #tpu.memory_space<semaphore_mem>>)
    %dma_start3A_54 = arith.constant 3 : i32
    %dma_start3A_55 = arith.constant 3 : i32
    %dma_start3A_56 = arith.constant 0 : i32
    %dma_start3A_57 = tpu.memref_slice %arg13[%dma_start3A_55, %dma_start3A_56] : memref<52x128xf32, #tpu.memory_space<vmem>> -> memref<1x128xf32, #tpu.memory_space<vmem>>
    %dma_start3A_58 = tpu.memref_squeeze %dma_start3A_57 : memref<1x128xf32, #tpu.memory_space<vmem>> -> memref<128xf32, #tpu.memory_space<vmem>>
    %dma_start3A_59 = arith.constant 0 : i32
    %dma_start3A_60 = tpu.memref_slice %arg12[%dma_start3A_54, %dma_start3A_59] : memref<52x128xi32, #tpu.memory_space<vmem>> -> memref<1x128xi32, #tpu.memory_space<vmem>>
    %dma_start3A_61 = tpu.memref_squeeze %dma_start3A_60 : memref<1x128xi32, #tpu.memory_space<vmem>> -> memref<128xi32, #tpu.memory_space<vmem>>
    %dma_start3A_62 = arith.constant 0 : i32
    %dma_start3A_63 = tpu.memref_slice %arg2[%dma_start3A_62] : memref<2662400xf32, #tpu.memory_space<hbm>> -> memref<2662400xf32, #tpu.memory_space<hbm>>
    tpu.enqueue_indirect_dma source(%dma_start3A_63 : memref<2662400xf32, #tpu.memory_space<hbm>>) target(%dma_start3A_58 : memref<128xf32, #tpu.memory_space<vmem>>) offsets(%dma_start3A_61 : memref<128xi32, #tpu.memory_space<vmem>>) semaphore(%arg15 : memref<!tpu.dma_semaphore, #tpu.memory_space<semaphore_mem>>)
    %dma_start3A_64 = arith.constant 4 : i32
    %dma_start3A_65 = arith.constant 4 : i32
    %dma_start3A_66 = arith.constant 0 : i32
    %dma_start3A_67 = tpu.memref_slice %arg13[%dma_start3A_65, %dma_start3A_66] : memref<52x128xf32, #tpu.memory_space<vmem>> -> memref<1x128xf32, #tpu.memory_space<vmem>>
    %dma_start3A_68 = tpu.memref_squeeze %dma_start3A_67 : memref<1x128xf32, #tpu.memory_space<vmem>> -> memref<128xf32, #tpu.memory_space<vmem>>
    %dma_start3A_69 = arith.constant 0 : i32
    %dma_start3A_70 = tpu.memref_slice %arg12[%dma_start3A_64, %dma_start3A_69] : memref<52x128xi32, #tpu.memory_space<vmem>> -> memref<1x128xi32, #tpu.memory_space<vmem>>
    %dma_start3A_71 = tpu.memref_squeeze %dma_start3A_70 : memref<1x128xi32, #tpu.memory_space<vmem>> -> memref<128xi32, #tpu.memory_space<vmem>>
    %dma_start3A_72 = arith.constant 0 : i32
    %dma_start3A_73 = tpu.memref_slice %arg2[%dma_start3A_72] : memref<2662400xf32, #tpu.memory_space<hbm>> -> memref<2662400xf32, #tpu.memory_space<hbm>>
    tpu.enqueue_indirect_dma source(%dma_start3A_73 : memref<2662400xf32, #tpu.memory_space<hbm>>) target(%dma_start3A_68 : memref<128xf32, #tpu.memory_space<vmem>>) offsets(%dma_start3A_71 : memref<128xi32, #tpu.memory_space<vmem>>) semaphore(%arg15 : memref<!tpu.dma_semaphore, #tpu.memory_space<semaphore_mem>>)
    %dma_start3A_74 = arith.constant 5 : i32
    %dma_start3A_75 = arith.constant 5 : i32
    %dma_start3A_76 = arith.constant 0 : i32
    %dma_start3A_77 = tpu.memref_slice %arg13[%dma_start3A_75, %dma_start3A_76] : memref<52x128xf32, #tpu.memory_space<vmem>> -> memref<1x128xf32, #tpu.memory_space<vmem>>
    %dma_start3A_78 = tpu.memref_squeeze %dma_start3A_77 : memref<1x128xf32, #tpu.memory_space<vmem>> -> memref<128xf32, #tpu.memory_space<vmem>>
    %dma_start3A_79 = arith.constant 0 : i32
    %dma_start3A_80 = tpu.memref_slice %arg12[%dma_start3A_74, %dma_start3A_79] : memref<52x128xi32, #tpu.memory_space<vmem>> -> memref<1x128xi32, #tpu.memory_space<vmem>>
    %dma_start3A_81 = tpu.memref_squeeze %dma_start3A_80 : memref<1x128xi32, #tpu.memory_space<vmem>> -> memref<128xi32, #tpu.memory_space<vmem>>
    %dma_start3A_82 = arith.constant 0 : i32
    %dma_start3A_83 = tpu.memref_slice %arg2[%dma_start3A_82] : memref<2662400xf32, #tpu.memory_space<hbm>> -> memref<2662400xf32, #tpu.memory_space<hbm>>
    tpu.enqueue_indirect_dma source(%dma_start3A_83 : memref<2662400xf32, #tpu.memory_space<hbm>>) target(%dma_start3A_78 : memref<128xf32, #tpu.memory_space<vmem>>) offsets(%dma_start3A_81 : memref<128xi32, #tpu.memory_space<vmem>>) semaphore(%arg15 : memref<!tpu.dma_semaphore, #tpu.memory_space<semaphore_mem>>)
    %dma_start3A_84 = arith.constant 6 : i32
    %dma_start3A_85 = arith.constant 6 : i32
    %dma_start3A_86 = arith.constant 0 : i32
    %dma_start3A_87 = tpu.memref_slice %arg13[%dma_start3A_85, %dma_start3A_86] : memref<52x128xf32, #tpu.memory_space<vmem>> -> memref<1x128xf32, #tpu.memory_space<vmem>>
    %dma_start3A_88 = tpu.memref_squeeze %dma_start3A_87 : memref<1x128xf32, #tpu.memory_space<vmem>> -> memref<128xf32, #tpu.memory_space<vmem>>
    %dma_start3A_89 = arith.constant 0 : i32
    %dma_start3A_90 = tpu.memref_slice %arg12[%dma_start3A_84, %dma_start3A_89] : memref<52x128xi32, #tpu.memory_space<vmem>> -> memref<1x128xi32, #tpu.memory_space<vmem>>
    %dma_start3A_91 = tpu.memref_squeeze %dma_start3A_90 : memref<1x128xi32, #tpu.memory_space<vmem>> -> memref<128xi32, #tpu.memory_space<vmem>>
    %dma_start3A_92 = arith.constant 0 : i32
    %dma_start3A_93 = tpu.memref_slice %arg2[%dma_start3A_92] : memref<2662400xf32, #tpu.memory_space<hbm>> -> memref<2662400xf32, #tpu.memory_space<hbm>>
    tpu.enqueue_indirect_dma source(%dma_start3A_93 : memref<2662400xf32, #tpu.memory_space<hbm>>) target(%dma_start3A_88 : memref<128xf32, #tpu.memory_space<vmem>>) offsets(%dma_start3A_91 : memref<128xi32, #tpu.memory_space<vmem>>) semaphore(%arg15 : memref<!tpu.dma_semaphore, #tpu.memory_space<semaphore_mem>>)
    %dma_start3A_94 = arith.constant 7 : i32
    %dma_start3A_95 = arith.constant 7 : i32
    %dma_start3A_96 = arith.constant 0 : i32
    %dma_start3A_97 = tpu.memref_slice %arg13[%dma_start3A_95, %dma_start3A_96] : memref<52x128xf32, #tpu.memory_space<vmem>> -> memref<1x128xf32, #tpu.memory_space<vmem>>
    %dma_start3A_98 = tpu.memref_squeeze %dma_start3A_97 : memref<1x128xf32, #tpu.memory_space<vmem>> -> memref<128xf32, #tpu.memory_space<vmem>>
    %dma_start3A_99 = arith.constant 0 : i32
    %dma_start3A_100 = tpu.memref_slice %arg12[%dma_start3A_94, %dma_start3A_99] : memref<52x128xi32, #tpu.memory_space<vmem>> -> memref<1x128xi32, #tpu.memory_space<vmem>>
    %dma_start3A_101 = tpu.memref_squeeze %dma_start3A_100 : memref<1x128xi32, #tpu.memory_space<vmem>> -> memref<128xi32, #tpu.memory_space<vmem>>
    %dma_start3A_102 = arith.constant 0 : i32
    %dma_start3A_103 = tpu.memref_slice %arg2[%dma_start3A_102] : memref<2662400xf32, #tpu.memory_space<hbm>> -> memref<2662400xf32, #tpu.memory_space<hbm>>
    tpu.enqueue_indirect_dma source(%dma_start3A_103 : memref<2662400xf32, #tpu.memory_space<hbm>>) target(%dma_start3A_98 : memref<128xf32, #tpu.memory_space<vmem>>) offsets(%dma_start3A_101 : memref<128xi32, #tpu.memory_space<vmem>>) semaphore(%arg15 : memref<!tpu.dma_semaphore, #tpu.memory_space<semaphore_mem>>)
    %dma_start3A_104 = arith.constant 8 : i32
    %dma_start3A_105 = arith.constant 8 : i32
    %dma_start3A_106 = arith.constant 0 : i32
    %dma_start3A_107 = tpu.memref_slice %arg13[%dma_start3A_105, %dma_start3A_106] : memref<52x128xf32, #tpu.memory_space<vmem>> -> memref<1x128xf32, #tpu.memory_space<vmem>>
    %dma_start3A_108 = tpu.memref_squeeze %dma_start3A_107 : memref<1x128xf32, #tpu.memory_space<vmem>> -> memref<128xf32, #tpu.memory_space<vmem>>
    %dma_start3A_109 = arith.constant 0 : i32
    %dma_start3A_110 = tpu.memref_slice %arg12[%dma_start3A_104, %dma_start3A_109] : memref<52x128xi32, #tpu.memory_space<vmem>> -> memref<1x128xi32, #tpu.memory_space<vmem>>
    %dma_start3A_111 = tpu.memref_squeeze %dma_start3A_110 : memref<1x128xi32, #tpu.memory_space<vmem>> -> memref<128xi32, #tpu.memory_space<vmem>>
    %dma_start3A_112 = arith.constant 0 : i32
    %dma_start3A_113 = tpu.memref_slice %arg2[%dma_start3A_112] : memref<2662400xf32, #tpu.memory_space<hbm>> -> memref<2662400xf32, #tpu.memory_space<hbm>>
    tpu.enqueue_indirect_dma source(%dma_start3A_113 : memref<2662400xf32, #tpu.memory_space<hbm>>) target(%dma_start3A_108 : memref<128xf32, #tpu.memory_space<vmem>>) offsets(%dma_start3A_111 : memref<128xi32, #tpu.memory_space<vmem>>) semaphore(%arg15 : memref<!tpu.dma_semaphore, #tpu.memory_space<semaphore_mem>>)
    %dma_start3A_114 = arith.constant 9 : i32
    %dma_start3A_115 = arith.constant 9 : i32
    %dma_start3A_116 = arith.constant 0 : i32
    %dma_start3A_117 = tpu.memref_slice %arg13[%dma_start3A_115, %dma_start3A_116] : memref<52x128xf32, #tpu.memory_space<vmem>> -> memref<1x128xf32, #tpu.memory_space<vmem>>
    %dma_start3A_118 = tpu.memref_squeeze %dma_start3A_117 : memref<1x128xf32, #tpu.memory_space<vmem>> -> memref<128xf32, #tpu.memory_space<vmem>>
    %dma_start3A_119 = arith.constant 0 : i32
    %dma_start3A_120 = tpu.memref_slice %arg12[%dma_start3A_114, %dma_start3A_119] : memref<52x128xi32, #tpu.memory_space<vmem>> -> memref<1x128xi32, #tpu.memory_space<vmem>>
    %dma_start3A_121 = tpu.memref_squeeze %dma_start3A_120 : memref<1x128xi32, #tpu.memory_space<vmem>> -> memref<128xi32, #tpu.memory_space<vmem>>
    %dma_start3A_122 = arith.constant 0 : i32
    %dma_start3A_123 = tpu.memref_slice %arg2[%dma_start3A_122] : memref<2662400xf32, #tpu.memory_space<hbm>> -> memref<2662400xf32, #tpu.memory_space<hbm>>
    tpu.enqueue_indirect_dma source(%dma_start3A_123 : memref<2662400xf32, #tpu.memory_space<hbm>>) target(%dma_start3A_118 : memref<128xf32, #tpu.memory_space<vmem>>) offsets(%dma_start3A_121 : memref<128xi32, #tpu.memory_space<vmem>>) semaphore(%arg15 : memref<!tpu.dma_semaphore, #tpu.memory_space<semaphore_mem>>)
    %dma_start3A_124 = arith.constant 10 : i32
    %dma_start3A_125 = arith.constant 10 : i32
    %dma_start3A_126 = arith.constant 0 : i32
    %dma_start3A_127 = tpu.memref_slice %arg13[%dma_start3A_125, %dma_start3A_126] : memref<52x128xf32, #tpu.memory_space<vmem>> -> memref<1x128xf32, #tpu.memory_space<vmem>>
    %dma_start3A_128 = tpu.memref_squeeze %dma_start3A_127 : memref<1x128xf32, #tpu.memory_space<vmem>> -> memref<128xf32, #tpu.memory_space<vmem>>
    %dma_start3A_129 = arith.constant 0 : i32
    %dma_start3A_130 = tpu.memref_slice %arg12[%dma_start3A_124, %dma_start3A_129] : memref<52x128xi32, #tpu.memory_space<vmem>> -> memref<1x128xi32, #tpu.memory_space<vmem>>
    %dma_start3A_131 = tpu.memref_squeeze %dma_start3A_130 : memref<1x128xi32, #tpu.memory_space<vmem>> -> memref<128xi32, #tpu.memory_space<vmem>>
    %dma_start3A_132 = arith.constant 0 : i32
    %dma_start3A_133 = tpu.memref_slice %arg2[%dma_start3A_132] : memref<2662400xf32, #tpu.memory_space<hbm>> -> memref<2662400xf32, #tpu.memory_space<hbm>>
    tpu.enqueue_indirect_dma source(%dma_start3A_133 : memref<2662400xf32, #tpu.memory_space<hbm>>) target(%dma_start3A_128 : memref<128xf32, #tpu.memory_space<vmem>>) offsets(%dma_start3A_131 : memref<128xi32, #tpu.memory_space<vmem>>) semaphore(%arg15 : memref<!tpu.dma_semaphore, #tpu.memory_space<semaphore_mem>>)
    %dma_start3A_134 = arith.constant 11 : i32
    %dma_start3A_135 = arith.constant 11 : i32
    %dma_start3A_136 = arith.constant 0 : i32
    %dma_start3A_137 = tpu.memref_slice %arg13[%dma_start3A_135, %dma_start3A_136] : memref<52x128xf32, #tpu.memory_space<vmem>> -> memref<1x128xf32, #tpu.memory_space<vmem>>
    %dma_start3A_138 = tpu.memref_squeeze %dma_start3A_137 : memref<1x128xf32, #tpu.memory_space<vmem>> -> memref<128xf32, #tpu.memory_space<vmem>>
    %dma_start3A_139 = arith.constant 0 : i32
    %dma_start3A_140 = tpu.memref_slice %arg12[%dma_start3A_134, %dma_start3A_139] : memref<52x128xi32, #tpu.memory_space<vmem>> -> memref<1x128xi32, #tpu.memory_space<vmem>>
    %dma_start3A_141 = tpu.memref_squeeze %dma_start3A_140 : memref<1x128xi32, #tpu.memory_space<vmem>> -> memref<128xi32, #tpu.memory_space<vmem>>
    %dma_start3A_142 = arith.constant 0 : i32
    %dma_start3A_143 = tpu.memref_slice %arg2[%dma_start3A_142] : memref<2662400xf32, #tpu.memory_space<hbm>> -> memref<2662400xf32, #tpu.memory_space<hbm>>
    tpu.enqueue_indirect_dma source(%dma_start3A_143 : memref<2662400xf32, #tpu.memory_space<hbm>>) target(%dma_start3A_138 : memref<128xf32, #tpu.memory_space<vmem>>) offsets(%dma_start3A_141 : memref<128xi32, #tpu.memory_space<vmem>>) semaphore(%arg15 : memref<!tpu.dma_semaphore, #tpu.memory_space<semaphore_mem>>)
    %dma_start3A_144 = arith.constant 12 : i32
    %dma_start3A_145 = arith.constant 12 : i32
    %dma_start3A_146 = arith.constant 0 : i32
    %dma_start3A_147 = tpu.memref_slice %arg13[%dma_start3A_145, %dma_start3A_146] : memref<52x128xf32, #tpu.memory_space<vmem>> -> memref<1x128xf32, #tpu.memory_space<vmem>>
    %dma_start3A_148 = tpu.memref_squeeze %dma_start3A_147 : memref<1x128xf32, #tpu.memory_space<vmem>> -> memref<128xf32, #tpu.memory_space<vmem>>
    %dma_start3A_149 = arith.constant 0 : i32
    %dma_start3A_150 = tpu.memref_slice %arg12[%dma_start3A_144, %dma_start3A_149] : memref<52x128xi32, #tpu.memory_space<vmem>> -> memref<1x128xi32, #tpu.memory_space<vmem>>
    %dma_start3A_151 = tpu.memref_squeeze %dma_start3A_150 : memref<1x128xi32, #tpu.memory_space<vmem>> -> memref<128xi32, #tpu.memory_space<vmem>>
    %dma_start3A_152 = arith.constant 0 : i32
    %dma_start3A_153 = tpu.memref_slice %arg2[%dma_start3A_152] : memref<2662400xf32, #tpu.memory_space<hbm>> -> memref<2662400xf32, #tpu.memory_space<hbm>>
    tpu.enqueue_indirect_dma source(%dma_start3A_153 : memref<2662400xf32, #tpu.memory_space<hbm>>) target(%dma_start3A_148 : memref<128xf32, #tpu.memory_space<vmem>>) offsets(%dma_start3A_151 : memref<128xi32, #tpu.memory_space<vmem>>) semaphore(%arg15 : memref<!tpu.dma_semaphore, #tpu.memory_space<semaphore_mem>>)
    %dma_start3A_154 = arith.constant 13 : i32
    %dma_start3A_155 = arith.constant 13 : i32
    %dma_start3A_156 = arith.constant 0 : i32
    %dma_start3A_157 = tpu.memref_slice %arg13[%dma_start3A_155, %dma_start3A_156] : memref<52x128xf32, #tpu.memory_space<vmem>> -> memref<1x128xf32, #tpu.memory_space<vmem>>
    %dma_start3A_158 = tpu.memref_squeeze %dma_start3A_157 : memref<1x128xf32, #tpu.memory_space<vmem>> -> memref<128xf32, #tpu.memory_space<vmem>>
    %dma_start3A_159 = arith.constant 0 : i32
    %dma_start3A_160 = tpu.memref_slice %arg12[%dma_start3A_154, %dma_start3A_159] : memref<52x128xi32, #tpu.memory_space<vmem>> -> memref<1x128xi32, #tpu.memory_space<vmem>>
    %dma_start3A_161 = tpu.memref_squeeze %dma_start3A_160 : memref<1x128xi32, #tpu.memory_space<vmem>> -> memref<128xi32, #tpu.memory_space<vmem>>
    %dma_start3A_162 = arith.constant 0 : i32
    %dma_start3A_163 = tpu.memref_slice %arg2[%dma_start3A_162] : memref<2662400xf32, #tpu.memory_space<hbm>> -> memref<2662400xf32, #tpu.memory_space<hbm>>
    tpu.enqueue_indirect_dma source(%dma_start3A_163 : memref<2662400xf32, #tpu.memory_space<hbm>>) target(%dma_start3A_158 : memref<128xf32, #tpu.memory_space<vmem>>) offsets(%dma_start3A_161 : memref<128xi32, #tpu.memory_space<vmem>>) semaphore(%arg15 : memref<!tpu.dma_semaphore, #tpu.memory_space<semaphore_mem>>)
    %dma_start3A_164 = arith.constant 14 : i32
    %dma_start3A_165 = arith.constant 14 : i32
    %dma_start3A_166 = arith.constant 0 : i32
    %dma_start3A_167 = tpu.memref_slice %arg13[%dma_start3A_165, %dma_start3A_166] : memref<52x128xf32, #tpu.memory_space<vmem>> -> memref<1x128xf32, #tpu.memory_space<vmem>>
    %dma_start3A_168 = tpu.memref_squeeze %dma_start3A_167 : memref<1x128xf32, #tpu.memory_space<vmem>> -> memref<128xf32, #tpu.memory_space<vmem>>
    %dma_start3A_169 = arith.constant 0 : i32
    %dma_start3A_170 = tpu.memref_slice %arg12[%dma_start3A_164, %dma_start3A_169] : memref<52x128xi32, #tpu.memory_space<vmem>> -> memref<1x128xi32, #tpu.memory_space<vmem>>
    %dma_start3A_171 = tpu.memref_squeeze %dma_start3A_170 : memref<1x128xi32, #tpu.memory_space<vmem>> -> memref<128xi32, #tpu.memory_space<vmem>>
    %dma_start3A_172 = arith.constant 0 : i32
    %dma_start3A_173 = tpu.memref_slice %arg2[%dma_start3A_172] : memref<2662400xf32, #tpu.memory_space<hbm>> -> memref<2662400xf32, #tpu.memory_space<hbm>>
    tpu.enqueue_indirect_dma source(%dma_start3A_173 : memref<2662400xf32, #tpu.memory_space<hbm>>) target(%dma_start3A_168 : memref<128xf32, #tpu.memory_space<vmem>>) offsets(%dma_start3A_171 : memref<128xi32, #tpu.memory_space<vmem>>) semaphore(%arg15 : memref<!tpu.dma_semaphore, #tpu.memory_space<semaphore_mem>>)
    %dma_start3A_174 = arith.constant 15 : i32
    %dma_start3A_175 = arith.constant 15 : i32
    %dma_start3A_176 = arith.constant 0 : i32
    %dma_start3A_177 = tpu.memref_slice %arg13[%dma_start3A_175, %dma_start3A_176] : memref<52x128xf32, #tpu.memory_space<vmem>> -> memref<1x128xf32, #tpu.memory_space<vmem>>
    %dma_start3A_178 = tpu.memref_squeeze %dma_start3A_177 : memref<1x128xf32, #tpu.memory_space<vmem>> -> memref<128xf32, #tpu.memory_space<vmem>>
    %dma_start3A_179 = arith.constant 0 : i32
    %dma_start3A_180 = tpu.memref_slice %arg12[%dma_start3A_174, %dma_start3A_179] : memref<52x128xi32, #tpu.memory_space<vmem>> -> memref<1x128xi32, #tpu.memory_space<vmem>>
    %dma_start3A_181 = tpu.memref_squeeze %dma_start3A_180 : memref<1x128xi32, #tpu.memory_space<vmem>> -> memref<128xi32, #tpu.memory_space<vmem>>
    %dma_start3A_182 = arith.constant 0 : i32
    %dma_start3A_183 = tpu.memref_slice %arg2[%dma_start3A_182] : memref<2662400xf32, #tpu.memory_space<hbm>> -> memref<2662400xf32, #tpu.memory_space<hbm>>
    tpu.enqueue_indirect_dma source(%dma_start3A_183 : memref<2662400xf32, #tpu.memory_space<hbm>>) target(%dma_start3A_178 : memref<128xf32, #tpu.memory_space<vmem>>) offsets(%dma_start3A_181 : memref<128xi32, #tpu.memory_space<vmem>>) semaphore(%arg15 : memref<!tpu.dma_semaphore, #tpu.memory_space<semaphore_mem>>)
    %dma_start3A_184 = arith.constant 16 : i32
    %dma_start3A_185 = arith.constant 16 : i32
    %dma_start3A_186 = arith.constant 0 : i32
    %dma_start3A_187 = tpu.memref_slice %arg13[%dma_start3A_185, %dma_start3A_186] : memref<52x128xf32, #tpu.memory_space<vmem>> -> memref<1x128xf32, #tpu.memory_space<vmem>>
    %dma_start3A_188 = tpu.memref_squeeze %dma_start3A_187 : memref<1x128xf32, #tpu.memory_space<vmem>> -> memref<128xf32, #tpu.memory_space<vmem>>
    %dma_start3A_189 = arith.constant 0 : i32
    %dma_start3A_190 = tpu.memref_slice %arg12[%dma_start3A_184, %dma_start3A_189] : memref<52x128xi32, #tpu.memory_space<vmem>> -> memref<1x128xi32, #tpu.memory_space<vmem>>
    %dma_start3A_191 = tpu.memref_squeeze %dma_start3A_190 : memref<1x128xi32, #tpu.memory_space<vmem>> -> memref<128xi32, #tpu.memory_space<vmem>>
    %dma_start3A_192 = arith.constant 0 : i32
    %dma_start3A_193 = tpu.memref_slice %arg2[%dma_start3A_192] : memref<2662400xf32, #tpu.memory_space<hbm>> -> memref<2662400xf32, #tpu.memory_space<hbm>>
    tpu.enqueue_indirect_dma source(%dma_start3A_193 : memref<2662400xf32, #tpu.memory_space<hbm>>) target(%dma_start3A_188 : memref<128xf32, #tpu.memory_space<vmem>>) offsets(%dma_start3A_191 : memref<128xi32, #tpu.memory_space<vmem>>) semaphore(%arg15 : memref<!tpu.dma_semaphore, #tpu.memory_space<semaphore_mem>>)
    %dma_start3A_194 = arith.constant 17 : i32
    %dma_start3A_195 = arith.constant 17 : i32
    %dma_start3A_196 = arith.constant 0 : i32
    %dma_start3A_197 = tpu.memref_slice %arg13[%dma_start3A_195, %dma_start3A_196] : memref<52x128xf32, #tpu.memory_space<vmem>> -> memref<1x128xf32, #tpu.memory_space<vmem>>
    %dma_start3A_198 = tpu.memref_squeeze %dma_start3A_197 : memref<1x128xf32, #tpu.memory_space<vmem>> -> memref<128xf32, #tpu.memory_space<vmem>>
    %dma_start3A_199 = arith.constant 0 : i32
    %dma_start3A_200 = tpu.memref_slice %arg12[%dma_start3A_194, %dma_start3A_199] : memref<52x128xi32, #tpu.memory_space<vmem>> -> memref<1x128xi32, #tpu.memory_space<vmem>>
    %dma_start3A_201 = tpu.memref_squeeze %dma_start3A_200 : memref<1x128xi32, #tpu.memory_space<vmem>> -> memref<128xi32, #tpu.memory_space<vmem>>
    %dma_start3A_202 = arith.constant 0 : i32
    %dma_start3A_203 = tpu.memref_slice %arg2[%dma_start3A_202] : memref<2662400xf32, #tpu.memory_space<hbm>> -> memref<2662400xf32, #tpu.memory_space<hbm>>
    tpu.enqueue_indirect_dma source(%dma_start3A_203 : memref<2662400xf32, #tpu.memory_space<hbm>>) target(%dma_start3A_198 : memref<128xf32, #tpu.memory_space<vmem>>) offsets(%dma_start3A_201 : memref<128xi32, #tpu.memory_space<vmem>>) semaphore(%arg15 : memref<!tpu.dma_semaphore, #tpu.memory_space<semaphore_mem>>)
    %dma_start3A_204 = arith.constant 18 : i32
    %dma_start3A_205 = arith.constant 18 : i32
    %dma_start3A_206 = arith.constant 0 : i32
    %dma_start3A_207 = tpu.memref_slice %arg13[%dma_start3A_205, %dma_start3A_206] : memref<52x128xf32, #tpu.memory_space<vmem>> -> memref<1x128xf32, #tpu.memory_space<vmem>>
    %dma_start3A_208 = tpu.memref_squeeze %dma_start3A_207 : memref<1x128xf32, #tpu.memory_space<vmem>> -> memref<128xf32, #tpu.memory_space<vmem>>
    %dma_start3A_209 = arith.constant 0 : i32
    %dma_start3A_210 = tpu.memref_slice %arg12[%dma_start3A_204, %dma_start3A_209] : memref<52x128xi32, #tpu.memory_space<vmem>> -> memref<1x128xi32, #tpu.memory_space<vmem>>
    %dma_start3A_211 = tpu.memref_squeeze %dma_start3A_210 : memref<1x128xi32, #tpu.memory_space<vmem>> -> memref<128xi32, #tpu.memory_space<vmem>>
    %dma_start3A_212 = arith.constant 0 : i32
    %dma_start3A_213 = tpu.memref_slice %arg2[%dma_start3A_212] : memref<2662400xf32, #tpu.memory_space<hbm>> -> memref<2662400xf32, #tpu.memory_space<hbm>>
    tpu.enqueue_indirect_dma source(%dma_start3A_213 : memref<2662400xf32, #tpu.memory_space<hbm>>) target(%dma_start3A_208 : memref<128xf32, #tpu.memory_space<vmem>>) offsets(%dma_start3A_211 : memref<128xi32, #tpu.memory_space<vmem>>) semaphore(%arg15 : memref<!tpu.dma_semaphore, #tpu.memory_space<semaphore_mem>>)
    %dma_start3A_214 = arith.constant 19 : i32
    %dma_start3A_215 = arith.constant 19 : i32
    %dma_start3A_216 = arith.constant 0 : i32
    %dma_start3A_217 = tpu.memref_slice %arg13[%dma_start3A_215, %dma_start3A_216] : memref<52x128xf32, #tpu.memory_space<vmem>> -> memref<1x128xf32, #tpu.memory_space<vmem>>
    %dma_start3A_218 = tpu.memref_squeeze %dma_start3A_217 : memref<1x128xf32, #tpu.memory_space<vmem>> -> memref<128xf32, #tpu.memory_space<vmem>>
    %dma_start3A_219 = arith.constant 0 : i32
    %dma_start3A_220 = tpu.memref_slice %arg12[%dma_start3A_214, %dma_start3A_219] : memref<52x128xi32, #tpu.memory_space<vmem>> -> memref<1x128xi32, #tpu.memory_space<vmem>>
    %dma_start3A_221 = tpu.memref_squeeze %dma_start3A_220 : memref<1x128xi32, #tpu.memory_space<vmem>> -> memref<128xi32, #tpu.memory_space<vmem>>
    %dma_start3A_222 = arith.constant 0 : i32
    %dma_start3A_223 = tpu.memref_slice %arg2[%dma_start3A_222] : memref<2662400xf32, #tpu.memory_space<hbm>> -> memref<2662400xf32, #tpu.memory_space<hbm>>
    tpu.enqueue_indirect_dma source(%dma_start3A_223 : memref<2662400xf32, #tpu.memory_space<hbm>>) target(%dma_start3A_218 : memref<128xf32, #tpu.memory_space<vmem>>) offsets(%dma_start3A_221 : memref<128xi32, #tpu.memory_space<vmem>>) semaphore(%arg15 : memref<!tpu.dma_semaphore, #tpu.memory_space<semaphore_mem>>)
    %dma_start3A_224 = arith.constant 20 : i32
    %dma_start3A_225 = arith.constant 20 : i32
    %dma_start3A_226 = arith.constant 0 : i32
    %dma_start3A_227 = tpu.memref_slice %arg13[%dma_start3A_225, %dma_start3A_226] : memref<52x128xf32, #tpu.memory_space<vmem>> -> memref<1x128xf32, #tpu.memory_space<vmem>>
    %dma_start3A_228 = tpu.memref_squeeze %dma_start3A_227 : memref<1x128xf32, #tpu.memory_space<vmem>> -> memref<128xf32, #tpu.memory_space<vmem>>
    %dma_start3A_229 = arith.constant 0 : i32
    %dma_start3A_230 = tpu.memref_slice %arg12[%dma_start3A_224, %dma_start3A_229] : memref<52x128xi32, #tpu.memory_space<vmem>> -> memref<1x128xi32, #tpu.memory_space<vmem>>
    %dma_start3A_231 = tpu.memref_squeeze %dma_start3A_230 : memref<1x128xi32, #tpu.memory_space<vmem>> -> memref<128xi32, #tpu.memory_space<vmem>>
    %dma_start3A_232 = arith.constant 0 : i32
    %dma_start3A_233 = tpu.memref_slice %arg2[%dma_start3A_232] : memref<2662400xf32, #tpu.memory_space<hbm>> -> memref<2662400xf32, #tpu.memory_space<hbm>>
    tpu.enqueue_indirect_dma source(%dma_start3A_233 : memref<2662400xf32, #tpu.memory_space<hbm>>) target(%dma_start3A_228 : memref<128xf32, #tpu.memory_space<vmem>>) offsets(%dma_start3A_231 : memref<128xi32, #tpu.memory_space<vmem>>) semaphore(%arg15 : memref<!tpu.dma_semaphore, #tpu.memory_space<semaphore_mem>>)
    %dma_start3A_234 = arith.constant 21 : i32
    %dma_start3A_235 = arith.constant 21 : i32
    %dma_start3A_236 = arith.constant 0 : i32
    %dma_start3A_237 = tpu.memref_slice %arg13[%dma_start3A_235, %dma_start3A_236] : memref<52x128xf32, #tpu.memory_space<vmem>> -> memref<1x128xf32, #tpu.memory_space<vmem>>
    %dma_start3A_238 = tpu.memref_squeeze %dma_start3A_237 : memref<1x128xf32, #tpu.memory_space<vmem>> -> memref<128xf32, #tpu.memory_space<vmem>>
    %dma_start3A_239 = arith.constant 0 : i32
    %dma_start3A_240 = tpu.memref_slice %arg12[%dma_start3A_234, %dma_start3A_239] : memref<52x128xi32, #tpu.memory_space<vmem>> -> memref<1x128xi32, #tpu.memory_space<vmem>>
    %dma_start3A_241 = tpu.memref_squeeze %dma_start3A_240 : memref<1x128xi32, #tpu.memory_space<vmem>> -> memref<128xi32, #tpu.memory_space<vmem>>
    %dma_start3A_242 = arith.constant 0 : i32
    %dma_start3A_243 = tpu.memref_slice %arg2[%dma_start3A_242] : memref<2662400xf32, #tpu.memory_space<hbm>> -> memref<2662400xf32, #tpu.memory_space<hbm>>
    tpu.enqueue_indirect_dma source(%dma_start3A_243 : memref<2662400xf32, #tpu.memory_space<hbm>>) target(%dma_start3A_238 : memref<128xf32, #tpu.memory_space<vmem>>) offsets(%dma_start3A_241 : memref<128xi32, #tpu.memory_space<vmem>>) semaphore(%arg15 : memref<!tpu.dma_semaphore, #tpu.memory_space<semaphore_mem>>)
    %dma_start3A_244 = arith.constant 22 : i32
    %dma_start3A_245 = arith.constant 22 : i32
    %dma_start3A_246 = arith.constant 0 : i32
    %dma_start3A_247 = tpu.memref_slice %arg13[%dma_start3A_245, %dma_start3A_246] : memref<52x128xf32, #tpu.memory_space<vmem>> -> memref<1x128xf32, #tpu.memory_space<vmem>>
    %dma_start3A_248 = tpu.memref_squeeze %dma_start3A_247 : memref<1x128xf32, #tpu.memory_space<vmem>> -> memref<128xf32, #tpu.memory_space<vmem>>
    %dma_start3A_249 = arith.constant 0 : i32
    %dma_start3A_250 = tpu.memref_slice %arg12[%dma_start3A_244, %dma_start3A_249] : memref<52x128xi32, #tpu.memory_space<vmem>> -> memref<1x128xi32, #tpu.memory_space<vmem>>
    %dma_start3A_251 = tpu.memref_squeeze %dma_start3A_250 : memref<1x128xi32, #tpu.memory_space<vmem>> -> memref<128xi32, #tpu.memory_space<vmem>>
    %dma_start3A_252 = arith.constant 0 : i32
    %dma_start3A_253 = tpu.memref_slice %arg2[%dma_start3A_252] : memref<2662400xf32, #tpu.memory_space<hbm>> -> memref<2662400xf32, #tpu.memory_space<hbm>>
    tpu.enqueue_indirect_dma source(%dma_start3A_253 : memref<2662400xf32, #tpu.memory_space<hbm>>) target(%dma_start3A_248 : memref<128xf32, #tpu.memory_space<vmem>>) offsets(%dma_start3A_251 : memref<128xi32, #tpu.memory_space<vmem>>) semaphore(%arg15 : memref<!tpu.dma_semaphore, #tpu.memory_space<semaphore_mem>>)
    %dma_start3A_254 = arith.constant 23 : i32
    %dma_start3A_255 = arith.constant 23 : i32
    %dma_start3A_256 = arith.constant 0 : i32
    %dma_start3A_257 = tpu.memref_slice %arg13[%dma_start3A_255, %dma_start3A_256] : memref<52x128xf32, #tpu.memory_space<vmem>> -> memref<1x128xf32, #tpu.memory_space<vmem>>
    %dma_start3A_258 = tpu.memref_squeeze %dma_start3A_257 : memref<1x128xf32, #tpu.memory_space<vmem>> -> memref<128xf32, #tpu.memory_space<vmem>>
    %dma_start3A_259 = arith.constant 0 : i32
    %dma_start3A_260 = tpu.memref_slice %arg12[%dma_start3A_254, %dma_start3A_259] : memref<52x128xi32, #tpu.memory_space<vmem>> -> memref<1x128xi32, #tpu.memory_space<vmem>>
    %dma_start3A_261 = tpu.memref_squeeze %dma_start3A_260 : memref<1x128xi32, #tpu.memory_space<vmem>> -> memref<128xi32, #tpu.memory_space<vmem>>
    %dma_start3A_262 = arith.constant 0 : i32
    %dma_start3A_263 = tpu.memref_slice %arg2[%dma_start3A_262] : memref<2662400xf32, #tpu.memory_space<hbm>> -> memref<2662400xf32, #tpu.memory_space<hbm>>
    tpu.enqueue_indirect_dma source(%dma_start3A_263 : memref<2662400xf32, #tpu.memory_space<hbm>>) target(%dma_start3A_258 : memref<128xf32, #tpu.memory_space<vmem>>) offsets(%dma_start3A_261 : memref<128xi32, #tpu.memory_space<vmem>>) semaphore(%arg15 : memref<!tpu.dma_semaphore, #tpu.memory_space<semaphore_mem>>)
    %dma_start3A_264 = arith.constant 24 : i32
    %dma_start3A_265 = arith.constant 24 : i32
    %dma_start3A_266 = arith.constant 0 : i32
    %dma_start3A_267 = tpu.memref_slice %arg13[%dma_start3A_265, %dma_start3A_266] : memref<52x128xf32, #tpu.memory_space<vmem>> -> memref<1x128xf32, #tpu.memory_space<vmem>>
    %dma_start3A_268 = tpu.memref_squeeze %dma_start3A_267 : memref<1x128xf32, #tpu.memory_space<vmem>> -> memref<128xf32, #tpu.memory_space<vmem>>
    %dma_start3A_269 = arith.constant 0 : i32
    %dma_start3A_270 = tpu.memref_slice %arg12[%dma_start3A_264, %dma_start3A_269] : memref<52x128xi32, #tpu.memory_space<vmem>> -> memref<1x128xi32, #tpu.memory_space<vmem>>
    %dma_start3A_271 = tpu.memref_squeeze %dma_start3A_270 : memref<1x128xi32, #tpu.memory_space<vmem>> -> memref<128xi32, #tpu.memory_space<vmem>>
    %dma_start3A_272 = arith.constant 0 : i32
    %dma_start3A_273 = tpu.memref_slice %arg2[%dma_start3A_272] : memref<2662400xf32, #tpu.memory_space<hbm>> -> memref<2662400xf32, #tpu.memory_space<hbm>>
    tpu.enqueue_indirect_dma source(%dma_start3A_273 : memref<2662400xf32, #tpu.memory_space<hbm>>) target(%dma_start3A_268 : memref<128xf32, #tpu.memory_space<vmem>>) offsets(%dma_start3A_271 : memref<128xi32, #tpu.memory_space<vmem>>) semaphore(%arg15 : memref<!tpu.dma_semaphore, #tpu.memory_space<semaphore_mem>>)
    %dma_start3A_274 = arith.constant 25 : i32
    %dma_start3A_275 = arith.constant 25 : i32
    %dma_start3A_276 = arith.constant 0 : i32
    %dma_start3A_277 = tpu.memref_slice %arg13[%dma_start3A_275, %dma_start3A_276] : memref<52x128xf32, #tpu.memory_space<vmem>> -> memref<1x128xf32, #tpu.memory_space<vmem>>
    %dma_start3A_278 = tpu.memref_squeeze %dma_start3A_277 : memref<1x128xf32, #tpu.memory_space<vmem>> -> memref<128xf32, #tpu.memory_space<vmem>>
    %dma_start3A_279 = arith.constant 0 : i32
    %dma_start3A_280 = tpu.memref_slice %arg12[%dma_start3A_274, %dma_start3A_279] : memref<52x128xi32, #tpu.memory_space<vmem>> -> memref<1x128xi32, #tpu.memory_space<vmem>>
    %dma_start3A_281 = tpu.memref_squeeze %dma_start3A_280 : memref<1x128xi32, #tpu.memory_space<vmem>> -> memref<128xi32, #tpu.memory_space<vmem>>
    %dma_start3A_282 = arith.constant 0 : i32
    %dma_start3A_283 = tpu.memref_slice %arg2[%dma_start3A_282] : memref<2662400xf32, #tpu.memory_space<hbm>> -> memref<2662400xf32, #tpu.memory_space<hbm>>
    tpu.enqueue_indirect_dma source(%dma_start3A_283 : memref<2662400xf32, #tpu.memory_space<hbm>>) target(%dma_start3A_278 : memref<128xf32, #tpu.memory_space<vmem>>) offsets(%dma_start3A_281 : memref<128xi32, #tpu.memory_space<vmem>>) semaphore(%arg15 : memref<!tpu.dma_semaphore, #tpu.memory_space<semaphore_mem>>)
    %dma_start3A_284 = arith.constant 26 : i32
    %dma_start3A_285 = arith.constant 26 : i32
    %dma_start3A_286 = arith.constant 0 : i32
    %dma_start3A_287 = tpu.memref_slice %arg13[%dma_start3A_285, %dma_start3A_286] : memref<52x128xf32, #tpu.memory_space<vmem>> -> memref<1x128xf32, #tpu.memory_space<vmem>>
    %dma_start3A_288 = tpu.memref_squeeze %dma_start3A_287 : memref<1x128xf32, #tpu.memory_space<vmem>> -> memref<128xf32, #tpu.memory_space<vmem>>
    %dma_start3A_289 = arith.constant 0 : i32
    %dma_start3A_290 = tpu.memref_slice %arg12[%dma_start3A_284, %dma_start3A_289] : memref<52x128xi32, #tpu.memory_space<vmem>> -> memref<1x128xi32, #tpu.memory_space<vmem>>
    %dma_start3A_291 = tpu.memref_squeeze %dma_start3A_290 : memref<1x128xi32, #tpu.memory_space<vmem>> -> memref<128xi32, #tpu.memory_space<vmem>>
    %dma_start3A_292 = arith.constant 0 : i32
    %dma_start3A_293 = tpu.memref_slice %arg2[%dma_start3A_292] : memref<2662400xf32, #tpu.memory_space<hbm>> -> memref<2662400xf32, #tpu.memory_space<hbm>>
    tpu.enqueue_indirect_dma source(%dma_start3A_293 : memref<2662400xf32, #tpu.memory_space<hbm>>) target(%dma_start3A_288 : memref<128xf32, #tpu.memory_space<vmem>>) offsets(%dma_start3A_291 : memref<128xi32, #tpu.memory_space<vmem>>) semaphore(%arg15 : memref<!tpu.dma_semaphore, #tpu.memory_space<semaphore_mem>>)
    %dma_start3A_294 = arith.constant 27 : i32
    %dma_start3A_295 = arith.constant 27 : i32
    %dma_start3A_296 = arith.constant 0 : i32
    %dma_start3A_297 = tpu.memref_slice %arg13[%dma_start3A_295, %dma_start3A_296] : memref<52x128xf32, #tpu.memory_space<vmem>> -> memref<1x128xf32, #tpu.memory_space<vmem>>
    %dma_start3A_298 = tpu.memref_squeeze %dma_start3A_297 : memref<1x128xf32, #tpu.memory_space<vmem>> -> memref<128xf32, #tpu.memory_space<vmem>>
    %dma_start3A_299 = arith.constant 0 : i32
    %dma_start3A_300 = tpu.memref_slice %arg12[%dma_start3A_294, %dma_start3A_299] : memref<52x128xi32, #tpu.memory_space<vmem>> -> memref<1x128xi32, #tpu.memory_space<vmem>>
    %dma_start3A_301 = tpu.memref_squeeze %dma_start3A_300 : memref<1x128xi32, #tpu.memory_space<vmem>> -> memref<128xi32, #tpu.memory_space<vmem>>
    %dma_start3A_302 = arith.constant 0 : i32
    %dma_start3A_303 = tpu.memref_slice %arg2[%dma_start3A_302] : memref<2662400xf32, #tpu.memory_space<hbm>> -> memref<2662400xf32, #tpu.memory_space<hbm>>
    tpu.enqueue_indirect_dma source(%dma_start3A_303 : memref<2662400xf32, #tpu.memory_space<hbm>>) target(%dma_start3A_298 : memref<128xf32, #tpu.memory_space<vmem>>) offsets(%dma_start3A_301 : memref<128xi32, #tpu.memory_space<vmem>>) semaphore(%arg15 : memref<!tpu.dma_semaphore, #tpu.memory_space<semaphore_mem>>)
    %dma_start3A_304 = arith.constant 28 : i32
    %dma_start3A_305 = arith.constant 28 : i32
    %dma_start3A_306 = arith.constant 0 : i32
    %dma_start3A_307 = tpu.memref_slice %arg13[%dma_start3A_305, %dma_start3A_306] : memref<52x128xf32, #tpu.memory_space<vmem>> -> memref<1x128xf32, #tpu.memory_space<vmem>>
    %dma_start3A_308 = tpu.memref_squeeze %dma_start3A_307 : memref<1x128xf32, #tpu.memory_space<vmem>> -> memref<128xf32, #tpu.memory_space<vmem>>
    %dma_start3A_309 = arith.constant 0 : i32
    %dma_start3A_310 = tpu.memref_slice %arg12[%dma_start3A_304, %dma_start3A_309] : memref<52x128xi32, #tpu.memory_space<vmem>> -> memref<1x128xi32, #tpu.memory_space<vmem>>
    %dma_start3A_311 = tpu.memref_squeeze %dma_start3A_310 : memref<1x128xi32, #tpu.memory_space<vmem>> -> memref<128xi32, #tpu.memory_space<vmem>>
    %dma_start3A_312 = arith.constant 0 : i32
    %dma_start3A_313 = tpu.memref_slice %arg2[%dma_start3A_312] : memref<2662400xf32, #tpu.memory_space<hbm>> -> memref<2662400xf32, #tpu.memory_space<hbm>>
    tpu.enqueue_indirect_dma source(%dma_start3A_313 : memref<2662400xf32, #tpu.memory_space<hbm>>) target(%dma_start3A_308 : memref<128xf32, #tpu.memory_space<vmem>>) offsets(%dma_start3A_311 : memref<128xi32, #tpu.memory_space<vmem>>) semaphore(%arg15 : memref<!tpu.dma_semaphore, #tpu.memory_space<semaphore_mem>>)
    %dma_start3A_314 = arith.constant 29 : i32
    %dma_start3A_315 = arith.constant 29 : i32
    %dma_start3A_316 = arith.constant 0 : i32
    %dma_start3A_317 = tpu.memref_slice %arg13[%dma_start3A_315, %dma_start3A_316] : memref<52x128xf32, #tpu.memory_space<vmem>> -> memref<1x128xf32, #tpu.memory_space<vmem>>
    %dma_start3A_318 = tpu.memref_squeeze %dma_start3A_317 : memref<1x128xf32, #tpu.memory_space<vmem>> -> memref<128xf32, #tpu.memory_space<vmem>>
    %dma_start3A_319 = arith.constant 0 : i32
    %dma_start3A_320 = tpu.memref_slice %arg12[%dma_start3A_314, %dma_start3A_319] : memref<52x128xi32, #tpu.memory_space<vmem>> -> memref<1x128xi32, #tpu.memory_space<vmem>>
    %dma_start3A_321 = tpu.memref_squeeze %dma_start3A_320 : memref<1x128xi32, #tpu.memory_space<vmem>> -> memref<128xi32, #tpu.memory_space<vmem>>
    %dma_start3A_322 = arith.constant 0 : i32
    %dma_start3A_323 = tpu.memref_slice %arg2[%dma_start3A_322] : memref<2662400xf32, #tpu.memory_space<hbm>> -> memref<2662400xf32, #tpu.memory_space<hbm>>
    tpu.enqueue_indirect_dma source(%dma_start3A_323 : memref<2662400xf32, #tpu.memory_space<hbm>>) target(%dma_start3A_318 : memref<128xf32, #tpu.memory_space<vmem>>) offsets(%dma_start3A_321 : memref<128xi32, #tpu.memory_space<vmem>>) semaphore(%arg15 : memref<!tpu.dma_semaphore, #tpu.memory_space<semaphore_mem>>)
    %dma_start3A_324 = arith.constant 30 : i32
    %dma_start3A_325 = arith.constant 30 : i32
    %dma_start3A_326 = arith.constant 0 : i32
    %dma_start3A_327 = tpu.memref_slice %arg13[%dma_start3A_325, %dma_start3A_326] : memref<52x128xf32, #tpu.memory_space<vmem>> -> memref<1x128xf32, #tpu.memory_space<vmem>>
    %dma_start3A_328 = tpu.memref_squeeze %dma_start3A_327 : memref<1x128xf32, #tpu.memory_space<vmem>> -> memref<128xf32, #tpu.memory_space<vmem>>
    %dma_start3A_329 = arith.constant 0 : i32
    %dma_start3A_330 = tpu.memref_slice %arg12[%dma_start3A_324, %dma_start3A_329] : memref<52x128xi32, #tpu.memory_space<vmem>> -> memref<1x128xi32, #tpu.memory_space<vmem>>
    %dma_start3A_331 = tpu.memref_squeeze %dma_start3A_330 : memref<1x128xi32, #tpu.memory_space<vmem>> -> memref<128xi32, #tpu.memory_space<vmem>>
    %dma_start3A_332 = arith.constant 0 : i32
    %dma_start3A_333 = tpu.memref_slice %arg2[%dma_start3A_332] : memref<2662400xf32, #tpu.memory_space<hbm>> -> memref<2662400xf32, #tpu.memory_space<hbm>>
    tpu.enqueue_indirect_dma source(%dma_start3A_333 : memref<2662400xf32, #tpu.memory_space<hbm>>) target(%dma_start3A_328 : memref<128xf32, #tpu.memory_space<vmem>>) offsets(%dma_start3A_331 : memref<128xi32, #tpu.memory_space<vmem>>) semaphore(%arg15 : memref<!tpu.dma_semaphore, #tpu.memory_space<semaphore_mem>>)
    %dma_start3A_334 = arith.constant 31 : i32
    %dma_start3A_335 = arith.constant 31 : i32
    %dma_start3A_336 = arith.constant 0 : i32
    %dma_start3A_337 = tpu.memref_slice %arg13[%dma_start3A_335, %dma_start3A_336] : memref<52x128xf32, #tpu.memory_space<vmem>> -> memref<1x128xf32, #tpu.memory_space<vmem>>
    %dma_start3A_338 = tpu.memref_squeeze %dma_start3A_337 : memref<1x128xf32, #tpu.memory_space<vmem>> -> memref<128xf32, #tpu.memory_space<vmem>>
    %dma_start3A_339 = arith.constant 0 : i32
    %dma_start3A_340 = tpu.memref_slice %arg12[%dma_start3A_334, %dma_start3A_339] : memref<52x128xi32, #tpu.memory_space<vmem>> -> memref<1x128xi32, #tpu.memory_space<vmem>>
    %dma_start3A_341 = tpu.memref_squeeze %dma_start3A_340 : memref<1x128xi32, #tpu.memory_space<vmem>> -> memref<128xi32, #tpu.memory_space<vmem>>
    %dma_start3A_342 = arith.constant 0 : i32
    %dma_start3A_343 = tpu.memref_slice %arg2[%dma_start3A_342] : memref<2662400xf32, #tpu.memory_space<hbm>> -> memref<2662400xf32, #tpu.memory_space<hbm>>
    tpu.enqueue_indirect_dma source(%dma_start3A_343 : memref<2662400xf32, #tpu.memory_space<hbm>>) target(%dma_start3A_338 : memref<128xf32, #tpu.memory_space<vmem>>) offsets(%dma_start3A_341 : memref<128xi32, #tpu.memory_space<vmem>>) semaphore(%arg15 : memref<!tpu.dma_semaphore, #tpu.memory_space<semaphore_mem>>)
    %dma_start3A_344 = arith.constant 32 : i32
    %dma_start3A_345 = arith.constant 32 : i32
    %dma_start3A_346 = arith.constant 0 : i32
    %dma_start3A_347 = tpu.memref_slice %arg13[%dma_start3A_345, %dma_start3A_346] : memref<52x128xf32, #tpu.memory_space<vmem>> -> memref<1x128xf32, #tpu.memory_space<vmem>>
    %dma_start3A_348 = tpu.memref_squeeze %dma_start3A_347 : memref<1x128xf32, #tpu.memory_space<vmem>> -> memref<128xf32, #tpu.memory_space<vmem>>
    %dma_start3A_349 = arith.constant 0 : i32
    %dma_start3A_350 = tpu.memref_slice %arg12[%dma_start3A_344, %dma_start3A_349] : memref<52x128xi32, #tpu.memory_space<vmem>> -> memref<1x128xi32, #tpu.memory_space<vmem>>
    %dma_start3A_351 = tpu.memref_squeeze %dma_start3A_350 : memref<1x128xi32, #tpu.memory_space<vmem>> -> memref<128xi32, #tpu.memory_space<vmem>>
    %dma_start3A_352 = arith.constant 0 : i32
    %dma_start3A_353 = tpu.memref_slice %arg2[%dma_start3A_352] : memref<2662400xf32, #tpu.memory_space<hbm>> -> memref<2662400xf32, #tpu.memory_space<hbm>>
    tpu.enqueue_indirect_dma source(%dma_start3A_353 : memref<2662400xf32, #tpu.memory_space<hbm>>) target(%dma_start3A_348 : memref<128xf32, #tpu.memory_space<vmem>>) offsets(%dma_start3A_351 : memref<128xi32, #tpu.memory_space<vmem>>) semaphore(%arg15 : memref<!tpu.dma_semaphore, #tpu.memory_space<semaphore_mem>>)
    %dma_start3A_354 = arith.constant 33 : i32
    %dma_start3A_355 = arith.constant 33 : i32
    %dma_start3A_356 = arith.constant 0 : i32
    %dma_start3A_357 = tpu.memref_slice %arg13[%dma_start3A_355, %dma_start3A_356] : memref<52x128xf32, #tpu.memory_space<vmem>> -> memref<1x128xf32, #tpu.memory_space<vmem>>
    %dma_start3A_358 = tpu.memref_squeeze %dma_start3A_357 : memref<1x128xf32, #tpu.memory_space<vmem>> -> memref<128xf32, #tpu.memory_space<vmem>>
    %dma_start3A_359 = arith.constant 0 : i32
    %dma_start3A_360 = tpu.memref_slice %arg12[%dma_start3A_354, %dma_start3A_359] : memref<52x128xi32, #tpu.memory_space<vmem>> -> memref<1x128xi32, #tpu.memory_space<vmem>>
    %dma_start3A_361 = tpu.memref_squeeze %dma_start3A_360 : memref<1x128xi32, #tpu.memory_space<vmem>> -> memref<128xi32, #tpu.memory_space<vmem>>
    %dma_start3A_362 = arith.constant 0 : i32
    %dma_start3A_363 = tpu.memref_slice %arg2[%dma_start3A_362] : memref<2662400xf32, #tpu.memory_space<hbm>> -> memref<2662400xf32, #tpu.memory_space<hbm>>
    tpu.enqueue_indirect_dma source(%dma_start3A_363 : memref<2662400xf32, #tpu.memory_space<hbm>>) target(%dma_start3A_358 : memref<128xf32, #tpu.memory_space<vmem>>) offsets(%dma_start3A_361 : memref<128xi32, #tpu.memory_space<vmem>>) semaphore(%arg15 : memref<!tpu.dma_semaphore, #tpu.memory_space<semaphore_mem>>)
    %dma_start3A_364 = arith.constant 34 : i32
    %dma_start3A_365 = arith.constant 34 : i32
    %dma_start3A_366 = arith.constant 0 : i32
    %dma_start3A_367 = tpu.memref_slice %arg13[%dma_start3A_365, %dma_start3A_366] : memref<52x128xf32, #tpu.memory_space<vmem>> -> memref<1x128xf32, #tpu.memory_space<vmem>>
    %dma_start3A_368 = tpu.memref_squeeze %dma_start3A_367 : memref<1x128xf32, #tpu.memory_space<vmem>> -> memref<128xf32, #tpu.memory_space<vmem>>
    %dma_start3A_369 = arith.constant 0 : i32
    %dma_start3A_370 = tpu.memref_slice %arg12[%dma_start3A_364, %dma_start3A_369] : memref<52x128xi32, #tpu.memory_space<vmem>> -> memref<1x128xi32, #tpu.memory_space<vmem>>
    %dma_start3A_371 = tpu.memref_squeeze %dma_start3A_370 : memref<1x128xi32, #tpu.memory_space<vmem>> -> memref<128xi32, #tpu.memory_space<vmem>>
    %dma_start3A_372 = arith.constant 0 : i32
    %dma_start3A_373 = tpu.memref_slice %arg2[%dma_start3A_372] : memref<2662400xf32, #tpu.memory_space<hbm>> -> memref<2662400xf32, #tpu.memory_space<hbm>>
    tpu.enqueue_indirect_dma source(%dma_start3A_373 : memref<2662400xf32, #tpu.memory_space<hbm>>) target(%dma_start3A_368 : memref<128xf32, #tpu.memory_space<vmem>>) offsets(%dma_start3A_371 : memref<128xi32, #tpu.memory_space<vmem>>) semaphore(%arg15 : memref<!tpu.dma_semaphore, #tpu.memory_space<semaphore_mem>>)
    %dma_start3A_374 = arith.constant 35 : i32
    %dma_start3A_375 = arith.constant 35 : i32
    %dma_start3A_376 = arith.constant 0 : i32
    %dma_start3A_377 = tpu.memref_slice %arg13[%dma_start3A_375, %dma_start3A_376] : memref<52x128xf32, #tpu.memory_space<vmem>> -> memref<1x128xf32, #tpu.memory_space<vmem>>
    %dma_start3A_378 = tpu.memref_squeeze %dma_start3A_377 : memref<1x128xf32, #tpu.memory_space<vmem>> -> memref<128xf32, #tpu.memory_space<vmem>>
    %dma_start3A_379 = arith.constant 0 : i32
    %dma_start3A_380 = tpu.memref_slice %arg12[%dma_start3A_374, %dma_start3A_379] : memref<52x128xi32, #tpu.memory_space<vmem>> -> memref<1x128xi32, #tpu.memory_space<vmem>>
    %dma_start3A_381 = tpu.memref_squeeze %dma_start3A_380 : memref<1x128xi32, #tpu.memory_space<vmem>> -> memref<128xi32, #tpu.memory_space<vmem>>
    %dma_start3A_382 = arith.constant 0 : i32
    %dma_start3A_383 = tpu.memref_slice %arg2[%dma_start3A_382] : memref<2662400xf32, #tpu.memory_space<hbm>> -> memref<2662400xf32, #tpu.memory_space<hbm>>
    tpu.enqueue_indirect_dma source(%dma_start3A_383 : memref<2662400xf32, #tpu.memory_space<hbm>>) target(%dma_start3A_378 : memref<128xf32, #tpu.memory_space<vmem>>) offsets(%dma_start3A_381 : memref<128xi32, #tpu.memory_space<vmem>>) semaphore(%arg15 : memref<!tpu.dma_semaphore, #tpu.memory_space<semaphore_mem>>)
    %dma_start3A_384 = arith.constant 36 : i32
    %dma_start3A_385 = arith.constant 36 : i32
    %dma_start3A_386 = arith.constant 0 : i32
    %dma_start3A_387 = tpu.memref_slice %arg13[%dma_start3A_385, %dma_start3A_386] : memref<52x128xf32, #tpu.memory_space<vmem>> -> memref<1x128xf32, #tpu.memory_space<vmem>>
    %dma_start3A_388 = tpu.memref_squeeze %dma_start3A_387 : memref<1x128xf32, #tpu.memory_space<vmem>> -> memref<128xf32, #tpu.memory_space<vmem>>
    %dma_start3A_389 = arith.constant 0 : i32
    %dma_start3A_390 = tpu.memref_slice %arg12[%dma_start3A_384, %dma_start3A_389] : memref<52x128xi32, #tpu.memory_space<vmem>> -> memref<1x128xi32, #tpu.memory_space<vmem>>
    %dma_start3A_391 = tpu.memref_squeeze %dma_start3A_390 : memref<1x128xi32, #tpu.memory_space<vmem>> -> memref<128xi32, #tpu.memory_space<vmem>>
    %dma_start3A_392 = arith.constant 0 : i32
    %dma_start3A_393 = tpu.memref_slice %arg2[%dma_start3A_392] : memref<2662400xf32, #tpu.memory_space<hbm>> -> memref<2662400xf32, #tpu.memory_space<hbm>>
    tpu.enqueue_indirect_dma source(%dma_start3A_393 : memref<2662400xf32, #tpu.memory_space<hbm>>) target(%dma_start3A_388 : memref<128xf32, #tpu.memory_space<vmem>>) offsets(%dma_start3A_391 : memref<128xi32, #tpu.memory_space<vmem>>) semaphore(%arg15 : memref<!tpu.dma_semaphore, #tpu.memory_space<semaphore_mem>>)
    %dma_start3A_394 = arith.constant 37 : i32
    %dma_start3A_395 = arith.constant 37 : i32
    %dma_start3A_396 = arith.constant 0 : i32
    %dma_start3A_397 = tpu.memref_slice %arg13[%dma_start3A_395, %dma_start3A_396] : memref<52x128xf32, #tpu.memory_space<vmem>> -> memref<1x128xf32, #tpu.memory_space<vmem>>
    %dma_start3A_398 = tpu.memref_squeeze %dma_start3A_397 : memref<1x128xf32, #tpu.memory_space<vmem>> -> memref<128xf32, #tpu.memory_space<vmem>>
    %dma_start3A_399 = arith.constant 0 : i32
    %dma_start3A_400 = tpu.memref_slice %arg12[%dma_start3A_394, %dma_start3A_399] : memref<52x128xi32, #tpu.memory_space<vmem>> -> memref<1x128xi32, #tpu.memory_space<vmem>>
    %dma_start3A_401 = tpu.memref_squeeze %dma_start3A_400 : memref<1x128xi32, #tpu.memory_space<vmem>> -> memref<128xi32, #tpu.memory_space<vmem>>
    %dma_start3A_402 = arith.constant 0 : i32
    %dma_start3A_403 = tpu.memref_slice %arg2[%dma_start3A_402] : memref<2662400xf32, #tpu.memory_space<hbm>> -> memref<2662400xf32, #tpu.memory_space<hbm>>
    tpu.enqueue_indirect_dma source(%dma_start3A_403 : memref<2662400xf32, #tpu.memory_space<hbm>>) target(%dma_start3A_398 : memref<128xf32, #tpu.memory_space<vmem>>) offsets(%dma_start3A_401 : memref<128xi32, #tpu.memory_space<vmem>>) semaphore(%arg15 : memref<!tpu.dma_semaphore, #tpu.memory_space<semaphore_mem>>)
    %dma_start3A_404 = arith.constant 38 : i32
    %dma_start3A_405 = arith.constant 38 : i32
    %dma_start3A_406 = arith.constant 0 : i32
    %dma_start3A_407 = tpu.memref_slice %arg13[%dma_start3A_405, %dma_start3A_406] : memref<52x128xf32, #tpu.memory_space<vmem>> -> memref<1x128xf32, #tpu.memory_space<vmem>>
    %dma_start3A_408 = tpu.memref_squeeze %dma_start3A_407 : memref<1x128xf32, #tpu.memory_space<vmem>> -> memref<128xf32, #tpu.memory_space<vmem>>
    %dma_start3A_409 = arith.constant 0 : i32
    %dma_start3A_410 = tpu.memref_slice %arg12[%dma_start3A_404, %dma_start3A_409] : memref<52x128xi32, #tpu.memory_space<vmem>> -> memref<1x128xi32, #tpu.memory_space<vmem>>
    %dma_start3A_411 = tpu.memref_squeeze %dma_start3A_410 : memref<1x128xi32, #tpu.memory_space<vmem>> -> memref<128xi32, #tpu.memory_space<vmem>>
    %dma_start3A_412 = arith.constant 0 : i32
    %dma_start3A_413 = tpu.memref_slice %arg2[%dma_start3A_412] : memref<2662400xf32, #tpu.memory_space<hbm>> -> memref<2662400xf32, #tpu.memory_space<hbm>>
    tpu.enqueue_indirect_dma source(%dma_start3A_413 : memref<2662400xf32, #tpu.memory_space<hbm>>) target(%dma_start3A_408 : memref<128xf32, #tpu.memory_space<vmem>>) offsets(%dma_start3A_411 : memref<128xi32, #tpu.memory_space<vmem>>) semaphore(%arg15 : memref<!tpu.dma_semaphore, #tpu.memory_space<semaphore_mem>>)
    %dma_start3A_414 = arith.constant 39 : i32
    %dma_start3A_415 = arith.constant 39 : i32
    %dma_start3A_416 = arith.constant 0 : i32
    %dma_start3A_417 = tpu.memref_slice %arg13[%dma_start3A_415, %dma_start3A_416] : memref<52x128xf32, #tpu.memory_space<vmem>> -> memref<1x128xf32, #tpu.memory_space<vmem>>
    %dma_start3A_418 = tpu.memref_squeeze %dma_start3A_417 : memref<1x128xf32, #tpu.memory_space<vmem>> -> memref<128xf32, #tpu.memory_space<vmem>>
    %dma_start3A_419 = arith.constant 0 : i32
    %dma_start3A_420 = tpu.memref_slice %arg12[%dma_start3A_414, %dma_start3A_419] : memref<52x128xi32, #tpu.memory_space<vmem>> -> memref<1x128xi32, #tpu.memory_space<vmem>>
    %dma_start3A_421 = tpu.memref_squeeze %dma_start3A_420 : memref<1x128xi32, #tpu.memory_space<vmem>> -> memref<128xi32, #tpu.memory_space<vmem>>
    %dma_start3A_422 = arith.constant 0 : i32
    %dma_start3A_423 = tpu.memref_slice %arg2[%dma_start3A_422] : memref<2662400xf32, #tpu.memory_space<hbm>> -> memref<2662400xf32, #tpu.memory_space<hbm>>
    tpu.enqueue_indirect_dma source(%dma_start3A_423 : memref<2662400xf32, #tpu.memory_space<hbm>>) target(%dma_start3A_418 : memref<128xf32, #tpu.memory_space<vmem>>) offsets(%dma_start3A_421 : memref<128xi32, #tpu.memory_space<vmem>>) semaphore(%arg15 : memref<!tpu.dma_semaphore, #tpu.memory_space<semaphore_mem>>)
    %dma_start3A_424 = arith.constant 40 : i32
    %dma_start3A_425 = arith.constant 40 : i32
    %dma_start3A_426 = arith.constant 0 : i32
    %dma_start3A_427 = tpu.memref_slice %arg13[%dma_start3A_425, %dma_start3A_426] : memref<52x128xf32, #tpu.memory_space<vmem>> -> memref<1x128xf32, #tpu.memory_space<vmem>>
    %dma_start3A_428 = tpu.memref_squeeze %dma_start3A_427 : memref<1x128xf32, #tpu.memory_space<vmem>> -> memref<128xf32, #tpu.memory_space<vmem>>
    %dma_start3A_429 = arith.constant 0 : i32
    %dma_start3A_430 = tpu.memref_slice %arg12[%dma_start3A_424, %dma_start3A_429] : memref<52x128xi32, #tpu.memory_space<vmem>> -> memref<1x128xi32, #tpu.memory_space<vmem>>
    %dma_start3A_431 = tpu.memref_squeeze %dma_start3A_430 : memref<1x128xi32, #tpu.memory_space<vmem>> -> memref<128xi32, #tpu.memory_space<vmem>>
    %dma_start3A_432 = arith.constant 0 : i32
    %dma_start3A_433 = tpu.memref_slice %arg2[%dma_start3A_432] : memref<2662400xf32, #tpu.memory_space<hbm>> -> memref<2662400xf32, #tpu.memory_space<hbm>>
    tpu.enqueue_indirect_dma source(%dma_start3A_433 : memref<2662400xf32, #tpu.memory_space<hbm>>) target(%dma_start3A_428 : memref<128xf32, #tpu.memory_space<vmem>>) offsets(%dma_start3A_431 : memref<128xi32, #tpu.memory_space<vmem>>) semaphore(%arg15 : memref<!tpu.dma_semaphore, #tpu.memory_space<semaphore_mem>>)
    %dma_start3A_434 = arith.constant 41 : i32
    %dma_start3A_435 = arith.constant 41 : i32
    %dma_start3A_436 = arith.constant 0 : i32
    %dma_start3A_437 = tpu.memref_slice %arg13[%dma_start3A_435, %dma_start3A_436] : memref<52x128xf32, #tpu.memory_space<vmem>> -> memref<1x128xf32, #tpu.memory_space<vmem>>
    %dma_start3A_438 = tpu.memref_squeeze %dma_start3A_437 : memref<1x128xf32, #tpu.memory_space<vmem>> -> memref<128xf32, #tpu.memory_space<vmem>>
    %dma_start3A_439 = arith.constant 0 : i32
    %dma_start3A_440 = tpu.memref_slice %arg12[%dma_start3A_434, %dma_start3A_439] : memref<52x128xi32, #tpu.memory_space<vmem>> -> memref<1x128xi32, #tpu.memory_space<vmem>>
    %dma_start3A_441 = tpu.memref_squeeze %dma_start3A_440 : memref<1x128xi32, #tpu.memory_space<vmem>> -> memref<128xi32, #tpu.memory_space<vmem>>
    %dma_start3A_442 = arith.constant 0 : i32
    %dma_start3A_443 = tpu.memref_slice %arg2[%dma_start3A_442] : memref<2662400xf32, #tpu.memory_space<hbm>> -> memref<2662400xf32, #tpu.memory_space<hbm>>
    tpu.enqueue_indirect_dma source(%dma_start3A_443 : memref<2662400xf32, #tpu.memory_space<hbm>>) target(%dma_start3A_438 : memref<128xf32, #tpu.memory_space<vmem>>) offsets(%dma_start3A_441 : memref<128xi32, #tpu.memory_space<vmem>>) semaphore(%arg15 : memref<!tpu.dma_semaphore, #tpu.memory_space<semaphore_mem>>)
    %dma_start3A_444 = arith.constant 42 : i32
    %dma_start3A_445 = arith.constant 42 : i32
    %dma_start3A_446 = arith.constant 0 : i32
    %dma_start3A_447 = tpu.memref_slice %arg13[%dma_start3A_445, %dma_start3A_446] : memref<52x128xf32, #tpu.memory_space<vmem>> -> memref<1x128xf32, #tpu.memory_space<vmem>>
    %dma_start3A_448 = tpu.memref_squeeze %dma_start3A_447 : memref<1x128xf32, #tpu.memory_space<vmem>> -> memref<128xf32, #tpu.memory_space<vmem>>
    %dma_start3A_449 = arith.constant 0 : i32
    %dma_start3A_450 = tpu.memref_slice %arg12[%dma_start3A_444, %dma_start3A_449] : memref<52x128xi32, #tpu.memory_space<vmem>> -> memref<1x128xi32, #tpu.memory_space<vmem>>
    %dma_start3A_451 = tpu.memref_squeeze %dma_start3A_450 : memref<1x128xi32, #tpu.memory_space<vmem>> -> memref<128xi32, #tpu.memory_space<vmem>>
    %dma_start3A_452 = arith.constant 0 : i32
    %dma_start3A_453 = tpu.memref_slice %arg2[%dma_start3A_452] : memref<2662400xf32, #tpu.memory_space<hbm>> -> memref<2662400xf32, #tpu.memory_space<hbm>>
    tpu.enqueue_indirect_dma source(%dma_start3A_453 : memref<2662400xf32, #tpu.memory_space<hbm>>) target(%dma_start3A_448 : memref<128xf32, #tpu.memory_space<vmem>>) offsets(%dma_start3A_451 : memref<128xi32, #tpu.memory_space<vmem>>) semaphore(%arg15 : memref<!tpu.dma_semaphore, #tpu.memory_space<semaphore_mem>>)
    %dma_start3A_454 = arith.constant 43 : i32
    %dma_start3A_455 = arith.constant 43 : i32
    %dma_start3A_456 = arith.constant 0 : i32
    %dma_start3A_457 = tpu.memref_slice %arg13[%dma_start3A_455, %dma_start3A_456] : memref<52x128xf32, #tpu.memory_space<vmem>> -> memref<1x128xf32, #tpu.memory_space<vmem>>
    %dma_start3A_458 = tpu.memref_squeeze %dma_start3A_457 : memref<1x128xf32, #tpu.memory_space<vmem>> -> memref<128xf32, #tpu.memory_space<vmem>>
    %dma_start3A_459 = arith.constant 0 : i32
    %dma_start3A_460 = tpu.memref_slice %arg12[%dma_start3A_454, %dma_start3A_459] : memref<52x128xi32, #tpu.memory_space<vmem>> -> memref<1x128xi32, #tpu.memory_space<vmem>>
    %dma_start3A_461 = tpu.memref_squeeze %dma_start3A_460 : memref<1x128xi32, #tpu.memory_space<vmem>> -> memref<128xi32, #tpu.memory_space<vmem>>
    %dma_start3A_462 = arith.constant 0 : i32
    %dma_start3A_463 = tpu.memref_slice %arg2[%dma_start3A_462] : memref<2662400xf32, #tpu.memory_space<hbm>> -> memref<2662400xf32, #tpu.memory_space<hbm>>
    tpu.enqueue_indirect_dma source(%dma_start3A_463 : memref<2662400xf32, #tpu.memory_space<hbm>>) target(%dma_start3A_458 : memref<128xf32, #tpu.memory_space<vmem>>) offsets(%dma_start3A_461 : memref<128xi32, #tpu.memory_space<vmem>>) semaphore(%arg15 : memref<!tpu.dma_semaphore, #tpu.memory_space<semaphore_mem>>)
    %dma_start3A_464 = arith.constant 44 : i32
    %dma_start3A_465 = arith.constant 44 : i32
    %dma_start3A_466 = arith.constant 0 : i32
    %dma_start3A_467 = tpu.memref_slice %arg13[%dma_start3A_465, %dma_start3A_466] : memref<52x128xf32, #tpu.memory_space<vmem>> -> memref<1x128xf32, #tpu.memory_space<vmem>>
    %dma_start3A_468 = tpu.memref_squeeze %dma_start3A_467 : memref<1x128xf32, #tpu.memory_space<vmem>> -> memref<128xf32, #tpu.memory_space<vmem>>
    %dma_start3A_469 = arith.constant 0 : i32
    %dma_start3A_470 = tpu.memref_slice %arg12[%dma_start3A_464, %dma_start3A_469] : memref<52x128xi32, #tpu.memory_space<vmem>> -> memref<1x128xi32, #tpu.memory_space<vmem>>
    %dma_start3A_471 = tpu.memref_squeeze %dma_start3A_470 : memref<1x128xi32, #tpu.memory_space<vmem>> -> memref<128xi32, #tpu.memory_space<vmem>>
    %dma_start3A_472 = arith.constant 0 : i32
    %dma_start3A_473 = tpu.memref_slice %arg2[%dma_start3A_472] : memref<2662400xf32, #tpu.memory_space<hbm>> -> memref<2662400xf32, #tpu.memory_space<hbm>>
    tpu.enqueue_indirect_dma source(%dma_start3A_473 : memref<2662400xf32, #tpu.memory_space<hbm>>) target(%dma_start3A_468 : memref<128xf32, #tpu.memory_space<vmem>>) offsets(%dma_start3A_471 : memref<128xi32, #tpu.memory_space<vmem>>) semaphore(%arg15 : memref<!tpu.dma_semaphore, #tpu.memory_space<semaphore_mem>>)
    %dma_start3A_474 = arith.constant 45 : i32
    %dma_start3A_475 = arith.constant 45 : i32
    %dma_start3A_476 = arith.constant 0 : i32
    %dma_start3A_477 = tpu.memref_slice %arg13[%dma_start3A_475, %dma_start3A_476] : memref<52x128xf32, #tpu.memory_space<vmem>> -> memref<1x128xf32, #tpu.memory_space<vmem>>
    %dma_start3A_478 = tpu.memref_squeeze %dma_start3A_477 : memref<1x128xf32, #tpu.memory_space<vmem>> -> memref<128xf32, #tpu.memory_space<vmem>>
    %dma_start3A_479 = arith.constant 0 : i32
    %dma_start3A_480 = tpu.memref_slice %arg12[%dma_start3A_474, %dma_start3A_479] : memref<52x128xi32, #tpu.memory_space<vmem>> -> memref<1x128xi32, #tpu.memory_space<vmem>>
    %dma_start3A_481 = tpu.memref_squeeze %dma_start3A_480 : memref<1x128xi32, #tpu.memory_space<vmem>> -> memref<128xi32, #tpu.memory_space<vmem>>
    %dma_start3A_482 = arith.constant 0 : i32
    %dma_start3A_483 = tpu.memref_slice %arg2[%dma_start3A_482] : memref<2662400xf32, #tpu.memory_space<hbm>> -> memref<2662400xf32, #tpu.memory_space<hbm>>
    tpu.enqueue_indirect_dma source(%dma_start3A_483 : memref<2662400xf32, #tpu.memory_space<hbm>>) target(%dma_start3A_478 : memref<128xf32, #tpu.memory_space<vmem>>) offsets(%dma_start3A_481 : memref<128xi32, #tpu.memory_space<vmem>>) semaphore(%arg15 : memref<!tpu.dma_semaphore, #tpu.memory_space<semaphore_mem>>)
    %dma_start3A_484 = arith.constant 46 : i32
    %dma_start3A_485 = arith.constant 46 : i32
    %dma_start3A_486 = arith.constant 0 : i32
    %dma_start3A_487 = tpu.memref_slice %arg13[%dma_start3A_485, %dma_start3A_486] : memref<52x128xf32, #tpu.memory_space<vmem>> -> memref<1x128xf32, #tpu.memory_space<vmem>>
    %dma_start3A_488 = tpu.memref_squeeze %dma_start3A_487 : memref<1x128xf32, #tpu.memory_space<vmem>> -> memref<128xf32, #tpu.memory_space<vmem>>
    %dma_start3A_489 = arith.constant 0 : i32
    %dma_start3A_490 = tpu.memref_slice %arg12[%dma_start3A_484, %dma_start3A_489] : memref<52x128xi32, #tpu.memory_space<vmem>> -> memref<1x128xi32, #tpu.memory_space<vmem>>
    %dma_start3A_491 = tpu.memref_squeeze %dma_start3A_490 : memref<1x128xi32, #tpu.memory_space<vmem>> -> memref<128xi32, #tpu.memory_space<vmem>>
    %dma_start3A_492 = arith.constant 0 : i32
    %dma_start3A_493 = tpu.memref_slice %arg2[%dma_start3A_492] : memref<2662400xf32, #tpu.memory_space<hbm>> -> memref<2662400xf32, #tpu.memory_space<hbm>>
    tpu.enqueue_indirect_dma source(%dma_start3A_493 : memref<2662400xf32, #tpu.memory_space<hbm>>) target(%dma_start3A_488 : memref<128xf32, #tpu.memory_space<vmem>>) offsets(%dma_start3A_491 : memref<128xi32, #tpu.memory_space<vmem>>) semaphore(%arg15 : memref<!tpu.dma_semaphore, #tpu.memory_space<semaphore_mem>>)
    %dma_start3A_494 = arith.constant 47 : i32
    %dma_start3A_495 = arith.constant 47 : i32
    %dma_start3A_496 = arith.constant 0 : i32
    %dma_start3A_497 = tpu.memref_slice %arg13[%dma_start3A_495, %dma_start3A_496] : memref<52x128xf32, #tpu.memory_space<vmem>> -> memref<1x128xf32, #tpu.memory_space<vmem>>
    %dma_start3A_498 = tpu.memref_squeeze %dma_start3A_497 : memref<1x128xf32, #tpu.memory_space<vmem>> -> memref<128xf32, #tpu.memory_space<vmem>>
    %dma_start3A_499 = arith.constant 0 : i32
    %dma_start3A_500 = tpu.memref_slice %arg12[%dma_start3A_494, %dma_start3A_499] : memref<52x128xi32, #tpu.memory_space<vmem>> -> memref<1x128xi32, #tpu.memory_space<vmem>>
    %dma_start3A_501 = tpu.memref_squeeze %dma_start3A_500 : memref<1x128xi32, #tpu.memory_space<vmem>> -> memref<128xi32, #tpu.memory_space<vmem>>
    %dma_start3A_502 = arith.constant 0 : i32
    %dma_start3A_503 = tpu.memref_slice %arg2[%dma_start3A_502] : memref<2662400xf32, #tpu.memory_space<hbm>> -> memref<2662400xf32, #tpu.memory_space<hbm>>
    tpu.enqueue_indirect_dma source(%dma_start3A_503 : memref<2662400xf32, #tpu.memory_space<hbm>>) target(%dma_start3A_498 : memref<128xf32, #tpu.memory_space<vmem>>) offsets(%dma_start3A_501 : memref<128xi32, #tpu.memory_space<vmem>>) semaphore(%arg15 : memref<!tpu.dma_semaphore, #tpu.memory_space<semaphore_mem>>)
    %dma_start3A_504 = arith.constant 48 : i32
    %dma_start3A_505 = arith.constant 48 : i32
    %dma_start3A_506 = arith.constant 0 : i32
    %dma_start3A_507 = tpu.memref_slice %arg13[%dma_start3A_505, %dma_start3A_506] : memref<52x128xf32, #tpu.memory_space<vmem>> -> memref<1x128xf32, #tpu.memory_space<vmem>>
    %dma_start3A_508 = tpu.memref_squeeze %dma_start3A_507 : memref<1x128xf32, #tpu.memory_space<vmem>> -> memref<128xf32, #tpu.memory_space<vmem>>
    %dma_start3A_509 = arith.constant 0 : i32
    %dma_start3A_510 = tpu.memref_slice %arg12[%dma_start3A_504, %dma_start3A_509] : memref<52x128xi32, #tpu.memory_space<vmem>> -> memref<1x128xi32, #tpu.memory_space<vmem>>
    %dma_start3A_511 = tpu.memref_squeeze %dma_start3A_510 : memref<1x128xi32, #tpu.memory_space<vmem>> -> memref<128xi32, #tpu.memory_space<vmem>>
    %dma_start3A_512 = arith.constant 0 : i32
    %dma_start3A_513 = tpu.memref_slice %arg2[%dma_start3A_512] : memref<2662400xf32, #tpu.memory_space<hbm>> -> memref<2662400xf32, #tpu.memory_space<hbm>>
    tpu.enqueue_indirect_dma source(%dma_start3A_513 : memref<2662400xf32, #tpu.memory_space<hbm>>) target(%dma_start3A_508 : memref<128xf32, #tpu.memory_space<vmem>>) offsets(%dma_start3A_511 : memref<128xi32, #tpu.memory_space<vmem>>) semaphore(%arg15 : memref<!tpu.dma_semaphore, #tpu.memory_space<semaphore_mem>>)
    %dma_start3A_514 = arith.constant 49 : i32
    %dma_start3A_515 = arith.constant 49 : i32
    %dma_start3A_516 = arith.constant 0 : i32
    %dma_start3A_517 = tpu.memref_slice %arg13[%dma_start3A_515, %dma_start3A_516] : memref<52x128xf32, #tpu.memory_space<vmem>> -> memref<1x128xf32, #tpu.memory_space<vmem>>
    %dma_start3A_518 = tpu.memref_squeeze %dma_start3A_517 : memref<1x128xf32, #tpu.memory_space<vmem>> -> memref<128xf32, #tpu.memory_space<vmem>>
    %dma_start3A_519 = arith.constant 0 : i32
    %dma_start3A_520 = tpu.memref_slice %arg12[%dma_start3A_514, %dma_start3A_519] : memref<52x128xi32, #tpu.memory_space<vmem>> -> memref<1x128xi32, #tpu.memory_space<vmem>>
    %dma_start3A_521 = tpu.memref_squeeze %dma_start3A_520 : memref<1x128xi32, #tpu.memory_space<vmem>> -> memref<128xi32, #tpu.memory_space<vmem>>
    %dma_start3A_522 = arith.constant 0 : i32
    %dma_start3A_523 = tpu.memref_slice %arg2[%dma_start3A_522] : memref<2662400xf32, #tpu.memory_space<hbm>> -> memref<2662400xf32, #tpu.memory_space<hbm>>
    tpu.enqueue_indirect_dma source(%dma_start3A_523 : memref<2662400xf32, #tpu.memory_space<hbm>>) target(%dma_start3A_518 : memref<128xf32, #tpu.memory_space<vmem>>) offsets(%dma_start3A_521 : memref<128xi32, #tpu.memory_space<vmem>>) semaphore(%arg15 : memref<!tpu.dma_semaphore, #tpu.memory_space<semaphore_mem>>)
    %dma_start3A_524 = arith.constant 50 : i32
    %dma_start3A_525 = arith.constant 50 : i32
    %dma_start3A_526 = arith.constant 0 : i32
    %dma_start3A_527 = tpu.memref_slice %arg13[%dma_start3A_525, %dma_start3A_526] : memref<52x128xf32, #tpu.memory_space<vmem>> -> memref<1x128xf32, #tpu.memory_space<vmem>>
    %dma_start3A_528 = tpu.memref_squeeze %dma_start3A_527 : memref<1x128xf32, #tpu.memory_space<vmem>> -> memref<128xf32, #tpu.memory_space<vmem>>
    %dma_start3A_529 = arith.constant 0 : i32
    %dma_start3A_530 = tpu.memref_slice %arg12[%dma_start3A_524, %dma_start3A_529] : memref<52x128xi32, #tpu.memory_space<vmem>> -> memref<1x128xi32, #tpu.memory_space<vmem>>
    %dma_start3A_531 = tpu.memref_squeeze %dma_start3A_530 : memref<1x128xi32, #tpu.memory_space<vmem>> -> memref<128xi32, #tpu.memory_space<vmem>>
    %dma_start3A_532 = arith.constant 0 : i32
    %dma_start3A_533 = tpu.memref_slice %arg2[%dma_start3A_532] : memref<2662400xf32, #tpu.memory_space<hbm>> -> memref<2662400xf32, #tpu.memory_space<hbm>>
    tpu.enqueue_indirect_dma source(%dma_start3A_533 : memref<2662400xf32, #tpu.memory_space<hbm>>) target(%dma_start3A_528 : memref<128xf32, #tpu.memory_space<vmem>>) offsets(%dma_start3A_531 : memref<128xi32, #tpu.memory_space<vmem>>) semaphore(%arg15 : memref<!tpu.dma_semaphore, #tpu.memory_space<semaphore_mem>>)
    %dma_start3A_534 = arith.constant 51 : i32
    %dma_start3A_535 = arith.constant 51 : i32
    %dma_start3A_536 = arith.constant 0 : i32
    %dma_start3A_537 = tpu.memref_slice %arg13[%dma_start3A_535, %dma_start3A_536] : memref<52x128xf32, #tpu.memory_space<vmem>> -> memref<1x128xf32, #tpu.memory_space<vmem>>
    %dma_start3A_538 = tpu.memref_squeeze %dma_start3A_537 : memref<1x128xf32, #tpu.memory_space<vmem>> -> memref<128xf32, #tpu.memory_space<vmem>>
    %dma_start3A_539 = arith.constant 0 : i32
    %dma_start3A_540 = tpu.memref_slice %arg12[%dma_start3A_534, %dma_start3A_539] : memref<52x128xi32, #tpu.memory_space<vmem>> -> memref<1x128xi32, #tpu.memory_space<vmem>>
    %dma_start3A_541 = tpu.memref_squeeze %dma_start3A_540 : memref<1x128xi32, #tpu.memory_space<vmem>> -> memref<128xi32, #tpu.memory_space<vmem>>
    %dma_start3A_542 = arith.constant 0 : i32
    %dma_start3A_543 = tpu.memref_slice %arg2[%dma_start3A_542] : memref<2662400xf32, #tpu.memory_space<hbm>> -> memref<2662400xf32, #tpu.memory_space<hbm>>
    tpu.enqueue_indirect_dma source(%dma_start3A_543 : memref<2662400xf32, #tpu.memory_space<hbm>>) target(%dma_start3A_538 : memref<128xf32, #tpu.memory_space<vmem>>) offsets(%dma_start3A_541 : memref<128xi32, #tpu.memory_space<vmem>>) semaphore(%arg15 : memref<!tpu.dma_semaphore, #tpu.memory_space<semaphore_mem>>)
    %dma_wait3A_544 = arith.constant 0 : i32
    %dma_wait3A_545 = arith.constant 0 : i32
    %dma_wait3A_546 = arith.constant 0 : i32
    %dma_wait3A_547 = tpu.memref_slice %arg13[%dma_wait3A_545, %dma_wait3A_546] : memref<52x128xf32, #tpu.memory_space<vmem>> -> memref<1x128xf32, #tpu.memory_space<vmem>>
    %dma_wait3A_548 = tpu.memref_squeeze %dma_wait3A_547 : memref<1x128xf32, #tpu.memory_space<vmem>> -> memref<128xf32, #tpu.memory_space<vmem>>
    %dma_wait3A_549 = arith.constant 0 : i32
    %dma_wait3A_550 = tpu.memref_slice %arg12[%dma_wait3A_544, %dma_wait3A_549] : memref<52x128xi32, #tpu.memory_space<vmem>> -> memref<1x128xi32, #tpu.memory_space<vmem>>
    %dma_wait3A_551 = tpu.memref_squeeze %dma_wait3A_550 : memref<1x128xi32, #tpu.memory_space<vmem>> -> memref<128xi32, #tpu.memory_space<vmem>>
    %dma_wait3A_552 = arith.constant 0 : i32
    %dma_wait3A_553 = tpu.memref_slice %arg2[%dma_wait3A_552] : memref<2662400xf32, #tpu.memory_space<hbm>> -> memref<2662400xf32, #tpu.memory_space<hbm>>
    tpu.wait_indirect_dma semaphore(%arg15 : memref<!tpu.dma_semaphore, #tpu.memory_space<semaphore_mem>>) src(%dma_wait3A_553 : memref<2662400xf32, #tpu.memory_space<hbm>>) dst(%dma_wait3A_548 : memref<128xf32, #tpu.memory_space<vmem>>)
    %dma_wait3A_554 = arith.constant 1 : i32
    %dma_wait3A_555 = arith.constant 1 : i32
    %dma_wait3A_556 = arith.constant 0 : i32
    %dma_wait3A_557 = tpu.memref_slice %arg13[%dma_wait3A_555, %dma_wait3A_556] : memref<52x128xf32, #tpu.memory_space<vmem>> -> memref<1x128xf32, #tpu.memory_space<vmem>>
    %dma_wait3A_558 = tpu.memref_squeeze %dma_wait3A_557 : memref<1x128xf32, #tpu.memory_space<vmem>> -> memref<128xf32, #tpu.memory_space<vmem>>
    %dma_wait3A_559 = arith.constant 0 : i32
    %dma_wait3A_560 = tpu.memref_slice %arg12[%dma_wait3A_554, %dma_wait3A_559] : memref<52x128xi32, #tpu.memory_space<vmem>> -> memref<1x128xi32, #tpu.memory_space<vmem>>
    %dma_wait3A_561 = tpu.memref_squeeze %dma_wait3A_560 : memref<1x128xi32, #tpu.memory_space<vmem>> -> memref<128xi32, #tpu.memory_space<vmem>>
    %dma_wait3A_562 = arith.constant 0 : i32
    %dma_wait3A_563 = tpu.memref_slice %arg2[%dma_wait3A_562] : memref<2662400xf32, #tpu.memory_space<hbm>> -> memref<2662400xf32, #tpu.memory_space<hbm>>
    tpu.wait_indirect_dma semaphore(%arg15 : memref<!tpu.dma_semaphore, #tpu.memory_space<semaphore_mem>>) src(%dma_wait3A_563 : memref<2662400xf32, #tpu.memory_space<hbm>>) dst(%dma_wait3A_558 : memref<128xf32, #tpu.memory_space<vmem>>)
    %dma_wait3A_564 = arith.constant 2 : i32
    %dma_wait3A_565 = arith.constant 2 : i32
    %dma_wait3A_566 = arith.constant 0 : i32
    %dma_wait3A_567 = tpu.memref_slice %arg13[%dma_wait3A_565, %dma_wait3A_566] : memref<52x128xf32, #tpu.memory_space<vmem>> -> memref<1x128xf32, #tpu.memory_space<vmem>>
    %dma_wait3A_568 = tpu.memref_squeeze %dma_wait3A_567 : memref<1x128xf32, #tpu.memory_space<vmem>> -> memref<128xf32, #tpu.memory_space<vmem>>
    %dma_wait3A_569 = arith.constant 0 : i32
    %dma_wait3A_570 = tpu.memref_slice %arg12[%dma_wait3A_564, %dma_wait3A_569] : memref<52x128xi32, #tpu.memory_space<vmem>> -> memref<1x128xi32, #tpu.memory_space<vmem>>
    %dma_wait3A_571 = tpu.memref_squeeze %dma_wait3A_570 : memref<1x128xi32, #tpu.memory_space<vmem>> -> memref<128xi32, #tpu.memory_space<vmem>>
    %dma_wait3A_572 = arith.constant 0 : i32
    %dma_wait3A_573 = tpu.memref_slice %arg2[%dma_wait3A_572] : memref<2662400xf32, #tpu.memory_space<hbm>> -> memref<2662400xf32, #tpu.memory_space<hbm>>
    tpu.wait_indirect_dma semaphore(%arg15 : memref<!tpu.dma_semaphore, #tpu.memory_space<semaphore_mem>>) src(%dma_wait3A_573 : memref<2662400xf32, #tpu.memory_space<hbm>>) dst(%dma_wait3A_568 : memref<128xf32, #tpu.memory_space<vmem>>)
    %dma_wait3A_574 = arith.constant 3 : i32
    %dma_wait3A_575 = arith.constant 3 : i32
    %dma_wait3A_576 = arith.constant 0 : i32
    %dma_wait3A_577 = tpu.memref_slice %arg13[%dma_wait3A_575, %dma_wait3A_576] : memref<52x128xf32, #tpu.memory_space<vmem>> -> memref<1x128xf32, #tpu.memory_space<vmem>>
    %dma_wait3A_578 = tpu.memref_squeeze %dma_wait3A_577 : memref<1x128xf32, #tpu.memory_space<vmem>> -> memref<128xf32, #tpu.memory_space<vmem>>
    %dma_wait3A_579 = arith.constant 0 : i32
    %dma_wait3A_580 = tpu.memref_slice %arg12[%dma_wait3A_574, %dma_wait3A_579] : memref<52x128xi32, #tpu.memory_space<vmem>> -> memref<1x128xi32, #tpu.memory_space<vmem>>
    %dma_wait3A_581 = tpu.memref_squeeze %dma_wait3A_580 : memref<1x128xi32, #tpu.memory_space<vmem>> -> memref<128xi32, #tpu.memory_space<vmem>>
    %dma_wait3A_582 = arith.constant 0 : i32
    %dma_wait3A_583 = tpu.memref_slice %arg2[%dma_wait3A_582] : memref<2662400xf32, #tpu.memory_space<hbm>> -> memref<2662400xf32, #tpu.memory_space<hbm>>
    tpu.wait_indirect_dma semaphore(%arg15 : memref<!tpu.dma_semaphore, #tpu.memory_space<semaphore_mem>>) src(%dma_wait3A_583 : memref<2662400xf32, #tpu.memory_space<hbm>>) dst(%dma_wait3A_578 : memref<128xf32, #tpu.memory_space<vmem>>)
    %dma_wait3A_584 = arith.constant 4 : i32
    %dma_wait3A_585 = arith.constant 4 : i32
    %dma_wait3A_586 = arith.constant 0 : i32
    %dma_wait3A_587 = tpu.memref_slice %arg13[%dma_wait3A_585, %dma_wait3A_586] : memref<52x128xf32, #tpu.memory_space<vmem>> -> memref<1x128xf32, #tpu.memory_space<vmem>>
    %dma_wait3A_588 = tpu.memref_squeeze %dma_wait3A_587 : memref<1x128xf32, #tpu.memory_space<vmem>> -> memref<128xf32, #tpu.memory_space<vmem>>
    %dma_wait3A_589 = arith.constant 0 : i32
    %dma_wait3A_590 = tpu.memref_slice %arg12[%dma_wait3A_584, %dma_wait3A_589] : memref<52x128xi32, #tpu.memory_space<vmem>> -> memref<1x128xi32, #tpu.memory_space<vmem>>
    %dma_wait3A_591 = tpu.memref_squeeze %dma_wait3A_590 : memref<1x128xi32, #tpu.memory_space<vmem>> -> memref<128xi32, #tpu.memory_space<vmem>>
    %dma_wait3A_592 = arith.constant 0 : i32
    %dma_wait3A_593 = tpu.memref_slice %arg2[%dma_wait3A_592] : memref<2662400xf32, #tpu.memory_space<hbm>> -> memref<2662400xf32, #tpu.memory_space<hbm>>
    tpu.wait_indirect_dma semaphore(%arg15 : memref<!tpu.dma_semaphore, #tpu.memory_space<semaphore_mem>>) src(%dma_wait3A_593 : memref<2662400xf32, #tpu.memory_space<hbm>>) dst(%dma_wait3A_588 : memref<128xf32, #tpu.memory_space<vmem>>)
    %dma_wait3A_594 = arith.constant 5 : i32
    %dma_wait3A_595 = arith.constant 5 : i32
    %dma_wait3A_596 = arith.constant 0 : i32
    %dma_wait3A_597 = tpu.memref_slice %arg13[%dma_wait3A_595, %dma_wait3A_596] : memref<52x128xf32, #tpu.memory_space<vmem>> -> memref<1x128xf32, #tpu.memory_space<vmem>>
    %dma_wait3A_598 = tpu.memref_squeeze %dma_wait3A_597 : memref<1x128xf32, #tpu.memory_space<vmem>> -> memref<128xf32, #tpu.memory_space<vmem>>
    %dma_wait3A_599 = arith.constant 0 : i32
    %dma_wait3A_600 = tpu.memref_slice %arg12[%dma_wait3A_594, %dma_wait3A_599] : memref<52x128xi32, #tpu.memory_space<vmem>> -> memref<1x128xi32, #tpu.memory_space<vmem>>
    %dma_wait3A_601 = tpu.memref_squeeze %dma_wait3A_600 : memref<1x128xi32, #tpu.memory_space<vmem>> -> memref<128xi32, #tpu.memory_space<vmem>>
    %dma_wait3A_602 = arith.constant 0 : i32
    %dma_wait3A_603 = tpu.memref_slice %arg2[%dma_wait3A_602] : memref<2662400xf32, #tpu.memory_space<hbm>> -> memref<2662400xf32, #tpu.memory_space<hbm>>
    tpu.wait_indirect_dma semaphore(%arg15 : memref<!tpu.dma_semaphore, #tpu.memory_space<semaphore_mem>>) src(%dma_wait3A_603 : memref<2662400xf32, #tpu.memory_space<hbm>>) dst(%dma_wait3A_598 : memref<128xf32, #tpu.memory_space<vmem>>)
    %dma_wait3A_604 = arith.constant 6 : i32
    %dma_wait3A_605 = arith.constant 6 : i32
    %dma_wait3A_606 = arith.constant 0 : i32
    %dma_wait3A_607 = tpu.memref_slice %arg13[%dma_wait3A_605, %dma_wait3A_606] : memref<52x128xf32, #tpu.memory_space<vmem>> -> memref<1x128xf32, #tpu.memory_space<vmem>>
    %dma_wait3A_608 = tpu.memref_squeeze %dma_wait3A_607 : memref<1x128xf32, #tpu.memory_space<vmem>> -> memref<128xf32, #tpu.memory_space<vmem>>
    %dma_wait3A_609 = arith.constant 0 : i32
    %dma_wait3A_610 = tpu.memref_slice %arg12[%dma_wait3A_604, %dma_wait3A_609] : memref<52x128xi32, #tpu.memory_space<vmem>> -> memref<1x128xi32, #tpu.memory_space<vmem>>
    %dma_wait3A_611 = tpu.memref_squeeze %dma_wait3A_610 : memref<1x128xi32, #tpu.memory_space<vmem>> -> memref<128xi32, #tpu.memory_space<vmem>>
    %dma_wait3A_612 = arith.constant 0 : i32
    %dma_wait3A_613 = tpu.memref_slice %arg2[%dma_wait3A_612] : memref<2662400xf32, #tpu.memory_space<hbm>> -> memref<2662400xf32, #tpu.memory_space<hbm>>
    tpu.wait_indirect_dma semaphore(%arg15 : memref<!tpu.dma_semaphore, #tpu.memory_space<semaphore_mem>>) src(%dma_wait3A_613 : memref<2662400xf32, #tpu.memory_space<hbm>>) dst(%dma_wait3A_608 : memref<128xf32, #tpu.memory_space<vmem>>)
    %dma_wait3A_614 = arith.constant 7 : i32
    %dma_wait3A_615 = arith.constant 7 : i32
    %dma_wait3A_616 = arith.constant 0 : i32
    %dma_wait3A_617 = tpu.memref_slice %arg13[%dma_wait3A_615, %dma_wait3A_616] : memref<52x128xf32, #tpu.memory_space<vmem>> -> memref<1x128xf32, #tpu.memory_space<vmem>>
    %dma_wait3A_618 = tpu.memref_squeeze %dma_wait3A_617 : memref<1x128xf32, #tpu.memory_space<vmem>> -> memref<128xf32, #tpu.memory_space<vmem>>
    %dma_wait3A_619 = arith.constant 0 : i32
    %dma_wait3A_620 = tpu.memref_slice %arg12[%dma_wait3A_614, %dma_wait3A_619] : memref<52x128xi32, #tpu.memory_space<vmem>> -> memref<1x128xi32, #tpu.memory_space<vmem>>
    %dma_wait3A_621 = tpu.memref_squeeze %dma_wait3A_620 : memref<1x128xi32, #tpu.memory_space<vmem>> -> memref<128xi32, #tpu.memory_space<vmem>>
    %dma_wait3A_622 = arith.constant 0 : i32
    %dma_wait3A_623 = tpu.memref_slice %arg2[%dma_wait3A_622] : memref<2662400xf32, #tpu.memory_space<hbm>> -> memref<2662400xf32, #tpu.memory_space<hbm>>
    tpu.wait_indirect_dma semaphore(%arg15 : memref<!tpu.dma_semaphore, #tpu.memory_space<semaphore_mem>>) src(%dma_wait3A_623 : memref<2662400xf32, #tpu.memory_space<hbm>>) dst(%dma_wait3A_618 : memref<128xf32, #tpu.memory_space<vmem>>)
    %dma_wait3A_624 = arith.constant 8 : i32
    %dma_wait3A_625 = arith.constant 8 : i32
    %dma_wait3A_626 = arith.constant 0 : i32
    %dma_wait3A_627 = tpu.memref_slice %arg13[%dma_wait3A_625, %dma_wait3A_626] : memref<52x128xf32, #tpu.memory_space<vmem>> -> memref<1x128xf32, #tpu.memory_space<vmem>>
    %dma_wait3A_628 = tpu.memref_squeeze %dma_wait3A_627 : memref<1x128xf32, #tpu.memory_space<vmem>> -> memref<128xf32, #tpu.memory_space<vmem>>
    %dma_wait3A_629 = arith.constant 0 : i32
    %dma_wait3A_630 = tpu.memref_slice %arg12[%dma_wait3A_624, %dma_wait3A_629] : memref<52x128xi32, #tpu.memory_space<vmem>> -> memref<1x128xi32, #tpu.memory_space<vmem>>
    %dma_wait3A_631 = tpu.memref_squeeze %dma_wait3A_630 : memref<1x128xi32, #tpu.memory_space<vmem>> -> memref<128xi32, #tpu.memory_space<vmem>>
    %dma_wait3A_632 = arith.constant 0 : i32
    %dma_wait3A_633 = tpu.memref_slice %arg2[%dma_wait3A_632] : memref<2662400xf32, #tpu.memory_space<hbm>> -> memref<2662400xf32, #tpu.memory_space<hbm>>
    tpu.wait_indirect_dma semaphore(%arg15 : memref<!tpu.dma_semaphore, #tpu.memory_space<semaphore_mem>>) src(%dma_wait3A_633 : memref<2662400xf32, #tpu.memory_space<hbm>>) dst(%dma_wait3A_628 : memref<128xf32, #tpu.memory_space<vmem>>)
    %dma_wait3A_634 = arith.constant 9 : i32
    %dma_wait3A_635 = arith.constant 9 : i32
    %dma_wait3A_636 = arith.constant 0 : i32
    %dma_wait3A_637 = tpu.memref_slice %arg13[%dma_wait3A_635, %dma_wait3A_636] : memref<52x128xf32, #tpu.memory_space<vmem>> -> memref<1x128xf32, #tpu.memory_space<vmem>>
    %dma_wait3A_638 = tpu.memref_squeeze %dma_wait3A_637 : memref<1x128xf32, #tpu.memory_space<vmem>> -> memref<128xf32, #tpu.memory_space<vmem>>
    %dma_wait3A_639 = arith.constant 0 : i32
    %dma_wait3A_640 = tpu.memref_slice %arg12[%dma_wait3A_634, %dma_wait3A_639] : memref<52x128xi32, #tpu.memory_space<vmem>> -> memref<1x128xi32, #tpu.memory_space<vmem>>
    %dma_wait3A_641 = tpu.memref_squeeze %dma_wait3A_640 : memref<1x128xi32, #tpu.memory_space<vmem>> -> memref<128xi32, #tpu.memory_space<vmem>>
    %dma_wait3A_642 = arith.constant 0 : i32
    %dma_wait3A_643 = tpu.memref_slice %arg2[%dma_wait3A_642] : memref<2662400xf32, #tpu.memory_space<hbm>> -> memref<2662400xf32, #tpu.memory_space<hbm>>
    tpu.wait_indirect_dma semaphore(%arg15 : memref<!tpu.dma_semaphore, #tpu.memory_space<semaphore_mem>>) src(%dma_wait3A_643 : memref<2662400xf32, #tpu.memory_space<hbm>>) dst(%dma_wait3A_638 : memref<128xf32, #tpu.memory_space<vmem>>)
    %dma_wait3A_644 = arith.constant 10 : i32
    %dma_wait3A_645 = arith.constant 10 : i32
    %dma_wait3A_646 = arith.constant 0 : i32
    %dma_wait3A_647 = tpu.memref_slice %arg13[%dma_wait3A_645, %dma_wait3A_646] : memref<52x128xf32, #tpu.memory_space<vmem>> -> memref<1x128xf32, #tpu.memory_space<vmem>>
    %dma_wait3A_648 = tpu.memref_squeeze %dma_wait3A_647 : memref<1x128xf32, #tpu.memory_space<vmem>> -> memref<128xf32, #tpu.memory_space<vmem>>
    %dma_wait3A_649 = arith.constant 0 : i32
    %dma_wait3A_650 = tpu.memref_slice %arg12[%dma_wait3A_644, %dma_wait3A_649] : memref<52x128xi32, #tpu.memory_space<vmem>> -> memref<1x128xi32, #tpu.memory_space<vmem>>
    %dma_wait3A_651 = tpu.memref_squeeze %dma_wait3A_650 : memref<1x128xi32, #tpu.memory_space<vmem>> -> memref<128xi32, #tpu.memory_space<vmem>>
    %dma_wait3A_652 = arith.constant 0 : i32
    %dma_wait3A_653 = tpu.memref_slice %arg2[%dma_wait3A_652] : memref<2662400xf32, #tpu.memory_space<hbm>> -> memref<2662400xf32, #tpu.memory_space<hbm>>
    tpu.wait_indirect_dma semaphore(%arg15 : memref<!tpu.dma_semaphore, #tpu.memory_space<semaphore_mem>>) src(%dma_wait3A_653 : memref<2662400xf32, #tpu.memory_space<hbm>>) dst(%dma_wait3A_648 : memref<128xf32, #tpu.memory_space<vmem>>)
    %dma_wait3A_654 = arith.constant 11 : i32
    %dma_wait3A_655 = arith.constant 11 : i32
    %dma_wait3A_656 = arith.constant 0 : i32
    %dma_wait3A_657 = tpu.memref_slice %arg13[%dma_wait3A_655, %dma_wait3A_656] : memref<52x128xf32, #tpu.memory_space<vmem>> -> memref<1x128xf32, #tpu.memory_space<vmem>>
    %dma_wait3A_658 = tpu.memref_squeeze %dma_wait3A_657 : memref<1x128xf32, #tpu.memory_space<vmem>> -> memref<128xf32, #tpu.memory_space<vmem>>
    %dma_wait3A_659 = arith.constant 0 : i32
    %dma_wait3A_660 = tpu.memref_slice %arg12[%dma_wait3A_654, %dma_wait3A_659] : memref<52x128xi32, #tpu.memory_space<vmem>> -> memref<1x128xi32, #tpu.memory_space<vmem>>
    %dma_wait3A_661 = tpu.memref_squeeze %dma_wait3A_660 : memref<1x128xi32, #tpu.memory_space<vmem>> -> memref<128xi32, #tpu.memory_space<vmem>>
    %dma_wait3A_662 = arith.constant 0 : i32
    %dma_wait3A_663 = tpu.memref_slice %arg2[%dma_wait3A_662] : memref<2662400xf32, #tpu.memory_space<hbm>> -> memref<2662400xf32, #tpu.memory_space<hbm>>
    tpu.wait_indirect_dma semaphore(%arg15 : memref<!tpu.dma_semaphore, #tpu.memory_space<semaphore_mem>>) src(%dma_wait3A_663 : memref<2662400xf32, #tpu.memory_space<hbm>>) dst(%dma_wait3A_658 : memref<128xf32, #tpu.memory_space<vmem>>)
    %dma_wait3A_664 = arith.constant 12 : i32
    %dma_wait3A_665 = arith.constant 12 : i32
    %dma_wait3A_666 = arith.constant 0 : i32
    %dma_wait3A_667 = tpu.memref_slice %arg13[%dma_wait3A_665, %dma_wait3A_666] : memref<52x128xf32, #tpu.memory_space<vmem>> -> memref<1x128xf32, #tpu.memory_space<vmem>>
    %dma_wait3A_668 = tpu.memref_squeeze %dma_wait3A_667 : memref<1x128xf32, #tpu.memory_space<vmem>> -> memref<128xf32, #tpu.memory_space<vmem>>
    %dma_wait3A_669 = arith.constant 0 : i32
    %dma_wait3A_670 = tpu.memref_slice %arg12[%dma_wait3A_664, %dma_wait3A_669] : memref<52x128xi32, #tpu.memory_space<vmem>> -> memref<1x128xi32, #tpu.memory_space<vmem>>
    %dma_wait3A_671 = tpu.memref_squeeze %dma_wait3A_670 : memref<1x128xi32, #tpu.memory_space<vmem>> -> memref<128xi32, #tpu.memory_space<vmem>>
    %dma_wait3A_672 = arith.constant 0 : i32
    %dma_wait3A_673 = tpu.memref_slice %arg2[%dma_wait3A_672] : memref<2662400xf32, #tpu.memory_space<hbm>> -> memref<2662400xf32, #tpu.memory_space<hbm>>
    tpu.wait_indirect_dma semaphore(%arg15 : memref<!tpu.dma_semaphore, #tpu.memory_space<semaphore_mem>>) src(%dma_wait3A_673 : memref<2662400xf32, #tpu.memory_space<hbm>>) dst(%dma_wait3A_668 : memref<128xf32, #tpu.memory_space<vmem>>)
    %dma_wait3A_674 = arith.constant 13 : i32
    %dma_wait3A_675 = arith.constant 13 : i32
    %dma_wait3A_676 = arith.constant 0 : i32
    %dma_wait3A_677 = tpu.memref_slice %arg13[%dma_wait3A_675, %dma_wait3A_676] : memref<52x128xf32, #tpu.memory_space<vmem>> -> memref<1x128xf32, #tpu.memory_space<vmem>>
    %dma_wait3A_678 = tpu.memref_squeeze %dma_wait3A_677 : memref<1x128xf32, #tpu.memory_space<vmem>> -> memref<128xf32, #tpu.memory_space<vmem>>
    %dma_wait3A_679 = arith.constant 0 : i32
    %dma_wait3A_680 = tpu.memref_slice %arg12[%dma_wait3A_674, %dma_wait3A_679] : memref<52x128xi32, #tpu.memory_space<vmem>> -> memref<1x128xi32, #tpu.memory_space<vmem>>
    %dma_wait3A_681 = tpu.memref_squeeze %dma_wait3A_680 : memref<1x128xi32, #tpu.memory_space<vmem>> -> memref<128xi32, #tpu.memory_space<vmem>>
    %dma_wait3A_682 = arith.constant 0 : i32
    %dma_wait3A_683 = tpu.memref_slice %arg2[%dma_wait3A_682] : memref<2662400xf32, #tpu.memory_space<hbm>> -> memref<2662400xf32, #tpu.memory_space<hbm>>
    tpu.wait_indirect_dma semaphore(%arg15 : memref<!tpu.dma_semaphore, #tpu.memory_space<semaphore_mem>>) src(%dma_wait3A_683 : memref<2662400xf32, #tpu.memory_space<hbm>>) dst(%dma_wait3A_678 : memref<128xf32, #tpu.memory_space<vmem>>)
    %dma_wait3A_684 = arith.constant 14 : i32
    %dma_wait3A_685 = arith.constant 14 : i32
    %dma_wait3A_686 = arith.constant 0 : i32
    %dma_wait3A_687 = tpu.memref_slice %arg13[%dma_wait3A_685, %dma_wait3A_686] : memref<52x128xf32, #tpu.memory_space<vmem>> -> memref<1x128xf32, #tpu.memory_space<vmem>>
    %dma_wait3A_688 = tpu.memref_squeeze %dma_wait3A_687 : memref<1x128xf32, #tpu.memory_space<vmem>> -> memref<128xf32, #tpu.memory_space<vmem>>
    %dma_wait3A_689 = arith.constant 0 : i32
    %dma_wait3A_690 = tpu.memref_slice %arg12[%dma_wait3A_684, %dma_wait3A_689] : memref<52x128xi32, #tpu.memory_space<vmem>> -> memref<1x128xi32, #tpu.memory_space<vmem>>
    %dma_wait3A_691 = tpu.memref_squeeze %dma_wait3A_690 : memref<1x128xi32, #tpu.memory_space<vmem>> -> memref<128xi32, #tpu.memory_space<vmem>>
    %dma_wait3A_692 = arith.constant 0 : i32
    %dma_wait3A_693 = tpu.memref_slice %arg2[%dma_wait3A_692] : memref<2662400xf32, #tpu.memory_space<hbm>> -> memref<2662400xf32, #tpu.memory_space<hbm>>
    tpu.wait_indirect_dma semaphore(%arg15 : memref<!tpu.dma_semaphore, #tpu.memory_space<semaphore_mem>>) src(%dma_wait3A_693 : memref<2662400xf32, #tpu.memory_space<hbm>>) dst(%dma_wait3A_688 : memref<128xf32, #tpu.memory_space<vmem>>)
    %dma_wait3A_694 = arith.constant 15 : i32
    %dma_wait3A_695 = arith.constant 15 : i32
    %dma_wait3A_696 = arith.constant 0 : i32
    %dma_wait3A_697 = tpu.memref_slice %arg13[%dma_wait3A_695, %dma_wait3A_696] : memref<52x128xf32, #tpu.memory_space<vmem>> -> memref<1x128xf32, #tpu.memory_space<vmem>>
    %dma_wait3A_698 = tpu.memref_squeeze %dma_wait3A_697 : memref<1x128xf32, #tpu.memory_space<vmem>> -> memref<128xf32, #tpu.memory_space<vmem>>
    %dma_wait3A_699 = arith.constant 0 : i32
    %dma_wait3A_700 = tpu.memref_slice %arg12[%dma_wait3A_694, %dma_wait3A_699] : memref<52x128xi32, #tpu.memory_space<vmem>> -> memref<1x128xi32, #tpu.memory_space<vmem>>
    %dma_wait3A_701 = tpu.memref_squeeze %dma_wait3A_700 : memref<1x128xi32, #tpu.memory_space<vmem>> -> memref<128xi32, #tpu.memory_space<vmem>>
    %dma_wait3A_702 = arith.constant 0 : i32
    %dma_wait3A_703 = tpu.memref_slice %arg2[%dma_wait3A_702] : memref<2662400xf32, #tpu.memory_space<hbm>> -> memref<2662400xf32, #tpu.memory_space<hbm>>
    tpu.wait_indirect_dma semaphore(%arg15 : memref<!tpu.dma_semaphore, #tpu.memory_space<semaphore_mem>>) src(%dma_wait3A_703 : memref<2662400xf32, #tpu.memory_space<hbm>>) dst(%dma_wait3A_698 : memref<128xf32, #tpu.memory_space<vmem>>)
    %dma_wait3A_704 = arith.constant 16 : i32
    %dma_wait3A_705 = arith.constant 16 : i32
    %dma_wait3A_706 = arith.constant 0 : i32
    %dma_wait3A_707 = tpu.memref_slice %arg13[%dma_wait3A_705, %dma_wait3A_706] : memref<52x128xf32, #tpu.memory_space<vmem>> -> memref<1x128xf32, #tpu.memory_space<vmem>>
    %dma_wait3A_708 = tpu.memref_squeeze %dma_wait3A_707 : memref<1x128xf32, #tpu.memory_space<vmem>> -> memref<128xf32, #tpu.memory_space<vmem>>
    %dma_wait3A_709 = arith.constant 0 : i32
    %dma_wait3A_710 = tpu.memref_slice %arg12[%dma_wait3A_704, %dma_wait3A_709] : memref<52x128xi32, #tpu.memory_space<vmem>> -> memref<1x128xi32, #tpu.memory_space<vmem>>
    %dma_wait3A_711 = tpu.memref_squeeze %dma_wait3A_710 : memref<1x128xi32, #tpu.memory_space<vmem>> -> memref<128xi32, #tpu.memory_space<vmem>>
    %dma_wait3A_712 = arith.constant 0 : i32
    %dma_wait3A_713 = tpu.memref_slice %arg2[%dma_wait3A_712] : memref<2662400xf32, #tpu.memory_space<hbm>> -> memref<2662400xf32, #tpu.memory_space<hbm>>
    tpu.wait_indirect_dma semaphore(%arg15 : memref<!tpu.dma_semaphore, #tpu.memory_space<semaphore_mem>>) src(%dma_wait3A_713 : memref<2662400xf32, #tpu.memory_space<hbm>>) dst(%dma_wait3A_708 : memref<128xf32, #tpu.memory_space<vmem>>)
    %dma_wait3A_714 = arith.constant 17 : i32
    %dma_wait3A_715 = arith.constant 17 : i32
    %dma_wait3A_716 = arith.constant 0 : i32
    %dma_wait3A_717 = tpu.memref_slice %arg13[%dma_wait3A_715, %dma_wait3A_716] : memref<52x128xf32, #tpu.memory_space<vmem>> -> memref<1x128xf32, #tpu.memory_space<vmem>>
    %dma_wait3A_718 = tpu.memref_squeeze %dma_wait3A_717 : memref<1x128xf32, #tpu.memory_space<vmem>> -> memref<128xf32, #tpu.memory_space<vmem>>
    %dma_wait3A_719 = arith.constant 0 : i32
    %dma_wait3A_720 = tpu.memref_slice %arg12[%dma_wait3A_714, %dma_wait3A_719] : memref<52x128xi32, #tpu.memory_space<vmem>> -> memref<1x128xi32, #tpu.memory_space<vmem>>
    %dma_wait3A_721 = tpu.memref_squeeze %dma_wait3A_720 : memref<1x128xi32, #tpu.memory_space<vmem>> -> memref<128xi32, #tpu.memory_space<vmem>>
    %dma_wait3A_722 = arith.constant 0 : i32
    %dma_wait3A_723 = tpu.memref_slice %arg2[%dma_wait3A_722] : memref<2662400xf32, #tpu.memory_space<hbm>> -> memref<2662400xf32, #tpu.memory_space<hbm>>
    tpu.wait_indirect_dma semaphore(%arg15 : memref<!tpu.dma_semaphore, #tpu.memory_space<semaphore_mem>>) src(%dma_wait3A_723 : memref<2662400xf32, #tpu.memory_space<hbm>>) dst(%dma_wait3A_718 : memref<128xf32, #tpu.memory_space<vmem>>)
    %dma_wait3A_724 = arith.constant 18 : i32
    %dma_wait3A_725 = arith.constant 18 : i32
    %dma_wait3A_726 = arith.constant 0 : i32
    %dma_wait3A_727 = tpu.memref_slice %arg13[%dma_wait3A_725, %dma_wait3A_726] : memref<52x128xf32, #tpu.memory_space<vmem>> -> memref<1x128xf32, #tpu.memory_space<vmem>>
    %dma_wait3A_728 = tpu.memref_squeeze %dma_wait3A_727 : memref<1x128xf32, #tpu.memory_space<vmem>> -> memref<128xf32, #tpu.memory_space<vmem>>
    %dma_wait3A_729 = arith.constant 0 : i32
    %dma_wait3A_730 = tpu.memref_slice %arg12[%dma_wait3A_724, %dma_wait3A_729] : memref<52x128xi32, #tpu.memory_space<vmem>> -> memref<1x128xi32, #tpu.memory_space<vmem>>
    %dma_wait3A_731 = tpu.memref_squeeze %dma_wait3A_730 : memref<1x128xi32, #tpu.memory_space<vmem>> -> memref<128xi32, #tpu.memory_space<vmem>>
    %dma_wait3A_732 = arith.constant 0 : i32
    %dma_wait3A_733 = tpu.memref_slice %arg2[%dma_wait3A_732] : memref<2662400xf32, #tpu.memory_space<hbm>> -> memref<2662400xf32, #tpu.memory_space<hbm>>
    tpu.wait_indirect_dma semaphore(%arg15 : memref<!tpu.dma_semaphore, #tpu.memory_space<semaphore_mem>>) src(%dma_wait3A_733 : memref<2662400xf32, #tpu.memory_space<hbm>>) dst(%dma_wait3A_728 : memref<128xf32, #tpu.memory_space<vmem>>)
    %dma_wait3A_734 = arith.constant 19 : i32
    %dma_wait3A_735 = arith.constant 19 : i32
    %dma_wait3A_736 = arith.constant 0 : i32
    %dma_wait3A_737 = tpu.memref_slice %arg13[%dma_wait3A_735, %dma_wait3A_736] : memref<52x128xf32, #tpu.memory_space<vmem>> -> memref<1x128xf32, #tpu.memory_space<vmem>>
    %dma_wait3A_738 = tpu.memref_squeeze %dma_wait3A_737 : memref<1x128xf32, #tpu.memory_space<vmem>> -> memref<128xf32, #tpu.memory_space<vmem>>
    %dma_wait3A_739 = arith.constant 0 : i32
    %dma_wait3A_740 = tpu.memref_slice %arg12[%dma_wait3A_734, %dma_wait3A_739] : memref<52x128xi32, #tpu.memory_space<vmem>> -> memref<1x128xi32, #tpu.memory_space<vmem>>
    %dma_wait3A_741 = tpu.memref_squeeze %dma_wait3A_740 : memref<1x128xi32, #tpu.memory_space<vmem>> -> memref<128xi32, #tpu.memory_space<vmem>>
    %dma_wait3A_742 = arith.constant 0 : i32
    %dma_wait3A_743 = tpu.memref_slice %arg2[%dma_wait3A_742] : memref<2662400xf32, #tpu.memory_space<hbm>> -> memref<2662400xf32, #tpu.memory_space<hbm>>
    tpu.wait_indirect_dma semaphore(%arg15 : memref<!tpu.dma_semaphore, #tpu.memory_space<semaphore_mem>>) src(%dma_wait3A_743 : memref<2662400xf32, #tpu.memory_space<hbm>>) dst(%dma_wait3A_738 : memref<128xf32, #tpu.memory_space<vmem>>)
    %dma_wait3A_744 = arith.constant 20 : i32
    %dma_wait3A_745 = arith.constant 20 : i32
    %dma_wait3A_746 = arith.constant 0 : i32
    %dma_wait3A_747 = tpu.memref_slice %arg13[%dma_wait3A_745, %dma_wait3A_746] : memref<52x128xf32, #tpu.memory_space<vmem>> -> memref<1x128xf32, #tpu.memory_space<vmem>>
    %dma_wait3A_748 = tpu.memref_squeeze %dma_wait3A_747 : memref<1x128xf32, #tpu.memory_space<vmem>> -> memref<128xf32, #tpu.memory_space<vmem>>
    %dma_wait3A_749 = arith.constant 0 : i32
    %dma_wait3A_750 = tpu.memref_slice %arg12[%dma_wait3A_744, %dma_wait3A_749] : memref<52x128xi32, #tpu.memory_space<vmem>> -> memref<1x128xi32, #tpu.memory_space<vmem>>
    %dma_wait3A_751 = tpu.memref_squeeze %dma_wait3A_750 : memref<1x128xi32, #tpu.memory_space<vmem>> -> memref<128xi32, #tpu.memory_space<vmem>>
    %dma_wait3A_752 = arith.constant 0 : i32
    %dma_wait3A_753 = tpu.memref_slice %arg2[%dma_wait3A_752] : memref<2662400xf32, #tpu.memory_space<hbm>> -> memref<2662400xf32, #tpu.memory_space<hbm>>
    tpu.wait_indirect_dma semaphore(%arg15 : memref<!tpu.dma_semaphore, #tpu.memory_space<semaphore_mem>>) src(%dma_wait3A_753 : memref<2662400xf32, #tpu.memory_space<hbm>>) dst(%dma_wait3A_748 : memref<128xf32, #tpu.memory_space<vmem>>)
    %dma_wait3A_754 = arith.constant 21 : i32
    %dma_wait3A_755 = arith.constant 21 : i32
    %dma_wait3A_756 = arith.constant 0 : i32
    %dma_wait3A_757 = tpu.memref_slice %arg13[%dma_wait3A_755, %dma_wait3A_756] : memref<52x128xf32, #tpu.memory_space<vmem>> -> memref<1x128xf32, #tpu.memory_space<vmem>>
    %dma_wait3A_758 = tpu.memref_squeeze %dma_wait3A_757 : memref<1x128xf32, #tpu.memory_space<vmem>> -> memref<128xf32, #tpu.memory_space<vmem>>
    %dma_wait3A_759 = arith.constant 0 : i32
    %dma_wait3A_760 = tpu.memref_slice %arg12[%dma_wait3A_754, %dma_wait3A_759] : memref<52x128xi32, #tpu.memory_space<vmem>> -> memref<1x128xi32, #tpu.memory_space<vmem>>
    %dma_wait3A_761 = tpu.memref_squeeze %dma_wait3A_760 : memref<1x128xi32, #tpu.memory_space<vmem>> -> memref<128xi32, #tpu.memory_space<vmem>>
    %dma_wait3A_762 = arith.constant 0 : i32
    %dma_wait3A_763 = tpu.memref_slice %arg2[%dma_wait3A_762] : memref<2662400xf32, #tpu.memory_space<hbm>> -> memref<2662400xf32, #tpu.memory_space<hbm>>
    tpu.wait_indirect_dma semaphore(%arg15 : memref<!tpu.dma_semaphore, #tpu.memory_space<semaphore_mem>>) src(%dma_wait3A_763 : memref<2662400xf32, #tpu.memory_space<hbm>>) dst(%dma_wait3A_758 : memref<128xf32, #tpu.memory_space<vmem>>)
    %dma_wait3A_764 = arith.constant 22 : i32
    %dma_wait3A_765 = arith.constant 22 : i32
    %dma_wait3A_766 = arith.constant 0 : i32
    %dma_wait3A_767 = tpu.memref_slice %arg13[%dma_wait3A_765, %dma_wait3A_766] : memref<52x128xf32, #tpu.memory_space<vmem>> -> memref<1x128xf32, #tpu.memory_space<vmem>>
    %dma_wait3A_768 = tpu.memref_squeeze %dma_wait3A_767 : memref<1x128xf32, #tpu.memory_space<vmem>> -> memref<128xf32, #tpu.memory_space<vmem>>
    %dma_wait3A_769 = arith.constant 0 : i32
    %dma_wait3A_770 = tpu.memref_slice %arg12[%dma_wait3A_764, %dma_wait3A_769] : memref<52x128xi32, #tpu.memory_space<vmem>> -> memref<1x128xi32, #tpu.memory_space<vmem>>
    %dma_wait3A_771 = tpu.memref_squeeze %dma_wait3A_770 : memref<1x128xi32, #tpu.memory_space<vmem>> -> memref<128xi32, #tpu.memory_space<vmem>>
    %dma_wait3A_772 = arith.constant 0 : i32
    %dma_wait3A_773 = tpu.memref_slice %arg2[%dma_wait3A_772] : memref<2662400xf32, #tpu.memory_space<hbm>> -> memref<2662400xf32, #tpu.memory_space<hbm>>
    tpu.wait_indirect_dma semaphore(%arg15 : memref<!tpu.dma_semaphore, #tpu.memory_space<semaphore_mem>>) src(%dma_wait3A_773 : memref<2662400xf32, #tpu.memory_space<hbm>>) dst(%dma_wait3A_768 : memref<128xf32, #tpu.memory_space<vmem>>)
    %dma_wait3A_774 = arith.constant 23 : i32
    %dma_wait3A_775 = arith.constant 23 : i32
    %dma_wait3A_776 = arith.constant 0 : i32
    %dma_wait3A_777 = tpu.memref_slice %arg13[%dma_wait3A_775, %dma_wait3A_776] : memref<52x128xf32, #tpu.memory_space<vmem>> -> memref<1x128xf32, #tpu.memory_space<vmem>>
    %dma_wait3A_778 = tpu.memref_squeeze %dma_wait3A_777 : memref<1x128xf32, #tpu.memory_space<vmem>> -> memref<128xf32, #tpu.memory_space<vmem>>
    %dma_wait3A_779 = arith.constant 0 : i32
    %dma_wait3A_780 = tpu.memref_slice %arg12[%dma_wait3A_774, %dma_wait3A_779] : memref<52x128xi32, #tpu.memory_space<vmem>> -> memref<1x128xi32, #tpu.memory_space<vmem>>
    %dma_wait3A_781 = tpu.memref_squeeze %dma_wait3A_780 : memref<1x128xi32, #tpu.memory_space<vmem>> -> memref<128xi32, #tpu.memory_space<vmem>>
    %dma_wait3A_782 = arith.constant 0 : i32
    %dma_wait3A_783 = tpu.memref_slice %arg2[%dma_wait3A_782] : memref<2662400xf32, #tpu.memory_space<hbm>> -> memref<2662400xf32, #tpu.memory_space<hbm>>
    tpu.wait_indirect_dma semaphore(%arg15 : memref<!tpu.dma_semaphore, #tpu.memory_space<semaphore_mem>>) src(%dma_wait3A_783 : memref<2662400xf32, #tpu.memory_space<hbm>>) dst(%dma_wait3A_778 : memref<128xf32, #tpu.memory_space<vmem>>)
    %dma_wait3A_784 = arith.constant 24 : i32
    %dma_wait3A_785 = arith.constant 24 : i32
    %dma_wait3A_786 = arith.constant 0 : i32
    %dma_wait3A_787 = tpu.memref_slice %arg13[%dma_wait3A_785, %dma_wait3A_786] : memref<52x128xf32, #tpu.memory_space<vmem>> -> memref<1x128xf32, #tpu.memory_space<vmem>>
    %dma_wait3A_788 = tpu.memref_squeeze %dma_wait3A_787 : memref<1x128xf32, #tpu.memory_space<vmem>> -> memref<128xf32, #tpu.memory_space<vmem>>
    %dma_wait3A_789 = arith.constant 0 : i32
    %dma_wait3A_790 = tpu.memref_slice %arg12[%dma_wait3A_784, %dma_wait3A_789] : memref<52x128xi32, #tpu.memory_space<vmem>> -> memref<1x128xi32, #tpu.memory_space<vmem>>
    %dma_wait3A_791 = tpu.memref_squeeze %dma_wait3A_790 : memref<1x128xi32, #tpu.memory_space<vmem>> -> memref<128xi32, #tpu.memory_space<vmem>>
    %dma_wait3A_792 = arith.constant 0 : i32
    %dma_wait3A_793 = tpu.memref_slice %arg2[%dma_wait3A_792] : memref<2662400xf32, #tpu.memory_space<hbm>> -> memref<2662400xf32, #tpu.memory_space<hbm>>
    tpu.wait_indirect_dma semaphore(%arg15 : memref<!tpu.dma_semaphore, #tpu.memory_space<semaphore_mem>>) src(%dma_wait3A_793 : memref<2662400xf32, #tpu.memory_space<hbm>>) dst(%dma_wait3A_788 : memref<128xf32, #tpu.memory_space<vmem>>)
    %dma_wait3A_794 = arith.constant 25 : i32
    %dma_wait3A_795 = arith.constant 25 : i32
    %dma_wait3A_796 = arith.constant 0 : i32
    %dma_wait3A_797 = tpu.memref_slice %arg13[%dma_wait3A_795, %dma_wait3A_796] : memref<52x128xf32, #tpu.memory_space<vmem>> -> memref<1x128xf32, #tpu.memory_space<vmem>>
    %dma_wait3A_798 = tpu.memref_squeeze %dma_wait3A_797 : memref<1x128xf32, #tpu.memory_space<vmem>> -> memref<128xf32, #tpu.memory_space<vmem>>
    %dma_wait3A_799 = arith.constant 0 : i32
    %dma_wait3A_800 = tpu.memref_slice %arg12[%dma_wait3A_794, %dma_wait3A_799] : memref<52x128xi32, #tpu.memory_space<vmem>> -> memref<1x128xi32, #tpu.memory_space<vmem>>
    %dma_wait3A_801 = tpu.memref_squeeze %dma_wait3A_800 : memref<1x128xi32, #tpu.memory_space<vmem>> -> memref<128xi32, #tpu.memory_space<vmem>>
    %dma_wait3A_802 = arith.constant 0 : i32
    %dma_wait3A_803 = tpu.memref_slice %arg2[%dma_wait3A_802] : memref<2662400xf32, #tpu.memory_space<hbm>> -> memref<2662400xf32, #tpu.memory_space<hbm>>
    tpu.wait_indirect_dma semaphore(%arg15 : memref<!tpu.dma_semaphore, #tpu.memory_space<semaphore_mem>>) src(%dma_wait3A_803 : memref<2662400xf32, #tpu.memory_space<hbm>>) dst(%dma_wait3A_798 : memref<128xf32, #tpu.memory_space<vmem>>)
    %dma_wait3A_804 = arith.constant 26 : i32
    %dma_wait3A_805 = arith.constant 26 : i32
    %dma_wait3A_806 = arith.constant 0 : i32
    %dma_wait3A_807 = tpu.memref_slice %arg13[%dma_wait3A_805, %dma_wait3A_806] : memref<52x128xf32, #tpu.memory_space<vmem>> -> memref<1x128xf32, #tpu.memory_space<vmem>>
    %dma_wait3A_808 = tpu.memref_squeeze %dma_wait3A_807 : memref<1x128xf32, #tpu.memory_space<vmem>> -> memref<128xf32, #tpu.memory_space<vmem>>
    %dma_wait3A_809 = arith.constant 0 : i32
    %dma_wait3A_810 = tpu.memref_slice %arg12[%dma_wait3A_804, %dma_wait3A_809] : memref<52x128xi32, #tpu.memory_space<vmem>> -> memref<1x128xi32, #tpu.memory_space<vmem>>
    %dma_wait3A_811 = tpu.memref_squeeze %dma_wait3A_810 : memref<1x128xi32, #tpu.memory_space<vmem>> -> memref<128xi32, #tpu.memory_space<vmem>>
    %dma_wait3A_812 = arith.constant 0 : i32
    %dma_wait3A_813 = tpu.memref_slice %arg2[%dma_wait3A_812] : memref<2662400xf32, #tpu.memory_space<hbm>> -> memref<2662400xf32, #tpu.memory_space<hbm>>
    tpu.wait_indirect_dma semaphore(%arg15 : memref<!tpu.dma_semaphore, #tpu.memory_space<semaphore_mem>>) src(%dma_wait3A_813 : memref<2662400xf32, #tpu.memory_space<hbm>>) dst(%dma_wait3A_808 : memref<128xf32, #tpu.memory_space<vmem>>)
    %dma_wait3A_814 = arith.constant 27 : i32
    %dma_wait3A_815 = arith.constant 27 : i32
    %dma_wait3A_816 = arith.constant 0 : i32
    %dma_wait3A_817 = tpu.memref_slice %arg13[%dma_wait3A_815, %dma_wait3A_816] : memref<52x128xf32, #tpu.memory_space<vmem>> -> memref<1x128xf32, #tpu.memory_space<vmem>>
    %dma_wait3A_818 = tpu.memref_squeeze %dma_wait3A_817 : memref<1x128xf32, #tpu.memory_space<vmem>> -> memref<128xf32, #tpu.memory_space<vmem>>
    %dma_wait3A_819 = arith.constant 0 : i32
    %dma_wait3A_820 = tpu.memref_slice %arg12[%dma_wait3A_814, %dma_wait3A_819] : memref<52x128xi32, #tpu.memory_space<vmem>> -> memref<1x128xi32, #tpu.memory_space<vmem>>
    %dma_wait3A_821 = tpu.memref_squeeze %dma_wait3A_820 : memref<1x128xi32, #tpu.memory_space<vmem>> -> memref<128xi32, #tpu.memory_space<vmem>>
    %dma_wait3A_822 = arith.constant 0 : i32
    %dma_wait3A_823 = tpu.memref_slice %arg2[%dma_wait3A_822] : memref<2662400xf32, #tpu.memory_space<hbm>> -> memref<2662400xf32, #tpu.memory_space<hbm>>
    tpu.wait_indirect_dma semaphore(%arg15 : memref<!tpu.dma_semaphore, #tpu.memory_space<semaphore_mem>>) src(%dma_wait3A_823 : memref<2662400xf32, #tpu.memory_space<hbm>>) dst(%dma_wait3A_818 : memref<128xf32, #tpu.memory_space<vmem>>)
    %dma_wait3A_824 = arith.constant 28 : i32
    %dma_wait3A_825 = arith.constant 28 : i32
    %dma_wait3A_826 = arith.constant 0 : i32
    %dma_wait3A_827 = tpu.memref_slice %arg13[%dma_wait3A_825, %dma_wait3A_826] : memref<52x128xf32, #tpu.memory_space<vmem>> -> memref<1x128xf32, #tpu.memory_space<vmem>>
    %dma_wait3A_828 = tpu.memref_squeeze %dma_wait3A_827 : memref<1x128xf32, #tpu.memory_space<vmem>> -> memref<128xf32, #tpu.memory_space<vmem>>
    %dma_wait3A_829 = arith.constant 0 : i32
    %dma_wait3A_830 = tpu.memref_slice %arg12[%dma_wait3A_824, %dma_wait3A_829] : memref<52x128xi32, #tpu.memory_space<vmem>> -> memref<1x128xi32, #tpu.memory_space<vmem>>
    %dma_wait3A_831 = tpu.memref_squeeze %dma_wait3A_830 : memref<1x128xi32, #tpu.memory_space<vmem>> -> memref<128xi32, #tpu.memory_space<vmem>>
    %dma_wait3A_832 = arith.constant 0 : i32
    %dma_wait3A_833 = tpu.memref_slice %arg2[%dma_wait3A_832] : memref<2662400xf32, #tpu.memory_space<hbm>> -> memref<2662400xf32, #tpu.memory_space<hbm>>
    tpu.wait_indirect_dma semaphore(%arg15 : memref<!tpu.dma_semaphore, #tpu.memory_space<semaphore_mem>>) src(%dma_wait3A_833 : memref<2662400xf32, #tpu.memory_space<hbm>>) dst(%dma_wait3A_828 : memref<128xf32, #tpu.memory_space<vmem>>)
    %dma_wait3A_834 = arith.constant 29 : i32
    %dma_wait3A_835 = arith.constant 29 : i32
    %dma_wait3A_836 = arith.constant 0 : i32
    %dma_wait3A_837 = tpu.memref_slice %arg13[%dma_wait3A_835, %dma_wait3A_836] : memref<52x128xf32, #tpu.memory_space<vmem>> -> memref<1x128xf32, #tpu.memory_space<vmem>>
    %dma_wait3A_838 = tpu.memref_squeeze %dma_wait3A_837 : memref<1x128xf32, #tpu.memory_space<vmem>> -> memref<128xf32, #tpu.memory_space<vmem>>
    %dma_wait3A_839 = arith.constant 0 : i32
    %dma_wait3A_840 = tpu.memref_slice %arg12[%dma_wait3A_834, %dma_wait3A_839] : memref<52x128xi32, #tpu.memory_space<vmem>> -> memref<1x128xi32, #tpu.memory_space<vmem>>
    %dma_wait3A_841 = tpu.memref_squeeze %dma_wait3A_840 : memref<1x128xi32, #tpu.memory_space<vmem>> -> memref<128xi32, #tpu.memory_space<vmem>>
    %dma_wait3A_842 = arith.constant 0 : i32
    %dma_wait3A_843 = tpu.memref_slice %arg2[%dma_wait3A_842] : memref<2662400xf32, #tpu.memory_space<hbm>> -> memref<2662400xf32, #tpu.memory_space<hbm>>
    tpu.wait_indirect_dma semaphore(%arg15 : memref<!tpu.dma_semaphore, #tpu.memory_space<semaphore_mem>>) src(%dma_wait3A_843 : memref<2662400xf32, #tpu.memory_space<hbm>>) dst(%dma_wait3A_838 : memref<128xf32, #tpu.memory_space<vmem>>)
    %dma_wait3A_844 = arith.constant 30 : i32
    %dma_wait3A_845 = arith.constant 30 : i32
    %dma_wait3A_846 = arith.constant 0 : i32
    %dma_wait3A_847 = tpu.memref_slice %arg13[%dma_wait3A_845, %dma_wait3A_846] : memref<52x128xf32, #tpu.memory_space<vmem>> -> memref<1x128xf32, #tpu.memory_space<vmem>>
    %dma_wait3A_848 = tpu.memref_squeeze %dma_wait3A_847 : memref<1x128xf32, #tpu.memory_space<vmem>> -> memref<128xf32, #tpu.memory_space<vmem>>
    %dma_wait3A_849 = arith.constant 0 : i32
    %dma_wait3A_850 = tpu.memref_slice %arg12[%dma_wait3A_844, %dma_wait3A_849] : memref<52x128xi32, #tpu.memory_space<vmem>> -> memref<1x128xi32, #tpu.memory_space<vmem>>
    %dma_wait3A_851 = tpu.memref_squeeze %dma_wait3A_850 : memref<1x128xi32, #tpu.memory_space<vmem>> -> memref<128xi32, #tpu.memory_space<vmem>>
    %dma_wait3A_852 = arith.constant 0 : i32
    %dma_wait3A_853 = tpu.memref_slice %arg2[%dma_wait3A_852] : memref<2662400xf32, #tpu.memory_space<hbm>> -> memref<2662400xf32, #tpu.memory_space<hbm>>
    tpu.wait_indirect_dma semaphore(%arg15 : memref<!tpu.dma_semaphore, #tpu.memory_space<semaphore_mem>>) src(%dma_wait3A_853 : memref<2662400xf32, #tpu.memory_space<hbm>>) dst(%dma_wait3A_848 : memref<128xf32, #tpu.memory_space<vmem>>)
    %dma_wait3A_854 = arith.constant 31 : i32
    %dma_wait3A_855 = arith.constant 31 : i32
    %dma_wait3A_856 = arith.constant 0 : i32
    %dma_wait3A_857 = tpu.memref_slice %arg13[%dma_wait3A_855, %dma_wait3A_856] : memref<52x128xf32, #tpu.memory_space<vmem>> -> memref<1x128xf32, #tpu.memory_space<vmem>>
    %dma_wait3A_858 = tpu.memref_squeeze %dma_wait3A_857 : memref<1x128xf32, #tpu.memory_space<vmem>> -> memref<128xf32, #tpu.memory_space<vmem>>
    %dma_wait3A_859 = arith.constant 0 : i32
    %dma_wait3A_860 = tpu.memref_slice %arg12[%dma_wait3A_854, %dma_wait3A_859] : memref<52x128xi32, #tpu.memory_space<vmem>> -> memref<1x128xi32, #tpu.memory_space<vmem>>
    %dma_wait3A_861 = tpu.memref_squeeze %dma_wait3A_860 : memref<1x128xi32, #tpu.memory_space<vmem>> -> memref<128xi32, #tpu.memory_space<vmem>>
    %dma_wait3A_862 = arith.constant 0 : i32
    %dma_wait3A_863 = tpu.memref_slice %arg2[%dma_wait3A_862] : memref<2662400xf32, #tpu.memory_space<hbm>> -> memref<2662400xf32, #tpu.memory_space<hbm>>
    tpu.wait_indirect_dma semaphore(%arg15 : memref<!tpu.dma_semaphore, #tpu.memory_space<semaphore_mem>>) src(%dma_wait3A_863 : memref<2662400xf32, #tpu.memory_space<hbm>>) dst(%dma_wait3A_858 : memref<128xf32, #tpu.memory_space<vmem>>)
    %dma_wait3A_864 = arith.constant 32 : i32
    %dma_wait3A_865 = arith.constant 32 : i32
    %dma_wait3A_866 = arith.constant 0 : i32
    %dma_wait3A_867 = tpu.memref_slice %arg13[%dma_wait3A_865, %dma_wait3A_866] : memref<52x128xf32, #tpu.memory_space<vmem>> -> memref<1x128xf32, #tpu.memory_space<vmem>>
    %dma_wait3A_868 = tpu.memref_squeeze %dma_wait3A_867 : memref<1x128xf32, #tpu.memory_space<vmem>> -> memref<128xf32, #tpu.memory_space<vmem>>
    %dma_wait3A_869 = arith.constant 0 : i32
    %dma_wait3A_870 = tpu.memref_slice %arg12[%dma_wait3A_864, %dma_wait3A_869] : memref<52x128xi32, #tpu.memory_space<vmem>> -> memref<1x128xi32, #tpu.memory_space<vmem>>
    %dma_wait3A_871 = tpu.memref_squeeze %dma_wait3A_870 : memref<1x128xi32, #tpu.memory_space<vmem>> -> memref<128xi32, #tpu.memory_space<vmem>>
    %dma_wait3A_872 = arith.constant 0 : i32
    %dma_wait3A_873 = tpu.memref_slice %arg2[%dma_wait3A_872] : memref<2662400xf32, #tpu.memory_space<hbm>> -> memref<2662400xf32, #tpu.memory_space<hbm>>
    tpu.wait_indirect_dma semaphore(%arg15 : memref<!tpu.dma_semaphore, #tpu.memory_space<semaphore_mem>>) src(%dma_wait3A_873 : memref<2662400xf32, #tpu.memory_space<hbm>>) dst(%dma_wait3A_868 : memref<128xf32, #tpu.memory_space<vmem>>)
    %dma_wait3A_874 = arith.constant 33 : i32
    %dma_wait3A_875 = arith.constant 33 : i32
    %dma_wait3A_876 = arith.constant 0 : i32
    %dma_wait3A_877 = tpu.memref_slice %arg13[%dma_wait3A_875, %dma_wait3A_876] : memref<52x128xf32, #tpu.memory_space<vmem>> -> memref<1x128xf32, #tpu.memory_space<vmem>>
    %dma_wait3A_878 = tpu.memref_squeeze %dma_wait3A_877 : memref<1x128xf32, #tpu.memory_space<vmem>> -> memref<128xf32, #tpu.memory_space<vmem>>
    %dma_wait3A_879 = arith.constant 0 : i32
    %dma_wait3A_880 = tpu.memref_slice %arg12[%dma_wait3A_874, %dma_wait3A_879] : memref<52x128xi32, #tpu.memory_space<vmem>> -> memref<1x128xi32, #tpu.memory_space<vmem>>
    %dma_wait3A_881 = tpu.memref_squeeze %dma_wait3A_880 : memref<1x128xi32, #tpu.memory_space<vmem>> -> memref<128xi32, #tpu.memory_space<vmem>>
    %dma_wait3A_882 = arith.constant 0 : i32
    %dma_wait3A_883 = tpu.memref_slice %arg2[%dma_wait3A_882] : memref<2662400xf32, #tpu.memory_space<hbm>> -> memref<2662400xf32, #tpu.memory_space<hbm>>
    tpu.wait_indirect_dma semaphore(%arg15 : memref<!tpu.dma_semaphore, #tpu.memory_space<semaphore_mem>>) src(%dma_wait3A_883 : memref<2662400xf32, #tpu.memory_space<hbm>>) dst(%dma_wait3A_878 : memref<128xf32, #tpu.memory_space<vmem>>)
    %dma_wait3A_884 = arith.constant 34 : i32
    %dma_wait3A_885 = arith.constant 34 : i32
    %dma_wait3A_886 = arith.constant 0 : i32
    %dma_wait3A_887 = tpu.memref_slice %arg13[%dma_wait3A_885, %dma_wait3A_886] : memref<52x128xf32, #tpu.memory_space<vmem>> -> memref<1x128xf32, #tpu.memory_space<vmem>>
    %dma_wait3A_888 = tpu.memref_squeeze %dma_wait3A_887 : memref<1x128xf32, #tpu.memory_space<vmem>> -> memref<128xf32, #tpu.memory_space<vmem>>
    %dma_wait3A_889 = arith.constant 0 : i32
    %dma_wait3A_890 = tpu.memref_slice %arg12[%dma_wait3A_884, %dma_wait3A_889] : memref<52x128xi32, #tpu.memory_space<vmem>> -> memref<1x128xi32, #tpu.memory_space<vmem>>
    %dma_wait3A_891 = tpu.memref_squeeze %dma_wait3A_890 : memref<1x128xi32, #tpu.memory_space<vmem>> -> memref<128xi32, #tpu.memory_space<vmem>>
    %dma_wait3A_892 = arith.constant 0 : i32
    %dma_wait3A_893 = tpu.memref_slice %arg2[%dma_wait3A_892] : memref<2662400xf32, #tpu.memory_space<hbm>> -> memref<2662400xf32, #tpu.memory_space<hbm>>
    tpu.wait_indirect_dma semaphore(%arg15 : memref<!tpu.dma_semaphore, #tpu.memory_space<semaphore_mem>>) src(%dma_wait3A_893 : memref<2662400xf32, #tpu.memory_space<hbm>>) dst(%dma_wait3A_888 : memref<128xf32, #tpu.memory_space<vmem>>)
    %dma_wait3A_894 = arith.constant 35 : i32
    %dma_wait3A_895 = arith.constant 35 : i32
    %dma_wait3A_896 = arith.constant 0 : i32
    %dma_wait3A_897 = tpu.memref_slice %arg13[%dma_wait3A_895, %dma_wait3A_896] : memref<52x128xf32, #tpu.memory_space<vmem>> -> memref<1x128xf32, #tpu.memory_space<vmem>>
    %dma_wait3A_898 = tpu.memref_squeeze %dma_wait3A_897 : memref<1x128xf32, #tpu.memory_space<vmem>> -> memref<128xf32, #tpu.memory_space<vmem>>
    %dma_wait3A_899 = arith.constant 0 : i32
    %dma_wait3A_900 = tpu.memref_slice %arg12[%dma_wait3A_894, %dma_wait3A_899] : memref<52x128xi32, #tpu.memory_space<vmem>> -> memref<1x128xi32, #tpu.memory_space<vmem>>
    %dma_wait3A_901 = tpu.memref_squeeze %dma_wait3A_900 : memref<1x128xi32, #tpu.memory_space<vmem>> -> memref<128xi32, #tpu.memory_space<vmem>>
    %dma_wait3A_902 = arith.constant 0 : i32
    %dma_wait3A_903 = tpu.memref_slice %arg2[%dma_wait3A_902] : memref<2662400xf32, #tpu.memory_space<hbm>> -> memref<2662400xf32, #tpu.memory_space<hbm>>
    tpu.wait_indirect_dma semaphore(%arg15 : memref<!tpu.dma_semaphore, #tpu.memory_space<semaphore_mem>>) src(%dma_wait3A_903 : memref<2662400xf32, #tpu.memory_space<hbm>>) dst(%dma_wait3A_898 : memref<128xf32, #tpu.memory_space<vmem>>)
    %dma_wait3A_904 = arith.constant 36 : i32
    %dma_wait3A_905 = arith.constant 36 : i32
    %dma_wait3A_906 = arith.constant 0 : i32
    %dma_wait3A_907 = tpu.memref_slice %arg13[%dma_wait3A_905, %dma_wait3A_906] : memref<52x128xf32, #tpu.memory_space<vmem>> -> memref<1x128xf32, #tpu.memory_space<vmem>>
    %dma_wait3A_908 = tpu.memref_squeeze %dma_wait3A_907 : memref<1x128xf32, #tpu.memory_space<vmem>> -> memref<128xf32, #tpu.memory_space<vmem>>
    %dma_wait3A_909 = arith.constant 0 : i32
    %dma_wait3A_910 = tpu.memref_slice %arg12[%dma_wait3A_904, %dma_wait3A_909] : memref<52x128xi32, #tpu.memory_space<vmem>> -> memref<1x128xi32, #tpu.memory_space<vmem>>
    %dma_wait3A_911 = tpu.memref_squeeze %dma_wait3A_910 : memref<1x128xi32, #tpu.memory_space<vmem>> -> memref<128xi32, #tpu.memory_space<vmem>>
    %dma_wait3A_912 = arith.constant 0 : i32
    %dma_wait3A_913 = tpu.memref_slice %arg2[%dma_wait3A_912] : memref<2662400xf32, #tpu.memory_space<hbm>> -> memref<2662400xf32, #tpu.memory_space<hbm>>
    tpu.wait_indirect_dma semaphore(%arg15 : memref<!tpu.dma_semaphore, #tpu.memory_space<semaphore_mem>>) src(%dma_wait3A_913 : memref<2662400xf32, #tpu.memory_space<hbm>>) dst(%dma_wait3A_908 : memref<128xf32, #tpu.memory_space<vmem>>)
    %dma_wait3A_914 = arith.constant 37 : i32
    %dma_wait3A_915 = arith.constant 37 : i32
    %dma_wait3A_916 = arith.constant 0 : i32
    %dma_wait3A_917 = tpu.memref_slice %arg13[%dma_wait3A_915, %dma_wait3A_916] : memref<52x128xf32, #tpu.memory_space<vmem>> -> memref<1x128xf32, #tpu.memory_space<vmem>>
    %dma_wait3A_918 = tpu.memref_squeeze %dma_wait3A_917 : memref<1x128xf32, #tpu.memory_space<vmem>> -> memref<128xf32, #tpu.memory_space<vmem>>
    %dma_wait3A_919 = arith.constant 0 : i32
    %dma_wait3A_920 = tpu.memref_slice %arg12[%dma_wait3A_914, %dma_wait3A_919] : memref<52x128xi32, #tpu.memory_space<vmem>> -> memref<1x128xi32, #tpu.memory_space<vmem>>
    %dma_wait3A_921 = tpu.memref_squeeze %dma_wait3A_920 : memref<1x128xi32, #tpu.memory_space<vmem>> -> memref<128xi32, #tpu.memory_space<vmem>>
    %dma_wait3A_922 = arith.constant 0 : i32
    %dma_wait3A_923 = tpu.memref_slice %arg2[%dma_wait3A_922] : memref<2662400xf32, #tpu.memory_space<hbm>> -> memref<2662400xf32, #tpu.memory_space<hbm>>
    tpu.wait_indirect_dma semaphore(%arg15 : memref<!tpu.dma_semaphore, #tpu.memory_space<semaphore_mem>>) src(%dma_wait3A_923 : memref<2662400xf32, #tpu.memory_space<hbm>>) dst(%dma_wait3A_918 : memref<128xf32, #tpu.memory_space<vmem>>)
    %dma_wait3A_924 = arith.constant 38 : i32
    %dma_wait3A_925 = arith.constant 38 : i32
    %dma_wait3A_926 = arith.constant 0 : i32
    %dma_wait3A_927 = tpu.memref_slice %arg13[%dma_wait3A_925, %dma_wait3A_926] : memref<52x128xf32, #tpu.memory_space<vmem>> -> memref<1x128xf32, #tpu.memory_space<vmem>>
    %dma_wait3A_928 = tpu.memref_squeeze %dma_wait3A_927 : memref<1x128xf32, #tpu.memory_space<vmem>> -> memref<128xf32, #tpu.memory_space<vmem>>
    %dma_wait3A_929 = arith.constant 0 : i32
    %dma_wait3A_930 = tpu.memref_slice %arg12[%dma_wait3A_924, %dma_wait3A_929] : memref<52x128xi32, #tpu.memory_space<vmem>> -> memref<1x128xi32, #tpu.memory_space<vmem>>
    %dma_wait3A_931 = tpu.memref_squeeze %dma_wait3A_930 : memref<1x128xi32, #tpu.memory_space<vmem>> -> memref<128xi32, #tpu.memory_space<vmem>>
    %dma_wait3A_932 = arith.constant 0 : i32
    %dma_wait3A_933 = tpu.memref_slice %arg2[%dma_wait3A_932] : memref<2662400xf32, #tpu.memory_space<hbm>> -> memref<2662400xf32, #tpu.memory_space<hbm>>
    tpu.wait_indirect_dma semaphore(%arg15 : memref<!tpu.dma_semaphore, #tpu.memory_space<semaphore_mem>>) src(%dma_wait3A_933 : memref<2662400xf32, #tpu.memory_space<hbm>>) dst(%dma_wait3A_928 : memref<128xf32, #tpu.memory_space<vmem>>)
    %dma_wait3A_934 = arith.constant 39 : i32
    %dma_wait3A_935 = arith.constant 39 : i32
    %dma_wait3A_936 = arith.constant 0 : i32
    %dma_wait3A_937 = tpu.memref_slice %arg13[%dma_wait3A_935, %dma_wait3A_936] : memref<52x128xf32, #tpu.memory_space<vmem>> -> memref<1x128xf32, #tpu.memory_space<vmem>>
    %dma_wait3A_938 = tpu.memref_squeeze %dma_wait3A_937 : memref<1x128xf32, #tpu.memory_space<vmem>> -> memref<128xf32, #tpu.memory_space<vmem>>
    %dma_wait3A_939 = arith.constant 0 : i32
    %dma_wait3A_940 = tpu.memref_slice %arg12[%dma_wait3A_934, %dma_wait3A_939] : memref<52x128xi32, #tpu.memory_space<vmem>> -> memref<1x128xi32, #tpu.memory_space<vmem>>
    %dma_wait3A_941 = tpu.memref_squeeze %dma_wait3A_940 : memref<1x128xi32, #tpu.memory_space<vmem>> -> memref<128xi32, #tpu.memory_space<vmem>>
    %dma_wait3A_942 = arith.constant 0 : i32
    %dma_wait3A_943 = tpu.memref_slice %arg2[%dma_wait3A_942] : memref<2662400xf32, #tpu.memory_space<hbm>> -> memref<2662400xf32, #tpu.memory_space<hbm>>
    tpu.wait_indirect_dma semaphore(%arg15 : memref<!tpu.dma_semaphore, #tpu.memory_space<semaphore_mem>>) src(%dma_wait3A_943 : memref<2662400xf32, #tpu.memory_space<hbm>>) dst(%dma_wait3A_938 : memref<128xf32, #tpu.memory_space<vmem>>)
    %dma_wait3A_944 = arith.constant 40 : i32
    %dma_wait3A_945 = arith.constant 40 : i32
    %dma_wait3A_946 = arith.constant 0 : i32
    %dma_wait3A_947 = tpu.memref_slice %arg13[%dma_wait3A_945, %dma_wait3A_946] : memref<52x128xf32, #tpu.memory_space<vmem>> -> memref<1x128xf32, #tpu.memory_space<vmem>>
    %dma_wait3A_948 = tpu.memref_squeeze %dma_wait3A_947 : memref<1x128xf32, #tpu.memory_space<vmem>> -> memref<128xf32, #tpu.memory_space<vmem>>
    %dma_wait3A_949 = arith.constant 0 : i32
    %dma_wait3A_950 = tpu.memref_slice %arg12[%dma_wait3A_944, %dma_wait3A_949] : memref<52x128xi32, #tpu.memory_space<vmem>> -> memref<1x128xi32, #tpu.memory_space<vmem>>
    %dma_wait3A_951 = tpu.memref_squeeze %dma_wait3A_950 : memref<1x128xi32, #tpu.memory_space<vmem>> -> memref<128xi32, #tpu.memory_space<vmem>>
    %dma_wait3A_952 = arith.constant 0 : i32
    %dma_wait3A_953 = tpu.memref_slice %arg2[%dma_wait3A_952] : memref<2662400xf32, #tpu.memory_space<hbm>> -> memref<2662400xf32, #tpu.memory_space<hbm>>
    tpu.wait_indirect_dma semaphore(%arg15 : memref<!tpu.dma_semaphore, #tpu.memory_space<semaphore_mem>>) src(%dma_wait3A_953 : memref<2662400xf32, #tpu.memory_space<hbm>>) dst(%dma_wait3A_948 : memref<128xf32, #tpu.memory_space<vmem>>)
    %dma_wait3A_954 = arith.constant 41 : i32
    %dma_wait3A_955 = arith.constant 41 : i32
    %dma_wait3A_956 = arith.constant 0 : i32
    %dma_wait3A_957 = tpu.memref_slice %arg13[%dma_wait3A_955, %dma_wait3A_956] : memref<52x128xf32, #tpu.memory_space<vmem>> -> memref<1x128xf32, #tpu.memory_space<vmem>>
    %dma_wait3A_958 = tpu.memref_squeeze %dma_wait3A_957 : memref<1x128xf32, #tpu.memory_space<vmem>> -> memref<128xf32, #tpu.memory_space<vmem>>
    %dma_wait3A_959 = arith.constant 0 : i32
    %dma_wait3A_960 = tpu.memref_slice %arg12[%dma_wait3A_954, %dma_wait3A_959] : memref<52x128xi32, #tpu.memory_space<vmem>> -> memref<1x128xi32, #tpu.memory_space<vmem>>
    %dma_wait3A_961 = tpu.memref_squeeze %dma_wait3A_960 : memref<1x128xi32, #tpu.memory_space<vmem>> -> memref<128xi32, #tpu.memory_space<vmem>>
    %dma_wait3A_962 = arith.constant 0 : i32
    %dma_wait3A_963 = tpu.memref_slice %arg2[%dma_wait3A_962] : memref<2662400xf32, #tpu.memory_space<hbm>> -> memref<2662400xf32, #tpu.memory_space<hbm>>
    tpu.wait_indirect_dma semaphore(%arg15 : memref<!tpu.dma_semaphore, #tpu.memory_space<semaphore_mem>>) src(%dma_wait3A_963 : memref<2662400xf32, #tpu.memory_space<hbm>>) dst(%dma_wait3A_958 : memref<128xf32, #tpu.memory_space<vmem>>)
    %dma_wait3A_964 = arith.constant 42 : i32
    %dma_wait3A_965 = arith.constant 42 : i32
    %dma_wait3A_966 = arith.constant 0 : i32
    %dma_wait3A_967 = tpu.memref_slice %arg13[%dma_wait3A_965, %dma_wait3A_966] : memref<52x128xf32, #tpu.memory_space<vmem>> -> memref<1x128xf32, #tpu.memory_space<vmem>>
    %dma_wait3A_968 = tpu.memref_squeeze %dma_wait3A_967 : memref<1x128xf32, #tpu.memory_space<vmem>> -> memref<128xf32, #tpu.memory_space<vmem>>
    %dma_wait3A_969 = arith.constant 0 : i32
    %dma_wait3A_970 = tpu.memref_slice %arg12[%dma_wait3A_964, %dma_wait3A_969] : memref<52x128xi32, #tpu.memory_space<vmem>> -> memref<1x128xi32, #tpu.memory_space<vmem>>
    %dma_wait3A_971 = tpu.memref_squeeze %dma_wait3A_970 : memref<1x128xi32, #tpu.memory_space<vmem>> -> memref<128xi32, #tpu.memory_space<vmem>>
    %dma_wait3A_972 = arith.constant 0 : i32
    %dma_wait3A_973 = tpu.memref_slice %arg2[%dma_wait3A_972] : memref<2662400xf32, #tpu.memory_space<hbm>> -> memref<2662400xf32, #tpu.memory_space<hbm>>
    tpu.wait_indirect_dma semaphore(%arg15 : memref<!tpu.dma_semaphore, #tpu.memory_space<semaphore_mem>>) src(%dma_wait3A_973 : memref<2662400xf32, #tpu.memory_space<hbm>>) dst(%dma_wait3A_968 : memref<128xf32, #tpu.memory_space<vmem>>)
    %dma_wait3A_974 = arith.constant 43 : i32
    %dma_wait3A_975 = arith.constant 43 : i32
    %dma_wait3A_976 = arith.constant 0 : i32
    %dma_wait3A_977 = tpu.memref_slice %arg13[%dma_wait3A_975, %dma_wait3A_976] : memref<52x128xf32, #tpu.memory_space<vmem>> -> memref<1x128xf32, #tpu.memory_space<vmem>>
    %dma_wait3A_978 = tpu.memref_squeeze %dma_wait3A_977 : memref<1x128xf32, #tpu.memory_space<vmem>> -> memref<128xf32, #tpu.memory_space<vmem>>
    %dma_wait3A_979 = arith.constant 0 : i32
    %dma_wait3A_980 = tpu.memref_slice %arg12[%dma_wait3A_974, %dma_wait3A_979] : memref<52x128xi32, #tpu.memory_space<vmem>> -> memref<1x128xi32, #tpu.memory_space<vmem>>
    %dma_wait3A_981 = tpu.memref_squeeze %dma_wait3A_980 : memref<1x128xi32, #tpu.memory_space<vmem>> -> memref<128xi32, #tpu.memory_space<vmem>>
    %dma_wait3A_982 = arith.constant 0 : i32
    %dma_wait3A_983 = tpu.memref_slice %arg2[%dma_wait3A_982] : memref<2662400xf32, #tpu.memory_space<hbm>> -> memref<2662400xf32, #tpu.memory_space<hbm>>
    tpu.wait_indirect_dma semaphore(%arg15 : memref<!tpu.dma_semaphore, #tpu.memory_space<semaphore_mem>>) src(%dma_wait3A_983 : memref<2662400xf32, #tpu.memory_space<hbm>>) dst(%dma_wait3A_978 : memref<128xf32, #tpu.memory_space<vmem>>)
    %dma_wait3A_984 = arith.constant 44 : i32
    %dma_wait3A_985 = arith.constant 44 : i32
    %dma_wait3A_986 = arith.constant 0 : i32
    %dma_wait3A_987 = tpu.memref_slice %arg13[%dma_wait3A_985, %dma_wait3A_986] : memref<52x128xf32, #tpu.memory_space<vmem>> -> memref<1x128xf32, #tpu.memory_space<vmem>>
    %dma_wait3A_988 = tpu.memref_squeeze %dma_wait3A_987 : memref<1x128xf32, #tpu.memory_space<vmem>> -> memref<128xf32, #tpu.memory_space<vmem>>
    %dma_wait3A_989 = arith.constant 0 : i32
    %dma_wait3A_990 = tpu.memref_slice %arg12[%dma_wait3A_984, %dma_wait3A_989] : memref<52x128xi32, #tpu.memory_space<vmem>> -> memref<1x128xi32, #tpu.memory_space<vmem>>
    %dma_wait3A_991 = tpu.memref_squeeze %dma_wait3A_990 : memref<1x128xi32, #tpu.memory_space<vmem>> -> memref<128xi32, #tpu.memory_space<vmem>>
    %dma_wait3A_992 = arith.constant 0 : i32
    %dma_wait3A_993 = tpu.memref_slice %arg2[%dma_wait3A_992] : memref<2662400xf32, #tpu.memory_space<hbm>> -> memref<2662400xf32, #tpu.memory_space<hbm>>
    tpu.wait_indirect_dma semaphore(%arg15 : memref<!tpu.dma_semaphore, #tpu.memory_space<semaphore_mem>>) src(%dma_wait3A_993 : memref<2662400xf32, #tpu.memory_space<hbm>>) dst(%dma_wait3A_988 : memref<128xf32, #tpu.memory_space<vmem>>)
    %dma_wait3A_994 = arith.constant 45 : i32
    %dma_wait3A_995 = arith.constant 45 : i32
    %dma_wait3A_996 = arith.constant 0 : i32
    %dma_wait3A_997 = tpu.memref_slice %arg13[%dma_wait3A_995, %dma_wait3A_996] : memref<52x128xf32, #tpu.memory_space<vmem>> -> memref<1x128xf32, #tpu.memory_space<vmem>>
    %dma_wait3A_998 = tpu.memref_squeeze %dma_wait3A_997 : memref<1x128xf32, #tpu.memory_space<vmem>> -> memref<128xf32, #tpu.memory_space<vmem>>
    %dma_wait3A_999 = arith.constant 0 : i32
    %dma_wait3A_1000 = tpu.memref_slice %arg12[%dma_wait3A_994, %dma_wait3A_999] : memref<52x128xi32, #tpu.memory_space<vmem>> -> memref<1x128xi32, #tpu.memory_space<vmem>>
    %dma_wait3A_1001 = tpu.memref_squeeze %dma_wait3A_1000 : memref<1x128xi32, #tpu.memory_space<vmem>> -> memref<128xi32, #tpu.memory_space<vmem>>
    %dma_wait3A_1002 = arith.constant 0 : i32
    %dma_wait3A_1003 = tpu.memref_slice %arg2[%dma_wait3A_1002] : memref<2662400xf32, #tpu.memory_space<hbm>> -> memref<2662400xf32, #tpu.memory_space<hbm>>
    tpu.wait_indirect_dma semaphore(%arg15 : memref<!tpu.dma_semaphore, #tpu.memory_space<semaphore_mem>>) src(%dma_wait3A_1003 : memref<2662400xf32, #tpu.memory_space<hbm>>) dst(%dma_wait3A_998 : memref<128xf32, #tpu.memory_space<vmem>>)
    %dma_wait3A_1004 = arith.constant 46 : i32
    %dma_wait3A_1005 = arith.constant 46 : i32
    %dma_wait3A_1006 = arith.constant 0 : i32
    %dma_wait3A_1007 = tpu.memref_slice %arg13[%dma_wait3A_1005, %dma_wait3A_1006] : memref<52x128xf32, #tpu.memory_space<vmem>> -> memref<1x128xf32, #tpu.memory_space<vmem>>
    %dma_wait3A_1008 = tpu.memref_squeeze %dma_wait3A_1007 : memref<1x128xf32, #tpu.memory_space<vmem>> -> memref<128xf32, #tpu.memory_space<vmem>>
    %dma_wait3A_1009 = arith.constant 0 : i32
    %dma_wait3A_1010 = tpu.memref_slice %arg12[%dma_wait3A_1004, %dma_wait3A_1009] : memref<52x128xi32, #tpu.memory_space<vmem>> -> memref<1x128xi32, #tpu.memory_space<vmem>>
    %dma_wait3A_1011 = tpu.memref_squeeze %dma_wait3A_1010 : memref<1x128xi32, #tpu.memory_space<vmem>> -> memref<128xi32, #tpu.memory_space<vmem>>
    %dma_wait3A_1012 = arith.constant 0 : i32
    %dma_wait3A_1013 = tpu.memref_slice %arg2[%dma_wait3A_1012] : memref<2662400xf32, #tpu.memory_space<hbm>> -> memref<2662400xf32, #tpu.memory_space<hbm>>
    tpu.wait_indirect_dma semaphore(%arg15 : memref<!tpu.dma_semaphore, #tpu.memory_space<semaphore_mem>>) src(%dma_wait3A_1013 : memref<2662400xf32, #tpu.memory_space<hbm>>) dst(%dma_wait3A_1008 : memref<128xf32, #tpu.memory_space<vmem>>)
    %dma_wait3A_1014 = arith.constant 47 : i32
    %dma_wait3A_1015 = arith.constant 47 : i32
    %dma_wait3A_1016 = arith.constant 0 : i32
    %dma_wait3A_1017 = tpu.memref_slice %arg13[%dma_wait3A_1015, %dma_wait3A_1016] : memref<52x128xf32, #tpu.memory_space<vmem>> -> memref<1x128xf32, #tpu.memory_space<vmem>>
    %dma_wait3A_1018 = tpu.memref_squeeze %dma_wait3A_1017 : memref<1x128xf32, #tpu.memory_space<vmem>> -> memref<128xf32, #tpu.memory_space<vmem>>
    %dma_wait3A_1019 = arith.constant 0 : i32
    %dma_wait3A_1020 = tpu.memref_slice %arg12[%dma_wait3A_1014, %dma_wait3A_1019] : memref<52x128xi32, #tpu.memory_space<vmem>> -> memref<1x128xi32, #tpu.memory_space<vmem>>
    %dma_wait3A_1021 = tpu.memref_squeeze %dma_wait3A_1020 : memref<1x128xi32, #tpu.memory_space<vmem>> -> memref<128xi32, #tpu.memory_space<vmem>>
    %dma_wait3A_1022 = arith.constant 0 : i32
    %dma_wait3A_1023 = tpu.memref_slice %arg2[%dma_wait3A_1022] : memref<2662400xf32, #tpu.memory_space<hbm>> -> memref<2662400xf32, #tpu.memory_space<hbm>>
    tpu.wait_indirect_dma semaphore(%arg15 : memref<!tpu.dma_semaphore, #tpu.memory_space<semaphore_mem>>) src(%dma_wait3A_1023 : memref<2662400xf32, #tpu.memory_space<hbm>>) dst(%dma_wait3A_1018 : memref<128xf32, #tpu.memory_space<vmem>>)
    %dma_wait3A_1024 = arith.constant 48 : i32
    %dma_wait3A_1025 = arith.constant 48 : i32
    %dma_wait3A_1026 = arith.constant 0 : i32
    %dma_wait3A_1027 = tpu.memref_slice %arg13[%dma_wait3A_1025, %dma_wait3A_1026] : memref<52x128xf32, #tpu.memory_space<vmem>> -> memref<1x128xf32, #tpu.memory_space<vmem>>
    %dma_wait3A_1028 = tpu.memref_squeeze %dma_wait3A_1027 : memref<1x128xf32, #tpu.memory_space<vmem>> -> memref<128xf32, #tpu.memory_space<vmem>>
    %dma_wait3A_1029 = arith.constant 0 : i32
    %dma_wait3A_1030 = tpu.memref_slice %arg12[%dma_wait3A_1024, %dma_wait3A_1029] : memref<52x128xi32, #tpu.memory_space<vmem>> -> memref<1x128xi32, #tpu.memory_space<vmem>>
    %dma_wait3A_1031 = tpu.memref_squeeze %dma_wait3A_1030 : memref<1x128xi32, #tpu.memory_space<vmem>> -> memref<128xi32, #tpu.memory_space<vmem>>
    %dma_wait3A_1032 = arith.constant 0 : i32
    %dma_wait3A_1033 = tpu.memref_slice %arg2[%dma_wait3A_1032] : memref<2662400xf32, #tpu.memory_space<hbm>> -> memref<2662400xf32, #tpu.memory_space<hbm>>
    tpu.wait_indirect_dma semaphore(%arg15 : memref<!tpu.dma_semaphore, #tpu.memory_space<semaphore_mem>>) src(%dma_wait3A_1033 : memref<2662400xf32, #tpu.memory_space<hbm>>) dst(%dma_wait3A_1028 : memref<128xf32, #tpu.memory_space<vmem>>)
    %dma_wait3A_1034 = arith.constant 49 : i32
    %dma_wait3A_1035 = arith.constant 49 : i32
    %dma_wait3A_1036 = arith.constant 0 : i32
    %dma_wait3A_1037 = tpu.memref_slice %arg13[%dma_wait3A_1035, %dma_wait3A_1036] : memref<52x128xf32, #tpu.memory_space<vmem>> -> memref<1x128xf32, #tpu.memory_space<vmem>>
    %dma_wait3A_1038 = tpu.memref_squeeze %dma_wait3A_1037 : memref<1x128xf32, #tpu.memory_space<vmem>> -> memref<128xf32, #tpu.memory_space<vmem>>
    %dma_wait3A_1039 = arith.constant 0 : i32
    %dma_wait3A_1040 = tpu.memref_slice %arg12[%dma_wait3A_1034, %dma_wait3A_1039] : memref<52x128xi32, #tpu.memory_space<vmem>> -> memref<1x128xi32, #tpu.memory_space<vmem>>
    %dma_wait3A_1041 = tpu.memref_squeeze %dma_wait3A_1040 : memref<1x128xi32, #tpu.memory_space<vmem>> -> memref<128xi32, #tpu.memory_space<vmem>>
    %dma_wait3A_1042 = arith.constant 0 : i32
    %dma_wait3A_1043 = tpu.memref_slice %arg2[%dma_wait3A_1042] : memref<2662400xf32, #tpu.memory_space<hbm>> -> memref<2662400xf32, #tpu.memory_space<hbm>>
    tpu.wait_indirect_dma semaphore(%arg15 : memref<!tpu.dma_semaphore, #tpu.memory_space<semaphore_mem>>) src(%dma_wait3A_1043 : memref<2662400xf32, #tpu.memory_space<hbm>>) dst(%dma_wait3A_1038 : memref<128xf32, #tpu.memory_space<vmem>>)
    %dma_wait3A_1044 = arith.constant 50 : i32
    %dma_wait3A_1045 = arith.constant 50 : i32
    %dma_wait3A_1046 = arith.constant 0 : i32
    %dma_wait3A_1047 = tpu.memref_slice %arg13[%dma_wait3A_1045, %dma_wait3A_1046] : memref<52x128xf32, #tpu.memory_space<vmem>> -> memref<1x128xf32, #tpu.memory_space<vmem>>
    %dma_wait3A_1048 = tpu.memref_squeeze %dma_wait3A_1047 : memref<1x128xf32, #tpu.memory_space<vmem>> -> memref<128xf32, #tpu.memory_space<vmem>>
    %dma_wait3A_1049 = arith.constant 0 : i32
    %dma_wait3A_1050 = tpu.memref_slice %arg12[%dma_wait3A_1044, %dma_wait3A_1049] : memref<52x128xi32, #tpu.memory_space<vmem>> -> memref<1x128xi32, #tpu.memory_space<vmem>>
    %dma_wait3A_1051 = tpu.memref_squeeze %dma_wait3A_1050 : memref<1x128xi32, #tpu.memory_space<vmem>> -> memref<128xi32, #tpu.memory_space<vmem>>
    %dma_wait3A_1052 = arith.constant 0 : i32
    %dma_wait3A_1053 = tpu.memref_slice %arg2[%dma_wait3A_1052] : memref<2662400xf32, #tpu.memory_space<hbm>> -> memref<2662400xf32, #tpu.memory_space<hbm>>
    tpu.wait_indirect_dma semaphore(%arg15 : memref<!tpu.dma_semaphore, #tpu.memory_space<semaphore_mem>>) src(%dma_wait3A_1053 : memref<2662400xf32, #tpu.memory_space<hbm>>) dst(%dma_wait3A_1048 : memref<128xf32, #tpu.memory_space<vmem>>)
    %dma_wait3A_1054 = arith.constant 51 : i32
    %dma_wait3A_1055 = arith.constant 51 : i32
    %dma_wait3A_1056 = arith.constant 0 : i32
    %dma_wait3A_1057 = tpu.memref_slice %arg13[%dma_wait3A_1055, %dma_wait3A_1056] : memref<52x128xf32, #tpu.memory_space<vmem>> -> memref<1x128xf32, #tpu.memory_space<vmem>>
    %dma_wait3A_1058 = tpu.memref_squeeze %dma_wait3A_1057 : memref<1x128xf32, #tpu.memory_space<vmem>> -> memref<128xf32, #tpu.memory_space<vmem>>
    %dma_wait3A_1059 = arith.constant 0 : i32
    %dma_wait3A_1060 = tpu.memref_slice %arg12[%dma_wait3A_1054, %dma_wait3A_1059] : memref<52x128xi32, #tpu.memory_space<vmem>> -> memref<1x128xi32, #tpu.memory_space<vmem>>
    %dma_wait3A_1061 = tpu.memref_squeeze %dma_wait3A_1060 : memref<1x128xi32, #tpu.memory_space<vmem>> -> memref<128xi32, #tpu.memory_space<vmem>>
    %dma_wait3A_1062 = arith.constant 0 : i32
    %dma_wait3A_1063 = tpu.memref_slice %arg2[%dma_wait3A_1062] : memref<2662400xf32, #tpu.memory_space<hbm>> -> memref<2662400xf32, #tpu.memory_space<hbm>>
    tpu.wait_indirect_dma semaphore(%arg15 : memref<!tpu.dma_semaphore, #tpu.memory_space<semaphore_mem>>) src(%dma_wait3A_1063 : memref<2662400xf32, #tpu.memory_space<hbm>>) dst(%dma_wait3A_1058 : memref<128xf32, #tpu.memory_space<vmem>>)
    %add3A_1064 = arith.constant 0 : i32
    %add3A_1065 = vector.broadcast %add3A_1064 : i32 to vector<16xi32>
    %add3A_1066 = arith.addi %iota3A, %add3A_1065 : vector<16xi32>
    %scan3A_1067 = arith.constant 0 : i32
    %scan3A_1068 = arith.constant 26 : i32
    %scan3A_1069 = arith.addi %scan3A_1067, %scan3A_1068 : i32
    %scan3A_1070 = arith.constant 13 : i32
    %scan3A_1071 = scf.for %scan3A_1254 = %scan3A_1067 to %scan3A_1069 step %scan3A_1070 iter_args(%scan3A_1255 = %broadcast_in_dim3A_3) -> (vector<16xf32>)  : i32 {
      %get3A = arith.index_cast %scan3A_1254 : i32 to index
      %get3A_1256 = arith.constant 0 : index
      %get3A_1257 = tpu.vector_load %arg13[%get3A, %get3A_1256] {strides = array<i32>} : memref<52x128xf32, #tpu.memory_space<vmem>>, vector<16xf32>,
      %add3A_1258 = arith.addf %scan3A_1255, %get3A_1257 : vector<16xf32>
      %scan3A_1259 = arith.constant 1 : i32
      %scan3A_1260 = arith.addi %scan3A_1254, %scan3A_1259 : i32
      %get3A_1261 = arith.index_cast %scan3A_1260 : i32 to index
      %get3A_1262 = arith.constant 0 : index
      %get3A_1263 = tpu.vector_load %arg13[%get3A_1261, %get3A_1262] {strides = array<i32>} : memref<52x128xf32, #tpu.memory_space<vmem>>, vector<16xf32>,
      %add3A_1264 = arith.addf %add3A_1258, %get3A_1263 : vector<16xf32>
      %scan3A_1265 = arith.constant 2 : i32
      %scan3A_1266 = arith.addi %scan3A_1254, %scan3A_1265 : i32
      %get3A_1267 = arith.index_cast %scan3A_1266 : i32 to index
      %get3A_1268 = arith.constant 0 : index
      %get3A_1269 = tpu.vector_load %arg13[%get3A_1267, %get3A_1268] {strides = array<i32>} : memref<52x128xf32, #tpu.memory_space<vmem>>, vector<16xf32>,
      %add3A_1270 = arith.addf %add3A_1264, %get3A_1269 : vector<16xf32>
      %scan3A_1271 = arith.constant 3 : i32
      %scan3A_1272 = arith.addi %scan3A_1254, %scan3A_1271 : i32
      %get3A_1273 = arith.index_cast %scan3A_1272 : i32 to index
      %get3A_1274 = arith.constant 0 : index
      %get3A_1275 = tpu.vector_load %arg13[%get3A_1273, %get3A_1274] {strides = array<i32>} : memref<52x128xf32, #tpu.memory_space<vmem>>, vector<16xf32>,
      %add3A_1276 = arith.addf %add3A_1270, %get3A_1275 : vector<16xf32>
      %scan3A_1277 = arith.constant 4 : i32
      %scan3A_1278 = arith.addi %scan3A_1254, %scan3A_1277 : i32
      %get3A_1279 = arith.index_cast %scan3A_1278 : i32 to index
      %get3A_1280 = arith.constant 0 : index
      %get3A_1281 = tpu.vector_load %arg13[%get3A_1279, %get3A_1280] {strides = array<i32>} : memref<52x128xf32, #tpu.memory_space<vmem>>, vector<16xf32>,
      %add3A_1282 = arith.addf %add3A_1276, %get3A_1281 : vector<16xf32>
      %scan3A_1283 = arith.constant 5 : i32
      %scan3A_1284 = arith.addi %scan3A_1254, %scan3A_1283 : i32
      %get3A_1285 = arith.index_cast %scan3A_1284 : i32 to index
      %get3A_1286 = arith.constant 0 : index
      %get3A_1287 = tpu.vector_load %arg13[%get3A_1285, %get3A_1286] {strides = array<i32>} : memref<52x128xf32, #tpu.memory_space<vmem>>, vector<16xf32>,
      %add3A_1288 = arith.addf %add3A_1282, %get3A_1287 : vector<16xf32>
      %scan3A_1289 = arith.constant 6 : i32
      %scan3A_1290 = arith.addi %scan3A_1254, %scan3A_1289 : i32
      %get3A_1291 = arith.index_cast %scan3A_1290 : i32 to index
      %get3A_1292 = arith.constant 0 : index
      %get3A_1293 = tpu.vector_load %arg13[%get3A_1291, %get3A_1292] {strides = array<i32>} : memref<52x128xf32, #tpu.memory_space<vmem>>, vector<16xf32>,
      %add3A_1294 = arith.addf %add3A_1288, %get3A_1293 : vector<16xf32>
      %scan3A_1295 = arith.constant 7 : i32
      %scan3A_1296 = arith.addi %scan3A_1254, %scan3A_1295 : i32
      %get3A_1297 = arith.index_cast %scan3A_1296 : i32 to index
      %get3A_1298 = arith.constant 0 : index
      %get3A_1299 = tpu.vector_load %arg13[%get3A_1297, %get3A_1298] {strides = array<i32>} : memref<52x128xf32, #tpu.memory_space<vmem>>, vector<16xf32>,
      %add3A_1300 = arith.addf %add3A_1294, %get3A_1299 : vector<16xf32>
      %scan3A_1301 = arith.constant 8 : i32
      %scan3A_1302 = arith.addi %scan3A_1254, %scan3A_1301 : i32
      %get3A_1303 = arith.index_cast %scan3A_1302 : i32 to index
      %get3A_1304 = arith.constant 0 : index
      %get3A_1305 = tpu.vector_load %arg13[%get3A_1303, %get3A_1304] {strides = array<i32>} : memref<52x128xf32, #tpu.memory_space<vmem>>, vector<16xf32>,
      %add3A_1306 = arith.addf %add3A_1300, %get3A_1305 : vector<16xf32>
      %scan3A_1307 = arith.constant 9 : i32
      %scan3A_1308 = arith.addi %scan3A_1254, %scan3A_1307 : i32
      %get3A_1309 = arith.index_cast %scan3A_1308 : i32 to index
      %get3A_1310 = arith.constant 0 : index
      %get3A_1311 = tpu.vector_load %arg13[%get3A_1309, %get3A_1310] {strides = array<i32>} : memref<52x128xf32, #tpu.memory_space<vmem>>, vector<16xf32>,
      %add3A_1312 = arith.addf %add3A_1306, %get3A_1311 : vector<16xf32>
      %scan3A_1313 = arith.constant 10 : i32
      %scan3A_1314 = arith.addi %scan3A_1254, %scan3A_1313 : i32
      %get3A_1315 = arith.index_cast %scan3A_1314 : i32 to index
      %get3A_1316 = arith.constant 0 : index
      %get3A_1317 = tpu.vector_load %arg13[%get3A_1315, %get3A_1316] {strides = array<i32>} : memref<52x128xf32, #tpu.memory_space<vmem>>, vector<16xf32>,
      %add3A_1318 = arith.addf %add3A_1312, %get3A_1317 : vector<16xf32>
      %scan3A_1319 = arith.constant 11 : i32
      %scan3A_1320 = arith.addi %scan3A_1254, %scan3A_1319 : i32
      %get3A_1321 = arith.index_cast %scan3A_1320 : i32 to index
      %get3A_1322 = arith.constant 0 : index
      %get3A_1323 = tpu.vector_load %arg13[%get3A_1321, %get3A_1322] {strides = array<i32>} : memref<52x128xf32, #tpu.memory_space<vmem>>, vector<16xf32>,
      %add3A_1324 = arith.addf %add3A_1318, %get3A_1323 : vector<16xf32>
      %scan3A_1325 = arith.constant 12 : i32
      %scan3A_1326 = arith.addi %scan3A_1254, %scan3A_1325 : i32
      %get3A_1327 = arith.index_cast %scan3A_1326 : i32 to index
      %get3A_1328 = arith.constant 0 : index
      %get3A_1329 = tpu.vector_load %arg13[%get3A_1327, %get3A_1328] {strides = array<i32>} : memref<52x128xf32, #tpu.memory_space<vmem>>, vector<16xf32>,
      %add3A_1330 = arith.addf %add3A_1324, %get3A_1329 : vector<16xf32>
      scf.yield %add3A_1330 : vector<16xf32>
    }
    %scan3A_1072 = arith.constant 26 : i32
    %scan3A_1073 = arith.constant 26 : i32
    %scan3A_1074 = arith.constant 26 : i32
    %scan3A_1075 = arith.addi %scan3A_1073, %scan3A_1074 : i32
    %scan3A_1076 = arith.constant 13 : i32
    %scan3A_1077 = scf.for %scan3A_1254 = %scan3A_1073 to %scan3A_1075 step %scan3A_1076 iter_args(%scan3A_1255 = %broadcast_in_dim3A_3) -> (vector<16xf32>)  : i32 {
      %get3A = arith.index_cast %scan3A_1254 : i32 to index
      %get3A_1256 = arith.constant 0 : index
      %get3A_1257 = tpu.vector_load %arg13[%get3A, %get3A_1256] {strides = array<i32>} : memref<52x128xf32, #tpu.memory_space<vmem>>, vector<16xf32>,
      %add3A_1258 = arith.addf %scan3A_1255, %get3A_1257 : vector<16xf32>
      %scan3A_1259 = arith.constant 1 : i32
      %scan3A_1260 = arith.addi %scan3A_1254, %scan3A_1259 : i32
      %get3A_1261 = arith.index_cast %scan3A_1260 : i32 to index
      %get3A_1262 = arith.constant 0 : index
      %get3A_1263 = tpu.vector_load %arg13[%get3A_1261, %get3A_1262] {strides = array<i32>} : memref<52x128xf32, #tpu.memory_space<vmem>>, vector<16xf32>,
      %add3A_1264 = arith.addf %add3A_1258, %get3A_1263 : vector<16xf32>
      %scan3A_1265 = arith.constant 2 : i32
      %scan3A_1266 = arith.addi %scan3A_1254, %scan3A_1265 : i32
      %get3A_1267 = arith.index_cast %scan3A_1266 : i32 to index
      %get3A_1268 = arith.constant 0 : index
      %get3A_1269 = tpu.vector_load %arg13[%get3A_1267, %get3A_1268] {strides = array<i32>} : memref<52x128xf32, #tpu.memory_space<vmem>>, vector<16xf32>,
      %add3A_1270 = arith.addf %add3A_1264, %get3A_1269 : vector<16xf32>
      %scan3A_1271 = arith.constant 3 : i32
      %scan3A_1272 = arith.addi %scan3A_1254, %scan3A_1271 : i32
      %get3A_1273 = arith.index_cast %scan3A_1272 : i32 to index
      %get3A_1274 = arith.constant 0 : index
      %get3A_1275 = tpu.vector_load %arg13[%get3A_1273, %get3A_1274] {strides = array<i32>} : memref<52x128xf32, #tpu.memory_space<vmem>>, vector<16xf32>,
      %add3A_1276 = arith.addf %add3A_1270, %get3A_1275 : vector<16xf32>
      %scan3A_1277 = arith.constant 4 : i32
      %scan3A_1278 = arith.addi %scan3A_1254, %scan3A_1277 : i32
      %get3A_1279 = arith.index_cast %scan3A_1278 : i32 to index
      %get3A_1280 = arith.constant 0 : index
      %get3A_1281 = tpu.vector_load %arg13[%get3A_1279, %get3A_1280] {strides = array<i32>} : memref<52x128xf32, #tpu.memory_space<vmem>>, vector<16xf32>,
      %add3A_1282 = arith.addf %add3A_1276, %get3A_1281 : vector<16xf32>
      %scan3A_1283 = arith.constant 5 : i32
      %scan3A_1284 = arith.addi %scan3A_1254, %scan3A_1283 : i32
      %get3A_1285 = arith.index_cast %scan3A_1284 : i32 to index
      %get3A_1286 = arith.constant 0 : index
      %get3A_1287 = tpu.vector_load %arg13[%get3A_1285, %get3A_1286] {strides = array<i32>} : memref<52x128xf32, #tpu.memory_space<vmem>>, vector<16xf32>,
      %add3A_1288 = arith.addf %add3A_1282, %get3A_1287 : vector<16xf32>
      %scan3A_1289 = arith.constant 6 : i32
      %scan3A_1290 = arith.addi %scan3A_1254, %scan3A_1289 : i32
      %get3A_1291 = arith.index_cast %scan3A_1290 : i32 to index
      %get3A_1292 = arith.constant 0 : index
      %get3A_1293 = tpu.vector_load %arg13[%get3A_1291, %get3A_1292] {strides = array<i32>} : memref<52x128xf32, #tpu.memory_space<vmem>>, vector<16xf32>,
      %add3A_1294 = arith.addf %add3A_1288, %get3A_1293 : vector<16xf32>
      %scan3A_1295 = arith.constant 7 : i32
      %scan3A_1296 = arith.addi %scan3A_1254, %scan3A_1295 : i32
      %get3A_1297 = arith.index_cast %scan3A_1296 : i32 to index
      %get3A_1298 = arith.constant 0 : index
      %get3A_1299 = tpu.vector_load %arg13[%get3A_1297, %get3A_1298] {strides = array<i32>} : memref<52x128xf32, #tpu.memory_space<vmem>>, vector<16xf32>,
      %add3A_1300 = arith.addf %add3A_1294, %get3A_1299 : vector<16xf32>
      %scan3A_1301 = arith.constant 8 : i32
      %scan3A_1302 = arith.addi %scan3A_1254, %scan3A_1301 : i32
      %get3A_1303 = arith.index_cast %scan3A_1302 : i32 to index
      %get3A_1304 = arith.constant 0 : index
      %get3A_1305 = tpu.vector_load %arg13[%get3A_1303, %get3A_1304] {strides = array<i32>} : memref<52x128xf32, #tpu.memory_space<vmem>>, vector<16xf32>,
      %add3A_1306 = arith.addf %add3A_1300, %get3A_1305 : vector<16xf32>
      %scan3A_1307 = arith.constant 9 : i32
      %scan3A_1308 = arith.addi %scan3A_1254, %scan3A_1307 : i32
      %get3A_1309 = arith.index_cast %scan3A_1308 : i32 to index
      %get3A_1310 = arith.constant 0 : index
      %get3A_1311 = tpu.vector_load %arg13[%get3A_1309, %get3A_1310] {strides = array<i32>} : memref<52x128xf32, #tpu.memory_space<vmem>>, vector<16xf32>,
      %add3A_1312 = arith.addf %add3A_1306, %get3A_1311 : vector<16xf32>
      %scan3A_1313 = arith.constant 10 : i32
      %scan3A_1314 = arith.addi %scan3A_1254, %scan3A_1313 : i32
      %get3A_1315 = arith.index_cast %scan3A_1314 : i32 to index
      %get3A_1316 = arith.constant 0 : index
      %get3A_1317 = tpu.vector_load %arg13[%get3A_1315, %get3A_1316] {strides = array<i32>} : memref<52x128xf32, #tpu.memory_space<vmem>>, vector<16xf32>,
      %add3A_1318 = arith.addf %add3A_1312, %get3A_1317 : vector<16xf32>
      %scan3A_1319 = arith.constant 11 : i32
      %scan3A_1320 = arith.addi %scan3A_1254, %scan3A_1319 : i32
      %get3A_1321 = arith.index_cast %scan3A_1320 : i32 to index
      %get3A_1322 = arith.constant 0 : index
      %get3A_1323 = tpu.vector_load %arg13[%get3A_1321, %get3A_1322] {strides = array<i32>} : memref<52x128xf32, #tpu.memory_space<vmem>>, vector<16xf32>,
      %add3A_1324 = arith.addf %add3A_1318, %get3A_1323 : vector<16xf32>
      %scan3A_1325 = arith.constant 12 : i32
      %scan3A_1326 = arith.addi %scan3A_1254, %scan3A_1325 : i32
      %get3A_1327 = arith.index_cast %scan3A_1326 : i32 to index
      %get3A_1328 = arith.constant 0 : index
      %get3A_1329 = tpu.vector_load %arg13[%get3A_1327, %get3A_1328] {strides = array<i32>} : memref<52x128xf32, #tpu.memory_space<vmem>>, vector<16xf32>,
      %add3A_1330 = arith.addf %add3A_1324, %get3A_1329 : vector<16xf32>
      scf.yield %add3A_1330 : vector<16xf32>
    }
    %scan3A_1078 = arith.constant 26 : i32
    %sub3A = arith.subf %scan3A_1071, %scan3A_1077 : vector<16xf32>
    %scan3A_1079 = arith.constant 0 : i32
    %scan3A_1080 = arith.constant 32 : i32
    %scan3A_1081 = arith.addi %scan3A_1079, %scan3A_1080 : i32
    %scan3A_1082 = arith.constant 8 : i32
    %scan3A_1083 = scf.for %scan3A_1254 = %scan3A_1079 to %scan3A_1081 step %scan3A_1082 iter_args(%scan3A_1255 = %sub3A) -> (vector<16xf32>)  : i32 {
      %broadcast_in_dim3A_1256 = vector.broadcast %scan3A_1254 : i32 to vector<16xi32>
      %gather3A = tpu.vector_load_idx %arg10[%broadcast_in_dim3A_1256] : memref<32xf32, #tpu.memory_space<vmem>>[vector<16xi32>], vector<16xf32>,
      %broadcast_in_dim3A_1257 = vector.broadcast %scan3A_1254 : i32 to vector<16xi32>
      %gather3A_1258 = tpu.vector_load_idx %arg9[%add3A_1066, %broadcast_in_dim3A_1257] : memref<128x32xf32, #tpu.memory_space<vmem>>[vector<16xi32>, vector<16xi32>], vector<16xf32>,
      %mul3A_1259 = arith.mulf %gather3A, %gather3A_1258 : vector<16xf32>
      %add3A_1260 = arith.addf %scan3A_1255, %mul3A_1259 : vector<16xf32>
      %scan3A_1261 = arith.constant 1 : i32
      %scan3A_1262 = arith.addi %scan3A_1254, %scan3A_1261 : i32
      %broadcast_in_dim3A_1263 = vector.broadcast %scan3A_1262 : i32 to vector<16xi32>
      %gather3A_1264 = tpu.vector_load_idx %arg10[%broadcast_in_dim3A_1263] : memref<32xf32, #tpu.memory_space<vmem>>[vector<16xi32>], vector<16xf32>,
      %broadcast_in_dim3A_1265 = vector.broadcast %scan3A_1262 : i32 to vector<16xi32>
      %gather3A_1266 = tpu.vector_load_idx %arg9[%add3A_1066, %broadcast_in_dim3A_1265] : memref<128x32xf32, #tpu.memory_space<vmem>>[vector<16xi32>, vector<16xi32>], vector<16xf32>,
      %mul3A_1267 = arith.mulf %gather3A_1264, %gather3A_1266 : vector<16xf32>
      %add3A_1268 = arith.addf %add3A_1260, %mul3A_1267 : vector<16xf32>
      %scan3A_1269 = arith.constant 2 : i32
      %scan3A_1270 = arith.addi %scan3A_1254, %scan3A_1269 : i32
      %broadcast_in_dim3A_1271 = vector.broadcast %scan3A_1270 : i32 to vector<16xi32>
      %gather3A_1272 = tpu.vector_load_idx %arg10[%broadcast_in_dim3A_1271] : memref<32xf32, #tpu.memory_space<vmem>>[vector<16xi32>], vector<16xf32>,
      %broadcast_in_dim3A_1273 = vector.broadcast %scan3A_1270 : i32 to vector<16xi32>
      %gather3A_1274 = tpu.vector_load_idx %arg9[%add3A_1066, %broadcast_in_dim3A_1273] : memref<128x32xf32, #tpu.memory_space<vmem>>[vector<16xi32>, vector<16xi32>], vector<16xf32>,
      %mul3A_1275 = arith.mulf %gather3A_1272, %gather3A_1274 : vector<16xf32>
      %add3A_1276 = arith.addf %add3A_1268, %mul3A_1275 : vector<16xf32>
      %scan3A_1277 = arith.constant 3 : i32
      %scan3A_1278 = arith.addi %scan3A_1254, %scan3A_1277 : i32
      %broadcast_in_dim3A_1279 = vector.broadcast %scan3A_1278 : i32 to vector<16xi32>
      %gather3A_1280 = tpu.vector_load_idx %arg10[%broadcast_in_dim3A_1279] : memref<32xf32, #tpu.memory_space<vmem>>[vector<16xi32>], vector<16xf32>,
      %broadcast_in_dim3A_1281 = vector.broadcast %scan3A_1278 : i32 to vector<16xi32>
      %gather3A_1282 = tpu.vector_load_idx %arg9[%add3A_1066, %broadcast_in_dim3A_1281] : memref<128x32xf32, #tpu.memory_space<vmem>>[vector<16xi32>, vector<16xi32>], vector<16xf32>,
      %mul3A_1283 = arith.mulf %gather3A_1280, %gather3A_1282 : vector<16xf32>
      %add3A_1284 = arith.addf %add3A_1276, %mul3A_1283 : vector<16xf32>
      %scan3A_1285 = arith.constant 4 : i32
      %scan3A_1286 = arith.addi %scan3A_1254, %scan3A_1285 : i32
      %broadcast_in_dim3A_1287 = vector.broadcast %scan3A_1286 : i32 to vector<16xi32>
      %gather3A_1288 = tpu.vector_load_idx %arg10[%broadcast_in_dim3A_1287] : memref<32xf32, #tpu.memory_space<vmem>>[vector<16xi32>], vector<16xf32>,
      %broadcast_in_dim3A_1289 = vector.broadcast %scan3A_1286 : i32 to vector<16xi32>
      %gather3A_1290 = tpu.vector_load_idx %arg9[%add3A_1066, %broadcast_in_dim3A_1289] : memref<128x32xf32, #tpu.memory_space<vmem>>[vector<16xi32>, vector<16xi32>], vector<16xf32>,
      %mul3A_1291 = arith.mulf %gather3A_1288, %gather3A_1290 : vector<16xf32>
      %add3A_1292 = arith.addf %add3A_1284, %mul3A_1291 : vector<16xf32>
      %scan3A_1293 = arith.constant 5 : i32
      %scan3A_1294 = arith.addi %scan3A_1254, %scan3A_1293 : i32
      %broadcast_in_dim3A_1295 = vector.broadcast %scan3A_1294 : i32 to vector<16xi32>
      %gather3A_1296 = tpu.vector_load_idx %arg10[%broadcast_in_dim3A_1295] : memref<32xf32, #tpu.memory_space<vmem>>[vector<16xi32>], vector<16xf32>,
      %broadcast_in_dim3A_1297 = vector.broadcast %scan3A_1294 : i32 to vector<16xi32>
      %gather3A_1298 = tpu.vector_load_idx %arg9[%add3A_1066, %broadcast_in_dim3A_1297] : memref<128x32xf32, #tpu.memory_space<vmem>>[vector<16xi32>, vector<16xi32>], vector<16xf32>,
      %mul3A_1299 = arith.mulf %gather3A_1296, %gather3A_1298 : vector<16xf32>
      %add3A_1300 = arith.addf %add3A_1292, %mul3A_1299 : vector<16xf32>
      %scan3A_1301 = arith.constant 6 : i32
      %scan3A_1302 = arith.addi %scan3A_1254, %scan3A_1301 : i32
      %broadcast_in_dim3A_1303 = vector.broadcast %scan3A_1302 : i32 to vector<16xi32>
      %gather3A_1304 = tpu.vector_load_idx %arg10[%broadcast_in_dim3A_1303] : memref<32xf32, #tpu.memory_space<vmem>>[vector<16xi32>], vector<16xf32>,
      %broadcast_in_dim3A_1305 = vector.broadcast %scan3A_1302 : i32 to vector<16xi32>
      %gather3A_1306 = tpu.vector_load_idx %arg9[%add3A_1066, %broadcast_in_dim3A_1305] : memref<128x32xf32, #tpu.memory_space<vmem>>[vector<16xi32>, vector<16xi32>], vector<16xf32>,
      %mul3A_1307 = arith.mulf %gather3A_1304, %gather3A_1306 : vector<16xf32>
      %add3A_1308 = arith.addf %add3A_1300, %mul3A_1307 : vector<16xf32>
      %scan3A_1309 = arith.constant 7 : i32
      %scan3A_1310 = arith.addi %scan3A_1254, %scan3A_1309 : i32
      %broadcast_in_dim3A_1311 = vector.broadcast %scan3A_1310 : i32 to vector<16xi32>
      %gather3A_1312 = tpu.vector_load_idx %arg10[%broadcast_in_dim3A_1311] : memref<32xf32, #tpu.memory_space<vmem>>[vector<16xi32>], vector<16xf32>,
      %broadcast_in_dim3A_1313 = vector.broadcast %scan3A_1310 : i32 to vector<16xi32>
      %gather3A_1314 = tpu.vector_load_idx %arg9[%add3A_1066, %broadcast_in_dim3A_1313] : memref<128x32xf32, #tpu.memory_space<vmem>>[vector<16xi32>, vector<16xi32>], vector<16xf32>,
      %mul3A_1315 = arith.mulf %gather3A_1312, %gather3A_1314 : vector<16xf32>
      %add3A_1316 = arith.addf %add3A_1308, %mul3A_1315 : vector<16xf32>
      scf.yield %add3A_1316 : vector<16xf32>
    }
    %scan3A_1084 = arith.constant 32 : i32
    %swap3A = arith.constant 0 : index
    %swap3A_1085 = tpu.vector_load %arg14[%swap3A] {strides = array<i32>} : memref<128xf32, #tpu.memory_space<vmem>>, vector<16xf32>,
    tpu.vector_store %arg14[%swap3A], %scan3A_1083 {strides = array<i32>} : memref<128xf32, #tpu.memory_space<vmem>>, vector<16xf32>,
    %add3A_1086 = arith.constant 16 : i32
    %add3A_1087 = vector.broadcast %add3A_1086 : i32 to vector<16xi32>
    %add3A_1088 = arith.addi %iota3A, %add3A_1087 : vector<16xi32>
    %scan3A_1089 = arith.constant 0 : i32
    %scan3A_1090 = arith.constant 26 : i32
    %scan3A_1091 = arith.addi %scan3A_1089, %scan3A_1090 : i32
    %scan3A_1092 = arith.constant 13 : i32
    %scan3A_1093 = scf.for %scan3A_1254 = %scan3A_1089 to %scan3A_1091 step %scan3A_1092 iter_args(%scan3A_1255 = %broadcast_in_dim3A_3) -> (vector<16xf32>)  : i32 {
      %get3A = arith.index_cast %scan3A_1254 : i32 to index
      %get3A_1256 = arith.constant 16 : index
      %get3A_1257 = tpu.vector_load %arg13[%get3A, %get3A_1256] {strides = array<i32>} : memref<52x128xf32, #tpu.memory_space<vmem>>, vector<16xf32>,
      %add3A_1258 = arith.addf %scan3A_1255, %get3A_1257 : vector<16xf32>
      %scan3A_1259 = arith.constant 1 : i32
      %scan3A_1260 = arith.addi %scan3A_1254, %scan3A_1259 : i32
      %get3A_1261 = arith.index_cast %scan3A_1260 : i32 to index
      %get3A_1262 = arith.constant 16 : index
      %get3A_1263 = tpu.vector_load %arg13[%get3A_1261, %get3A_1262] {strides = array<i32>} : memref<52x128xf32, #tpu.memory_space<vmem>>, vector<16xf32>,
      %add3A_1264 = arith.addf %add3A_1258, %get3A_1263 : vector<16xf32>
      %scan3A_1265 = arith.constant 2 : i32
      %scan3A_1266 = arith.addi %scan3A_1254, %scan3A_1265 : i32
      %get3A_1267 = arith.index_cast %scan3A_1266 : i32 to index
      %get3A_1268 = arith.constant 16 : index
      %get3A_1269 = tpu.vector_load %arg13[%get3A_1267, %get3A_1268] {strides = array<i32>} : memref<52x128xf32, #tpu.memory_space<vmem>>, vector<16xf32>,
      %add3A_1270 = arith.addf %add3A_1264, %get3A_1269 : vector<16xf32>
      %scan3A_1271 = arith.constant 3 : i32
      %scan3A_1272 = arith.addi %scan3A_1254, %scan3A_1271 : i32
      %get3A_1273 = arith.index_cast %scan3A_1272 : i32 to index
      %get3A_1274 = arith.constant 16 : index
      %get3A_1275 = tpu.vector_load %arg13[%get3A_1273, %get3A_1274] {strides = array<i32>} : memref<52x128xf32, #tpu.memory_space<vmem>>, vector<16xf32>,
      %add3A_1276 = arith.addf %add3A_1270, %get3A_1275 : vector<16xf32>
      %scan3A_1277 = arith.constant 4 : i32
      %scan3A_1278 = arith.addi %scan3A_1254, %scan3A_1277 : i32
      %get3A_1279 = arith.index_cast %scan3A_1278 : i32 to index
      %get3A_1280 = arith.constant 16 : index
      %get3A_1281 = tpu.vector_load %arg13[%get3A_1279, %get3A_1280] {strides = array<i32>} : memref<52x128xf32, #tpu.memory_space<vmem>>, vector<16xf32>,
      %add3A_1282 = arith.addf %add3A_1276, %get3A_1281 : vector<16xf32>
      %scan3A_1283 = arith.constant 5 : i32
      %scan3A_1284 = arith.addi %scan3A_1254, %scan3A_1283 : i32
      %get3A_1285 = arith.index_cast %scan3A_1284 : i32 to index
      %get3A_1286 = arith.constant 16 : index
      %get3A_1287 = tpu.vector_load %arg13[%get3A_1285, %get3A_1286] {strides = array<i32>} : memref<52x128xf32, #tpu.memory_space<vmem>>, vector<16xf32>,
      %add3A_1288 = arith.addf %add3A_1282, %get3A_1287 : vector<16xf32>
      %scan3A_1289 = arith.constant 6 : i32
      %scan3A_1290 = arith.addi %scan3A_1254, %scan3A_1289 : i32
      %get3A_1291 = arith.index_cast %scan3A_1290 : i32 to index
      %get3A_1292 = arith.constant 16 : index
      %get3A_1293 = tpu.vector_load %arg13[%get3A_1291, %get3A_1292] {strides = array<i32>} : memref<52x128xf32, #tpu.memory_space<vmem>>, vector<16xf32>,
      %add3A_1294 = arith.addf %add3A_1288, %get3A_1293 : vector<16xf32>
      %scan3A_1295 = arith.constant 7 : i32
      %scan3A_1296 = arith.addi %scan3A_1254, %scan3A_1295 : i32
      %get3A_1297 = arith.index_cast %scan3A_1296 : i32 to index
      %get3A_1298 = arith.constant 16 : index
      %get3A_1299 = tpu.vector_load %arg13[%get3A_1297, %get3A_1298] {strides = array<i32>} : memref<52x128xf32, #tpu.memory_space<vmem>>, vector<16xf32>,
      %add3A_1300 = arith.addf %add3A_1294, %get3A_1299 : vector<16xf32>
      %scan3A_1301 = arith.constant 8 : i32
      %scan3A_1302 = arith.addi %scan3A_1254, %scan3A_1301 : i32
      %get3A_1303 = arith.index_cast %scan3A_1302 : i32 to index
      %get3A_1304 = arith.constant 16 : index
      %get3A_1305 = tpu.vector_load %arg13[%get3A_1303, %get3A_1304] {strides = array<i32>} : memref<52x128xf32, #tpu.memory_space<vmem>>, vector<16xf32>,
      %add3A_1306 = arith.addf %add3A_1300, %get3A_1305 : vector<16xf32>
      %scan3A_1307 = arith.constant 9 : i32
      %scan3A_1308 = arith.addi %scan3A_1254, %scan3A_1307 : i32
      %get3A_1309 = arith.index_cast %scan3A_1308 : i32 to index
      %get3A_1310 = arith.constant 16 : index
      %get3A_1311 = tpu.vector_load %arg13[%get3A_1309, %get3A_1310] {strides = array<i32>} : memref<52x128xf32, #tpu.memory_space<vmem>>, vector<16xf32>,
      %add3A_1312 = arith.addf %add3A_1306, %get3A_1311 : vector<16xf32>
      %scan3A_1313 = arith.constant 10 : i32
      %scan3A_1314 = arith.addi %scan3A_1254, %scan3A_1313 : i32
      %get3A_1315 = arith.index_cast %scan3A_1314 : i32 to index
      %get3A_1316 = arith.constant 16 : index
      %get3A_1317 = tpu.vector_load %arg13[%get3A_1315, %get3A_1316] {strides = array<i32>} : memref<52x128xf32, #tpu.memory_space<vmem>>, vector<16xf32>,
      %add3A_1318 = arith.addf %add3A_1312, %get3A_1317 : vector<16xf32>
      %scan3A_1319 = arith.constant 11 : i32
      %scan3A_1320 = arith.addi %scan3A_1254, %scan3A_1319 : i32
      %get3A_1321 = arith.index_cast %scan3A_1320 : i32 to index
      %get3A_1322 = arith.constant 16 : index
      %get3A_1323 = tpu.vector_load %arg13[%get3A_1321, %get3A_1322] {strides = array<i32>} : memref<52x128xf32, #tpu.memory_space<vmem>>, vector<16xf32>,
      %add3A_1324 = arith.addf %add3A_1318, %get3A_1323 : vector<16xf32>
      %scan3A_1325 = arith.constant 12 : i32
      %scan3A_1326 = arith.addi %scan3A_1254, %scan3A_1325 : i32
      %get3A_1327 = arith.index_cast %scan3A_1326 : i32 to index
      %get3A_1328 = arith.constant 16 : index
      %get3A_1329 = tpu.vector_load %arg13[%get3A_1327, %get3A_1328] {strides = array<i32>} : memref<52x128xf32, #tpu.memory_space<vmem>>, vector<16xf32>,
      %add3A_1330 = arith.addf %add3A_1324, %get3A_1329 : vector<16xf32>
      scf.yield %add3A_1330 : vector<16xf32>
    }
    %scan3A_1094 = arith.constant 26 : i32
    %scan3A_1095 = arith.constant 26 : i32
    %scan3A_1096 = arith.constant 26 : i32
    %scan3A_1097 = arith.addi %scan3A_1095, %scan3A_1096 : i32
    %scan3A_1098 = arith.constant 13 : i32
    %scan3A_1099 = scf.for %scan3A_1254 = %scan3A_1095 to %scan3A_1097 step %scan3A_1098 iter_args(%scan3A_1255 = %broadcast_in_dim3A_3) -> (vector<16xf32>)  : i32 {
      %get3A = arith.index_cast %scan3A_1254 : i32 to index
      %get3A_1256 = arith.constant 16 : index
      %get3A_1257 = tpu.vector_load %arg13[%get3A, %get3A_1256] {strides = array<i32>} : memref<52x128xf32, #tpu.memory_space<vmem>>, vector<16xf32>,
      %add3A_1258 = arith.addf %scan3A_1255, %get3A_1257 : vector<16xf32>
      %scan3A_1259 = arith.constant 1 : i32
      %scan3A_1260 = arith.addi %scan3A_1254, %scan3A_1259 : i32
      %get3A_1261 = arith.index_cast %scan3A_1260 : i32 to index
      %get3A_1262 = arith.constant 16 : index
      %get3A_1263 = tpu.vector_load %arg13[%get3A_1261, %get3A_1262] {strides = array<i32>} : memref<52x128xf32, #tpu.memory_space<vmem>>, vector<16xf32>,
      %add3A_1264 = arith.addf %add3A_1258, %get3A_1263 : vector<16xf32>
      %scan3A_1265 = arith.constant 2 : i32
      %scan3A_1266 = arith.addi %scan3A_1254, %scan3A_1265 : i32
      %get3A_1267 = arith.index_cast %scan3A_1266 : i32 to index
      %get3A_1268 = arith.constant 16 : index
      %get3A_1269 = tpu.vector_load %arg13[%get3A_1267, %get3A_1268] {strides = array<i32>} : memref<52x128xf32, #tpu.memory_space<vmem>>, vector<16xf32>,
      %add3A_1270 = arith.addf %add3A_1264, %get3A_1269 : vector<16xf32>
      %scan3A_1271 = arith.constant 3 : i32
      %scan3A_1272 = arith.addi %scan3A_1254, %scan3A_1271 : i32
      %get3A_1273 = arith.index_cast %scan3A_1272 : i32 to index
      %get3A_1274 = arith.constant 16 : index
      %get3A_1275 = tpu.vector_load %arg13[%get3A_1273, %get3A_1274] {strides = array<i32>} : memref<52x128xf32, #tpu.memory_space<vmem>>, vector<16xf32>,
      %add3A_1276 = arith.addf %add3A_1270, %get3A_1275 : vector<16xf32>
      %scan3A_1277 = arith.constant 4 : i32
      %scan3A_1278 = arith.addi %scan3A_1254, %scan3A_1277 : i32
      %get3A_1279 = arith.index_cast %scan3A_1278 : i32 to index
      %get3A_1280 = arith.constant 16 : index
      %get3A_1281 = tpu.vector_load %arg13[%get3A_1279, %get3A_1280] {strides = array<i32>} : memref<52x128xf32, #tpu.memory_space<vmem>>, vector<16xf32>,
      %add3A_1282 = arith.addf %add3A_1276, %get3A_1281 : vector<16xf32>
      %scan3A_1283 = arith.constant 5 : i32
      %scan3A_1284 = arith.addi %scan3A_1254, %scan3A_1283 : i32
      %get3A_1285 = arith.index_cast %scan3A_1284 : i32 to index
      %get3A_1286 = arith.constant 16 : index
      %get3A_1287 = tpu.vector_load %arg13[%get3A_1285, %get3A_1286] {strides = array<i32>} : memref<52x128xf32, #tpu.memory_space<vmem>>, vector<16xf32>,
      %add3A_1288 = arith.addf %add3A_1282, %get3A_1287 : vector<16xf32>
      %scan3A_1289 = arith.constant 6 : i32
      %scan3A_1290 = arith.addi %scan3A_1254, %scan3A_1289 : i32
      %get3A_1291 = arith.index_cast %scan3A_1290 : i32 to index
      %get3A_1292 = arith.constant 16 : index
      %get3A_1293 = tpu.vector_load %arg13[%get3A_1291, %get3A_1292] {strides = array<i32>} : memref<52x128xf32, #tpu.memory_space<vmem>>, vector<16xf32>,
      %add3A_1294 = arith.addf %add3A_1288, %get3A_1293 : vector<16xf32>
      %scan3A_1295 = arith.constant 7 : i32
      %scan3A_1296 = arith.addi %scan3A_1254, %scan3A_1295 : i32
      %get3A_1297 = arith.index_cast %scan3A_1296 : i32 to index
      %get3A_1298 = arith.constant 16 : index
      %get3A_1299 = tpu.vector_load %arg13[%get3A_1297, %get3A_1298] {strides = array<i32>} : memref<52x128xf32, #tpu.memory_space<vmem>>, vector<16xf32>,
      %add3A_1300 = arith.addf %add3A_1294, %get3A_1299 : vector<16xf32>
      %scan3A_1301 = arith.constant 8 : i32
      %scan3A_1302 = arith.addi %scan3A_1254, %scan3A_1301 : i32
      %get3A_1303 = arith.index_cast %scan3A_1302 : i32 to index
      %get3A_1304 = arith.constant 16 : index
      %get3A_1305 = tpu.vector_load %arg13[%get3A_1303, %get3A_1304] {strides = array<i32>} : memref<52x128xf32, #tpu.memory_space<vmem>>, vector<16xf32>,
      %add3A_1306 = arith.addf %add3A_1300, %get3A_1305 : vector<16xf32>
      %scan3A_1307 = arith.constant 9 : i32
      %scan3A_1308 = arith.addi %scan3A_1254, %scan3A_1307 : i32
      %get3A_1309 = arith.index_cast %scan3A_1308 : i32 to index
      %get3A_1310 = arith.constant 16 : index
      %get3A_1311 = tpu.vector_load %arg13[%get3A_1309, %get3A_1310] {strides = array<i32>} : memref<52x128xf32, #tpu.memory_space<vmem>>, vector<16xf32>,
      %add3A_1312 = arith.addf %add3A_1306, %get3A_1311 : vector<16xf32>
      %scan3A_1313 = arith.constant 10 : i32
      %scan3A_1314 = arith.addi %scan3A_1254, %scan3A_1313 : i32
      %get3A_1315 = arith.index_cast %scan3A_1314 : i32 to index
      %get3A_1316 = arith.constant 16 : index
      %get3A_1317 = tpu.vector_load %arg13[%get3A_1315, %get3A_1316] {strides = array<i32>} : memref<52x128xf32, #tpu.memory_space<vmem>>, vector<16xf32>,
      %add3A_1318 = arith.addf %add3A_1312, %get3A_1317 : vector<16xf32>
      %scan3A_1319 = arith.constant 11 : i32
      %scan3A_1320 = arith.addi %scan3A_1254, %scan3A_1319 : i32
      %get3A_1321 = arith.index_cast %scan3A_1320 : i32 to index
      %get3A_1322 = arith.constant 16 : index
      %get3A_1323 = tpu.vector_load %arg13[%get3A_1321, %get3A_1322] {strides = array<i32>} : memref<52x128xf32, #tpu.memory_space<vmem>>, vector<16xf32>,
      %add3A_1324 = arith.addf %add3A_1318, %get3A_1323 : vector<16xf32>
      %scan3A_1325 = arith.constant 12 : i32
      %scan3A_1326 = arith.addi %scan3A_1254, %scan3A_1325 : i32
      %get3A_1327 = arith.index_cast %scan3A_1326 : i32 to index
      %get3A_1328 = arith.constant 16 : index
      %get3A_1329 = tpu.vector_load %arg13[%get3A_1327, %get3A_1328] {strides = array<i32>} : memref<52x128xf32, #tpu.memory_space<vmem>>, vector<16xf32>,
      %add3A_1330 = arith.addf %add3A_1324, %get3A_1329 : vector<16xf32>
      scf.yield %add3A_1330 : vector<16xf32>
    }
    %scan3A_1100 = arith.constant 26 : i32
    %sub3A_1101 = arith.subf %scan3A_1093, %scan3A_1099 : vector<16xf32>
    %scan3A_1102 = arith.constant 0 : i32
    %scan3A_1103 = arith.constant 32 : i32
    %scan3A_1104 = arith.addi %scan3A_1102, %scan3A_1103 : i32
    %scan3A_1105 = arith.constant 8 : i32
    %scan3A_1106 = scf.for %scan3A_1254 = %scan3A_1102 to %scan3A_1104 step %scan3A_1105 iter_args(%scan3A_1255 = %sub3A_1101) -> (vector<16xf32>)  : i32 {
      %broadcast_in_dim3A_1256 = vector.broadcast %scan3A_1254 : i32 to vector<16xi32>
      %gather3A = tpu.vector_load_idx %arg10[%broadcast_in_dim3A_1256] : memref<32xf32, #tpu.memory_space<vmem>>[vector<16xi32>], vector<16xf32>,
      %broadcast_in_dim3A_1257 = vector.broadcast %scan3A_1254 : i32 to vector<16xi32>
      %gather3A_1258 = tpu.vector_load_idx %arg9[%add3A_1088, %broadcast_in_dim3A_1257] : memref<128x32xf32, #tpu.memory_space<vmem>>[vector<16xi32>, vector<16xi32>], vector<16xf32>,
      %mul3A_1259 = arith.mulf %gather3A, %gather3A_1258 : vector<16xf32>
      %add3A_1260 = arith.addf %scan3A_1255, %mul3A_1259 : vector<16xf32>
      %scan3A_1261 = arith.constant 1 : i32
      %scan3A_1262 = arith.addi %scan3A_1254, %scan3A_1261 : i32
      %broadcast_in_dim3A_1263 = vector.broadcast %scan3A_1262 : i32 to vector<16xi32>
      %gather3A_1264 = tpu.vector_load_idx %arg10[%broadcast_in_dim3A_1263] : memref<32xf32, #tpu.memory_space<vmem>>[vector<16xi32>], vector<16xf32>,
      %broadcast_in_dim3A_1265 = vector.broadcast %scan3A_1262 : i32 to vector<16xi32>
      %gather3A_1266 = tpu.vector_load_idx %arg9[%add3A_1088, %broadcast_in_dim3A_1265] : memref<128x32xf32, #tpu.memory_space<vmem>>[vector<16xi32>, vector<16xi32>], vector<16xf32>,
      %mul3A_1267 = arith.mulf %gather3A_1264, %gather3A_1266 : vector<16xf32>
      %add3A_1268 = arith.addf %add3A_1260, %mul3A_1267 : vector<16xf32>
      %scan3A_1269 = arith.constant 2 : i32
      %scan3A_1270 = arith.addi %scan3A_1254, %scan3A_1269 : i32
      %broadcast_in_dim3A_1271 = vector.broadcast %scan3A_1270 : i32 to vector<16xi32>
      %gather3A_1272 = tpu.vector_load_idx %arg10[%broadcast_in_dim3A_1271] : memref<32xf32, #tpu.memory_space<vmem>>[vector<16xi32>], vector<16xf32>,
      %broadcast_in_dim3A_1273 = vector.broadcast %scan3A_1270 : i32 to vector<16xi32>
      %gather3A_1274 = tpu.vector_load_idx %arg9[%add3A_1088, %broadcast_in_dim3A_1273] : memref<128x32xf32, #tpu.memory_space<vmem>>[vector<16xi32>, vector<16xi32>], vector<16xf32>,
      %mul3A_1275 = arith.mulf %gather3A_1272, %gather3A_1274 : vector<16xf32>
      %add3A_1276 = arith.addf %add3A_1268, %mul3A_1275 : vector<16xf32>
      %scan3A_1277 = arith.constant 3 : i32
      %scan3A_1278 = arith.addi %scan3A_1254, %scan3A_1277 : i32
      %broadcast_in_dim3A_1279 = vector.broadcast %scan3A_1278 : i32 to vector<16xi32>
      %gather3A_1280 = tpu.vector_load_idx %arg10[%broadcast_in_dim3A_1279] : memref<32xf32, #tpu.memory_space<vmem>>[vector<16xi32>], vector<16xf32>,
      %broadcast_in_dim3A_1281 = vector.broadcast %scan3A_1278 : i32 to vector<16xi32>
      %gather3A_1282 = tpu.vector_load_idx %arg9[%add3A_1088, %broadcast_in_dim3A_1281] : memref<128x32xf32, #tpu.memory_space<vmem>>[vector<16xi32>, vector<16xi32>], vector<16xf32>,
      %mul3A_1283 = arith.mulf %gather3A_1280, %gather3A_1282 : vector<16xf32>
      %add3A_1284 = arith.addf %add3A_1276, %mul3A_1283 : vector<16xf32>
      %scan3A_1285 = arith.constant 4 : i32
      %scan3A_1286 = arith.addi %scan3A_1254, %scan3A_1285 : i32
      %broadcast_in_dim3A_1287 = vector.broadcast %scan3A_1286 : i32 to vector<16xi32>
      %gather3A_1288 = tpu.vector_load_idx %arg10[%broadcast_in_dim3A_1287] : memref<32xf32, #tpu.memory_space<vmem>>[vector<16xi32>], vector<16xf32>,
      %broadcast_in_dim3A_1289 = vector.broadcast %scan3A_1286 : i32 to vector<16xi32>
      %gather3A_1290 = tpu.vector_load_idx %arg9[%add3A_1088, %broadcast_in_dim3A_1289] : memref<128x32xf32, #tpu.memory_space<vmem>>[vector<16xi32>, vector<16xi32>], vector<16xf32>,
      %mul3A_1291 = arith.mulf %gather3A_1288, %gather3A_1290 : vector<16xf32>
      %add3A_1292 = arith.addf %add3A_1284, %mul3A_1291 : vector<16xf32>
      %scan3A_1293 = arith.constant 5 : i32
      %scan3A_1294 = arith.addi %scan3A_1254, %scan3A_1293 : i32
      %broadcast_in_dim3A_1295 = vector.broadcast %scan3A_1294 : i32 to vector<16xi32>
      %gather3A_1296 = tpu.vector_load_idx %arg10[%broadcast_in_dim3A_1295] : memref<32xf32, #tpu.memory_space<vmem>>[vector<16xi32>], vector<16xf32>,
      %broadcast_in_dim3A_1297 = vector.broadcast %scan3A_1294 : i32 to vector<16xi32>
      %gather3A_1298 = tpu.vector_load_idx %arg9[%add3A_1088, %broadcast_in_dim3A_1297] : memref<128x32xf32, #tpu.memory_space<vmem>>[vector<16xi32>, vector<16xi32>], vector<16xf32>,
      %mul3A_1299 = arith.mulf %gather3A_1296, %gather3A_1298 : vector<16xf32>
      %add3A_1300 = arith.addf %add3A_1292, %mul3A_1299 : vector<16xf32>
      %scan3A_1301 = arith.constant 6 : i32
      %scan3A_1302 = arith.addi %scan3A_1254, %scan3A_1301 : i32
      %broadcast_in_dim3A_1303 = vector.broadcast %scan3A_1302 : i32 to vector<16xi32>
      %gather3A_1304 = tpu.vector_load_idx %arg10[%broadcast_in_dim3A_1303] : memref<32xf32, #tpu.memory_space<vmem>>[vector<16xi32>], vector<16xf32>,
      %broadcast_in_dim3A_1305 = vector.broadcast %scan3A_1302 : i32 to vector<16xi32>
      %gather3A_1306 = tpu.vector_load_idx %arg9[%add3A_1088, %broadcast_in_dim3A_1305] : memref<128x32xf32, #tpu.memory_space<vmem>>[vector<16xi32>, vector<16xi32>], vector<16xf32>,
      %mul3A_1307 = arith.mulf %gather3A_1304, %gather3A_1306 : vector<16xf32>
      %add3A_1308 = arith.addf %add3A_1300, %mul3A_1307 : vector<16xf32>
      %scan3A_1309 = arith.constant 7 : i32
      %scan3A_1310 = arith.addi %scan3A_1254, %scan3A_1309 : i32
      %broadcast_in_dim3A_1311 = vector.broadcast %scan3A_1310 : i32 to vector<16xi32>
      %gather3A_1312 = tpu.vector_load_idx %arg10[%broadcast_in_dim3A_1311] : memref<32xf32, #tpu.memory_space<vmem>>[vector<16xi32>], vector<16xf32>,
      %broadcast_in_dim3A_1313 = vector.broadcast %scan3A_1310 : i32 to vector<16xi32>
      %gather3A_1314 = tpu.vector_load_idx %arg9[%add3A_1088, %broadcast_in_dim3A_1313] : memref<128x32xf32, #tpu.memory_space<vmem>>[vector<16xi32>, vector<16xi32>], vector<16xf32>,
      %mul3A_1315 = arith.mulf %gather3A_1312, %gather3A_1314 : vector<16xf32>
      %add3A_1316 = arith.addf %add3A_1308, %mul3A_1315 : vector<16xf32>
      scf.yield %add3A_1316 : vector<16xf32>
    }
    %scan3A_1107 = arith.constant 32 : i32
    %swap3A_1108 = arith.constant 16 : index
    %swap3A_1109 = tpu.vector_load %arg14[%swap3A_1108] {strides = array<i32>} : memref<128xf32, #tpu.memory_space<vmem>>, vector<16xf32>,
    tpu.vector_store %arg14[%swap3A_1108], %scan3A_1106 {strides = array<i32>} : memref<128xf32, #tpu.memory_space<vmem>>, vector<16xf32>,
    %add3A_1110 = arith.constant 32 : i32
    %add3A_1111 = vector.broadcast %add3A_1110 : i32 to vector<16xi32>
    %add3A_1112 = arith.addi %iota3A, %add3A_1111 : vector<16xi32>
    %scan3A_1113 = arith.constant 0 : i32
    %scan3A_1114 = arith.constant 26 : i32
    %scan3A_1115 = arith.addi %scan3A_1113, %scan3A_1114 : i32
    %scan3A_1116 = arith.constant 13 : i32
    %scan3A_1117 = scf.for %scan3A_1254 = %scan3A_1113 to %scan3A_1115 step %scan3A_1116 iter_args(%scan3A_1255 = %broadcast_in_dim3A_3) -> (vector<16xf32>)  : i32 {
      %get3A = arith.index_cast %scan3A_1254 : i32 to index
      %get3A_1256 = arith.constant 32 : index
      %get3A_1257 = tpu.vector_load %arg13[%get3A, %get3A_1256] {strides = array<i32>} : memref<52x128xf32, #tpu.memory_space<vmem>>, vector<16xf32>,
      %add3A_1258 = arith.addf %scan3A_1255, %get3A_1257 : vector<16xf32>
      %scan3A_1259 = arith.constant 1 : i32
      %scan3A_1260 = arith.addi %scan3A_1254, %scan3A_1259 : i32
      %get3A_1261 = arith.index_cast %scan3A_1260 : i32 to index
      %get3A_1262 = arith.constant 32 : index
      %get3A_1263 = tpu.vector_load %arg13[%get3A_1261, %get3A_1262] {strides = array<i32>} : memref<52x128xf32, #tpu.memory_space<vmem>>, vector<16xf32>,
      %add3A_1264 = arith.addf %add3A_1258, %get3A_1263 : vector<16xf32>
      %scan3A_1265 = arith.constant 2 : i32
      %scan3A_1266 = arith.addi %scan3A_1254, %scan3A_1265 : i32
      %get3A_1267 = arith.index_cast %scan3A_1266 : i32 to index
      %get3A_1268 = arith.constant 32 : index
      %get3A_1269 = tpu.vector_load %arg13[%get3A_1267, %get3A_1268] {strides = array<i32>} : memref<52x128xf32, #tpu.memory_space<vmem>>, vector<16xf32>,
      %add3A_1270 = arith.addf %add3A_1264, %get3A_1269 : vector<16xf32>
      %scan3A_1271 = arith.constant 3 : i32
      %scan3A_1272 = arith.addi %scan3A_1254, %scan3A_1271 : i32
      %get3A_1273 = arith.index_cast %scan3A_1272 : i32 to index
      %get3A_1274 = arith.constant 32 : index
      %get3A_1275 = tpu.vector_load %arg13[%get3A_1273, %get3A_1274] {strides = array<i32>} : memref<52x128xf32, #tpu.memory_space<vmem>>, vector<16xf32>,
      %add3A_1276 = arith.addf %add3A_1270, %get3A_1275 : vector<16xf32>
      %scan3A_1277 = arith.constant 4 : i32
      %scan3A_1278 = arith.addi %scan3A_1254, %scan3A_1277 : i32
      %get3A_1279 = arith.index_cast %scan3A_1278 : i32 to index
      %get3A_1280 = arith.constant 32 : index
      %get3A_1281 = tpu.vector_load %arg13[%get3A_1279, %get3A_1280] {strides = array<i32>} : memref<52x128xf32, #tpu.memory_space<vmem>>, vector<16xf32>,
      %add3A_1282 = arith.addf %add3A_1276, %get3A_1281 : vector<16xf32>
      %scan3A_1283 = arith.constant 5 : i32
      %scan3A_1284 = arith.addi %scan3A_1254, %scan3A_1283 : i32
      %get3A_1285 = arith.index_cast %scan3A_1284 : i32 to index
      %get3A_1286 = arith.constant 32 : index
      %get3A_1287 = tpu.vector_load %arg13[%get3A_1285, %get3A_1286] {strides = array<i32>} : memref<52x128xf32, #tpu.memory_space<vmem>>, vector<16xf32>,
      %add3A_1288 = arith.addf %add3A_1282, %get3A_1287 : vector<16xf32>
      %scan3A_1289 = arith.constant 6 : i32
      %scan3A_1290 = arith.addi %scan3A_1254, %scan3A_1289 : i32
      %get3A_1291 = arith.index_cast %scan3A_1290 : i32 to index
      %get3A_1292 = arith.constant 32 : index
      %get3A_1293 = tpu.vector_load %arg13[%get3A_1291, %get3A_1292] {strides = array<i32>} : memref<52x128xf32, #tpu.memory_space<vmem>>, vector<16xf32>,
      %add3A_1294 = arith.addf %add3A_1288, %get3A_1293 : vector<16xf32>
      %scan3A_1295 = arith.constant 7 : i32
      %scan3A_1296 = arith.addi %scan3A_1254, %scan3A_1295 : i32
      %get3A_1297 = arith.index_cast %scan3A_1296 : i32 to index
      %get3A_1298 = arith.constant 32 : index
      %get3A_1299 = tpu.vector_load %arg13[%get3A_1297, %get3A_1298] {strides = array<i32>} : memref<52x128xf32, #tpu.memory_space<vmem>>, vector<16xf32>,
      %add3A_1300 = arith.addf %add3A_1294, %get3A_1299 : vector<16xf32>
      %scan3A_1301 = arith.constant 8 : i32
      %scan3A_1302 = arith.addi %scan3A_1254, %scan3A_1301 : i32
      %get3A_1303 = arith.index_cast %scan3A_1302 : i32 to index
      %get3A_1304 = arith.constant 32 : index
      %get3A_1305 = tpu.vector_load %arg13[%get3A_1303, %get3A_1304] {strides = array<i32>} : memref<52x128xf32, #tpu.memory_space<vmem>>, vector<16xf32>,
      %add3A_1306 = arith.addf %add3A_1300, %get3A_1305 : vector<16xf32>
      %scan3A_1307 = arith.constant 9 : i32
      %scan3A_1308 = arith.addi %scan3A_1254, %scan3A_1307 : i32
      %get3A_1309 = arith.index_cast %scan3A_1308 : i32 to index
      %get3A_1310 = arith.constant 32 : index
      %get3A_1311 = tpu.vector_load %arg13[%get3A_1309, %get3A_1310] {strides = array<i32>} : memref<52x128xf32, #tpu.memory_space<vmem>>, vector<16xf32>,
      %add3A_1312 = arith.addf %add3A_1306, %get3A_1311 : vector<16xf32>
      %scan3A_1313 = arith.constant 10 : i32
      %scan3A_1314 = arith.addi %scan3A_1254, %scan3A_1313 : i32
      %get3A_1315 = arith.index_cast %scan3A_1314 : i32 to index
      %get3A_1316 = arith.constant 32 : index
      %get3A_1317 = tpu.vector_load %arg13[%get3A_1315, %get3A_1316] {strides = array<i32>} : memref<52x128xf32, #tpu.memory_space<vmem>>, vector<16xf32>,
      %add3A_1318 = arith.addf %add3A_1312, %get3A_1317 : vector<16xf32>
      %scan3A_1319 = arith.constant 11 : i32
      %scan3A_1320 = arith.addi %scan3A_1254, %scan3A_1319 : i32
      %get3A_1321 = arith.index_cast %scan3A_1320 : i32 to index
      %get3A_1322 = arith.constant 32 : index
      %get3A_1323 = tpu.vector_load %arg13[%get3A_1321, %get3A_1322] {strides = array<i32>} : memref<52x128xf32, #tpu.memory_space<vmem>>, vector<16xf32>,
      %add3A_1324 = arith.addf %add3A_1318, %get3A_1323 : vector<16xf32>
      %scan3A_1325 = arith.constant 12 : i32
      %scan3A_1326 = arith.addi %scan3A_1254, %scan3A_1325 : i32
      %get3A_1327 = arith.index_cast %scan3A_1326 : i32 to index
      %get3A_1328 = arith.constant 32 : index
      %get3A_1329 = tpu.vector_load %arg13[%get3A_1327, %get3A_1328] {strides = array<i32>} : memref<52x128xf32, #tpu.memory_space<vmem>>, vector<16xf32>,
      %add3A_1330 = arith.addf %add3A_1324, %get3A_1329 : vector<16xf32>
      scf.yield %add3A_1330 : vector<16xf32>
    }
    %scan3A_1118 = arith.constant 26 : i32
    %scan3A_1119 = arith.constant 26 : i32
    %scan3A_1120 = arith.constant 26 : i32
    %scan3A_1121 = arith.addi %scan3A_1119, %scan3A_1120 : i32
    %scan3A_1122 = arith.constant 13 : i32
    %scan3A_1123 = scf.for %scan3A_1254 = %scan3A_1119 to %scan3A_1121 step %scan3A_1122 iter_args(%scan3A_1255 = %broadcast_in_dim3A_3) -> (vector<16xf32>)  : i32 {
      %get3A = arith.index_cast %scan3A_1254 : i32 to index
      %get3A_1256 = arith.constant 32 : index
      %get3A_1257 = tpu.vector_load %arg13[%get3A, %get3A_1256] {strides = array<i32>} : memref<52x128xf32, #tpu.memory_space<vmem>>, vector<16xf32>,
      %add3A_1258 = arith.addf %scan3A_1255, %get3A_1257 : vector<16xf32>
      %scan3A_1259 = arith.constant 1 : i32
      %scan3A_1260 = arith.addi %scan3A_1254, %scan3A_1259 : i32
      %get3A_1261 = arith.index_cast %scan3A_1260 : i32 to index
      %get3A_1262 = arith.constant 32 : index
      %get3A_1263 = tpu.vector_load %arg13[%get3A_1261, %get3A_1262] {strides = array<i32>} : memref<52x128xf32, #tpu.memory_space<vmem>>, vector<16xf32>,
      %add3A_1264 = arith.addf %add3A_1258, %get3A_1263 : vector<16xf32>
      %scan3A_1265 = arith.constant 2 : i32
      %scan3A_1266 = arith.addi %scan3A_1254, %scan3A_1265 : i32
      %get3A_1267 = arith.index_cast %scan3A_1266 : i32 to index
      %get3A_1268 = arith.constant 32 : index
      %get3A_1269 = tpu.vector_load %arg13[%get3A_1267, %get3A_1268] {strides = array<i32>} : memref<52x128xf32, #tpu.memory_space<vmem>>, vector<16xf32>,
      %add3A_1270 = arith.addf %add3A_1264, %get3A_1269 : vector<16xf32>
      %scan3A_1271 = arith.constant 3 : i32
      %scan3A_1272 = arith.addi %scan3A_1254, %scan3A_1271 : i32
      %get3A_1273 = arith.index_cast %scan3A_1272 : i32 to index
      %get3A_1274 = arith.constant 32 : index
      %get3A_1275 = tpu.vector_load %arg13[%get3A_1273, %get3A_1274] {strides = array<i32>} : memref<52x128xf32, #tpu.memory_space<vmem>>, vector<16xf32>,
      %add3A_1276 = arith.addf %add3A_1270, %get3A_1275 : vector<16xf32>
      %scan3A_1277 = arith.constant 4 : i32
      %scan3A_1278 = arith.addi %scan3A_1254, %scan3A_1277 : i32
      %get3A_1279 = arith.index_cast %scan3A_1278 : i32 to index
      %get3A_1280 = arith.constant 32 : index
      %get3A_1281 = tpu.vector_load %arg13[%get3A_1279, %get3A_1280] {strides = array<i32>} : memref<52x128xf32, #tpu.memory_space<vmem>>, vector<16xf32>,
      %add3A_1282 = arith.addf %add3A_1276, %get3A_1281 : vector<16xf32>
      %scan3A_1283 = arith.constant 5 : i32
      %scan3A_1284 = arith.addi %scan3A_1254, %scan3A_1283 : i32
      %get3A_1285 = arith.index_cast %scan3A_1284 : i32 to index
      %get3A_1286 = arith.constant 32 : index
      %get3A_1287 = tpu.vector_load %arg13[%get3A_1285, %get3A_1286] {strides = array<i32>} : memref<52x128xf32, #tpu.memory_space<vmem>>, vector<16xf32>,
      %add3A_1288 = arith.addf %add3A_1282, %get3A_1287 : vector<16xf32>
      %scan3A_1289 = arith.constant 6 : i32
      %scan3A_1290 = arith.addi %scan3A_1254, %scan3A_1289 : i32
      %get3A_1291 = arith.index_cast %scan3A_1290 : i32 to index
      %get3A_1292 = arith.constant 32 : index
      %get3A_1293 = tpu.vector_load %arg13[%get3A_1291, %get3A_1292] {strides = array<i32>} : memref<52x128xf32, #tpu.memory_space<vmem>>, vector<16xf32>,
      %add3A_1294 = arith.addf %add3A_1288, %get3A_1293 : vector<16xf32>
      %scan3A_1295 = arith.constant 7 : i32
      %scan3A_1296 = arith.addi %scan3A_1254, %scan3A_1295 : i32
      %get3A_1297 = arith.index_cast %scan3A_1296 : i32 to index
      %get3A_1298 = arith.constant 32 : index
      %get3A_1299 = tpu.vector_load %arg13[%get3A_1297, %get3A_1298] {strides = array<i32>} : memref<52x128xf32, #tpu.memory_space<vmem>>, vector<16xf32>,
      %add3A_1300 = arith.addf %add3A_1294, %get3A_1299 : vector<16xf32>
      %scan3A_1301 = arith.constant 8 : i32
      %scan3A_1302 = arith.addi %scan3A_1254, %scan3A_1301 : i32
      %get3A_1303 = arith.index_cast %scan3A_1302 : i32 to index
      %get3A_1304 = arith.constant 32 : index
      %get3A_1305 = tpu.vector_load %arg13[%get3A_1303, %get3A_1304] {strides = array<i32>} : memref<52x128xf32, #tpu.memory_space<vmem>>, vector<16xf32>,
      %add3A_1306 = arith.addf %add3A_1300, %get3A_1305 : vector<16xf32>
      %scan3A_1307 = arith.constant 9 : i32
      %scan3A_1308 = arith.addi %scan3A_1254, %scan3A_1307 : i32
      %get3A_1309 = arith.index_cast %scan3A_1308 : i32 to index
      %get3A_1310 = arith.constant 32 : index
      %get3A_1311 = tpu.vector_load %arg13[%get3A_1309, %get3A_1310] {strides = array<i32>} : memref<52x128xf32, #tpu.memory_space<vmem>>, vector<16xf32>,
      %add3A_1312 = arith.addf %add3A_1306, %get3A_1311 : vector<16xf32>
      %scan3A_1313 = arith.constant 10 : i32
      %scan3A_1314 = arith.addi %scan3A_1254, %scan3A_1313 : i32
      %get3A_1315 = arith.index_cast %scan3A_1314 : i32 to index
      %get3A_1316 = arith.constant 32 : index
      %get3A_1317 = tpu.vector_load %arg13[%get3A_1315, %get3A_1316] {strides = array<i32>} : memref<52x128xf32, #tpu.memory_space<vmem>>, vector<16xf32>,
      %add3A_1318 = arith.addf %add3A_1312, %get3A_1317 : vector<16xf32>
      %scan3A_1319 = arith.constant 11 : i32
      %scan3A_1320 = arith.addi %scan3A_1254, %scan3A_1319 : i32
      %get3A_1321 = arith.index_cast %scan3A_1320 : i32 to index
      %get3A_1322 = arith.constant 32 : index
      %get3A_1323 = tpu.vector_load %arg13[%get3A_1321, %get3A_1322] {strides = array<i32>} : memref<52x128xf32, #tpu.memory_space<vmem>>, vector<16xf32>,
      %add3A_1324 = arith.addf %add3A_1318, %get3A_1323 : vector<16xf32>
      %scan3A_1325 = arith.constant 12 : i32
      %scan3A_1326 = arith.addi %scan3A_1254, %scan3A_1325 : i32
      %get3A_1327 = arith.index_cast %scan3A_1326 : i32 to index
      %get3A_1328 = arith.constant 32 : index
      %get3A_1329 = tpu.vector_load %arg13[%get3A_1327, %get3A_1328] {strides = array<i32>} : memref<52x128xf32, #tpu.memory_space<vmem>>, vector<16xf32>,
      %add3A_1330 = arith.addf %add3A_1324, %get3A_1329 : vector<16xf32>
      scf.yield %add3A_1330 : vector<16xf32>
    }
    %scan3A_1124 = arith.constant 26 : i32
    %sub3A_1125 = arith.subf %scan3A_1117, %scan3A_1123 : vector<16xf32>
    %scan3A_1126 = arith.constant 0 : i32
    %scan3A_1127 = arith.constant 32 : i32
    %scan3A_1128 = arith.addi %scan3A_1126, %scan3A_1127 : i32
    %scan3A_1129 = arith.constant 8 : i32
    %scan3A_1130 = scf.for %scan3A_1254 = %scan3A_1126 to %scan3A_1128 step %scan3A_1129 iter_args(%scan3A_1255 = %sub3A_1125) -> (vector<16xf32>)  : i32 {
      %broadcast_in_dim3A_1256 = vector.broadcast %scan3A_1254 : i32 to vector<16xi32>
      %gather3A = tpu.vector_load_idx %arg10[%broadcast_in_dim3A_1256] : memref<32xf32, #tpu.memory_space<vmem>>[vector<16xi32>], vector<16xf32>,
      %broadcast_in_dim3A_1257 = vector.broadcast %scan3A_1254 : i32 to vector<16xi32>
      %gather3A_1258 = tpu.vector_load_idx %arg9[%add3A_1112, %broadcast_in_dim3A_1257] : memref<128x32xf32, #tpu.memory_space<vmem>>[vector<16xi32>, vector<16xi32>], vector<16xf32>,
      %mul3A_1259 = arith.mulf %gather3A, %gather3A_1258 : vector<16xf32>
      %add3A_1260 = arith.addf %scan3A_1255, %mul3A_1259 : vector<16xf32>
      %scan3A_1261 = arith.constant 1 : i32
      %scan3A_1262 = arith.addi %scan3A_1254, %scan3A_1261 : i32
      %broadcast_in_dim3A_1263 = vector.broadcast %scan3A_1262 : i32 to vector<16xi32>
      %gather3A_1264 = tpu.vector_load_idx %arg10[%broadcast_in_dim3A_1263] : memref<32xf32, #tpu.memory_space<vmem>>[vector<16xi32>], vector<16xf32>,
      %broadcast_in_dim3A_1265 = vector.broadcast %scan3A_1262 : i32 to vector<16xi32>
      %gather3A_1266 = tpu.vector_load_idx %arg9[%add3A_1112, %broadcast_in_dim3A_1265] : memref<128x32xf32, #tpu.memory_space<vmem>>[vector<16xi32>, vector<16xi32>], vector<16xf32>,
      %mul3A_1267 = arith.mulf %gather3A_1264, %gather3A_1266 : vector<16xf32>
      %add3A_1268 = arith.addf %add3A_1260, %mul3A_1267 : vector<16xf32>
      %scan3A_1269 = arith.constant 2 : i32
      %scan3A_1270 = arith.addi %scan3A_1254, %scan3A_1269 : i32
      %broadcast_in_dim3A_1271 = vector.broadcast %scan3A_1270 : i32 to vector<16xi32>
      %gather3A_1272 = tpu.vector_load_idx %arg10[%broadcast_in_dim3A_1271] : memref<32xf32, #tpu.memory_space<vmem>>[vector<16xi32>], vector<16xf32>,
      %broadcast_in_dim3A_1273 = vector.broadcast %scan3A_1270 : i32 to vector<16xi32>
      %gather3A_1274 = tpu.vector_load_idx %arg9[%add3A_1112, %broadcast_in_dim3A_1273] : memref<128x32xf32, #tpu.memory_space<vmem>>[vector<16xi32>, vector<16xi32>], vector<16xf32>,
      %mul3A_1275 = arith.mulf %gather3A_1272, %gather3A_1274 : vector<16xf32>
      %add3A_1276 = arith.addf %add3A_1268, %mul3A_1275 : vector<16xf32>
      %scan3A_1277 = arith.constant 3 : i32
      %scan3A_1278 = arith.addi %scan3A_1254, %scan3A_1277 : i32
      %broadcast_in_dim3A_1279 = vector.broadcast %scan3A_1278 : i32 to vector<16xi32>
      %gather3A_1280 = tpu.vector_load_idx %arg10[%broadcast_in_dim3A_1279] : memref<32xf32, #tpu.memory_space<vmem>>[vector<16xi32>], vector<16xf32>,
      %broadcast_in_dim3A_1281 = vector.broadcast %scan3A_1278 : i32 to vector<16xi32>
      %gather3A_1282 = tpu.vector_load_idx %arg9[%add3A_1112, %broadcast_in_dim3A_1281] : memref<128x32xf32, #tpu.memory_space<vmem>>[vector<16xi32>, vector<16xi32>], vector<16xf32>,
      %mul3A_1283 = arith.mulf %gather3A_1280, %gather3A_1282 : vector<16xf32>
      %add3A_1284 = arith.addf %add3A_1276, %mul3A_1283 : vector<16xf32>
      %scan3A_1285 = arith.constant 4 : i32
      %scan3A_1286 = arith.addi %scan3A_1254, %scan3A_1285 : i32
      %broadcast_in_dim3A_1287 = vector.broadcast %scan3A_1286 : i32 to vector<16xi32>
      %gather3A_1288 = tpu.vector_load_idx %arg10[%broadcast_in_dim3A_1287] : memref<32xf32, #tpu.memory_space<vmem>>[vector<16xi32>], vector<16xf32>,
      %broadcast_in_dim3A_1289 = vector.broadcast %scan3A_1286 : i32 to vector<16xi32>
      %gather3A_1290 = tpu.vector_load_idx %arg9[%add3A_1112, %broadcast_in_dim3A_1289] : memref<128x32xf32, #tpu.memory_space<vmem>>[vector<16xi32>, vector<16xi32>], vector<16xf32>,
      %mul3A_1291 = arith.mulf %gather3A_1288, %gather3A_1290 : vector<16xf32>
      %add3A_1292 = arith.addf %add3A_1284, %mul3A_1291 : vector<16xf32>
      %scan3A_1293 = arith.constant 5 : i32
      %scan3A_1294 = arith.addi %scan3A_1254, %scan3A_1293 : i32
      %broadcast_in_dim3A_1295 = vector.broadcast %scan3A_1294 : i32 to vector<16xi32>
      %gather3A_1296 = tpu.vector_load_idx %arg10[%broadcast_in_dim3A_1295] : memref<32xf32, #tpu.memory_space<vmem>>[vector<16xi32>], vector<16xf32>,
      %broadcast_in_dim3A_1297 = vector.broadcast %scan3A_1294 : i32 to vector<16xi32>
      %gather3A_1298 = tpu.vector_load_idx %arg9[%add3A_1112, %broadcast_in_dim3A_1297] : memref<128x32xf32, #tpu.memory_space<vmem>>[vector<16xi32>, vector<16xi32>], vector<16xf32>,
      %mul3A_1299 = arith.mulf %gather3A_1296, %gather3A_1298 : vector<16xf32>
      %add3A_1300 = arith.addf %add3A_1292, %mul3A_1299 : vector<16xf32>
      %scan3A_1301 = arith.constant 6 : i32
      %scan3A_1302 = arith.addi %scan3A_1254, %scan3A_1301 : i32
      %broadcast_in_dim3A_1303 = vector.broadcast %scan3A_1302 : i32 to vector<16xi32>
      %gather3A_1304 = tpu.vector_load_idx %arg10[%broadcast_in_dim3A_1303] : memref<32xf32, #tpu.memory_space<vmem>>[vector<16xi32>], vector<16xf32>,
      %broadcast_in_dim3A_1305 = vector.broadcast %scan3A_1302 : i32 to vector<16xi32>
      %gather3A_1306 = tpu.vector_load_idx %arg9[%add3A_1112, %broadcast_in_dim3A_1305] : memref<128x32xf32, #tpu.memory_space<vmem>>[vector<16xi32>, vector<16xi32>], vector<16xf32>,
      %mul3A_1307 = arith.mulf %gather3A_1304, %gather3A_1306 : vector<16xf32>
      %add3A_1308 = arith.addf %add3A_1300, %mul3A_1307 : vector<16xf32>
      %scan3A_1309 = arith.constant 7 : i32
      %scan3A_1310 = arith.addi %scan3A_1254, %scan3A_1309 : i32
      %broadcast_in_dim3A_1311 = vector.broadcast %scan3A_1310 : i32 to vector<16xi32>
      %gather3A_1312 = tpu.vector_load_idx %arg10[%broadcast_in_dim3A_1311] : memref<32xf32, #tpu.memory_space<vmem>>[vector<16xi32>], vector<16xf32>,
      %broadcast_in_dim3A_1313 = vector.broadcast %scan3A_1310 : i32 to vector<16xi32>
      %gather3A_1314 = tpu.vector_load_idx %arg9[%add3A_1112, %broadcast_in_dim3A_1313] : memref<128x32xf32, #tpu.memory_space<vmem>>[vector<16xi32>, vector<16xi32>], vector<16xf32>,
      %mul3A_1315 = arith.mulf %gather3A_1312, %gather3A_1314 : vector<16xf32>
      %add3A_1316 = arith.addf %add3A_1308, %mul3A_1315 : vector<16xf32>
      scf.yield %add3A_1316 : vector<16xf32>
    }
    %scan3A_1131 = arith.constant 32 : i32
    %swap3A_1132 = arith.constant 32 : index
    %swap3A_1133 = tpu.vector_load %arg14[%swap3A_1132] {strides = array<i32>} : memref<128xf32, #tpu.memory_space<vmem>>, vector<16xf32>,
    tpu.vector_store %arg14[%swap3A_1132], %scan3A_1130 {strides = array<i32>} : memref<128xf32, #tpu.memory_space<vmem>>, vector<16xf32>,
    %add3A_1134 = arith.constant 48 : i32
    %add3A_1135 = vector.broadcast %add3A_1134 : i32 to vector<16xi32>
    %add3A_1136 = arith.addi %iota3A, %add3A_1135 : vector<16xi32>
    %scan3A_1137 = arith.constant 0 : i32
    %scan3A_1138 = arith.constant 26 : i32
    %scan3A_1139 = arith.addi %scan3A_1137, %scan3A_1138 : i32
    %scan3A_1140 = arith.constant 13 : i32
    %scan3A_1141 = scf.for %scan3A_1254 = %scan3A_1137 to %scan3A_1139 step %scan3A_1140 iter_args(%scan3A_1255 = %broadcast_in_dim3A_3) -> (vector<16xf32>)  : i32 {
      %get3A = arith.index_cast %scan3A_1254 : i32 to index
      %get3A_1256 = arith.constant 48 : index
      %get3A_1257 = tpu.vector_load %arg13[%get3A, %get3A_1256] {strides = array<i32>} : memref<52x128xf32, #tpu.memory_space<vmem>>, vector<16xf32>,
      %add3A_1258 = arith.addf %scan3A_1255, %get3A_1257 : vector<16xf32>
      %scan3A_1259 = arith.constant 1 : i32
      %scan3A_1260 = arith.addi %scan3A_1254, %scan3A_1259 : i32
      %get3A_1261 = arith.index_cast %scan3A_1260 : i32 to index
      %get3A_1262 = arith.constant 48 : index
      %get3A_1263 = tpu.vector_load %arg13[%get3A_1261, %get3A_1262] {strides = array<i32>} : memref<52x128xf32, #tpu.memory_space<vmem>>, vector<16xf32>,
      %add3A_1264 = arith.addf %add3A_1258, %get3A_1263 : vector<16xf32>
      %scan3A_1265 = arith.constant 2 : i32
      %scan3A_1266 = arith.addi %scan3A_1254, %scan3A_1265 : i32
      %get3A_1267 = arith.index_cast %scan3A_1266 : i32 to index
      %get3A_1268 = arith.constant 48 : index
      %get3A_1269 = tpu.vector_load %arg13[%get3A_1267, %get3A_1268] {strides = array<i32>} : memref<52x128xf32, #tpu.memory_space<vmem>>, vector<16xf32>,
      %add3A_1270 = arith.addf %add3A_1264, %get3A_1269 : vector<16xf32>
      %scan3A_1271 = arith.constant 3 : i32
      %scan3A_1272 = arith.addi %scan3A_1254, %scan3A_1271 : i32
      %get3A_1273 = arith.index_cast %scan3A_1272 : i32 to index
      %get3A_1274 = arith.constant 48 : index
      %get3A_1275 = tpu.vector_load %arg13[%get3A_1273, %get3A_1274] {strides = array<i32>} : memref<52x128xf32, #tpu.memory_space<vmem>>, vector<16xf32>,
      %add3A_1276 = arith.addf %add3A_1270, %get3A_1275 : vector<16xf32>
      %scan3A_1277 = arith.constant 4 : i32
      %scan3A_1278 = arith.addi %scan3A_1254, %scan3A_1277 : i32
      %get3A_1279 = arith.index_cast %scan3A_1278 : i32 to index
      %get3A_1280 = arith.constant 48 : index
      %get3A_1281 = tpu.vector_load %arg13[%get3A_1279, %get3A_1280] {strides = array<i32>} : memref<52x128xf32, #tpu.memory_space<vmem>>, vector<16xf32>,
      %add3A_1282 = arith.addf %add3A_1276, %get3A_1281 : vector<16xf32>
      %scan3A_1283 = arith.constant 5 : i32
      %scan3A_1284 = arith.addi %scan3A_1254, %scan3A_1283 : i32
      %get3A_1285 = arith.index_cast %scan3A_1284 : i32 to index
      %get3A_1286 = arith.constant 48 : index
      %get3A_1287 = tpu.vector_load %arg13[%get3A_1285, %get3A_1286] {strides = array<i32>} : memref<52x128xf32, #tpu.memory_space<vmem>>, vector<16xf32>,
      %add3A_1288 = arith.addf %add3A_1282, %get3A_1287 : vector<16xf32>
      %scan3A_1289 = arith.constant 6 : i32
      %scan3A_1290 = arith.addi %scan3A_1254, %scan3A_1289 : i32
      %get3A_1291 = arith.index_cast %scan3A_1290 : i32 to index
      %get3A_1292 = arith.constant 48 : index
      %get3A_1293 = tpu.vector_load %arg13[%get3A_1291, %get3A_1292] {strides = array<i32>} : memref<52x128xf32, #tpu.memory_space<vmem>>, vector<16xf32>,
      %add3A_1294 = arith.addf %add3A_1288, %get3A_1293 : vector<16xf32>
      %scan3A_1295 = arith.constant 7 : i32
      %scan3A_1296 = arith.addi %scan3A_1254, %scan3A_1295 : i32
      %get3A_1297 = arith.index_cast %scan3A_1296 : i32 to index
      %get3A_1298 = arith.constant 48 : index
      %get3A_1299 = tpu.vector_load %arg13[%get3A_1297, %get3A_1298] {strides = array<i32>} : memref<52x128xf32, #tpu.memory_space<vmem>>, vector<16xf32>,
      %add3A_1300 = arith.addf %add3A_1294, %get3A_1299 : vector<16xf32>
      %scan3A_1301 = arith.constant 8 : i32
      %scan3A_1302 = arith.addi %scan3A_1254, %scan3A_1301 : i32
      %get3A_1303 = arith.index_cast %scan3A_1302 : i32 to index
      %get3A_1304 = arith.constant 48 : index
      %get3A_1305 = tpu.vector_load %arg13[%get3A_1303, %get3A_1304] {strides = array<i32>} : memref<52x128xf32, #tpu.memory_space<vmem>>, vector<16xf32>,
      %add3A_1306 = arith.addf %add3A_1300, %get3A_1305 : vector<16xf32>
      %scan3A_1307 = arith.constant 9 : i32
      %scan3A_1308 = arith.addi %scan3A_1254, %scan3A_1307 : i32
      %get3A_1309 = arith.index_cast %scan3A_1308 : i32 to index
      %get3A_1310 = arith.constant 48 : index
      %get3A_1311 = tpu.vector_load %arg13[%get3A_1309, %get3A_1310] {strides = array<i32>} : memref<52x128xf32, #tpu.memory_space<vmem>>, vector<16xf32>,
      %add3A_1312 = arith.addf %add3A_1306, %get3A_1311 : vector<16xf32>
      %scan3A_1313 = arith.constant 10 : i32
      %scan3A_1314 = arith.addi %scan3A_1254, %scan3A_1313 : i32
      %get3A_1315 = arith.index_cast %scan3A_1314 : i32 to index
      %get3A_1316 = arith.constant 48 : index
      %get3A_1317 = tpu.vector_load %arg13[%get3A_1315, %get3A_1316] {strides = array<i32>} : memref<52x128xf32, #tpu.memory_space<vmem>>, vector<16xf32>,
      %add3A_1318 = arith.addf %add3A_1312, %get3A_1317 : vector<16xf32>
      %scan3A_1319 = arith.constant 11 : i32
      %scan3A_1320 = arith.addi %scan3A_1254, %scan3A_1319 : i32
      %get3A_1321 = arith.index_cast %scan3A_1320 : i32 to index
      %get3A_1322 = arith.constant 48 : index
      %get3A_1323 = tpu.vector_load %arg13[%get3A_1321, %get3A_1322] {strides = array<i32>} : memref<52x128xf32, #tpu.memory_space<vmem>>, vector<16xf32>,
      %add3A_1324 = arith.addf %add3A_1318, %get3A_1323 : vector<16xf32>
      %scan3A_1325 = arith.constant 12 : i32
      %scan3A_1326 = arith.addi %scan3A_1254, %scan3A_1325 : i32
      %get3A_1327 = arith.index_cast %scan3A_1326 : i32 to index
      %get3A_1328 = arith.constant 48 : index
      %get3A_1329 = tpu.vector_load %arg13[%get3A_1327, %get3A_1328] {strides = array<i32>} : memref<52x128xf32, #tpu.memory_space<vmem>>, vector<16xf32>,
      %add3A_1330 = arith.addf %add3A_1324, %get3A_1329 : vector<16xf32>
      scf.yield %add3A_1330 : vector<16xf32>
    }
    %scan3A_1142 = arith.constant 26 : i32
    %scan3A_1143 = arith.constant 26 : i32
    %scan3A_1144 = arith.constant 26 : i32
    %scan3A_1145 = arith.addi %scan3A_1143, %scan3A_1144 : i32
    %scan3A_1146 = arith.constant 13 : i32
    %scan3A_1147 = scf.for %scan3A_1254 = %scan3A_1143 to %scan3A_1145 step %scan3A_1146 iter_args(%scan3A_1255 = %broadcast_in_dim3A_3) -> (vector<16xf32>)  : i32 {
      %get3A = arith.index_cast %scan3A_1254 : i32 to index
      %get3A_1256 = arith.constant 48 : index
      %get3A_1257 = tpu.vector_load %arg13[%get3A, %get3A_1256] {strides = array<i32>} : memref<52x128xf32, #tpu.memory_space<vmem>>, vector<16xf32>,
      %add3A_1258 = arith.addf %scan3A_1255, %get3A_1257 : vector<16xf32>
      %scan3A_1259 = arith.constant 1 : i32
      %scan3A_1260 = arith.addi %scan3A_1254, %scan3A_1259 : i32
      %get3A_1261 = arith.index_cast %scan3A_1260 : i32 to index
      %get3A_1262 = arith.constant 48 : index
      %get3A_1263 = tpu.vector_load %arg13[%get3A_1261, %get3A_1262] {strides = array<i32>} : memref<52x128xf32, #tpu.memory_space<vmem>>, vector<16xf32>,
      %add3A_1264 = arith.addf %add3A_1258, %get3A_1263 : vector<16xf32>
      %scan3A_1265 = arith.constant 2 : i32
      %scan3A_1266 = arith.addi %scan3A_1254, %scan3A_1265 : i32
      %get3A_1267 = arith.index_cast %scan3A_1266 : i32 to index
      %get3A_1268 = arith.constant 48 : index
      %get3A_1269 = tpu.vector_load %arg13[%get3A_1267, %get3A_1268] {strides = array<i32>} : memref<52x128xf32, #tpu.memory_space<vmem>>, vector<16xf32>,
      %add3A_1270 = arith.addf %add3A_1264, %get3A_1269 : vector<16xf32>
      %scan3A_1271 = arith.constant 3 : i32
      %scan3A_1272 = arith.addi %scan3A_1254, %scan3A_1271 : i32
      %get3A_1273 = arith.index_cast %scan3A_1272 : i32 to index
      %get3A_1274 = arith.constant 48 : index
      %get3A_1275 = tpu.vector_load %arg13[%get3A_1273, %get3A_1274] {strides = array<i32>} : memref<52x128xf32, #tpu.memory_space<vmem>>, vector<16xf32>,
      %add3A_1276 = arith.addf %add3A_1270, %get3A_1275 : vector<16xf32>
      %scan3A_1277 = arith.constant 4 : i32
      %scan3A_1278 = arith.addi %scan3A_1254, %scan3A_1277 : i32
      %get3A_1279 = arith.index_cast %scan3A_1278 : i32 to index
      %get3A_1280 = arith.constant 48 : index
      %get3A_1281 = tpu.vector_load %arg13[%get3A_1279, %get3A_1280] {strides = array<i32>} : memref<52x128xf32, #tpu.memory_space<vmem>>, vector<16xf32>,
      %add3A_1282 = arith.addf %add3A_1276, %get3A_1281 : vector<16xf32>
      %scan3A_1283 = arith.constant 5 : i32
      %scan3A_1284 = arith.addi %scan3A_1254, %scan3A_1283 : i32
      %get3A_1285 = arith.index_cast %scan3A_1284 : i32 to index
      %get3A_1286 = arith.constant 48 : index
      %get3A_1287 = tpu.vector_load %arg13[%get3A_1285, %get3A_1286] {strides = array<i32>} : memref<52x128xf32, #tpu.memory_space<vmem>>, vector<16xf32>,
      %add3A_1288 = arith.addf %add3A_1282, %get3A_1287 : vector<16xf32>
      %scan3A_1289 = arith.constant 6 : i32
      %scan3A_1290 = arith.addi %scan3A_1254, %scan3A_1289 : i32
      %get3A_1291 = arith.index_cast %scan3A_1290 : i32 to index
      %get3A_1292 = arith.constant 48 : index
      %get3A_1293 = tpu.vector_load %arg13[%get3A_1291, %get3A_1292] {strides = array<i32>} : memref<52x128xf32, #tpu.memory_space<vmem>>, vector<16xf32>,
      %add3A_1294 = arith.addf %add3A_1288, %get3A_1293 : vector<16xf32>
      %scan3A_1295 = arith.constant 7 : i32
      %scan3A_1296 = arith.addi %scan3A_1254, %scan3A_1295 : i32
      %get3A_1297 = arith.index_cast %scan3A_1296 : i32 to index
      %get3A_1298 = arith.constant 48 : index
      %get3A_1299 = tpu.vector_load %arg13[%get3A_1297, %get3A_1298] {strides = array<i32>} : memref<52x128xf32, #tpu.memory_space<vmem>>, vector<16xf32>,
      %add3A_1300 = arith.addf %add3A_1294, %get3A_1299 : vector<16xf32>
      %scan3A_1301 = arith.constant 8 : i32
      %scan3A_1302 = arith.addi %scan3A_1254, %scan3A_1301 : i32
      %get3A_1303 = arith.index_cast %scan3A_1302 : i32 to index
      %get3A_1304 = arith.constant 48 : index
      %get3A_1305 = tpu.vector_load %arg13[%get3A_1303, %get3A_1304] {strides = array<i32>} : memref<52x128xf32, #tpu.memory_space<vmem>>, vector<16xf32>,
      %add3A_1306 = arith.addf %add3A_1300, %get3A_1305 : vector<16xf32>
      %scan3A_1307 = arith.constant 9 : i32
      %scan3A_1308 = arith.addi %scan3A_1254, %scan3A_1307 : i32
      %get3A_1309 = arith.index_cast %scan3A_1308 : i32 to index
      %get3A_1310 = arith.constant 48 : index
      %get3A_1311 = tpu.vector_load %arg13[%get3A_1309, %get3A_1310] {strides = array<i32>} : memref<52x128xf32, #tpu.memory_space<vmem>>, vector<16xf32>,
      %add3A_1312 = arith.addf %add3A_1306, %get3A_1311 : vector<16xf32>
      %scan3A_1313 = arith.constant 10 : i32
      %scan3A_1314 = arith.addi %scan3A_1254, %scan3A_1313 : i32
      %get3A_1315 = arith.index_cast %scan3A_1314 : i32 to index
      %get3A_1316 = arith.constant 48 : index
      %get3A_1317 = tpu.vector_load %arg13[%get3A_1315, %get3A_1316] {strides = array<i32>} : memref<52x128xf32, #tpu.memory_space<vmem>>, vector<16xf32>,
      %add3A_1318 = arith.addf %add3A_1312, %get3A_1317 : vector<16xf32>
      %scan3A_1319 = arith.constant 11 : i32
      %scan3A_1320 = arith.addi %scan3A_1254, %scan3A_1319 : i32
      %get3A_1321 = arith.index_cast %scan3A_1320 : i32 to index
      %get3A_1322 = arith.constant 48 : index
      %get3A_1323 = tpu.vector_load %arg13[%get3A_1321, %get3A_1322] {strides = array<i32>} : memref<52x128xf32, #tpu.memory_space<vmem>>, vector<16xf32>,
      %add3A_1324 = arith.addf %add3A_1318, %get3A_1323 : vector<16xf32>
      %scan3A_1325 = arith.constant 12 : i32
      %scan3A_1326 = arith.addi %scan3A_1254, %scan3A_1325 : i32
      %get3A_1327 = arith.index_cast %scan3A_1326 : i32 to index
      %get3A_1328 = arith.constant 48 : index
      %get3A_1329 = tpu.vector_load %arg13[%get3A_1327, %get3A_1328] {strides = array<i32>} : memref<52x128xf32, #tpu.memory_space<vmem>>, vector<16xf32>,
      %add3A_1330 = arith.addf %add3A_1324, %get3A_1329 : vector<16xf32>
      scf.yield %add3A_1330 : vector<16xf32>
    }
    %scan3A_1148 = arith.constant 26 : i32
    %sub3A_1149 = arith.subf %scan3A_1141, %scan3A_1147 : vector<16xf32>
    %scan3A_1150 = arith.constant 0 : i32
    %scan3A_1151 = arith.constant 32 : i32
    %scan3A_1152 = arith.addi %scan3A_1150, %scan3A_1151 : i32
    %scan3A_1153 = arith.constant 8 : i32
    %scan3A_1154 = scf.for %scan3A_1254 = %scan3A_1150 to %scan3A_1152 step %scan3A_1153 iter_args(%scan3A_1255 = %sub3A_1149) -> (vector<16xf32>)  : i32 {
      %broadcast_in_dim3A_1256 = vector.broadcast %scan3A_1254 : i32 to vector<16xi32>
      %gather3A = tpu.vector_load_idx %arg10[%broadcast_in_dim3A_1256] : memref<32xf32, #tpu.memory_space<vmem>>[vector<16xi32>], vector<16xf32>,
      %broadcast_in_dim3A_1257 = vector.broadcast %scan3A_1254 : i32 to vector<16xi32>
      %gather3A_1258 = tpu.vector_load_idx %arg9[%add3A_1136, %broadcast_in_dim3A_1257] : memref<128x32xf32, #tpu.memory_space<vmem>>[vector<16xi32>, vector<16xi32>], vector<16xf32>,
      %mul3A_1259 = arith.mulf %gather3A, %gather3A_1258 : vector<16xf32>
      %add3A_1260 = arith.addf %scan3A_1255, %mul3A_1259 : vector<16xf32>
      %scan3A_1261 = arith.constant 1 : i32
      %scan3A_1262 = arith.addi %scan3A_1254, %scan3A_1261 : i32
      %broadcast_in_dim3A_1263 = vector.broadcast %scan3A_1262 : i32 to vector<16xi32>
      %gather3A_1264 = tpu.vector_load_idx %arg10[%broadcast_in_dim3A_1263] : memref<32xf32, #tpu.memory_space<vmem>>[vector<16xi32>], vector<16xf32>,
      %broadcast_in_dim3A_1265 = vector.broadcast %scan3A_1262 : i32 to vector<16xi32>
      %gather3A_1266 = tpu.vector_load_idx %arg9[%add3A_1136, %broadcast_in_dim3A_1265] : memref<128x32xf32, #tpu.memory_space<vmem>>[vector<16xi32>, vector<16xi32>], vector<16xf32>,
      %mul3A_1267 = arith.mulf %gather3A_1264, %gather3A_1266 : vector<16xf32>
      %add3A_1268 = arith.addf %add3A_1260, %mul3A_1267 : vector<16xf32>
      %scan3A_1269 = arith.constant 2 : i32
      %scan3A_1270 = arith.addi %scan3A_1254, %scan3A_1269 : i32
      %broadcast_in_dim3A_1271 = vector.broadcast %scan3A_1270 : i32 to vector<16xi32>
      %gather3A_1272 = tpu.vector_load_idx %arg10[%broadcast_in_dim3A_1271] : memref<32xf32, #tpu.memory_space<vmem>>[vector<16xi32>], vector<16xf32>,
      %broadcast_in_dim3A_1273 = vector.broadcast %scan3A_1270 : i32 to vector<16xi32>
      %gather3A_1274 = tpu.vector_load_idx %arg9[%add3A_1136, %broadcast_in_dim3A_1273] : memref<128x32xf32, #tpu.memory_space<vmem>>[vector<16xi32>, vector<16xi32>], vector<16xf32>,
      %mul3A_1275 = arith.mulf %gather3A_1272, %gather3A_1274 : vector<16xf32>
      %add3A_1276 = arith.addf %add3A_1268, %mul3A_1275 : vector<16xf32>
      %scan3A_1277 = arith.constant 3 : i32
      %scan3A_1278 = arith.addi %scan3A_1254, %scan3A_1277 : i32
      %broadcast_in_dim3A_1279 = vector.broadcast %scan3A_1278 : i32 to vector<16xi32>
      %gather3A_1280 = tpu.vector_load_idx %arg10[%broadcast_in_dim3A_1279] : memref<32xf32, #tpu.memory_space<vmem>>[vector<16xi32>], vector<16xf32>,
      %broadcast_in_dim3A_1281 = vector.broadcast %scan3A_1278 : i32 to vector<16xi32>
      %gather3A_1282 = tpu.vector_load_idx %arg9[%add3A_1136, %broadcast_in_dim3A_1281] : memref<128x32xf32, #tpu.memory_space<vmem>>[vector<16xi32>, vector<16xi32>], vector<16xf32>,
      %mul3A_1283 = arith.mulf %gather3A_1280, %gather3A_1282 : vector<16xf32>
      %add3A_1284 = arith.addf %add3A_1276, %mul3A_1283 : vector<16xf32>
      %scan3A_1285 = arith.constant 4 : i32
      %scan3A_1286 = arith.addi %scan3A_1254, %scan3A_1285 : i32
      %broadcast_in_dim3A_1287 = vector.broadcast %scan3A_1286 : i32 to vector<16xi32>
      %gather3A_1288 = tpu.vector_load_idx %arg10[%broadcast_in_dim3A_1287] : memref<32xf32, #tpu.memory_space<vmem>>[vector<16xi32>], vector<16xf32>,
      %broadcast_in_dim3A_1289 = vector.broadcast %scan3A_1286 : i32 to vector<16xi32>
      %gather3A_1290 = tpu.vector_load_idx %arg9[%add3A_1136, %broadcast_in_dim3A_1289] : memref<128x32xf32, #tpu.memory_space<vmem>>[vector<16xi32>, vector<16xi32>], vector<16xf32>,
      %mul3A_1291 = arith.mulf %gather3A_1288, %gather3A_1290 : vector<16xf32>
      %add3A_1292 = arith.addf %add3A_1284, %mul3A_1291 : vector<16xf32>
      %scan3A_1293 = arith.constant 5 : i32
      %scan3A_1294 = arith.addi %scan3A_1254, %scan3A_1293 : i32
      %broadcast_in_dim3A_1295 = vector.broadcast %scan3A_1294 : i32 to vector<16xi32>
      %gather3A_1296 = tpu.vector_load_idx %arg10[%broadcast_in_dim3A_1295] : memref<32xf32, #tpu.memory_space<vmem>>[vector<16xi32>], vector<16xf32>,
      %broadcast_in_dim3A_1297 = vector.broadcast %scan3A_1294 : i32 to vector<16xi32>
      %gather3A_1298 = tpu.vector_load_idx %arg9[%add3A_1136, %broadcast_in_dim3A_1297] : memref<128x32xf32, #tpu.memory_space<vmem>>[vector<16xi32>, vector<16xi32>], vector<16xf32>,
      %mul3A_1299 = arith.mulf %gather3A_1296, %gather3A_1298 : vector<16xf32>
      %add3A_1300 = arith.addf %add3A_1292, %mul3A_1299 : vector<16xf32>
      %scan3A_1301 = arith.constant 6 : i32
      %scan3A_1302 = arith.addi %scan3A_1254, %scan3A_1301 : i32
      %broadcast_in_dim3A_1303 = vector.broadcast %scan3A_1302 : i32 to vector<16xi32>
      %gather3A_1304 = tpu.vector_load_idx %arg10[%broadcast_in_dim3A_1303] : memref<32xf32, #tpu.memory_space<vmem>>[vector<16xi32>], vector<16xf32>,
      %broadcast_in_dim3A_1305 = vector.broadcast %scan3A_1302 : i32 to vector<16xi32>
      %gather3A_1306 = tpu.vector_load_idx %arg9[%add3A_1136, %broadcast_in_dim3A_1305] : memref<128x32xf32, #tpu.memory_space<vmem>>[vector<16xi32>, vector<16xi32>], vector<16xf32>,
      %mul3A_1307 = arith.mulf %gather3A_1304, %gather3A_1306 : vector<16xf32>
      %add3A_1308 = arith.addf %add3A_1300, %mul3A_1307 : vector<16xf32>
      %scan3A_1309 = arith.constant 7 : i32
      %scan3A_1310 = arith.addi %scan3A_1254, %scan3A_1309 : i32
      %broadcast_in_dim3A_1311 = vector.broadcast %scan3A_1310 : i32 to vector<16xi32>
      %gather3A_1312 = tpu.vector_load_idx %arg10[%broadcast_in_dim3A_1311] : memref<32xf32, #tpu.memory_space<vmem>>[vector<16xi32>], vector<16xf32>,
      %broadcast_in_dim3A_1313 = vector.broadcast %scan3A_1310 : i32 to vector<16xi32>
      %gather3A_1314 = tpu.vector_load_idx %arg9[%add3A_1136, %broadcast_in_dim3A_1313] : memref<128x32xf32, #tpu.memory_space<vmem>>[vector<16xi32>, vector<16xi32>], vector<16xf32>,
      %mul3A_1315 = arith.mulf %gather3A_1312, %gather3A_1314 : vector<16xf32>
      %add3A_1316 = arith.addf %add3A_1308, %mul3A_1315 : vector<16xf32>
      scf.yield %add3A_1316 : vector<16xf32>
    }
    %scan3A_1155 = arith.constant 32 : i32
    %swap3A_1156 = arith.constant 48 : index
    %swap3A_1157 = tpu.vector_load %arg14[%swap3A_1156] {strides = array<i32>} : memref<128xf32, #tpu.memory_space<vmem>>, vector<16xf32>,
    tpu.vector_store %arg14[%swap3A_1156], %scan3A_1154 {strides = array<i32>} : memref<128xf32, #tpu.memory_space<vmem>>, vector<16xf32>,
    %add3A_1158 = arith.constant 64 : i32
    %add3A_1159 = vector.broadcast %add3A_1158 : i32 to vector<16xi32>
    %add3A_1160 = arith.addi %iota3A, %add3A_1159 : vector<16xi32>
    %scan3A_1161 = arith.constant 0 : i32
    %scan3A_1162 = arith.constant 26 : i32
    %scan3A_1163 = arith.addi %scan3A_1161, %scan3A_1162 : i32
    %scan3A_1164 = arith.constant 13 : i32
    %scan3A_1165 = scf.for %scan3A_1254 = %scan3A_1161 to %scan3A_1163 step %scan3A_1164 iter_args(%scan3A_1255 = %broadcast_in_dim3A_3) -> (vector<16xf32>)  : i32 {
      %get3A = arith.index_cast %scan3A_1254 : i32 to index
      %get3A_1256 = arith.constant 64 : index
      %get3A_1257 = tpu.vector_load %arg13[%get3A, %get3A_1256] {strides = array<i32>} : memref<52x128xf32, #tpu.memory_space<vmem>>, vector<16xf32>,
      %add3A_1258 = arith.addf %scan3A_1255, %get3A_1257 : vector<16xf32>
      %scan3A_1259 = arith.constant 1 : i32
      %scan3A_1260 = arith.addi %scan3A_1254, %scan3A_1259 : i32
      %get3A_1261 = arith.index_cast %scan3A_1260 : i32 to index
      %get3A_1262 = arith.constant 64 : index
      %get3A_1263 = tpu.vector_load %arg13[%get3A_1261, %get3A_1262] {strides = array<i32>} : memref<52x128xf32, #tpu.memory_space<vmem>>, vector<16xf32>,
      %add3A_1264 = arith.addf %add3A_1258, %get3A_1263 : vector<16xf32>
      %scan3A_1265 = arith.constant 2 : i32
      %scan3A_1266 = arith.addi %scan3A_1254, %scan3A_1265 : i32
      %get3A_1267 = arith.index_cast %scan3A_1266 : i32 to index
      %get3A_1268 = arith.constant 64 : index
      %get3A_1269 = tpu.vector_load %arg13[%get3A_1267, %get3A_1268] {strides = array<i32>} : memref<52x128xf32, #tpu.memory_space<vmem>>, vector<16xf32>,
      %add3A_1270 = arith.addf %add3A_1264, %get3A_1269 : vector<16xf32>
      %scan3A_1271 = arith.constant 3 : i32
      %scan3A_1272 = arith.addi %scan3A_1254, %scan3A_1271 : i32
      %get3A_1273 = arith.index_cast %scan3A_1272 : i32 to index
      %get3A_1274 = arith.constant 64 : index
      %get3A_1275 = tpu.vector_load %arg13[%get3A_1273, %get3A_1274] {strides = array<i32>} : memref<52x128xf32, #tpu.memory_space<vmem>>, vector<16xf32>,
      %add3A_1276 = arith.addf %add3A_1270, %get3A_1275 : vector<16xf32>
      %scan3A_1277 = arith.constant 4 : i32
      %scan3A_1278 = arith.addi %scan3A_1254, %scan3A_1277 : i32
      %get3A_1279 = arith.index_cast %scan3A_1278 : i32 to index
      %get3A_1280 = arith.constant 64 : index
      %get3A_1281 = tpu.vector_load %arg13[%get3A_1279, %get3A_1280] {strides = array<i32>} : memref<52x128xf32, #tpu.memory_space<vmem>>, vector<16xf32>,
      %add3A_1282 = arith.addf %add3A_1276, %get3A_1281 : vector<16xf32>
      %scan3A_1283 = arith.constant 5 : i32
      %scan3A_1284 = arith.addi %scan3A_1254, %scan3A_1283 : i32
      %get3A_1285 = arith.index_cast %scan3A_1284 : i32 to index
      %get3A_1286 = arith.constant 64 : index
      %get3A_1287 = tpu.vector_load %arg13[%get3A_1285, %get3A_1286] {strides = array<i32>} : memref<52x128xf32, #tpu.memory_space<vmem>>, vector<16xf32>,
      %add3A_1288 = arith.addf %add3A_1282, %get3A_1287 : vector<16xf32>
      %scan3A_1289 = arith.constant 6 : i32
      %scan3A_1290 = arith.addi %scan3A_1254, %scan3A_1289 : i32
      %get3A_1291 = arith.index_cast %scan3A_1290 : i32 to index
      %get3A_1292 = arith.constant 64 : index
      %get3A_1293 = tpu.vector_load %arg13[%get3A_1291, %get3A_1292] {strides = array<i32>} : memref<52x128xf32, #tpu.memory_space<vmem>>, vector<16xf32>,
      %add3A_1294 = arith.addf %add3A_1288, %get3A_1293 : vector<16xf32>
      %scan3A_1295 = arith.constant 7 : i32
      %scan3A_1296 = arith.addi %scan3A_1254, %scan3A_1295 : i32
      %get3A_1297 = arith.index_cast %scan3A_1296 : i32 to index
      %get3A_1298 = arith.constant 64 : index
      %get3A_1299 = tpu.vector_load %arg13[%get3A_1297, %get3A_1298] {strides = array<i32>} : memref<52x128xf32, #tpu.memory_space<vmem>>, vector<16xf32>,
      %add3A_1300 = arith.addf %add3A_1294, %get3A_1299 : vector<16xf32>
      %scan3A_1301 = arith.constant 8 : i32
      %scan3A_1302 = arith.addi %scan3A_1254, %scan3A_1301 : i32
      %get3A_1303 = arith.index_cast %scan3A_1302 : i32 to index
      %get3A_1304 = arith.constant 64 : index
      %get3A_1305 = tpu.vector_load %arg13[%get3A_1303, %get3A_1304] {strides = array<i32>} : memref<52x128xf32, #tpu.memory_space<vmem>>, vector<16xf32>,
      %add3A_1306 = arith.addf %add3A_1300, %get3A_1305 : vector<16xf32>
      %scan3A_1307 = arith.constant 9 : i32
      %scan3A_1308 = arith.addi %scan3A_1254, %scan3A_1307 : i32
      %get3A_1309 = arith.index_cast %scan3A_1308 : i32 to index
      %get3A_1310 = arith.constant 64 : index
      %get3A_1311 = tpu.vector_load %arg13[%get3A_1309, %get3A_1310] {strides = array<i32>} : memref<52x128xf32, #tpu.memory_space<vmem>>, vector<16xf32>,
      %add3A_1312 = arith.addf %add3A_1306, %get3A_1311 : vector<16xf32>
      %scan3A_1313 = arith.constant 10 : i32
      %scan3A_1314 = arith.addi %scan3A_1254, %scan3A_1313 : i32
      %get3A_1315 = arith.index_cast %scan3A_1314 : i32 to index
      %get3A_1316 = arith.constant 64 : index
      %get3A_1317 = tpu.vector_load %arg13[%get3A_1315, %get3A_1316] {strides = array<i32>} : memref<52x128xf32, #tpu.memory_space<vmem>>, vector<16xf32>,
      %add3A_1318 = arith.addf %add3A_1312, %get3A_1317 : vector<16xf32>
      %scan3A_1319 = arith.constant 11 : i32
      %scan3A_1320 = arith.addi %scan3A_1254, %scan3A_1319 : i32
      %get3A_1321 = arith.index_cast %scan3A_1320 : i32 to index
      %get3A_1322 = arith.constant 64 : index
      %get3A_1323 = tpu.vector_load %arg13[%get3A_1321, %get3A_1322] {strides = array<i32>} : memref<52x128xf32, #tpu.memory_space<vmem>>, vector<16xf32>,
      %add3A_1324 = arith.addf %add3A_1318, %get3A_1323 : vector<16xf32>
      %scan3A_1325 = arith.constant 12 : i32
      %scan3A_1326 = arith.addi %scan3A_1254, %scan3A_1325 : i32
      %get3A_1327 = arith.index_cast %scan3A_1326 : i32 to index
      %get3A_1328 = arith.constant 64 : index
      %get3A_1329 = tpu.vector_load %arg13[%get3A_1327, %get3A_1328] {strides = array<i32>} : memref<52x128xf32, #tpu.memory_space<vmem>>, vector<16xf32>,
      %add3A_1330 = arith.addf %add3A_1324, %get3A_1329 : vector<16xf32>
      scf.yield %add3A_1330 : vector<16xf32>
    }
    %scan3A_1166 = arith.constant 26 : i32
    %scan3A_1167 = arith.constant 26 : i32
    %scan3A_1168 = arith.constant 26 : i32
    %scan3A_1169 = arith.addi %scan3A_1167, %scan3A_1168 : i32
    %scan3A_1170 = arith.constant 13 : i32
    %scan3A_1171 = scf.for %scan3A_1254 = %scan3A_1167 to %scan3A_1169 step %scan3A_1170 iter_args(%scan3A_1255 = %broadcast_in_dim3A_3) -> (vector<16xf32>)  : i32 {
      %get3A = arith.index_cast %scan3A_1254 : i32 to index
      %get3A_1256 = arith.constant 64 : index
      %get3A_1257 = tpu.vector_load %arg13[%get3A, %get3A_1256] {strides = array<i32>} : memref<52x128xf32, #tpu.memory_space<vmem>>, vector<16xf32>,
      %add3A_1258 = arith.addf %scan3A_1255, %get3A_1257 : vector<16xf32>
      %scan3A_1259 = arith.constant 1 : i32
      %scan3A_1260 = arith.addi %scan3A_1254, %scan3A_1259 : i32
      %get3A_1261 = arith.index_cast %scan3A_1260 : i32 to index
      %get3A_1262 = arith.constant 64 : index
      %get3A_1263 = tpu.vector_load %arg13[%get3A_1261, %get3A_1262] {strides = array<i32>} : memref<52x128xf32, #tpu.memory_space<vmem>>, vector<16xf32>,
      %add3A_1264 = arith.addf %add3A_1258, %get3A_1263 : vector<16xf32>
      %scan3A_1265 = arith.constant 2 : i32
      %scan3A_1266 = arith.addi %scan3A_1254, %scan3A_1265 : i32
      %get3A_1267 = arith.index_cast %scan3A_1266 : i32 to index
      %get3A_1268 = arith.constant 64 : index
      %get3A_1269 = tpu.vector_load %arg13[%get3A_1267, %get3A_1268] {strides = array<i32>} : memref<52x128xf32, #tpu.memory_space<vmem>>, vector<16xf32>,
      %add3A_1270 = arith.addf %add3A_1264, %get3A_1269 : vector<16xf32>
      %scan3A_1271 = arith.constant 3 : i32
      %scan3A_1272 = arith.addi %scan3A_1254, %scan3A_1271 : i32
      %get3A_1273 = arith.index_cast %scan3A_1272 : i32 to index
      %get3A_1274 = arith.constant 64 : index
      %get3A_1275 = tpu.vector_load %arg13[%get3A_1273, %get3A_1274] {strides = array<i32>} : memref<52x128xf32, #tpu.memory_space<vmem>>, vector<16xf32>,
      %add3A_1276 = arith.addf %add3A_1270, %get3A_1275 : vector<16xf32>
      %scan3A_1277 = arith.constant 4 : i32
      %scan3A_1278 = arith.addi %scan3A_1254, %scan3A_1277 : i32
      %get3A_1279 = arith.index_cast %scan3A_1278 : i32 to index
      %get3A_1280 = arith.constant 64 : index
      %get3A_1281 = tpu.vector_load %arg13[%get3A_1279, %get3A_1280] {strides = array<i32>} : memref<52x128xf32, #tpu.memory_space<vmem>>, vector<16xf32>,
      %add3A_1282 = arith.addf %add3A_1276, %get3A_1281 : vector<16xf32>
      %scan3A_1283 = arith.constant 5 : i32
      %scan3A_1284 = arith.addi %scan3A_1254, %scan3A_1283 : i32
      %get3A_1285 = arith.index_cast %scan3A_1284 : i32 to index
      %get3A_1286 = arith.constant 64 : index
      %get3A_1287 = tpu.vector_load %arg13[%get3A_1285, %get3A_1286] {strides = array<i32>} : memref<52x128xf32, #tpu.memory_space<vmem>>, vector<16xf32>,
      %add3A_1288 = arith.addf %add3A_1282, %get3A_1287 : vector<16xf32>
      %scan3A_1289 = arith.constant 6 : i32
      %scan3A_1290 = arith.addi %scan3A_1254, %scan3A_1289 : i32
      %get3A_1291 = arith.index_cast %scan3A_1290 : i32 to index
      %get3A_1292 = arith.constant 64 : index
      %get3A_1293 = tpu.vector_load %arg13[%get3A_1291, %get3A_1292] {strides = array<i32>} : memref<52x128xf32, #tpu.memory_space<vmem>>, vector<16xf32>,
      %add3A_1294 = arith.addf %add3A_1288, %get3A_1293 : vector<16xf32>
      %scan3A_1295 = arith.constant 7 : i32
      %scan3A_1296 = arith.addi %scan3A_1254, %scan3A_1295 : i32
      %get3A_1297 = arith.index_cast %scan3A_1296 : i32 to index
      %get3A_1298 = arith.constant 64 : index
      %get3A_1299 = tpu.vector_load %arg13[%get3A_1297, %get3A_1298] {strides = array<i32>} : memref<52x128xf32, #tpu.memory_space<vmem>>, vector<16xf32>,
      %add3A_1300 = arith.addf %add3A_1294, %get3A_1299 : vector<16xf32>
      %scan3A_1301 = arith.constant 8 : i32
      %scan3A_1302 = arith.addi %scan3A_1254, %scan3A_1301 : i32
      %get3A_1303 = arith.index_cast %scan3A_1302 : i32 to index
      %get3A_1304 = arith.constant 64 : index
      %get3A_1305 = tpu.vector_load %arg13[%get3A_1303, %get3A_1304] {strides = array<i32>} : memref<52x128xf32, #tpu.memory_space<vmem>>, vector<16xf32>,
      %add3A_1306 = arith.addf %add3A_1300, %get3A_1305 : vector<16xf32>
      %scan3A_1307 = arith.constant 9 : i32
      %scan3A_1308 = arith.addi %scan3A_1254, %scan3A_1307 : i32
      %get3A_1309 = arith.index_cast %scan3A_1308 : i32 to index
      %get3A_1310 = arith.constant 64 : index
      %get3A_1311 = tpu.vector_load %arg13[%get3A_1309, %get3A_1310] {strides = array<i32>} : memref<52x128xf32, #tpu.memory_space<vmem>>, vector<16xf32>,
      %add3A_1312 = arith.addf %add3A_1306, %get3A_1311 : vector<16xf32>
      %scan3A_1313 = arith.constant 10 : i32
      %scan3A_1314 = arith.addi %scan3A_1254, %scan3A_1313 : i32
      %get3A_1315 = arith.index_cast %scan3A_1314 : i32 to index
      %get3A_1316 = arith.constant 64 : index
      %get3A_1317 = tpu.vector_load %arg13[%get3A_1315, %get3A_1316] {strides = array<i32>} : memref<52x128xf32, #tpu.memory_space<vmem>>, vector<16xf32>,
      %add3A_1318 = arith.addf %add3A_1312, %get3A_1317 : vector<16xf32>
      %scan3A_1319 = arith.constant 11 : i32
      %scan3A_1320 = arith.addi %scan3A_1254, %scan3A_1319 : i32
      %get3A_1321 = arith.index_cast %scan3A_1320 : i32 to index
      %get3A_1322 = arith.constant 64 : index
      %get3A_1323 = tpu.vector_load %arg13[%get3A_1321, %get3A_1322] {strides = array<i32>} : memref<52x128xf32, #tpu.memory_space<vmem>>, vector<16xf32>,
      %add3A_1324 = arith.addf %add3A_1318, %get3A_1323 : vector<16xf32>
      %scan3A_1325 = arith.constant 12 : i32
      %scan3A_1326 = arith.addi %scan3A_1254, %scan3A_1325 : i32
      %get3A_1327 = arith.index_cast %scan3A_1326 : i32 to index
      %get3A_1328 = arith.constant 64 : index
      %get3A_1329 = tpu.vector_load %arg13[%get3A_1327, %get3A_1328] {strides = array<i32>} : memref<52x128xf32, #tpu.memory_space<vmem>>, vector<16xf32>,
      %add3A_1330 = arith.addf %add3A_1324, %get3A_1329 : vector<16xf32>
      scf.yield %add3A_1330 : vector<16xf32>
    }
    %scan3A_1172 = arith.constant 26 : i32
    %sub3A_1173 = arith.subf %scan3A_1165, %scan3A_1171 : vector<16xf32>
    %scan3A_1174 = arith.constant 0 : i32
    %scan3A_1175 = arith.constant 32 : i32
    %scan3A_1176 = arith.addi %scan3A_1174, %scan3A_1175 : i32
    %scan3A_1177 = arith.constant 8 : i32
    %scan3A_1178 = scf.for %scan3A_1254 = %scan3A_1174 to %scan3A_1176 step %scan3A_1177 iter_args(%scan3A_1255 = %sub3A_1173) -> (vector<16xf32>)  : i32 {
      %broadcast_in_dim3A_1256 = vector.broadcast %scan3A_1254 : i32 to vector<16xi32>
      %gather3A = tpu.vector_load_idx %arg10[%broadcast_in_dim3A_1256] : memref<32xf32, #tpu.memory_space<vmem>>[vector<16xi32>], vector<16xf32>,
      %broadcast_in_dim3A_1257 = vector.broadcast %scan3A_1254 : i32 to vector<16xi32>
      %gather3A_1258 = tpu.vector_load_idx %arg9[%add3A_1160, %broadcast_in_dim3A_1257] : memref<128x32xf32, #tpu.memory_space<vmem>>[vector<16xi32>, vector<16xi32>], vector<16xf32>,
      %mul3A_1259 = arith.mulf %gather3A, %gather3A_1258 : vector<16xf32>
      %add3A_1260 = arith.addf %scan3A_1255, %mul3A_1259 : vector<16xf32>
      %scan3A_1261 = arith.constant 1 : i32
      %scan3A_1262 = arith.addi %scan3A_1254, %scan3A_1261 : i32
      %broadcast_in_dim3A_1263 = vector.broadcast %scan3A_1262 : i32 to vector<16xi32>
      %gather3A_1264 = tpu.vector_load_idx %arg10[%broadcast_in_dim3A_1263] : memref<32xf32, #tpu.memory_space<vmem>>[vector<16xi32>], vector<16xf32>,
      %broadcast_in_dim3A_1265 = vector.broadcast %scan3A_1262 : i32 to vector<16xi32>
      %gather3A_1266 = tpu.vector_load_idx %arg9[%add3A_1160, %broadcast_in_dim3A_1265] : memref<128x32xf32, #tpu.memory_space<vmem>>[vector<16xi32>, vector<16xi32>], vector<16xf32>,
      %mul3A_1267 = arith.mulf %gather3A_1264, %gather3A_1266 : vector<16xf32>
      %add3A_1268 = arith.addf %add3A_1260, %mul3A_1267 : vector<16xf32>
      %scan3A_1269 = arith.constant 2 : i32
      %scan3A_1270 = arith.addi %scan3A_1254, %scan3A_1269 : i32
      %broadcast_in_dim3A_1271 = vector.broadcast %scan3A_1270 : i32 to vector<16xi32>
      %gather3A_1272 = tpu.vector_load_idx %arg10[%broadcast_in_dim3A_1271] : memref<32xf32, #tpu.memory_space<vmem>>[vector<16xi32>], vector<16xf32>,
      %broadcast_in_dim3A_1273 = vector.broadcast %scan3A_1270 : i32 to vector<16xi32>
      %gather3A_1274 = tpu.vector_load_idx %arg9[%add3A_1160, %broadcast_in_dim3A_1273] : memref<128x32xf32, #tpu.memory_space<vmem>>[vector<16xi32>, vector<16xi32>], vector<16xf32>,
      %mul3A_1275 = arith.mulf %gather3A_1272, %gather3A_1274 : vector<16xf32>
      %add3A_1276 = arith.addf %add3A_1268, %mul3A_1275 : vector<16xf32>
      %scan3A_1277 = arith.constant 3 : i32
      %scan3A_1278 = arith.addi %scan3A_1254, %scan3A_1277 : i32
      %broadcast_in_dim3A_1279 = vector.broadcast %scan3A_1278 : i32 to vector<16xi32>
      %gather3A_1280 = tpu.vector_load_idx %arg10[%broadcast_in_dim3A_1279] : memref<32xf32, #tpu.memory_space<vmem>>[vector<16xi32>], vector<16xf32>,
      %broadcast_in_dim3A_1281 = vector.broadcast %scan3A_1278 : i32 to vector<16xi32>
      %gather3A_1282 = tpu.vector_load_idx %arg9[%add3A_1160, %broadcast_in_dim3A_1281] : memref<128x32xf32, #tpu.memory_space<vmem>>[vector<16xi32>, vector<16xi32>], vector<16xf32>,
      %mul3A_1283 = arith.mulf %gather3A_1280, %gather3A_1282 : vector<16xf32>
      %add3A_1284 = arith.addf %add3A_1276, %mul3A_1283 : vector<16xf32>
      %scan3A_1285 = arith.constant 4 : i32
      %scan3A_1286 = arith.addi %scan3A_1254, %scan3A_1285 : i32
      %broadcast_in_dim3A_1287 = vector.broadcast %scan3A_1286 : i32 to vector<16xi32>
      %gather3A_1288 = tpu.vector_load_idx %arg10[%broadcast_in_dim3A_1287] : memref<32xf32, #tpu.memory_space<vmem>>[vector<16xi32>], vector<16xf32>,
      %broadcast_in_dim3A_1289 = vector.broadcast %scan3A_1286 : i32 to vector<16xi32>
      %gather3A_1290 = tpu.vector_load_idx %arg9[%add3A_1160, %broadcast_in_dim3A_1289] : memref<128x32xf32, #tpu.memory_space<vmem>>[vector<16xi32>, vector<16xi32>], vector<16xf32>,
      %mul3A_1291 = arith.mulf %gather3A_1288, %gather3A_1290 : vector<16xf32>
      %add3A_1292 = arith.addf %add3A_1284, %mul3A_1291 : vector<16xf32>
      %scan3A_1293 = arith.constant 5 : i32
      %scan3A_1294 = arith.addi %scan3A_1254, %scan3A_1293 : i32
      %broadcast_in_dim3A_1295 = vector.broadcast %scan3A_1294 : i32 to vector<16xi32>
      %gather3A_1296 = tpu.vector_load_idx %arg10[%broadcast_in_dim3A_1295] : memref<32xf32, #tpu.memory_space<vmem>>[vector<16xi32>], vector<16xf32>,
      %broadcast_in_dim3A_1297 = vector.broadcast %scan3A_1294 : i32 to vector<16xi32>
      %gather3A_1298 = tpu.vector_load_idx %arg9[%add3A_1160, %broadcast_in_dim3A_1297] : memref<128x32xf32, #tpu.memory_space<vmem>>[vector<16xi32>, vector<16xi32>], vector<16xf32>,
      %mul3A_1299 = arith.mulf %gather3A_1296, %gather3A_1298 : vector<16xf32>
      %add3A_1300 = arith.addf %add3A_1292, %mul3A_1299 : vector<16xf32>
      %scan3A_1301 = arith.constant 6 : i32
      %scan3A_1302 = arith.addi %scan3A_1254, %scan3A_1301 : i32
      %broadcast_in_dim3A_1303 = vector.broadcast %scan3A_1302 : i32 to vector<16xi32>
      %gather3A_1304 = tpu.vector_load_idx %arg10[%broadcast_in_dim3A_1303] : memref<32xf32, #tpu.memory_space<vmem>>[vector<16xi32>], vector<16xf32>,
      %broadcast_in_dim3A_1305 = vector.broadcast %scan3A_1302 : i32 to vector<16xi32>
      %gather3A_1306 = tpu.vector_load_idx %arg9[%add3A_1160, %broadcast_in_dim3A_1305] : memref<128x32xf32, #tpu.memory_space<vmem>>[vector<16xi32>, vector<16xi32>], vector<16xf32>,
      %mul3A_1307 = arith.mulf %gather3A_1304, %gather3A_1306 : vector<16xf32>
      %add3A_1308 = arith.addf %add3A_1300, %mul3A_1307 : vector<16xf32>
      %scan3A_1309 = arith.constant 7 : i32
      %scan3A_1310 = arith.addi %scan3A_1254, %scan3A_1309 : i32
      %broadcast_in_dim3A_1311 = vector.broadcast %scan3A_1310 : i32 to vector<16xi32>
      %gather3A_1312 = tpu.vector_load_idx %arg10[%broadcast_in_dim3A_1311] : memref<32xf32, #tpu.memory_space<vmem>>[vector<16xi32>], vector<16xf32>,
      %broadcast_in_dim3A_1313 = vector.broadcast %scan3A_1310 : i32 to vector<16xi32>
      %gather3A_1314 = tpu.vector_load_idx %arg9[%add3A_1160, %broadcast_in_dim3A_1313] : memref<128x32xf32, #tpu.memory_space<vmem>>[vector<16xi32>, vector<16xi32>], vector<16xf32>,
      %mul3A_1315 = arith.mulf %gather3A_1312, %gather3A_1314 : vector<16xf32>
      %add3A_1316 = arith.addf %add3A_1308, %mul3A_1315 : vector<16xf32>
      scf.yield %add3A_1316 : vector<16xf32>
    }
    %scan3A_1179 = arith.constant 32 : i32
    %swap3A_1180 = arith.constant 64 : index
    %swap3A_1181 = tpu.vector_load %arg14[%swap3A_1180] {strides = array<i32>} : memref<128xf32, #tpu.memory_space<vmem>>, vector<16xf32>,
    tpu.vector_store %arg14[%swap3A_1180], %scan3A_1178 {strides = array<i32>} : memref<128xf32, #tpu.memory_space<vmem>>, vector<16xf32>,
    %add3A_1182 = arith.constant 80 : i32
    %add3A_1183 = vector.broadcast %add3A_1182 : i32 to vector<16xi32>
    %add3A_1184 = arith.addi %iota3A, %add3A_1183 : vector<16xi32>
    %scan3A_1185 = arith.constant 0 : i32
    %scan3A_1186 = arith.constant 26 : i32
    %scan3A_1187 = arith.addi %scan3A_1185, %scan3A_1186 : i32
    %scan3A_1188 = arith.constant 13 : i32
    %scan3A_1189 = scf.for %scan3A_1254 = %scan3A_1185 to %scan3A_1187 step %scan3A_1188 iter_args(%scan3A_1255 = %broadcast_in_dim3A_3) -> (vector<16xf32>)  : i32 {
      %get3A = arith.index_cast %scan3A_1254 : i32 to index
      %get3A_1256 = arith.constant 80 : index
      %get3A_1257 = tpu.vector_load %arg13[%get3A, %get3A_1256] {strides = array<i32>} : memref<52x128xf32, #tpu.memory_space<vmem>>, vector<16xf32>,
      %add3A_1258 = arith.addf %scan3A_1255, %get3A_1257 : vector<16xf32>
      %scan3A_1259 = arith.constant 1 : i32
      %scan3A_1260 = arith.addi %scan3A_1254, %scan3A_1259 : i32
      %get3A_1261 = arith.index_cast %scan3A_1260 : i32 to index
      %get3A_1262 = arith.constant 80 : index
      %get3A_1263 = tpu.vector_load %arg13[%get3A_1261, %get3A_1262] {strides = array<i32>} : memref<52x128xf32, #tpu.memory_space<vmem>>, vector<16xf32>,
      %add3A_1264 = arith.addf %add3A_1258, %get3A_1263 : vector<16xf32>
      %scan3A_1265 = arith.constant 2 : i32
      %scan3A_1266 = arith.addi %scan3A_1254, %scan3A_1265 : i32
      %get3A_1267 = arith.index_cast %scan3A_1266 : i32 to index
      %get3A_1268 = arith.constant 80 : index
      %get3A_1269 = tpu.vector_load %arg13[%get3A_1267, %get3A_1268] {strides = array<i32>} : memref<52x128xf32, #tpu.memory_space<vmem>>, vector<16xf32>,
      %add3A_1270 = arith.addf %add3A_1264, %get3A_1269 : vector<16xf32>
      %scan3A_1271 = arith.constant 3 : i32
      %scan3A_1272 = arith.addi %scan3A_1254, %scan3A_1271 : i32
      %get3A_1273 = arith.index_cast %scan3A_1272 : i32 to index
      %get3A_1274 = arith.constant 80 : index
      %get3A_1275 = tpu.vector_load %arg13[%get3A_1273, %get3A_1274] {strides = array<i32>} : memref<52x128xf32, #tpu.memory_space<vmem>>, vector<16xf32>,
      %add3A_1276 = arith.addf %add3A_1270, %get3A_1275 : vector<16xf32>
      %scan3A_1277 = arith.constant 4 : i32
      %scan3A_1278 = arith.addi %scan3A_1254, %scan3A_1277 : i32
      %get3A_1279 = arith.index_cast %scan3A_1278 : i32 to index
      %get3A_1280 = arith.constant 80 : index
      %get3A_1281 = tpu.vector_load %arg13[%get3A_1279, %get3A_1280] {strides = array<i32>} : memref<52x128xf32, #tpu.memory_space<vmem>>, vector<16xf32>,
      %add3A_1282 = arith.addf %add3A_1276, %get3A_1281 : vector<16xf32>
      %scan3A_1283 = arith.constant 5 : i32
      %scan3A_1284 = arith.addi %scan3A_1254, %scan3A_1283 : i32
      %get3A_1285 = arith.index_cast %scan3A_1284 : i32 to index
      %get3A_1286 = arith.constant 80 : index
      %get3A_1287 = tpu.vector_load %arg13[%get3A_1285, %get3A_1286] {strides = array<i32>} : memref<52x128xf32, #tpu.memory_space<vmem>>, vector<16xf32>,
      %add3A_1288 = arith.addf %add3A_1282, %get3A_1287 : vector<16xf32>
      %scan3A_1289 = arith.constant 6 : i32
      %scan3A_1290 = arith.addi %scan3A_1254, %scan3A_1289 : i32
      %get3A_1291 = arith.index_cast %scan3A_1290 : i32 to index
      %get3A_1292 = arith.constant 80 : index
      %get3A_1293 = tpu.vector_load %arg13[%get3A_1291, %get3A_1292] {strides = array<i32>} : memref<52x128xf32, #tpu.memory_space<vmem>>, vector<16xf32>,
      %add3A_1294 = arith.addf %add3A_1288, %get3A_1293 : vector<16xf32>
      %scan3A_1295 = arith.constant 7 : i32
      %scan3A_1296 = arith.addi %scan3A_1254, %scan3A_1295 : i32
      %get3A_1297 = arith.index_cast %scan3A_1296 : i32 to index
      %get3A_1298 = arith.constant 80 : index
      %get3A_1299 = tpu.vector_load %arg13[%get3A_1297, %get3A_1298] {strides = array<i32>} : memref<52x128xf32, #tpu.memory_space<vmem>>, vector<16xf32>,
      %add3A_1300 = arith.addf %add3A_1294, %get3A_1299 : vector<16xf32>
      %scan3A_1301 = arith.constant 8 : i32
      %scan3A_1302 = arith.addi %scan3A_1254, %scan3A_1301 : i32
      %get3A_1303 = arith.index_cast %scan3A_1302 : i32 to index
      %get3A_1304 = arith.constant 80 : index
      %get3A_1305 = tpu.vector_load %arg13[%get3A_1303, %get3A_1304] {strides = array<i32>} : memref<52x128xf32, #tpu.memory_space<vmem>>, vector<16xf32>,
      %add3A_1306 = arith.addf %add3A_1300, %get3A_1305 : vector<16xf32>
      %scan3A_1307 = arith.constant 9 : i32
      %scan3A_1308 = arith.addi %scan3A_1254, %scan3A_1307 : i32
      %get3A_1309 = arith.index_cast %scan3A_1308 : i32 to index
      %get3A_1310 = arith.constant 80 : index
      %get3A_1311 = tpu.vector_load %arg13[%get3A_1309, %get3A_1310] {strides = array<i32>} : memref<52x128xf32, #tpu.memory_space<vmem>>, vector<16xf32>,
      %add3A_1312 = arith.addf %add3A_1306, %get3A_1311 : vector<16xf32>
      %scan3A_1313 = arith.constant 10 : i32
      %scan3A_1314 = arith.addi %scan3A_1254, %scan3A_1313 : i32
      %get3A_1315 = arith.index_cast %scan3A_1314 : i32 to index
      %get3A_1316 = arith.constant 80 : index
      %get3A_1317 = tpu.vector_load %arg13[%get3A_1315, %get3A_1316] {strides = array<i32>} : memref<52x128xf32, #tpu.memory_space<vmem>>, vector<16xf32>,
      %add3A_1318 = arith.addf %add3A_1312, %get3A_1317 : vector<16xf32>
      %scan3A_1319 = arith.constant 11 : i32
      %scan3A_1320 = arith.addi %scan3A_1254, %scan3A_1319 : i32
      %get3A_1321 = arith.index_cast %scan3A_1320 : i32 to index
      %get3A_1322 = arith.constant 80 : index
      %get3A_1323 = tpu.vector_load %arg13[%get3A_1321, %get3A_1322] {strides = array<i32>} : memref<52x128xf32, #tpu.memory_space<vmem>>, vector<16xf32>,
      %add3A_1324 = arith.addf %add3A_1318, %get3A_1323 : vector<16xf32>
      %scan3A_1325 = arith.constant 12 : i32
      %scan3A_1326 = arith.addi %scan3A_1254, %scan3A_1325 : i32
      %get3A_1327 = arith.index_cast %scan3A_1326 : i32 to index
      %get3A_1328 = arith.constant 80 : index
      %get3A_1329 = tpu.vector_load %arg13[%get3A_1327, %get3A_1328] {strides = array<i32>} : memref<52x128xf32, #tpu.memory_space<vmem>>, vector<16xf32>,
      %add3A_1330 = arith.addf %add3A_1324, %get3A_1329 : vector<16xf32>
      scf.yield %add3A_1330 : vector<16xf32>
    }
    %scan3A_1190 = arith.constant 26 : i32
    %scan3A_1191 = arith.constant 26 : i32
    %scan3A_1192 = arith.constant 26 : i32
    %scan3A_1193 = arith.addi %scan3A_1191, %scan3A_1192 : i32
    %scan3A_1194 = arith.constant 13 : i32
    %scan3A_1195 = scf.for %scan3A_1254 = %scan3A_1191 to %scan3A_1193 step %scan3A_1194 iter_args(%scan3A_1255 = %broadcast_in_dim3A_3) -> (vector<16xf32>)  : i32 {
      %get3A = arith.index_cast %scan3A_1254 : i32 to index
      %get3A_1256 = arith.constant 80 : index
      %get3A_1257 = tpu.vector_load %arg13[%get3A, %get3A_1256] {strides = array<i32>} : memref<52x128xf32, #tpu.memory_space<vmem>>, vector<16xf32>,
      %add3A_1258 = arith.addf %scan3A_1255, %get3A_1257 : vector<16xf32>
      %scan3A_1259 = arith.constant 1 : i32
      %scan3A_1260 = arith.addi %scan3A_1254, %scan3A_1259 : i32
      %get3A_1261 = arith.index_cast %scan3A_1260 : i32 to index
      %get3A_1262 = arith.constant 80 : index
      %get3A_1263 = tpu.vector_load %arg13[%get3A_1261, %get3A_1262] {strides = array<i32>} : memref<52x128xf32, #tpu.memory_space<vmem>>, vector<16xf32>,
      %add3A_1264 = arith.addf %add3A_1258, %get3A_1263 : vector<16xf32>
      %scan3A_1265 = arith.constant 2 : i32
      %scan3A_1266 = arith.addi %scan3A_1254, %scan3A_1265 : i32
      %get3A_1267 = arith.index_cast %scan3A_1266 : i32 to index
      %get3A_1268 = arith.constant 80 : index
      %get3A_1269 = tpu.vector_load %arg13[%get3A_1267, %get3A_1268] {strides = array<i32>} : memref<52x128xf32, #tpu.memory_space<vmem>>, vector<16xf32>,
      %add3A_1270 = arith.addf %add3A_1264, %get3A_1269 : vector<16xf32>
      %scan3A_1271 = arith.constant 3 : i32
      %scan3A_1272 = arith.addi %scan3A_1254, %scan3A_1271 : i32
      %get3A_1273 = arith.index_cast %scan3A_1272 : i32 to index
      %get3A_1274 = arith.constant 80 : index
      %get3A_1275 = tpu.vector_load %arg13[%get3A_1273, %get3A_1274] {strides = array<i32>} : memref<52x128xf32, #tpu.memory_space<vmem>>, vector<16xf32>,
      %add3A_1276 = arith.addf %add3A_1270, %get3A_1275 : vector<16xf32>
      %scan3A_1277 = arith.constant 4 : i32
      %scan3A_1278 = arith.addi %scan3A_1254, %scan3A_1277 : i32
      %get3A_1279 = arith.index_cast %scan3A_1278 : i32 to index
      %get3A_1280 = arith.constant 80 : index
      %get3A_1281 = tpu.vector_load %arg13[%get3A_1279, %get3A_1280] {strides = array<i32>} : memref<52x128xf32, #tpu.memory_space<vmem>>, vector<16xf32>,
      %add3A_1282 = arith.addf %add3A_1276, %get3A_1281 : vector<16xf32>
      %scan3A_1283 = arith.constant 5 : i32
      %scan3A_1284 = arith.addi %scan3A_1254, %scan3A_1283 : i32
      %get3A_1285 = arith.index_cast %scan3A_1284 : i32 to index
      %get3A_1286 = arith.constant 80 : index
      %get3A_1287 = tpu.vector_load %arg13[%get3A_1285, %get3A_1286] {strides = array<i32>} : memref<52x128xf32, #tpu.memory_space<vmem>>, vector<16xf32>,
      %add3A_1288 = arith.addf %add3A_1282, %get3A_1287 : vector<16xf32>
      %scan3A_1289 = arith.constant 6 : i32
      %scan3A_1290 = arith.addi %scan3A_1254, %scan3A_1289 : i32
      %get3A_1291 = arith.index_cast %scan3A_1290 : i32 to index
      %get3A_1292 = arith.constant 80 : index
      %get3A_1293 = tpu.vector_load %arg13[%get3A_1291, %get3A_1292] {strides = array<i32>} : memref<52x128xf32, #tpu.memory_space<vmem>>, vector<16xf32>,
      %add3A_1294 = arith.addf %add3A_1288, %get3A_1293 : vector<16xf32>
      %scan3A_1295 = arith.constant 7 : i32
      %scan3A_1296 = arith.addi %scan3A_1254, %scan3A_1295 : i32
      %get3A_1297 = arith.index_cast %scan3A_1296 : i32 to index
      %get3A_1298 = arith.constant 80 : index
      %get3A_1299 = tpu.vector_load %arg13[%get3A_1297, %get3A_1298] {strides = array<i32>} : memref<52x128xf32, #tpu.memory_space<vmem>>, vector<16xf32>,
      %add3A_1300 = arith.addf %add3A_1294, %get3A_1299 : vector<16xf32>
      %scan3A_1301 = arith.constant 8 : i32
      %scan3A_1302 = arith.addi %scan3A_1254, %scan3A_1301 : i32
      %get3A_1303 = arith.index_cast %scan3A_1302 : i32 to index
      %get3A_1304 = arith.constant 80 : index
      %get3A_1305 = tpu.vector_load %arg13[%get3A_1303, %get3A_1304] {strides = array<i32>} : memref<52x128xf32, #tpu.memory_space<vmem>>, vector<16xf32>,
      %add3A_1306 = arith.addf %add3A_1300, %get3A_1305 : vector<16xf32>
      %scan3A_1307 = arith.constant 9 : i32
      %scan3A_1308 = arith.addi %scan3A_1254, %scan3A_1307 : i32
      %get3A_1309 = arith.index_cast %scan3A_1308 : i32 to index
      %get3A_1310 = arith.constant 80 : index
      %get3A_1311 = tpu.vector_load %arg13[%get3A_1309, %get3A_1310] {strides = array<i32>} : memref<52x128xf32, #tpu.memory_space<vmem>>, vector<16xf32>,
      %add3A_1312 = arith.addf %add3A_1306, %get3A_1311 : vector<16xf32>
      %scan3A_1313 = arith.constant 10 : i32
      %scan3A_1314 = arith.addi %scan3A_1254, %scan3A_1313 : i32
      %get3A_1315 = arith.index_cast %scan3A_1314 : i32 to index
      %get3A_1316 = arith.constant 80 : index
      %get3A_1317 = tpu.vector_load %arg13[%get3A_1315, %get3A_1316] {strides = array<i32>} : memref<52x128xf32, #tpu.memory_space<vmem>>, vector<16xf32>,
      %add3A_1318 = arith.addf %add3A_1312, %get3A_1317 : vector<16xf32>
      %scan3A_1319 = arith.constant 11 : i32
      %scan3A_1320 = arith.addi %scan3A_1254, %scan3A_1319 : i32
      %get3A_1321 = arith.index_cast %scan3A_1320 : i32 to index
      %get3A_1322 = arith.constant 80 : index
      %get3A_1323 = tpu.vector_load %arg13[%get3A_1321, %get3A_1322] {strides = array<i32>} : memref<52x128xf32, #tpu.memory_space<vmem>>, vector<16xf32>,
      %add3A_1324 = arith.addf %add3A_1318, %get3A_1323 : vector<16xf32>
      %scan3A_1325 = arith.constant 12 : i32
      %scan3A_1326 = arith.addi %scan3A_1254, %scan3A_1325 : i32
      %get3A_1327 = arith.index_cast %scan3A_1326 : i32 to index
      %get3A_1328 = arith.constant 80 : index
      %get3A_1329 = tpu.vector_load %arg13[%get3A_1327, %get3A_1328] {strides = array<i32>} : memref<52x128xf32, #tpu.memory_space<vmem>>, vector<16xf32>,
      %add3A_1330 = arith.addf %add3A_1324, %get3A_1329 : vector<16xf32>
      scf.yield %add3A_1330 : vector<16xf32>
    }
    %scan3A_1196 = arith.constant 26 : i32
    %sub3A_1197 = arith.subf %scan3A_1189, %scan3A_1195 : vector<16xf32>
    %scan3A_1198 = arith.constant 0 : i32
    %scan3A_1199 = arith.constant 32 : i32
    %scan3A_1200 = arith.addi %scan3A_1198, %scan3A_1199 : i32
    %scan3A_1201 = arith.constant 8 : i32
    %scan3A_1202 = scf.for %scan3A_1254 = %scan3A_1198 to %scan3A_1200 step %scan3A_1201 iter_args(%scan3A_1255 = %sub3A_1197) -> (vector<16xf32>)  : i32 {
      %broadcast_in_dim3A_1256 = vector.broadcast %scan3A_1254 : i32 to vector<16xi32>
      %gather3A = tpu.vector_load_idx %arg10[%broadcast_in_dim3A_1256] : memref<32xf32, #tpu.memory_space<vmem>>[vector<16xi32>], vector<16xf32>,
      %broadcast_in_dim3A_1257 = vector.broadcast %scan3A_1254 : i32 to vector<16xi32>
      %gather3A_1258 = tpu.vector_load_idx %arg9[%add3A_1184, %broadcast_in_dim3A_1257] : memref<128x32xf32, #tpu.memory_space<vmem>>[vector<16xi32>, vector<16xi32>], vector<16xf32>,
      %mul3A_1259 = arith.mulf %gather3A, %gather3A_1258 : vector<16xf32>
      %add3A_1260 = arith.addf %scan3A_1255, %mul3A_1259 : vector<16xf32>
      %scan3A_1261 = arith.constant 1 : i32
      %scan3A_1262 = arith.addi %scan3A_1254, %scan3A_1261 : i32
      %broadcast_in_dim3A_1263 = vector.broadcast %scan3A_1262 : i32 to vector<16xi32>
      %gather3A_1264 = tpu.vector_load_idx %arg10[%broadcast_in_dim3A_1263] : memref<32xf32, #tpu.memory_space<vmem>>[vector<16xi32>], vector<16xf32>,
      %broadcast_in_dim3A_1265 = vector.broadcast %scan3A_1262 : i32 to vector<16xi32>
      %gather3A_1266 = tpu.vector_load_idx %arg9[%add3A_1184, %broadcast_in_dim3A_1265] : memref<128x32xf32, #tpu.memory_space<vmem>>[vector<16xi32>, vector<16xi32>], vector<16xf32>,
      %mul3A_1267 = arith.mulf %gather3A_1264, %gather3A_1266 : vector<16xf32>
      %add3A_1268 = arith.addf %add3A_1260, %mul3A_1267 : vector<16xf32>
      %scan3A_1269 = arith.constant 2 : i32
      %scan3A_1270 = arith.addi %scan3A_1254, %scan3A_1269 : i32
      %broadcast_in_dim3A_1271 = vector.broadcast %scan3A_1270 : i32 to vector<16xi32>
      %gather3A_1272 = tpu.vector_load_idx %arg10[%broadcast_in_dim3A_1271] : memref<32xf32, #tpu.memory_space<vmem>>[vector<16xi32>], vector<16xf32>,
      %broadcast_in_dim3A_1273 = vector.broadcast %scan3A_1270 : i32 to vector<16xi32>
      %gather3A_1274 = tpu.vector_load_idx %arg9[%add3A_1184, %broadcast_in_dim3A_1273] : memref<128x32xf32, #tpu.memory_space<vmem>>[vector<16xi32>, vector<16xi32>], vector<16xf32>,
      %mul3A_1275 = arith.mulf %gather3A_1272, %gather3A_1274 : vector<16xf32>
      %add3A_1276 = arith.addf %add3A_1268, %mul3A_1275 : vector<16xf32>
      %scan3A_1277 = arith.constant 3 : i32
      %scan3A_1278 = arith.addi %scan3A_1254, %scan3A_1277 : i32
      %broadcast_in_dim3A_1279 = vector.broadcast %scan3A_1278 : i32 to vector<16xi32>
      %gather3A_1280 = tpu.vector_load_idx %arg10[%broadcast_in_dim3A_1279] : memref<32xf32, #tpu.memory_space<vmem>>[vector<16xi32>], vector<16xf32>,
      %broadcast_in_dim3A_1281 = vector.broadcast %scan3A_1278 : i32 to vector<16xi32>
      %gather3A_1282 = tpu.vector_load_idx %arg9[%add3A_1184, %broadcast_in_dim3A_1281] : memref<128x32xf32, #tpu.memory_space<vmem>>[vector<16xi32>, vector<16xi32>], vector<16xf32>,
      %mul3A_1283 = arith.mulf %gather3A_1280, %gather3A_1282 : vector<16xf32>
      %add3A_1284 = arith.addf %add3A_1276, %mul3A_1283 : vector<16xf32>
      %scan3A_1285 = arith.constant 4 : i32
      %scan3A_1286 = arith.addi %scan3A_1254, %scan3A_1285 : i32
      %broadcast_in_dim3A_1287 = vector.broadcast %scan3A_1286 : i32 to vector<16xi32>
      %gather3A_1288 = tpu.vector_load_idx %arg10[%broadcast_in_dim3A_1287] : memref<32xf32, #tpu.memory_space<vmem>>[vector<16xi32>], vector<16xf32>,
      %broadcast_in_dim3A_1289 = vector.broadcast %scan3A_1286 : i32 to vector<16xi32>
      %gather3A_1290 = tpu.vector_load_idx %arg9[%add3A_1184, %broadcast_in_dim3A_1289] : memref<128x32xf32, #tpu.memory_space<vmem>>[vector<16xi32>, vector<16xi32>], vector<16xf32>,
      %mul3A_1291 = arith.mulf %gather3A_1288, %gather3A_1290 : vector<16xf32>
      %add3A_1292 = arith.addf %add3A_1284, %mul3A_1291 : vector<16xf32>
      %scan3A_1293 = arith.constant 5 : i32
      %scan3A_1294 = arith.addi %scan3A_1254, %scan3A_1293 : i32
      %broadcast_in_dim3A_1295 = vector.broadcast %scan3A_1294 : i32 to vector<16xi32>
      %gather3A_1296 = tpu.vector_load_idx %arg10[%broadcast_in_dim3A_1295] : memref<32xf32, #tpu.memory_space<vmem>>[vector<16xi32>], vector<16xf32>,
      %broadcast_in_dim3A_1297 = vector.broadcast %scan3A_1294 : i32 to vector<16xi32>
      %gather3A_1298 = tpu.vector_load_idx %arg9[%add3A_1184, %broadcast_in_dim3A_1297] : memref<128x32xf32, #tpu.memory_space<vmem>>[vector<16xi32>, vector<16xi32>], vector<16xf32>,
      %mul3A_1299 = arith.mulf %gather3A_1296, %gather3A_1298 : vector<16xf32>
      %add3A_1300 = arith.addf %add3A_1292, %mul3A_1299 : vector<16xf32>
      %scan3A_1301 = arith.constant 6 : i32
      %scan3A_1302 = arith.addi %scan3A_1254, %scan3A_1301 : i32
      %broadcast_in_dim3A_1303 = vector.broadcast %scan3A_1302 : i32 to vector<16xi32>
      %gather3A_1304 = tpu.vector_load_idx %arg10[%broadcast_in_dim3A_1303] : memref<32xf32, #tpu.memory_space<vmem>>[vector<16xi32>], vector<16xf32>,
      %broadcast_in_dim3A_1305 = vector.broadcast %scan3A_1302 : i32 to vector<16xi32>
      %gather3A_1306 = tpu.vector_load_idx %arg9[%add3A_1184, %broadcast_in_dim3A_1305] : memref<128x32xf32, #tpu.memory_space<vmem>>[vector<16xi32>, vector<16xi32>], vector<16xf32>,
      %mul3A_1307 = arith.mulf %gather3A_1304, %gather3A_1306 : vector<16xf32>
      %add3A_1308 = arith.addf %add3A_1300, %mul3A_1307 : vector<16xf32>
      %scan3A_1309 = arith.constant 7 : i32
      %scan3A_1310 = arith.addi %scan3A_1254, %scan3A_1309 : i32
      %broadcast_in_dim3A_1311 = vector.broadcast %scan3A_1310 : i32 to vector<16xi32>
      %gather3A_1312 = tpu.vector_load_idx %arg10[%broadcast_in_dim3A_1311] : memref<32xf32, #tpu.memory_space<vmem>>[vector<16xi32>], vector<16xf32>,
      %broadcast_in_dim3A_1313 = vector.broadcast %scan3A_1310 : i32 to vector<16xi32>
      %gather3A_1314 = tpu.vector_load_idx %arg9[%add3A_1184, %broadcast_in_dim3A_1313] : memref<128x32xf32, #tpu.memory_space<vmem>>[vector<16xi32>, vector<16xi32>], vector<16xf32>,
      %mul3A_1315 = arith.mulf %gather3A_1312, %gather3A_1314 : vector<16xf32>
      %add3A_1316 = arith.addf %add3A_1308, %mul3A_1315 : vector<16xf32>
      scf.yield %add3A_1316 : vector<16xf32>
    }
    %scan3A_1203 = arith.constant 32 : i32
    %swap3A_1204 = arith.constant 80 : index
    %swap3A_1205 = tpu.vector_load %arg14[%swap3A_1204] {strides = array<i32>} : memref<128xf32, #tpu.memory_space<vmem>>, vector<16xf32>,
    tpu.vector_store %arg14[%swap3A_1204], %scan3A_1202 {strides = array<i32>} : memref<128xf32, #tpu.memory_space<vmem>>, vector<16xf32>,
    %add3A_1206 = arith.constant 96 : i32
    %add3A_1207 = vector.broadcast %add3A_1206 : i32 to vector<16xi32>
    %add3A_1208 = arith.addi %iota3A, %add3A_1207 : vector<16xi32>
    %scan3A_1209 = arith.constant 0 : i32
    %scan3A_1210 = arith.constant 26 : i32
    %scan3A_1211 = arith.addi %scan3A_1209, %scan3A_1210 : i32
    %scan3A_1212 = arith.constant 13 : i32
    %scan3A_1213 = scf.for %scan3A_1254 = %scan3A_1209 to %scan3A_1211 step %scan3A_1212 iter_args(%scan3A_1255 = %broadcast_in_dim3A_3) -> (vector<16xf32>)  : i32 {
      %get3A = arith.index_cast %scan3A_1254 : i32 to index
      %get3A_1256 = arith.constant 96 : index
      %get3A_1257 = tpu.vector_load %arg13[%get3A, %get3A_1256] {strides = array<i32>} : memref<52x128xf32, #tpu.memory_space<vmem>>, vector<16xf32>,
      %add3A_1258 = arith.addf %scan3A_1255, %get3A_1257 : vector<16xf32>
      %scan3A_1259 = arith.constant 1 : i32
      %scan3A_1260 = arith.addi %scan3A_1254, %scan3A_1259 : i32
      %get3A_1261 = arith.index_cast %scan3A_1260 : i32 to index
      %get3A_1262 = arith.constant 96 : index
      %get3A_1263 = tpu.vector_load %arg13[%get3A_1261, %get3A_1262] {strides = array<i32>} : memref<52x128xf32, #tpu.memory_space<vmem>>, vector<16xf32>,
      %add3A_1264 = arith.addf %add3A_1258, %get3A_1263 : vector<16xf32>
      %scan3A_1265 = arith.constant 2 : i32
      %scan3A_1266 = arith.addi %scan3A_1254, %scan3A_1265 : i32
      %get3A_1267 = arith.index_cast %scan3A_1266 : i32 to index
      %get3A_1268 = arith.constant 96 : index
      %get3A_1269 = tpu.vector_load %arg13[%get3A_1267, %get3A_1268] {strides = array<i32>} : memref<52x128xf32, #tpu.memory_space<vmem>>, vector<16xf32>,
      %add3A_1270 = arith.addf %add3A_1264, %get3A_1269 : vector<16xf32>
      %scan3A_1271 = arith.constant 3 : i32
      %scan3A_1272 = arith.addi %scan3A_1254, %scan3A_1271 : i32
      %get3A_1273 = arith.index_cast %scan3A_1272 : i32 to index
      %get3A_1274 = arith.constant 96 : index
      %get3A_1275 = tpu.vector_load %arg13[%get3A_1273, %get3A_1274] {strides = array<i32>} : memref<52x128xf32, #tpu.memory_space<vmem>>, vector<16xf32>,
      %add3A_1276 = arith.addf %add3A_1270, %get3A_1275 : vector<16xf32>
      %scan3A_1277 = arith.constant 4 : i32
      %scan3A_1278 = arith.addi %scan3A_1254, %scan3A_1277 : i32
      %get3A_1279 = arith.index_cast %scan3A_1278 : i32 to index
      %get3A_1280 = arith.constant 96 : index
      %get3A_1281 = tpu.vector_load %arg13[%get3A_1279, %get3A_1280] {strides = array<i32>} : memref<52x128xf32, #tpu.memory_space<vmem>>, vector<16xf32>,
      %add3A_1282 = arith.addf %add3A_1276, %get3A_1281 : vector<16xf32>
      %scan3A_1283 = arith.constant 5 : i32
      %scan3A_1284 = arith.addi %scan3A_1254, %scan3A_1283 : i32
      %get3A_1285 = arith.index_cast %scan3A_1284 : i32 to index
      %get3A_1286 = arith.constant 96 : index
      %get3A_1287 = tpu.vector_load %arg13[%get3A_1285, %get3A_1286] {strides = array<i32>} : memref<52x128xf32, #tpu.memory_space<vmem>>, vector<16xf32>,
      %add3A_1288 = arith.addf %add3A_1282, %get3A_1287 : vector<16xf32>
      %scan3A_1289 = arith.constant 6 : i32
      %scan3A_1290 = arith.addi %scan3A_1254, %scan3A_1289 : i32
      %get3A_1291 = arith.index_cast %scan3A_1290 : i32 to index
      %get3A_1292 = arith.constant 96 : index
      %get3A_1293 = tpu.vector_load %arg13[%get3A_1291, %get3A_1292] {strides = array<i32>} : memref<52x128xf32, #tpu.memory_space<vmem>>, vector<16xf32>,
      %add3A_1294 = arith.addf %add3A_1288, %get3A_1293 : vector<16xf32>
      %scan3A_1295 = arith.constant 7 : i32
      %scan3A_1296 = arith.addi %scan3A_1254, %scan3A_1295 : i32
      %get3A_1297 = arith.index_cast %scan3A_1296 : i32 to index
      %get3A_1298 = arith.constant 96 : index
      %get3A_1299 = tpu.vector_load %arg13[%get3A_1297, %get3A_1298] {strides = array<i32>} : memref<52x128xf32, #tpu.memory_space<vmem>>, vector<16xf32>,
      %add3A_1300 = arith.addf %add3A_1294, %get3A_1299 : vector<16xf32>
      %scan3A_1301 = arith.constant 8 : i32
      %scan3A_1302 = arith.addi %scan3A_1254, %scan3A_1301 : i32
      %get3A_1303 = arith.index_cast %scan3A_1302 : i32 to index
      %get3A_1304 = arith.constant 96 : index
      %get3A_1305 = tpu.vector_load %arg13[%get3A_1303, %get3A_1304] {strides = array<i32>} : memref<52x128xf32, #tpu.memory_space<vmem>>, vector<16xf32>,
      %add3A_1306 = arith.addf %add3A_1300, %get3A_1305 : vector<16xf32>
      %scan3A_1307 = arith.constant 9 : i32
      %scan3A_1308 = arith.addi %scan3A_1254, %scan3A_1307 : i32
      %get3A_1309 = arith.index_cast %scan3A_1308 : i32 to index
      %get3A_1310 = arith.constant 96 : index
      %get3A_1311 = tpu.vector_load %arg13[%get3A_1309, %get3A_1310] {strides = array<i32>} : memref<52x128xf32, #tpu.memory_space<vmem>>, vector<16xf32>,
      %add3A_1312 = arith.addf %add3A_1306, %get3A_1311 : vector<16xf32>
      %scan3A_1313 = arith.constant 10 : i32
      %scan3A_1314 = arith.addi %scan3A_1254, %scan3A_1313 : i32
      %get3A_1315 = arith.index_cast %scan3A_1314 : i32 to index
      %get3A_1316 = arith.constant 96 : index
      %get3A_1317 = tpu.vector_load %arg13[%get3A_1315, %get3A_1316] {strides = array<i32>} : memref<52x128xf32, #tpu.memory_space<vmem>>, vector<16xf32>,
      %add3A_1318 = arith.addf %add3A_1312, %get3A_1317 : vector<16xf32>
      %scan3A_1319 = arith.constant 11 : i32
      %scan3A_1320 = arith.addi %scan3A_1254, %scan3A_1319 : i32
      %get3A_1321 = arith.index_cast %scan3A_1320 : i32 to index
      %get3A_1322 = arith.constant 96 : index
      %get3A_1323 = tpu.vector_load %arg13[%get3A_1321, %get3A_1322] {strides = array<i32>} : memref<52x128xf32, #tpu.memory_space<vmem>>, vector<16xf32>,
      %add3A_1324 = arith.addf %add3A_1318, %get3A_1323 : vector<16xf32>
      %scan3A_1325 = arith.constant 12 : i32
      %scan3A_1326 = arith.addi %scan3A_1254, %scan3A_1325 : i32
      %get3A_1327 = arith.index_cast %scan3A_1326 : i32 to index
      %get3A_1328 = arith.constant 96 : index
      %get3A_1329 = tpu.vector_load %arg13[%get3A_1327, %get3A_1328] {strides = array<i32>} : memref<52x128xf32, #tpu.memory_space<vmem>>, vector<16xf32>,
      %add3A_1330 = arith.addf %add3A_1324, %get3A_1329 : vector<16xf32>
      scf.yield %add3A_1330 : vector<16xf32>
    }
    %scan3A_1214 = arith.constant 26 : i32
    %scan3A_1215 = arith.constant 26 : i32
    %scan3A_1216 = arith.constant 26 : i32
    %scan3A_1217 = arith.addi %scan3A_1215, %scan3A_1216 : i32
    %scan3A_1218 = arith.constant 13 : i32
    %scan3A_1219 = scf.for %scan3A_1254 = %scan3A_1215 to %scan3A_1217 step %scan3A_1218 iter_args(%scan3A_1255 = %broadcast_in_dim3A_3) -> (vector<16xf32>)  : i32 {
      %get3A = arith.index_cast %scan3A_1254 : i32 to index
      %get3A_1256 = arith.constant 96 : index
      %get3A_1257 = tpu.vector_load %arg13[%get3A, %get3A_1256] {strides = array<i32>} : memref<52x128xf32, #tpu.memory_space<vmem>>, vector<16xf32>,
      %add3A_1258 = arith.addf %scan3A_1255, %get3A_1257 : vector<16xf32>
      %scan3A_1259 = arith.constant 1 : i32
      %scan3A_1260 = arith.addi %scan3A_1254, %scan3A_1259 : i32
      %get3A_1261 = arith.index_cast %scan3A_1260 : i32 to index
      %get3A_1262 = arith.constant 96 : index
      %get3A_1263 = tpu.vector_load %arg13[%get3A_1261, %get3A_1262] {strides = array<i32>} : memref<52x128xf32, #tpu.memory_space<vmem>>, vector<16xf32>,
      %add3A_1264 = arith.addf %add3A_1258, %get3A_1263 : vector<16xf32>
      %scan3A_1265 = arith.constant 2 : i32
      %scan3A_1266 = arith.addi %scan3A_1254, %scan3A_1265 : i32
      %get3A_1267 = arith.index_cast %scan3A_1266 : i32 to index
      %get3A_1268 = arith.constant 96 : index
      %get3A_1269 = tpu.vector_load %arg13[%get3A_1267, %get3A_1268] {strides = array<i32>} : memref<52x128xf32, #tpu.memory_space<vmem>>, vector<16xf32>,
      %add3A_1270 = arith.addf %add3A_1264, %get3A_1269 : vector<16xf32>
      %scan3A_1271 = arith.constant 3 : i32
      %scan3A_1272 = arith.addi %scan3A_1254, %scan3A_1271 : i32
      %get3A_1273 = arith.index_cast %scan3A_1272 : i32 to index
      %get3A_1274 = arith.constant 96 : index
      %get3A_1275 = tpu.vector_load %arg13[%get3A_1273, %get3A_1274] {strides = array<i32>} : memref<52x128xf32, #tpu.memory_space<vmem>>, vector<16xf32>,
      %add3A_1276 = arith.addf %add3A_1270, %get3A_1275 : vector<16xf32>
      %scan3A_1277 = arith.constant 4 : i32
      %scan3A_1278 = arith.addi %scan3A_1254, %scan3A_1277 : i32
      %get3A_1279 = arith.index_cast %scan3A_1278 : i32 to index
      %get3A_1280 = arith.constant 96 : index
      %get3A_1281 = tpu.vector_load %arg13[%get3A_1279, %get3A_1280] {strides = array<i32>} : memref<52x128xf32, #tpu.memory_space<vmem>>, vector<16xf32>,
      %add3A_1282 = arith.addf %add3A_1276, %get3A_1281 : vector<16xf32>
      %scan3A_1283 = arith.constant 5 : i32
      %scan3A_1284 = arith.addi %scan3A_1254, %scan3A_1283 : i32
      %get3A_1285 = arith.index_cast %scan3A_1284 : i32 to index
      %get3A_1286 = arith.constant 96 : index
      %get3A_1287 = tpu.vector_load %arg13[%get3A_1285, %get3A_1286] {strides = array<i32>} : memref<52x128xf32, #tpu.memory_space<vmem>>, vector<16xf32>,
      %add3A_1288 = arith.addf %add3A_1282, %get3A_1287 : vector<16xf32>
      %scan3A_1289 = arith.constant 6 : i32
      %scan3A_1290 = arith.addi %scan3A_1254, %scan3A_1289 : i32
      %get3A_1291 = arith.index_cast %scan3A_1290 : i32 to index
      %get3A_1292 = arith.constant 96 : index
      %get3A_1293 = tpu.vector_load %arg13[%get3A_1291, %get3A_1292] {strides = array<i32>} : memref<52x128xf32, #tpu.memory_space<vmem>>, vector<16xf32>,
      %add3A_1294 = arith.addf %add3A_1288, %get3A_1293 : vector<16xf32>
      %scan3A_1295 = arith.constant 7 : i32
      %scan3A_1296 = arith.addi %scan3A_1254, %scan3A_1295 : i32
      %get3A_1297 = arith.index_cast %scan3A_1296 : i32 to index
      %get3A_1298 = arith.constant 96 : index
      %get3A_1299 = tpu.vector_load %arg13[%get3A_1297, %get3A_1298] {strides = array<i32>} : memref<52x128xf32, #tpu.memory_space<vmem>>, vector<16xf32>,
      %add3A_1300 = arith.addf %add3A_1294, %get3A_1299 : vector<16xf32>
      %scan3A_1301 = arith.constant 8 : i32
      %scan3A_1302 = arith.addi %scan3A_1254, %scan3A_1301 : i32
      %get3A_1303 = arith.index_cast %scan3A_1302 : i32 to index
      %get3A_1304 = arith.constant 96 : index
      %get3A_1305 = tpu.vector_load %arg13[%get3A_1303, %get3A_1304] {strides = array<i32>} : memref<52x128xf32, #tpu.memory_space<vmem>>, vector<16xf32>,
      %add3A_1306 = arith.addf %add3A_1300, %get3A_1305 : vector<16xf32>
      %scan3A_1307 = arith.constant 9 : i32
      %scan3A_1308 = arith.addi %scan3A_1254, %scan3A_1307 : i32
      %get3A_1309 = arith.index_cast %scan3A_1308 : i32 to index
      %get3A_1310 = arith.constant 96 : index
      %get3A_1311 = tpu.vector_load %arg13[%get3A_1309, %get3A_1310] {strides = array<i32>} : memref<52x128xf32, #tpu.memory_space<vmem>>, vector<16xf32>,
      %add3A_1312 = arith.addf %add3A_1306, %get3A_1311 : vector<16xf32>
      %scan3A_1313 = arith.constant 10 : i32
      %scan3A_1314 = arith.addi %scan3A_1254, %scan3A_1313 : i32
      %get3A_1315 = arith.index_cast %scan3A_1314 : i32 to index
      %get3A_1316 = arith.constant 96 : index
      %get3A_1317 = tpu.vector_load %arg13[%get3A_1315, %get3A_1316] {strides = array<i32>} : memref<52x128xf32, #tpu.memory_space<vmem>>, vector<16xf32>,
      %add3A_1318 = arith.addf %add3A_1312, %get3A_1317 : vector<16xf32>
      %scan3A_1319 = arith.constant 11 : i32
      %scan3A_1320 = arith.addi %scan3A_1254, %scan3A_1319 : i32
      %get3A_1321 = arith.index_cast %scan3A_1320 : i32 to index
      %get3A_1322 = arith.constant 96 : index
      %get3A_1323 = tpu.vector_load %arg13[%get3A_1321, %get3A_1322] {strides = array<i32>} : memref<52x128xf32, #tpu.memory_space<vmem>>, vector<16xf32>,
      %add3A_1324 = arith.addf %add3A_1318, %get3A_1323 : vector<16xf32>
      %scan3A_1325 = arith.constant 12 : i32
      %scan3A_1326 = arith.addi %scan3A_1254, %scan3A_1325 : i32
      %get3A_1327 = arith.index_cast %scan3A_1326 : i32 to index
      %get3A_1328 = arith.constant 96 : index
      %get3A_1329 = tpu.vector_load %arg13[%get3A_1327, %get3A_1328] {strides = array<i32>} : memref<52x128xf32, #tpu.memory_space<vmem>>, vector<16xf32>,
      %add3A_1330 = arith.addf %add3A_1324, %get3A_1329 : vector<16xf32>
      scf.yield %add3A_1330 : vector<16xf32>
    }
    %scan3A_1220 = arith.constant 26 : i32
    %sub3A_1221 = arith.subf %scan3A_1213, %scan3A_1219 : vector<16xf32>
    %scan3A_1222 = arith.constant 0 : i32
    %scan3A_1223 = arith.constant 32 : i32
    %scan3A_1224 = arith.addi %scan3A_1222, %scan3A_1223 : i32
    %scan3A_1225 = arith.constant 8 : i32
    %scan3A_1226 = scf.for %scan3A_1254 = %scan3A_1222 to %scan3A_1224 step %scan3A_1225 iter_args(%scan3A_1255 = %sub3A_1221) -> (vector<16xf32>)  : i32 {
      %broadcast_in_dim3A_1256 = vector.broadcast %scan3A_1254 : i32 to vector<16xi32>
      %gather3A = tpu.vector_load_idx %arg10[%broadcast_in_dim3A_1256] : memref<32xf32, #tpu.memory_space<vmem>>[vector<16xi32>], vector<16xf32>,
      %broadcast_in_dim3A_1257 = vector.broadcast %scan3A_1254 : i32 to vector<16xi32>
      %gather3A_1258 = tpu.vector_load_idx %arg9[%add3A_1208, %broadcast_in_dim3A_1257] : memref<128x32xf32, #tpu.memory_space<vmem>>[vector<16xi32>, vector<16xi32>], vector<16xf32>,
      %mul3A_1259 = arith.mulf %gather3A, %gather3A_1258 : vector<16xf32>
      %add3A_1260 = arith.addf %scan3A_1255, %mul3A_1259 : vector<16xf32>
      %scan3A_1261 = arith.constant 1 : i32
      %scan3A_1262 = arith.addi %scan3A_1254, %scan3A_1261 : i32
      %broadcast_in_dim3A_1263 = vector.broadcast %scan3A_1262 : i32 to vector<16xi32>
      %gather3A_1264 = tpu.vector_load_idx %arg10[%broadcast_in_dim3A_1263] : memref<32xf32, #tpu.memory_space<vmem>>[vector<16xi32>], vector<16xf32>,
      %broadcast_in_dim3A_1265 = vector.broadcast %scan3A_1262 : i32 to vector<16xi32>
      %gather3A_1266 = tpu.vector_load_idx %arg9[%add3A_1208, %broadcast_in_dim3A_1265] : memref<128x32xf32, #tpu.memory_space<vmem>>[vector<16xi32>, vector<16xi32>], vector<16xf32>,
      %mul3A_1267 = arith.mulf %gather3A_1264, %gather3A_1266 : vector<16xf32>
      %add3A_1268 = arith.addf %add3A_1260, %mul3A_1267 : vector<16xf32>
      %scan3A_1269 = arith.constant 2 : i32
      %scan3A_1270 = arith.addi %scan3A_1254, %scan3A_1269 : i32
      %broadcast_in_dim3A_1271 = vector.broadcast %scan3A_1270 : i32 to vector<16xi32>
      %gather3A_1272 = tpu.vector_load_idx %arg10[%broadcast_in_dim3A_1271] : memref<32xf32, #tpu.memory_space<vmem>>[vector<16xi32>], vector<16xf32>,
      %broadcast_in_dim3A_1273 = vector.broadcast %scan3A_1270 : i32 to vector<16xi32>
      %gather3A_1274 = tpu.vector_load_idx %arg9[%add3A_1208, %broadcast_in_dim3A_1273] : memref<128x32xf32, #tpu.memory_space<vmem>>[vector<16xi32>, vector<16xi32>], vector<16xf32>,
      %mul3A_1275 = arith.mulf %gather3A_1272, %gather3A_1274 : vector<16xf32>
      %add3A_1276 = arith.addf %add3A_1268, %mul3A_1275 : vector<16xf32>
      %scan3A_1277 = arith.constant 3 : i32
      %scan3A_1278 = arith.addi %scan3A_1254, %scan3A_1277 : i32
      %broadcast_in_dim3A_1279 = vector.broadcast %scan3A_1278 : i32 to vector<16xi32>
      %gather3A_1280 = tpu.vector_load_idx %arg10[%broadcast_in_dim3A_1279] : memref<32xf32, #tpu.memory_space<vmem>>[vector<16xi32>], vector<16xf32>,
      %broadcast_in_dim3A_1281 = vector.broadcast %scan3A_1278 : i32 to vector<16xi32>
      %gather3A_1282 = tpu.vector_load_idx %arg9[%add3A_1208, %broadcast_in_dim3A_1281] : memref<128x32xf32, #tpu.memory_space<vmem>>[vector<16xi32>, vector<16xi32>], vector<16xf32>,
      %mul3A_1283 = arith.mulf %gather3A_1280, %gather3A_1282 : vector<16xf32>
      %add3A_1284 = arith.addf %add3A_1276, %mul3A_1283 : vector<16xf32>
      %scan3A_1285 = arith.constant 4 : i32
      %scan3A_1286 = arith.addi %scan3A_1254, %scan3A_1285 : i32
      %broadcast_in_dim3A_1287 = vector.broadcast %scan3A_1286 : i32 to vector<16xi32>
      %gather3A_1288 = tpu.vector_load_idx %arg10[%broadcast_in_dim3A_1287] : memref<32xf32, #tpu.memory_space<vmem>>[vector<16xi32>], vector<16xf32>,
      %broadcast_in_dim3A_1289 = vector.broadcast %scan3A_1286 : i32 to vector<16xi32>
      %gather3A_1290 = tpu.vector_load_idx %arg9[%add3A_1208, %broadcast_in_dim3A_1289] : memref<128x32xf32, #tpu.memory_space<vmem>>[vector<16xi32>, vector<16xi32>], vector<16xf32>,
      %mul3A_1291 = arith.mulf %gather3A_1288, %gather3A_1290 : vector<16xf32>
      %add3A_1292 = arith.addf %add3A_1284, %mul3A_1291 : vector<16xf32>
      %scan3A_1293 = arith.constant 5 : i32
      %scan3A_1294 = arith.addi %scan3A_1254, %scan3A_1293 : i32
      %broadcast_in_dim3A_1295 = vector.broadcast %scan3A_1294 : i32 to vector<16xi32>
      %gather3A_1296 = tpu.vector_load_idx %arg10[%broadcast_in_dim3A_1295] : memref<32xf32, #tpu.memory_space<vmem>>[vector<16xi32>], vector<16xf32>,
      %broadcast_in_dim3A_1297 = vector.broadcast %scan3A_1294 : i32 to vector<16xi32>
      %gather3A_1298 = tpu.vector_load_idx %arg9[%add3A_1208, %broadcast_in_dim3A_1297] : memref<128x32xf32, #tpu.memory_space<vmem>>[vector<16xi32>, vector<16xi32>], vector<16xf32>,
      %mul3A_1299 = arith.mulf %gather3A_1296, %gather3A_1298 : vector<16xf32>
      %add3A_1300 = arith.addf %add3A_1292, %mul3A_1299 : vector<16xf32>
      %scan3A_1301 = arith.constant 6 : i32
      %scan3A_1302 = arith.addi %scan3A_1254, %scan3A_1301 : i32
      %broadcast_in_dim3A_1303 = vector.broadcast %scan3A_1302 : i32 to vector<16xi32>
      %gather3A_1304 = tpu.vector_load_idx %arg10[%broadcast_in_dim3A_1303] : memref<32xf32, #tpu.memory_space<vmem>>[vector<16xi32>], vector<16xf32>,
      %broadcast_in_dim3A_1305 = vector.broadcast %scan3A_1302 : i32 to vector<16xi32>
      %gather3A_1306 = tpu.vector_load_idx %arg9[%add3A_1208, %broadcast_in_dim3A_1305] : memref<128x32xf32, #tpu.memory_space<vmem>>[vector<16xi32>, vector<16xi32>], vector<16xf32>,
      %mul3A_1307 = arith.mulf %gather3A_1304, %gather3A_1306 : vector<16xf32>
      %add3A_1308 = arith.addf %add3A_1300, %mul3A_1307 : vector<16xf32>
      %scan3A_1309 = arith.constant 7 : i32
      %scan3A_1310 = arith.addi %scan3A_1254, %scan3A_1309 : i32
      %broadcast_in_dim3A_1311 = vector.broadcast %scan3A_1310 : i32 to vector<16xi32>
      %gather3A_1312 = tpu.vector_load_idx %arg10[%broadcast_in_dim3A_1311] : memref<32xf32, #tpu.memory_space<vmem>>[vector<16xi32>], vector<16xf32>,
      %broadcast_in_dim3A_1313 = vector.broadcast %scan3A_1310 : i32 to vector<16xi32>
      %gather3A_1314 = tpu.vector_load_idx %arg9[%add3A_1208, %broadcast_in_dim3A_1313] : memref<128x32xf32, #tpu.memory_space<vmem>>[vector<16xi32>, vector<16xi32>], vector<16xf32>,
      %mul3A_1315 = arith.mulf %gather3A_1312, %gather3A_1314 : vector<16xf32>
      %add3A_1316 = arith.addf %add3A_1308, %mul3A_1315 : vector<16xf32>
      scf.yield %add3A_1316 : vector<16xf32>
    }
    %scan3A_1227 = arith.constant 32 : i32
    %swap3A_1228 = arith.constant 96 : index
    %swap3A_1229 = tpu.vector_load %arg14[%swap3A_1228] {strides = array<i32>} : memref<128xf32, #tpu.memory_space<vmem>>, vector<16xf32>,
    tpu.vector_store %arg14[%swap3A_1228], %scan3A_1226 {strides = array<i32>} : memref<128xf32, #tpu.memory_space<vmem>>, vector<16xf32>,
    %add3A_1230 = arith.constant 112 : i32
    %add3A_1231 = vector.broadcast %add3A_1230 : i32 to vector<16xi32>
    %add3A_1232 = arith.addi %iota3A, %add3A_1231 : vector<16xi32>
    %scan3A_1233 = arith.constant 0 : i32
    %scan3A_1234 = arith.constant 26 : i32
    %scan3A_1235 = arith.addi %scan3A_1233, %scan3A_1234 : i32
    %scan3A_1236 = arith.constant 13 : i32
    %scan3A_1237 = scf.for %scan3A_1254 = %scan3A_1233 to %scan3A_1235 step %scan3A_1236 iter_args(%scan3A_1255 = %broadcast_in_dim3A_3) -> (vector<16xf32>)  : i32 {
      %get3A = arith.index_cast %scan3A_1254 : i32 to index
      %get3A_1256 = arith.constant 112 : index
      %get3A_1257 = tpu.vector_load %arg13[%get3A, %get3A_1256] {strides = array<i32>} : memref<52x128xf32, #tpu.memory_space<vmem>>, vector<16xf32>,
      %add3A_1258 = arith.addf %scan3A_1255, %get3A_1257 : vector<16xf32>
      %scan3A_1259 = arith.constant 1 : i32
      %scan3A_1260 = arith.addi %scan3A_1254, %scan3A_1259 : i32
      %get3A_1261 = arith.index_cast %scan3A_1260 : i32 to index
      %get3A_1262 = arith.constant 112 : index
      %get3A_1263 = tpu.vector_load %arg13[%get3A_1261, %get3A_1262] {strides = array<i32>} : memref<52x128xf32, #tpu.memory_space<vmem>>, vector<16xf32>,
      %add3A_1264 = arith.addf %add3A_1258, %get3A_1263 : vector<16xf32>
      %scan3A_1265 = arith.constant 2 : i32
      %scan3A_1266 = arith.addi %scan3A_1254, %scan3A_1265 : i32
      %get3A_1267 = arith.index_cast %scan3A_1266 : i32 to index
      %get3A_1268 = arith.constant 112 : index
      %get3A_1269 = tpu.vector_load %arg13[%get3A_1267, %get3A_1268] {strides = array<i32>} : memref<52x128xf32, #tpu.memory_space<vmem>>, vector<16xf32>,
      %add3A_1270 = arith.addf %add3A_1264, %get3A_1269 : vector<16xf32>
      %scan3A_1271 = arith.constant 3 : i32
      %scan3A_1272 = arith.addi %scan3A_1254, %scan3A_1271 : i32
      %get3A_1273 = arith.index_cast %scan3A_1272 : i32 to index
      %get3A_1274 = arith.constant 112 : index
      %get3A_1275 = tpu.vector_load %arg13[%get3A_1273, %get3A_1274] {strides = array<i32>} : memref<52x128xf32, #tpu.memory_space<vmem>>, vector<16xf32>,
      %add3A_1276 = arith.addf %add3A_1270, %get3A_1275 : vector<16xf32>
      %scan3A_1277 = arith.constant 4 : i32
      %scan3A_1278 = arith.addi %scan3A_1254, %scan3A_1277 : i32
      %get3A_1279 = arith.index_cast %scan3A_1278 : i32 to index
      %get3A_1280 = arith.constant 112 : index
      %get3A_1281 = tpu.vector_load %arg13[%get3A_1279, %get3A_1280] {strides = array<i32>} : memref<52x128xf32, #tpu.memory_space<vmem>>, vector<16xf32>,
      %add3A_1282 = arith.addf %add3A_1276, %get3A_1281 : vector<16xf32>
      %scan3A_1283 = arith.constant 5 : i32
      %scan3A_1284 = arith.addi %scan3A_1254, %scan3A_1283 : i32
      %get3A_1285 = arith.index_cast %scan3A_1284 : i32 to index
      %get3A_1286 = arith.constant 112 : index
      %get3A_1287 = tpu.vector_load %arg13[%get3A_1285, %get3A_1286] {strides = array<i32>} : memref<52x128xf32, #tpu.memory_space<vmem>>, vector<16xf32>,
      %add3A_1288 = arith.addf %add3A_1282, %get3A_1287 : vector<16xf32>
      %scan3A_1289 = arith.constant 6 : i32
      %scan3A_1290 = arith.addi %scan3A_1254, %scan3A_1289 : i32
      %get3A_1291 = arith.index_cast %scan3A_1290 : i32 to index
      %get3A_1292 = arith.constant 112 : index
      %get3A_1293 = tpu.vector_load %arg13[%get3A_1291, %get3A_1292] {strides = array<i32>} : memref<52x128xf32, #tpu.memory_space<vmem>>, vector<16xf32>,
      %add3A_1294 = arith.addf %add3A_1288, %get3A_1293 : vector<16xf32>
      %scan3A_1295 = arith.constant 7 : i32
      %scan3A_1296 = arith.addi %scan3A_1254, %scan3A_1295 : i32
      %get3A_1297 = arith.index_cast %scan3A_1296 : i32 to index
      %get3A_1298 = arith.constant 112 : index
      %get3A_1299 = tpu.vector_load %arg13[%get3A_1297, %get3A_1298] {strides = array<i32>} : memref<52x128xf32, #tpu.memory_space<vmem>>, vector<16xf32>,
      %add3A_1300 = arith.addf %add3A_1294, %get3A_1299 : vector<16xf32>
      %scan3A_1301 = arith.constant 8 : i32
      %scan3A_1302 = arith.addi %scan3A_1254, %scan3A_1301 : i32
      %get3A_1303 = arith.index_cast %scan3A_1302 : i32 to index
      %get3A_1304 = arith.constant 112 : index
      %get3A_1305 = tpu.vector_load %arg13[%get3A_1303, %get3A_1304] {strides = array<i32>} : memref<52x128xf32, #tpu.memory_space<vmem>>, vector<16xf32>,
      %add3A_1306 = arith.addf %add3A_1300, %get3A_1305 : vector<16xf32>
      %scan3A_1307 = arith.constant 9 : i32
      %scan3A_1308 = arith.addi %scan3A_1254, %scan3A_1307 : i32
      %get3A_1309 = arith.index_cast %scan3A_1308 : i32 to index
      %get3A_1310 = arith.constant 112 : index
      %get3A_1311 = tpu.vector_load %arg13[%get3A_1309, %get3A_1310] {strides = array<i32>} : memref<52x128xf32, #tpu.memory_space<vmem>>, vector<16xf32>,
      %add3A_1312 = arith.addf %add3A_1306, %get3A_1311 : vector<16xf32>
      %scan3A_1313 = arith.constant 10 : i32
      %scan3A_1314 = arith.addi %scan3A_1254, %scan3A_1313 : i32
      %get3A_1315 = arith.index_cast %scan3A_1314 : i32 to index
      %get3A_1316 = arith.constant 112 : index
      %get3A_1317 = tpu.vector_load %arg13[%get3A_1315, %get3A_1316] {strides = array<i32>} : memref<52x128xf32, #tpu.memory_space<vmem>>, vector<16xf32>,
      %add3A_1318 = arith.addf %add3A_1312, %get3A_1317 : vector<16xf32>
      %scan3A_1319 = arith.constant 11 : i32
      %scan3A_1320 = arith.addi %scan3A_1254, %scan3A_1319 : i32
      %get3A_1321 = arith.index_cast %scan3A_1320 : i32 to index
      %get3A_1322 = arith.constant 112 : index
      %get3A_1323 = tpu.vector_load %arg13[%get3A_1321, %get3A_1322] {strides = array<i32>} : memref<52x128xf32, #tpu.memory_space<vmem>>, vector<16xf32>,
      %add3A_1324 = arith.addf %add3A_1318, %get3A_1323 : vector<16xf32>
      %scan3A_1325 = arith.constant 12 : i32
      %scan3A_1326 = arith.addi %scan3A_1254, %scan3A_1325 : i32
      %get3A_1327 = arith.index_cast %scan3A_1326 : i32 to index
      %get3A_1328 = arith.constant 112 : index
      %get3A_1329 = tpu.vector_load %arg13[%get3A_1327, %get3A_1328] {strides = array<i32>} : memref<52x128xf32, #tpu.memory_space<vmem>>, vector<16xf32>,
      %add3A_1330 = arith.addf %add3A_1324, %get3A_1329 : vector<16xf32>
      scf.yield %add3A_1330 : vector<16xf32>
    }
    %scan3A_1238 = arith.constant 26 : i32
    %scan3A_1239 = arith.constant 26 : i32
    %scan3A_1240 = arith.constant 26 : i32
    %scan3A_1241 = arith.addi %scan3A_1239, %scan3A_1240 : i32
    %scan3A_1242 = arith.constant 13 : i32
    %scan3A_1243 = scf.for %scan3A_1254 = %scan3A_1239 to %scan3A_1241 step %scan3A_1242 iter_args(%scan3A_1255 = %broadcast_in_dim3A_3) -> (vector<16xf32>)  : i32 {
      %get3A = arith.index_cast %scan3A_1254 : i32 to index
      %get3A_1256 = arith.constant 112 : index
      %get3A_1257 = tpu.vector_load %arg13[%get3A, %get3A_1256] {strides = array<i32>} : memref<52x128xf32, #tpu.memory_space<vmem>>, vector<16xf32>,
      %add3A_1258 = arith.addf %scan3A_1255, %get3A_1257 : vector<16xf32>
      %scan3A_1259 = arith.constant 1 : i32
      %scan3A_1260 = arith.addi %scan3A_1254, %scan3A_1259 : i32
      %get3A_1261 = arith.index_cast %scan3A_1260 : i32 to index
      %get3A_1262 = arith.constant 112 : index
      %get3A_1263 = tpu.vector_load %arg13[%get3A_1261, %get3A_1262] {strides = array<i32>} : memref<52x128xf32, #tpu.memory_space<vmem>>, vector<16xf32>,
      %add3A_1264 = arith.addf %add3A_1258, %get3A_1263 : vector<16xf32>
      %scan3A_1265 = arith.constant 2 : i32
      %scan3A_1266 = arith.addi %scan3A_1254, %scan3A_1265 : i32
      %get3A_1267 = arith.index_cast %scan3A_1266 : i32 to index
      %get3A_1268 = arith.constant 112 : index
      %get3A_1269 = tpu.vector_load %arg13[%get3A_1267, %get3A_1268] {strides = array<i32>} : memref<52x128xf32, #tpu.memory_space<vmem>>, vector<16xf32>,
      %add3A_1270 = arith.addf %add3A_1264, %get3A_1269 : vector<16xf32>
      %scan3A_1271 = arith.constant 3 : i32
      %scan3A_1272 = arith.addi %scan3A_1254, %scan3A_1271 : i32
      %get3A_1273 = arith.index_cast %scan3A_1272 : i32 to index
      %get3A_1274 = arith.constant 112 : index
      %get3A_1275 = tpu.vector_load %arg13[%get3A_1273, %get3A_1274] {strides = array<i32>} : memref<52x128xf32, #tpu.memory_space<vmem>>, vector<16xf32>,
      %add3A_1276 = arith.addf %add3A_1270, %get3A_1275 : vector<16xf32>
      %scan3A_1277 = arith.constant 4 : i32
      %scan3A_1278 = arith.addi %scan3A_1254, %scan3A_1277 : i32
      %get3A_1279 = arith.index_cast %scan3A_1278 : i32 to index
      %get3A_1280 = arith.constant 112 : index
      %get3A_1281 = tpu.vector_load %arg13[%get3A_1279, %get3A_1280] {strides = array<i32>} : memref<52x128xf32, #tpu.memory_space<vmem>>, vector<16xf32>,
      %add3A_1282 = arith.addf %add3A_1276, %get3A_1281 : vector<16xf32>
      %scan3A_1283 = arith.constant 5 : i32
      %scan3A_1284 = arith.addi %scan3A_1254, %scan3A_1283 : i32
      %get3A_1285 = arith.index_cast %scan3A_1284 : i32 to index
      %get3A_1286 = arith.constant 112 : index
      %get3A_1287 = tpu.vector_load %arg13[%get3A_1285, %get3A_1286] {strides = array<i32>} : memref<52x128xf32, #tpu.memory_space<vmem>>, vector<16xf32>,
      %add3A_1288 = arith.addf %add3A_1282, %get3A_1287 : vector<16xf32>
      %scan3A_1289 = arith.constant 6 : i32
      %scan3A_1290 = arith.addi %scan3A_1254, %scan3A_1289 : i32
      %get3A_1291 = arith.index_cast %scan3A_1290 : i32 to index
      %get3A_1292 = arith.constant 112 : index
      %get3A_1293 = tpu.vector_load %arg13[%get3A_1291, %get3A_1292] {strides = array<i32>} : memref<52x128xf32, #tpu.memory_space<vmem>>, vector<16xf32>,
      %add3A_1294 = arith.addf %add3A_1288, %get3A_1293 : vector<16xf32>
      %scan3A_1295 = arith.constant 7 : i32
      %scan3A_1296 = arith.addi %scan3A_1254, %scan3A_1295 : i32
      %get3A_1297 = arith.index_cast %scan3A_1296 : i32 to index
      %get3A_1298 = arith.constant 112 : index
      %get3A_1299 = tpu.vector_load %arg13[%get3A_1297, %get3A_1298] {strides = array<i32>} : memref<52x128xf32, #tpu.memory_space<vmem>>, vector<16xf32>,
      %add3A_1300 = arith.addf %add3A_1294, %get3A_1299 : vector<16xf32>
      %scan3A_1301 = arith.constant 8 : i32
      %scan3A_1302 = arith.addi %scan3A_1254, %scan3A_1301 : i32
      %get3A_1303 = arith.index_cast %scan3A_1302 : i32 to index
      %get3A_1304 = arith.constant 112 : index
      %get3A_1305 = tpu.vector_load %arg13[%get3A_1303, %get3A_1304] {strides = array<i32>} : memref<52x128xf32, #tpu.memory_space<vmem>>, vector<16xf32>,
      %add3A_1306 = arith.addf %add3A_1300, %get3A_1305 : vector<16xf32>
      %scan3A_1307 = arith.constant 9 : i32
      %scan3A_1308 = arith.addi %scan3A_1254, %scan3A_1307 : i32
      %get3A_1309 = arith.index_cast %scan3A_1308 : i32 to index
      %get3A_1310 = arith.constant 112 : index
      %get3A_1311 = tpu.vector_load %arg13[%get3A_1309, %get3A_1310] {strides = array<i32>} : memref<52x128xf32, #tpu.memory_space<vmem>>, vector<16xf32>,
      %add3A_1312 = arith.addf %add3A_1306, %get3A_1311 : vector<16xf32>
      %scan3A_1313 = arith.constant 10 : i32
      %scan3A_1314 = arith.addi %scan3A_1254, %scan3A_1313 : i32
      %get3A_1315 = arith.index_cast %scan3A_1314 : i32 to index
      %get3A_1316 = arith.constant 112 : index
      %get3A_1317 = tpu.vector_load %arg13[%get3A_1315, %get3A_1316] {strides = array<i32>} : memref<52x128xf32, #tpu.memory_space<vmem>>, vector<16xf32>,
      %add3A_1318 = arith.addf %add3A_1312, %get3A_1317 : vector<16xf32>
      %scan3A_1319 = arith.constant 11 : i32
      %scan3A_1320 = arith.addi %scan3A_1254, %scan3A_1319 : i32
      %get3A_1321 = arith.index_cast %scan3A_1320 : i32 to index
      %get3A_1322 = arith.constant 112 : index
      %get3A_1323 = tpu.vector_load %arg13[%get3A_1321, %get3A_1322] {strides = array<i32>} : memref<52x128xf32, #tpu.memory_space<vmem>>, vector<16xf32>,
      %add3A_1324 = arith.addf %add3A_1318, %get3A_1323 : vector<16xf32>
      %scan3A_1325 = arith.constant 12 : i32
      %scan3A_1326 = arith.addi %scan3A_1254, %scan3A_1325 : i32
      %get3A_1327 = arith.index_cast %scan3A_1326 : i32 to index
      %get3A_1328 = arith.constant 112 : index
      %get3A_1329 = tpu.vector_load %arg13[%get3A_1327, %get3A_1328] {strides = array<i32>} : memref<52x128xf32, #tpu.memory_space<vmem>>, vector<16xf32>,
      %add3A_1330 = arith.addf %add3A_1324, %get3A_1329 : vector<16xf32>
      scf.yield %add3A_1330 : vector<16xf32>
    }
    %scan3A_1244 = arith.constant 26 : i32
    %sub3A_1245 = arith.subf %scan3A_1237, %scan3A_1243 : vector<16xf32>
    %scan3A_1246 = arith.constant 0 : i32
    %scan3A_1247 = arith.constant 32 : i32
    %scan3A_1248 = arith.addi %scan3A_1246, %scan3A_1247 : i32
    %scan3A_1249 = arith.constant 8 : i32
    %scan3A_1250 = scf.for %scan3A_1254 = %scan3A_1246 to %scan3A_1248 step %scan3A_1249 iter_args(%scan3A_1255 = %sub3A_1245) -> (vector<16xf32>)  : i32 {
      %broadcast_in_dim3A_1256 = vector.broadcast %scan3A_1254 : i32 to vector<16xi32>
      %gather3A = tpu.vector_load_idx %arg10[%broadcast_in_dim3A_1256] : memref<32xf32, #tpu.memory_space<vmem>>[vector<16xi32>], vector<16xf32>,
      %broadcast_in_dim3A_1257 = vector.broadcast %scan3A_1254 : i32 to vector<16xi32>
      %gather3A_1258 = tpu.vector_load_idx %arg9[%add3A_1232, %broadcast_in_dim3A_1257] : memref<128x32xf32, #tpu.memory_space<vmem>>[vector<16xi32>, vector<16xi32>], vector<16xf32>,
      %mul3A_1259 = arith.mulf %gather3A, %gather3A_1258 : vector<16xf32>
      %add3A_1260 = arith.addf %scan3A_1255, %mul3A_1259 : vector<16xf32>
      %scan3A_1261 = arith.constant 1 : i32
      %scan3A_1262 = arith.addi %scan3A_1254, %scan3A_1261 : i32
      %broadcast_in_dim3A_1263 = vector.broadcast %scan3A_1262 : i32 to vector<16xi32>
      %gather3A_1264 = tpu.vector_load_idx %arg10[%broadcast_in_dim3A_1263] : memref<32xf32, #tpu.memory_space<vmem>>[vector<16xi32>], vector<16xf32>,
      %broadcast_in_dim3A_1265 = vector.broadcast %scan3A_1262 : i32 to vector<16xi32>
      %gather3A_1266 = tpu.vector_load_idx %arg9[%add3A_1232, %broadcast_in_dim3A_1265] : memref<128x32xf32, #tpu.memory_space<vmem>>[vector<16xi32>, vector<16xi32>], vector<16xf32>,
      %mul3A_1267 = arith.mulf %gather3A_1264, %gather3A_1266 : vector<16xf32>
      %add3A_1268 = arith.addf %add3A_1260, %mul3A_1267 : vector<16xf32>
      %scan3A_1269 = arith.constant 2 : i32
      %scan3A_1270 = arith.addi %scan3A_1254, %scan3A_1269 : i32
      %broadcast_in_dim3A_1271 = vector.broadcast %scan3A_1270 : i32 to vector<16xi32>
      %gather3A_1272 = tpu.vector_load_idx %arg10[%broadcast_in_dim3A_1271] : memref<32xf32, #tpu.memory_space<vmem>>[vector<16xi32>], vector<16xf32>,
      %broadcast_in_dim3A_1273 = vector.broadcast %scan3A_1270 : i32 to vector<16xi32>
      %gather3A_1274 = tpu.vector_load_idx %arg9[%add3A_1232, %broadcast_in_dim3A_1273] : memref<128x32xf32, #tpu.memory_space<vmem>>[vector<16xi32>, vector<16xi32>], vector<16xf32>,
      %mul3A_1275 = arith.mulf %gather3A_1272, %gather3A_1274 : vector<16xf32>
      %add3A_1276 = arith.addf %add3A_1268, %mul3A_1275 : vector<16xf32>
      %scan3A_1277 = arith.constant 3 : i32
      %scan3A_1278 = arith.addi %scan3A_1254, %scan3A_1277 : i32
      %broadcast_in_dim3A_1279 = vector.broadcast %scan3A_1278 : i32 to vector<16xi32>
      %gather3A_1280 = tpu.vector_load_idx %arg10[%broadcast_in_dim3A_1279] : memref<32xf32, #tpu.memory_space<vmem>>[vector<16xi32>], vector<16xf32>,
      %broadcast_in_dim3A_1281 = vector.broadcast %scan3A_1278 : i32 to vector<16xi32>
      %gather3A_1282 = tpu.vector_load_idx %arg9[%add3A_1232, %broadcast_in_dim3A_1281] : memref<128x32xf32, #tpu.memory_space<vmem>>[vector<16xi32>, vector<16xi32>], vector<16xf32>,
      %mul3A_1283 = arith.mulf %gather3A_1280, %gather3A_1282 : vector<16xf32>
      %add3A_1284 = arith.addf %add3A_1276, %mul3A_1283 : vector<16xf32>
      %scan3A_1285 = arith.constant 4 : i32
      %scan3A_1286 = arith.addi %scan3A_1254, %scan3A_1285 : i32
      %broadcast_in_dim3A_1287 = vector.broadcast %scan3A_1286 : i32 to vector<16xi32>
      %gather3A_1288 = tpu.vector_load_idx %arg10[%broadcast_in_dim3A_1287] : memref<32xf32, #tpu.memory_space<vmem>>[vector<16xi32>], vector<16xf32>,
      %broadcast_in_dim3A_1289 = vector.broadcast %scan3A_1286 : i32 to vector<16xi32>
      %gather3A_1290 = tpu.vector_load_idx %arg9[%add3A_1232, %broadcast_in_dim3A_1289] : memref<128x32xf32, #tpu.memory_space<vmem>>[vector<16xi32>, vector<16xi32>], vector<16xf32>,
      %mul3A_1291 = arith.mulf %gather3A_1288, %gather3A_1290 : vector<16xf32>
      %add3A_1292 = arith.addf %add3A_1284, %mul3A_1291 : vector<16xf32>
      %scan3A_1293 = arith.constant 5 : i32
      %scan3A_1294 = arith.addi %scan3A_1254, %scan3A_1293 : i32
      %broadcast_in_dim3A_1295 = vector.broadcast %scan3A_1294 : i32 to vector<16xi32>
      %gather3A_1296 = tpu.vector_load_idx %arg10[%broadcast_in_dim3A_1295] : memref<32xf32, #tpu.memory_space<vmem>>[vector<16xi32>], vector<16xf32>,
      %broadcast_in_dim3A_1297 = vector.broadcast %scan3A_1294 : i32 to vector<16xi32>
      %gather3A_1298 = tpu.vector_load_idx %arg9[%add3A_1232, %broadcast_in_dim3A_1297] : memref<128x32xf32, #tpu.memory_space<vmem>>[vector<16xi32>, vector<16xi32>], vector<16xf32>,
      %mul3A_1299 = arith.mulf %gather3A_1296, %gather3A_1298 : vector<16xf32>
      %add3A_1300 = arith.addf %add3A_1292, %mul3A_1299 : vector<16xf32>
      %scan3A_1301 = arith.constant 6 : i32
      %scan3A_1302 = arith.addi %scan3A_1254, %scan3A_1301 : i32
      %broadcast_in_dim3A_1303 = vector.broadcast %scan3A_1302 : i32 to vector<16xi32>
      %gather3A_1304 = tpu.vector_load_idx %arg10[%broadcast_in_dim3A_1303] : memref<32xf32, #tpu.memory_space<vmem>>[vector<16xi32>], vector<16xf32>,
      %broadcast_in_dim3A_1305 = vector.broadcast %scan3A_1302 : i32 to vector<16xi32>
      %gather3A_1306 = tpu.vector_load_idx %arg9[%add3A_1232, %broadcast_in_dim3A_1305] : memref<128x32xf32, #tpu.memory_space<vmem>>[vector<16xi32>, vector<16xi32>], vector<16xf32>,
      %mul3A_1307 = arith.mulf %gather3A_1304, %gather3A_1306 : vector<16xf32>
      %add3A_1308 = arith.addf %add3A_1300, %mul3A_1307 : vector<16xf32>
      %scan3A_1309 = arith.constant 7 : i32
      %scan3A_1310 = arith.addi %scan3A_1254, %scan3A_1309 : i32
      %broadcast_in_dim3A_1311 = vector.broadcast %scan3A_1310 : i32 to vector<16xi32>
      %gather3A_1312 = tpu.vector_load_idx %arg10[%broadcast_in_dim3A_1311] : memref<32xf32, #tpu.memory_space<vmem>>[vector<16xi32>], vector<16xf32>,
      %broadcast_in_dim3A_1313 = vector.broadcast %scan3A_1310 : i32 to vector<16xi32>
      %gather3A_1314 = tpu.vector_load_idx %arg9[%add3A_1232, %broadcast_in_dim3A_1313] : memref<128x32xf32, #tpu.memory_space<vmem>>[vector<16xi32>, vector<16xi32>], vector<16xf32>,
      %mul3A_1315 = arith.mulf %gather3A_1312, %gather3A_1314 : vector<16xf32>
      %add3A_1316 = arith.addf %add3A_1308, %mul3A_1315 : vector<16xf32>
      scf.yield %add3A_1316 : vector<16xf32>
    }
    %scan3A_1251 = arith.constant 32 : i32
    %swap3A_1252 = arith.constant 112 : index
    %swap3A_1253 = tpu.vector_load %arg14[%swap3A_1252] {strides = array<i32>} : memref<128xf32, #tpu.memory_space<vmem>>, vector<16xf32>,
    tpu.vector_store %arg14[%swap3A_1252], %scan3A_1250 {strides = array<i32>} : memref<128xf32, #tpu.memory_space<vmem>>, vector<16xf32>,
    "tpu.region"() ({
      %run_scoped3A = tpu.sem_alloc : memref<!tpu.dma_semaphore, #tpu.memory_space<semaphore_mem>>
      %dma_start3A_1254 = tpu.memref_slice %arg7[%mul3A_2] : memref<4096xf32, #tpu.memory_space<hbm>> -> memref<128xf32, #tpu.memory_space<hbm>>
      %dma_start3A_1255 = tpu.memref_slice %arg7[%mul3A_2] : memref<4096xf32, #tpu.memory_space<hbm>> -> memref<128xf32, #tpu.memory_space<hbm>>
      tpu.enqueue_dma source(%arg14 : memref<128xf32, #tpu.memory_space<vmem>>) target(%dma_start3A_1255 : memref<128xf32, #tpu.memory_space<hbm>>) target_semaphore(%run_scoped3A : memref<!tpu.dma_semaphore, #tpu.memory_space<semaphore_mem>>)
      %dma_wait3A_1256 = tpu.memref_slice %arg7[%mul3A_2] : memref<4096xf32, #tpu.memory_space<hbm>> -> memref<128xf32, #tpu.memory_space<hbm>>
      %dma_wait3A_1257 = tpu.memref_slice %arg7[%mul3A_2] : memref<4096xf32, #tpu.memory_space<hbm>> -> memref<128xf32, #tpu.memory_space<hbm>>
      tpu.wait_dma2 semaphore(%run_scoped3A : memref<!tpu.dma_semaphore, #tpu.memory_space<semaphore_mem>>) src(%arg14 : memref<128xf32, #tpu.memory_space<vmem>>) dst(%dma_wait3A_1257 : memref<128xf32, #tpu.memory_space<hbm>>)
      tpu.yield
    }) : () -> ()
    return
  }
}

module attributes {stable_mosaic.version = 14 : i64} {
  func.func @_proj_body(%arg0: i32, %arg1: i32, %arg2: memref<1x32x1xf32, #tpu.memory_space<vmem>>, %arg3: memref<1x32x102400xf32, #tpu.memory_space<vmem>>, %arg4: memref<102400xf32, #tpu.memory_space<vmem>>) attributes {dimension_semantics = [#tpu.dimension_semantics<arbitrary>, #tpu.dimension_semantics<arbitrary>], iteration_bounds = array<i64: 26, 1>, scalar_prefetch = 0 : i64, scratch_operands = 0 : i64, tpu.core_type = #tpu.core_type<tc>, window_params = [{transform_indices = @transform_0, window_bounds = array<i64: 1, 32, 1>}, {transform_indices = @transform_1, window_bounds = array<i64: 1, 32, 102400>}, {transform_indices = @transform_2, window_bounds = array<i64: 102400>}]} {
    %get3A = arith.constant 0 : index
    %get3A_0 = arith.constant 0 : index
    %get3A_1 = arith.constant 0 : index
    %get3A_2 = vector.load %arg3[%get3A, %get3A_0, %get3A_1] : memref<1x32x102400xf32, #tpu.memory_space<vmem>>, vector<1x32x102400xf32>
    %get3A_3 = vector.shape_cast %get3A_2 : vector<1x32x102400xf32> to vector<32x102400xf32>
    %get3A_4 = arith.constant 0 : index
    %get3A_5 = arith.constant 0 : index
    %get3A_6 = arith.constant 0 : index
    %get3A_7 = vector.load %arg2[%get3A_4, %get3A_5, %get3A_6] : memref<1x32x1xf32, #tpu.memory_space<vmem>>, vector<1x32x1xf32>
    %get3A_8 = vector.shape_cast %get3A_7 : vector<1x32x1xf32> to vector<32x1xf32>
    %mul3A = vector.broadcast %get3A_8 : vector<32x1xf32> to vector<32x102400xf32>
    %mul3A_9 = arith.mulf %get3A_3, %mul3A : vector<32x102400xf32>
    %reduce_sum3A = arith.constant dense<0.000000e+00> : vector<102400xf32>
    %reduce_sum3A_10 = vector.multi_reduction <add>, %mul3A_9, %reduce_sum3A [0] : vector<32x102400xf32> to vector<102400xf32>
    %swap3A = arith.constant 0 : index
    %swap3A_11 = vector.load %arg4[%swap3A] : memref<102400xf32, #tpu.memory_space<vmem>>, vector<102400xf32>
    tpu.vector_store %arg4[%swap3A], %reduce_sum3A_10 {strides = array<i32>} : memref<102400xf32, #tpu.memory_space<vmem>>, vector<102400xf32>,
    return
  }
  func.func @transform_0(%arg0: i32, %arg1: i32) -> (i32, i32, i32) {
    %c0_i32 = arith.constant 0 : i32
    %c0_i32_0 = arith.constant 0 : i32
    %c0_i32_1 = arith.constant 0 : i32
    return %arg0, %c0_i32, %c0_i32_0 : i32, i32, i32
  }
  func.func @transform_1(%arg0: i32, %arg1: i32) -> (i32, i32, i32) {
    %c0_i32 = arith.constant 0 : i32
    %c0_i32_0 = arith.constant 0 : i32
    return %arg0, %c0_i32, %arg1 : i32, i32, i32
  }
  func.func @transform_2(%arg0: i32, %arg1: i32) -> i32 {
    %mul3A = arith.constant 1 : i32
    %mul3A_0 = arith.muli %arg0, %mul3A : i32
    %add3A = arith.addi %mul3A_0, %arg1 : i32
    %c0_i32 = arith.constant 0 : i32
    return %add3A : i32
  }
}

</mosaic_0001>

<sc_bundles>
// kernel: _run.4.cloned.1.call-start
scs
__scs_entry_jumppad:
0x0: {  	(pc) =	sbr.rel $0x88, $3  }
0x1: {  	(tag) =	ssettag $0x0;
	lr =	simm.s32 $0x1  }
0x2: {  	[smem:$0x3F9B] =	sst lr;
	_ =	strace $0xD0000000  }
0x3: {  	_ = 	snop  }
0x4: {  	_ = 	snop  }
0x5: {  	_ = 	snop  }
0x6: {  	_ = 	snop  }
0x7: {  	_ = 	snop  }
__scs_overlays_trampoline_lowered:
0x8: {  	[smem:$0x3FAA] =	sst s0  }
0x9: {  	[smem:$0x3FAB] =	sst s1  }
0xa: {  	[smem:$0x3FAC] =	sst s2  }
0xb: {  	[smem:$0x3FAD] =	sst s3  }
0xc: {  	[smem:$0x3FAE] =	sst s4  }
0xd: {  	[smem:$0x3FAF] =	sst s5  }
0xe: {  	[smem:$0x3FB0] =	sst s6  }
0xf: {  	[smem:$0x3FB1] =	sst s7  }
0x10: {  	[smem:$0x3FB2] =	sst s8  }
0x11: {  	[smem:$0x3FB3] =	sst s9;
	s0 =	simm.s32 @!p0 $0x0  }
0x12: {  	s1 =	sld [smem:$0x3F99];
	s0 =	simm.s32 @p0 $0x1  }
0x13: {  	[smem:$0x3FB4] =	sst s0;
	s0 =	simm.s32 @!p1 $0x0  }
0x14: {  	s2 =	sld [smem:$0x3F98];
	s0 =	simm.s32 @p1 $0x1  }
0x15: {  	[smem:$0x3FB5] =	sst s0;
	s0 =	simm.s32 @!p2 $0x0  }
0x16: {  	s3 =	sld [smem:$0x3FDB];
	s0 =	simm.s32 @p2 $0x1  }
0x17: {  	s4 =	simm.s32 $0x1BF5;
	[smem:$0x3FB7] =	sst s0  }
0x18: {  	s0 =	sld [smem:$0x3F9A];
	_ =	swait.ge [sflag:s4], $0x0  }
0x19: {  	s7 =	sld [smem:$0x3F9B]  }
0x1a: {  	s8 =	sadd.s32 $0xFFFFE003, lr  }
0x1b: {  	s9 =	sadd.s32 $0xFFFFFEF7, lr;
	s5 =	simm.s32 $0xFFFFFFFF;
	p2 =	slt.u32 s8, $0xFFFFF086  }
0x1c: {  	p1 =	slt.u32 s9, $0xF7A;
	s5 =	simm.s32 @!p2 $0x0  }
0x1d: {  	s5 =	simm.s32 @p1 $0x1;
	p0 =	seq.s32 s7, s2  }
0x1e: {  	s7 =	smul.u32 @!p0 $0xF7A, s2;
	p2 =	seq.s32 @!p0 s5, $0x0  }
0x1f: {  	s9 =	smul.u32 $0xF7A, s1;
	s8 =	simm.s32 @!p0 $0x1BF5;
	p2 =	por !p2, p0  }
0x20: {  	[sflag:s8] =	ssyncset.s32 @!p0 $0xFFFFF086;
	s6 =	sadd.s32 @!p0 s3, s7;
	s7 =	simm.s32 @!p0 $0x108  }
0x21: {  	s3 =	sadd.s32 s3, s9;
	s6 =	sadd.s32 @!p0 $0x88, s6;
	s7 =	simm.s32 @p2 $0x1082  }
0x22: {  	[simem:s7], [sflag:s8] =	dma.local @!p0 [hbm:s6], $0xF7A  }
0x23: {  	s9 =	sor.u32 $0xD0000000, s2;
	s6 =	simm.s32 $0x108;
	_ =	swait.ge @!p0 [sflag:s8], $0x0  }
0x24: {  	s3 =	sadd.s32 $0x88, s3;
	s6 =	simm.s32 @!p1 $0x1082;
	[sflag:s4] =	ssyncset.s32 $0xFFFFF086  }
0x25: {  	[simem:s6], [sflag:s4] =	dma.local [hbm:s3], $0xF7A  }
0x26: {  	[smem:$0x3F9B] =	sst s1;
	(tag) =	ssettag s2;
	_ =	strace s9  }
0x27: {  	s1 =	sld [smem:$0x3FAB]  }
0x28: {  	s2 =	sld [smem:$0x3FAC]  }
0x29: {  	s4 =	sld [smem:$0x3FAE]  }
0x2a: {  	p0 =	seq.s32 s5, $0x0;
	s5 =	sld [smem:$0x3FAF]  }
0x2b: {  	s6 =	sld [smem:$0x3FB0]  }
0x2c: {  	s7 =	sld [smem:$0x3FB1]  }
0x2d: {  	s3 =	simm.s32 $0x108;
	s8 =	sld [smem:$0x3FB2]  }
0x2e: {  	s3 =	simm.s32 @!p0 $0x1082;
	s9 =	sld [smem:$0x3FB3]  }
0x2f: {  	lr =	sadd.s32 s0, s3;
	s0 =	sld [smem:$0x3FAA]  }
0x30: {  	s3 =	sld [smem:$0x3FAD]  }
0x31: {  	[smem:$0x3FB6] =	sst s10  }
0x32: {  	s10 =	sld [smem:$0x3FB4];
	_ =	sdelay $0x3  }
0x33: {  	p0 =	seq.s32 s10, $0x1;
	s10 =	sld [smem:$0x3FB6];
	_ =	sdelay $0x3  }
0x34: {  	[smem:$0x3FB6] =	sst s10  }
0x35: {  	s10 =	sld [smem:$0x3FB5];
	_ =	sdelay $0x3  }
0x36: {  	p1 =	seq.s32 s10, $0x1;
	s10 =	sld [smem:$0x3FB6];
	_ =	sdelay $0x3  }
0x37: {  	[smem:$0x3FB6] =	sst s10  }
0x38: {  	s10 =	sld [smem:$0x3FB7]  }
0x39: {  	_ = 	snop;
	(pc) =	sbr.ind lr, $3  }
0x3a: {  	_ = 	snop  }
0x3b: {  	_ = 	snop  }
0x3c: {  	p2 =	seq.s32 s10, $0x1;
	s10 =	sld [smem:$0x3FB6]  }
0x3d: {  	_ =	shalt  }
0x3e: {  	_ =	shalt  }
0x3f: {  	_ =	shalt  }
0x40: {  	_ =	shalt  }
0x41: {  	_ =	shalt  }
0x42: {  	_ =	shalt  }
0x43: {  	_ =	shalt  }
0x44: {  	_ =	shalt  }
0x45: {  	_ =	shalt  }
0x46: {  	_ =	shalt  }
0x47: {  	_ =	shalt  }
0x48: {  	_ =	shalt  }
0x49: {  	_ =	shalt  }
0x4a: {  	_ =	shalt  }
0x4b: {  	_ =	shalt  }
0x4c: {  	_ =	shalt  }
0x4d: {  	_ =	shalt  }
0x4e: {  	_ =	shalt  }
0x4f: {  	_ =	shalt  }
0x50: {  	_ =	shalt  }
0x51: {  	_ =	shalt  }
0x52: {  	_ =	shalt  }
0x53: {  	_ =	shalt  }
0x54: {  	_ =	shalt  }
0x55: {  	_ =	shalt  }
0x56: {  	_ =	shalt  }
0x57: {  	_ =	shalt  }
0x58: {  	_ =	shalt  }
0x59: {  	_ =	shalt  }
0x5a: {  	_ =	shalt  }
0x5b: {  	_ =	shalt  }
0x5c: {  	_ =	shalt  }
0x5d: {  	_ =	shalt  }
0x5e: {  	_ =	shalt  }
0x5f: {  	_ =	shalt  }
0x60: {  	_ =	shalt  }
0x61: {  	_ =	shalt  }
0x62: {  	_ =	shalt  }
0x63: {  	_ =	shalt  }
0x64: {  	_ =	shalt  }
0x65: {  	_ =	shalt  }
0x66: {  	_ =	shalt  }
0x67: {  	_ =	shalt  }
0x68: {  	_ =	shalt  }
0x69: {  	_ =	shalt  }
0x6a: {  	_ =	shalt  }
0x6b: {  	_ =	shalt  }
0x6c: {  	_ =	shalt  }
0x6d: {  	_ =	shalt  }
0x6e: {  	_ =	shalt  }
0x6f: {  	_ =	shalt  }
0x70: {  	_ =	shalt  }
0x71: {  	_ =	shalt  }
0x72: {  	_ =	shalt  }
0x73: {  	_ =	shalt  }
0x74: {  	_ =	shalt  }
0x75: {  	_ =	shalt  }
0x76: {  	_ =	shalt  }
0x77: {  	_ =	shalt  }
0x78: {  	_ =	shalt  }
0x79: {  	_ =	shalt  }
0x7a: {  	_ =	shalt  }
0x7b: {  	_ =	shalt  }
0x7c: {  	_ =	shalt  }
0x7d: {  	_ =	shalt  }
0x7e: {  	_ =	shalt  }
0x7f: {  	_ =	shalt  }
0x80: {  	_ =	shalt  }
0x81: {  	_ =	shalt  }
0x82: {  	_ =	shalt  }
0x83: {  	_ =	shalt  }
0x84: {  	_ =	shalt  }
0x85: {  	_ =	shalt  }
0x86: {  	_ =	shalt  }
0x87: {  	_ =	shalt  }
.Lfunc_end0:
.L_simem_size_0:
called_computation_lowered:
.L_overlay_start_0:
0x88: {  	s2 =	sld [smem:$0x3FD9]  }
0x89: {  	s3 =	sld [smem:$0x3FFE];
	_ =	sdelay $0x1  }
0x8a: {  	s1 =	srdreg.scid  }
0x8b: {  	s0 =	sand.u32 $0x1, s1  }
0x8c: {  	s17 =	sshll.u32 s0, $0xA;
	s2 =	sadd.s32 s3, s2  }
0x8d: {  	s2 =	sadd.s32 s2, s17  }
0x8e: {  	[smem:$0x3FC2] =	sst s2  }
0x8f: {  	_ = 	snop  }
0x90: {  	s2 =	sld [smem:$0x3FC5]  }
0x91: {  	s18 =	sld [smem:$0x3FC4]  }
0x92: {  	s4 =	sld [smem:$0x3FD0];
	(tm) =	ssettm $0x1  }
0x93: {  	s5 =	sld [smem:$0x3FFB];
	_ =	sdelay $0x3  }
0x94: {  	_ =	strace s5  }
0x95: {  	s5 =	sld [smem:$0x3FFC];
	_ =	sdelay $0x3  }
0x96: {  	_ =	strace s5  }
0x97: {  	s5 =	sld [smem:$0x3FFD];
	_ =	sdelay $0x3  }
0x98: {  	_ =	strace s5  }
0x99: {  	_ =	strace $0x8FFFFFFF  }
0x9a: {  	s19 =	sld [smem:$0x3FDB];
	_ =	sdelay $0x1  }
0x9b: {  	s6 =	simm.s32 $_scs_section_size  }
0x9c: {  	s7 =	simm.s32 $_size__tile_overlayer_lowered;
	s8 =	simm.s32 $_tile_overlayer_lowered  }
0x9d: {  	s22 =	simm.s32 $0x1BFF;
	s21 =	sshll.u32 s8, $0x1;
	s5 =	sadd.s32 s6, s19  }
0x9e: {  	s9 =	simm.s32 $0x0;
	s20 =	sshll.u32 s7, $0x1;
	s7 =	sadd.s32 s21, s5  }
0x9f: {  	[timem:s9], [sflag:s22] =	dma.local [hbm:s7], s20  }
0xa0: {  	_ =	swait.ge [sflag:s22], s20  }
0xa1: {  	s6 =	ssub.s32 $0x0, s20;
	[sflag:s22] =	ssyncset.done $0x0  }
0xa2: {  	[sflag:s22] =	ssyncadd.s32 s6;
	_ =	sdelay $0x1  }
0xa3: {  	s23 =	simm.s32 $0x1B8B  }
0xa4: {  	_ =	swait.ge [sflag:s23], $0x1  }
0xa5: {  	[sflag:s23] =	ssyncset.done $0x0  }
0xa6: {  	s25 =	simm.s32 $0x1B8E;
	s24 =	sld [smem:$0x3FFE];
	[sflag:s23] =	ssyncadd.s32 $0xFFFFFFFF  }
0xa7: {  	s26 =	simm.s32 $execute0_lowered;
	[smem:$0x3FD2] =	sst s25  }
0xa8: {  	s7 =	sshll.u32 s26, $0x1;
	_ =	strace $0x80000046;
	[dreg:$0x1] =	wrdreg $0xFFFFFFFF  }
0xa9: {  	s28 =	simm.s32 $_size_execute0_lowered;
	s5 =	sadd.s32 s5, s7;
	[dreg:$0x0] =	wrdreg $0x0  }
0xaa: {  	s7 =	sshll.u32 s28, $0x1;
	[dreg:$0x2] =	wrdreg s5  }
0xab: {  	[dreg:$0x3] =	wrdreg s7  }
0xac: {  	[dreg:$0x4] =	wrdreg $0xC0  }
0xad: {  	_ =	task [dreg:s9], $0x5FFFF  }
0xae: {  	[dreg:$0x1] =	wrdreg $0xFFFFFFFF  }
0xaf: {  	[dreg:$0x0] =	wrdreg $0x60  }
0xb0: {  	[dreg:$0x2] =	wrdreg s24  }
0xb1: {  	[dreg:$0x3] =	wrdreg s2  }
0xb2: {  	[dreg:$0x4] =	wrdreg s18  }
0xb3: {  	[dreg:$0x5] =	wrdreg s4  }
0xb4: {  	[dreg:$0x6] =	wrdreg $0x9  }
0xb5: {  	_ =	task.clear_ibuf [dreg:s9], $0x7FFFF;
	_ =	strace $0x90000046  }
0xb6: {  	s29 =	simm.s32 $0x9;
	_ =	strace $0x80000048  }
0xb7: {  	_ =	swait.ge [sflag:s29], $0x1  }
0xb8: {  	[sflag:s29] =	ssyncadd.s32 $0xFFFFFFFF  }
0xb9: {  	_ =	strace $0x90000048  }
0xba: {  	_ =	sfence  }
0xbb: {  	s30 =	sld [smem:$0x0];
	_ =	sdelay $0x2  }
0xbc: {  	s31 =	sshll.u32 s1, $0xD;
	s1 =	sshrl.u32 s1, $0x2  }
0xbd: {  	s3 =	sand.u32 $0x4000, s31;
	s1 =	sadd.s32 s1, s30  }
0xbe: {  	s0 =	sor.u32 s3, s0;
	s1 =	sshll.u32 s1, $0x11  }
0xbf: {  	s0 =	sor.u32 s1, s0  }
0xc0: {  	s0 =	sadd.s32 $0x8F2B, s0  }
0xc1: {  	[sflag:s0] =	ssyncadd.remote.s32 $0x1  }
0xc2: {  	_ =	sfence.sel $0xFFFF  }
0xc3: {  	[dreg:$0x0] =	wrdreg $0xFFFFFFFF;
	(pc) =	sbr.abs _section_cstart, $3  }
0xc4: {  	[dreg:$0x1] =	wrdreg $0xFFFFFFFF  }
0xc5: {  	_ =	task.clear_ibuf [dreg:s9], $0x2FFFF;
	_ =	strace $0x9FFFFFFF  }
0xc6: {  	(tm) =	ssettm $0x7FFFFFFF  }
0xc7: {  	_ =	shalt  }
tec
execute0_lowered:
.L_overlay_start_1:
0x0: {  	(tag) =	ssettag $0x1  }
0x1: {  	v5 =	vlaneseq.u32  }
0x2: {  	v0 =	vmul.u32 $0x38, v5;
	v5 =	vmul.u32 $0x20, v5  }
0x3: {  	s0 =	rddreg [dreg:$0x0];
	s4 =	simm.s32 $0x0  }
0x4: {  	[smem:$0x7FF] =	sst s4;
	v9 =	vor.u32 $0x200, v5  }
0x5: {  	s1 =	rddreg [dreg:$0x3];
	_ =	strace $0x80000047;
	v19 =	vor.u32 $0x1, v5;
	[tilespmem:$0x1FEC0] =	vst v9  }
0x6: {  	v20 =	vor.u32 $0x2, v5;
	[tilespmem:$0x1FF30] =	vst v19  }
0x7: {  	v21 =	vor.u32 $0x3, v5;
	[tilespmem:$0x1FF40] =	vst v20  }
0x8: {  	v22 =	vor.u32 $0x4, v5;
	[tilespmem:$0x1FF50] =	vst v21  }
0x9: {  	v23 =	vor.u32 $0x5, v5;
	[tilespmem:$0x1FF60] =	vst v22  }
0xa: {  	v1 =	vadd.s32 $0x380, v0;
	v62 =	vor.u32 $0x6, v5;
	[tilespmem:$0x1FF70] =	vst v23  }
0xb: {  	s10 =	simm.s32 $0x1C00;
	v2 =	vadd.s32 $0x700, v0;
	v3 =	vadd.s32 $0xA80, v0;
	v63 =	vor.u32 $0x7, v5;
	[tilespmem:$0x1FF80] =	vst v62  }
0xc: {  	s11 =	simm.s32 $0x2C00;
	s12 =	simm.s32 $0x2C20;
	v4 =	vadd.s32 $0xE00, v0;
	v6 =	vadd.s32 $0x1180, v0;
	v14 =	vor.u32 $0x202, v5;
	[tilespmem:$0x1FF90] =	vst v63  }
0xd: {  	s19 =	simm.s32 $0x2D58;
	s15 =	simm.s32 $0x4458;
	v7 =	vadd.s32 $0x1500, v0;
	v8 =	vadd.s32 $0x1880, v0;
	v24 =	vor.u32 $0x203, v5;
	[tilespmem:$0x1FFA0] =	vst v14  }
0xe: {  	s2 =	srdreg.scid;
	s16 =	simm.s32 $0x5E58;
	s17 =	simm.s32 $0x44D8;
	v15 =	vor.u32 $0x204, v5;
	v27 =	vor.u32 $0x205, v5;
	v26 =	vor.u32 $0x206, v5;
	[tilespmem:$0x1FFB0] =	vst v24  }
0xf: {  	s3 =	stileid.u32;
	s18 =	simm.s32 $0x5ED8;
	s20 =	simm.s32 $0x4558;
	v28 =	vor.u32 $0x207, v5;
	v29 =	vor.u32 $0x403, v5;
	v30 =	vor.u32 $0x406, v5;
	[tilespmem:$0x1FFC0] =	vst v15  }
0x10: {  	s13 =	simm.s32 $0x1;
	s21 =	simm.s32 $0x5F58;
	s22 =	simm.s32 $0x45D8;
	v31 =	vor.u32 $0x407, v5;
	v32 =	vor.u32 $0x600, v5;
	v33 =	vor.u32 $0x601, v5;
	[tilespmem:$0x1FFD0] =	vst v26  }
0x11: {  	s14 =	simm.s32 $0x80;
	s23 =	simm.s32 $0x5FD8;
	s24 =	simm.s32 $0x6058;
	v34 =	vor.u32 $0x602, v5;
	v35 =	vor.u32 $0x603, v5;
	v36 =	vor.u32 $0x604, v5;
	[tilespmem:$0x1FFE0] =	vst v28  }
0x12: {  	s25 =	simm.s32 $0x2;
	s26 =	simm.s32 $0x0;
	s2 =	sand.u32 $0x1, s2;
	v37 =	vor.u32 $0x605, v5;
	v38 =	vor.u32 $0x606, v5;
	v9 =	vor.u32 $0x201, v5;
	[tilespmem:$0x1FFF0] =	vst v29  }
0x13: {  	s3 =	sshll.u32 s3, $0x8;
	s5 =	sshll.u32 s2, $0x7;
	s2 =	ssub.s32 $0x2, s2;
	v39 =	vor.u32 $0x607, v5;
	v40 =	vor.u32 $0x800, v5;
	[tilespmem:$0x1FED0] =	vst v9;
	v9 =	vor.u32 $0x400, v5  }
0x14: {  	s3 =	sor.u32 s5, s3;
	s5 =	sadd.s32 $0xEA00, s0;
	s8 =	sshrl.u32 s2, $0x1;
	v41 =	vor.u32 $0x801, v5;
	v42 =	vor.u32 $0x802, v5;
	[tilespmem:$0x1FEE0] =	vst v9;
	v9 =	vor.u32 $0x401, v5  }
0x15: {  	v43 =	vor.u32 $0x803, v5;
	v44 =	vor.u32 $0x804, v5;
	s6 =	smul.u32 $0x7, s3;
	s7 =	sshll.u32 s3, $0x2;
	s31 =	sshrl.u32 s3, $0x3;
	[tilespmem:$0x1FEF0] =	vst v9;
	v9 =	vor.u32 $0x402, v5  }
0x16: {  	v45 =	vor.u32 $0x805, v5;
	v46 =	vor.u32 $0x806, v5;
	s2 =	ssub.s32 s2, s8;
	s3 =	simm.s32 $0x5DD8;
	s8 =	sadd.s32 s1, s31;
	[tilespmem:$0x1FF00] =	vst v9;
	v9 =	vor.u32 $0x404, v5  }
0x17: {  	v47 =	vor.u32 $0x807, v5;
	v48 =	vor.u32 $0xA00, v5;
	s9 =	smax.u32 s2, $0x1;
	s6 =	sadd.s32 s6, s0;
	s0 =	sadd.s32 s7, s0;
	[tilespmem:$0x1FF10] =	vst v9;
	v9 =	vor.u32 $0x405, v5  }
0x18: {  	v49 =	vor.u32 $0xA01, v5;
	v50 =	vor.u32 $0xA02, v5;
	s1 =	simm.s32 $0x43D8;
	s6 =	sadd.s32 $0x3A00, s6;
	s7 =	sadd.s32 $0xAA00, s0;
	[tilespmem:$0x1FF20] =	vst v9  }
.LBB2_1:
0x19: {  	[tilespmem:s4], [sflag:$0x1] =	stream.linear.gather [hbm4b:s6+s4], $0x1C00, $0x38;
	[tilespmem:$0x60D8] =	vst v63  }
0x1a: {  	_ = 	snop  }
0x1b: {  	[tilespmem:s10], [sflag:$0x1] =	stream.linear.gather [hbm4b:s7+s4], $0x1000, $0x38;
	[tilespmem:$0x60D8] =	vst v63  }
0x1c: {  	s0 =	rddreg [dreg:$0x1]  }
0x1d: {  	[tilespmem:s11], [sflag:$0x1] =	stream.linear.gather [hbm4b:s0+s4], $0x20, $0x38;
	[tilespmem:$0x60D8] =	vst v63  }
0x1e: {  	s2 =	rddreg [dreg:$0x2]  }
0x1f: {  	[tilespmem:s12], [sflag:$0x1] =	stream.linear.gather [hbm4b:s2+s4], $0x38, $0x38;
	[tilespmem:$0x60D8] =	vst v63  }
0x20: {  	_ =	swait.ge [sflag:s13], $0x1C00  }
0x21: {  	[sflag:s13] =	ssyncset.done $0x0  }
0x22: {  	[sflag:s13] =	ssyncadd.s32 $0xFFFFE400  }
0x23: {  	_ =	swait.ge [sflag:s13], $0x1000  }
0x24: {  	[sflag:s13] =	ssyncset.done $0x0  }
0x25: {  	[sflag:s13] =	ssyncadd.s32 $0xFFFFF000  }
0x26: {  	v9 =	vmov s4;
	_ =	swait.ge [sflag:s13], $0x20  }
0x27: {  	v10 =	vand.u32 $0x3C, v9;
	[sflag:s13] =	ssyncset.done $0x0  }
0x28: {  	v11 =	vadd.s32 v0, v10;
	[sflag:s13] =	ssyncadd.s32 $0xFFFFFFE0  }
0x29: {  	_ =	swait.ge [sflag:s13], $0x38  }
0x2a: {  	[sflag:s13] =	ssyncset.done $0x0  }
0x2b: {  	[sflag:s13] =	ssyncadd.s32 $0xFFFFFFC8  }
0x2c: {  	v9 =	vld.idx.msk [tilespmem:v9+s12+$0x0], $0xffff  }
0x2d: {  	v11 =	vld.idx.msk [tilespmem:v11+s4+$0x0], $0xffff;
	_ =	sdelay $0x1  }
0x2e: {  	v12 =	vadd.s32 v1, v10;
	_ =	sdelay $0x2  }
0x2f: {  	v11 =	vadd.s32 v9, v11  }
0x30: {  	[tilespmem:s19+$0xFFFFFF00] =	vst v11  }
0x31: {  	v11 =	vld.idx.msk [tilespmem:v12+s4+$0x0], $0xffff;
	_ =	sdelay $0x1  }
0x32: {  	v52 =	vadd.s32 v2, v10;
	_ =	sdelay $0x2  }
0x33: {  	v11 =	vadd.s32 v9, v11  }
0x34: {  	[tilespmem:s19+$0xFFFFFF10] =	vst v11  }
0x35: {  	v11 =	vld.idx.msk [tilespmem:v52+s4+$0x0], $0xffff;
	_ =	sdelay $0x1  }
0x36: {  	v53 =	vadd.s32 v3, v10;
	_ =	sdelay $0x2  }
0x37: {  	v11 =	vadd.s32 v9, v11  }
0x38: {  	[tilespmem:s19+$0xFFFFFF20] =	vst v11  }
0x39: {  	v11 =	vld.idx.msk [tilespmem:v53+s4+$0x0], $0xffff;
	_ =	sdelay $0x1  }
0x3a: {  	v54 =	vadd.s32 v4, v10;
	_ =	sdelay $0x2  }
0x3b: {  	v11 =	vadd.s32 v9, v11  }
0x3c: {  	[tilespmem:s19+$0xFFFFFF30] =	vst v11  }
0x3d: {  	v11 =	vld.idx.msk [tilespmem:v54+s4+$0x0], $0xffff;
	_ =	sdelay $0x1  }
0x3e: {  	v55 =	vadd.s32 v6, v10;
	_ =	sdelay $0x2  }
0x3f: {  	v11 =	vadd.s32 v9, v11  }
0x40: {  	[tilespmem:s19+$0xFFFFFF40] =	vst v11  }
0x41: {  	v11 =	vld.idx.msk [tilespmem:v55+s4+$0x0], $0xffff;
	_ =	sdelay $0x1  }
0x42: {  	v56 =	vadd.s32 v7, v10;
	_ =	sdelay $0x2  }
0x43: {  	v11 =	vadd.s32 v9, v11  }
0x44: {  	[tilespmem:s19+$0xFFFFFF50] =	vst v11  }
0x45: {  	v11 =	vld.idx.msk [tilespmem:v56+s4+$0x0], $0xffff;
	_ =	sdelay $0x1  }
0x46: {  	v10 =	vadd.s32 v8, v10;
	_ =	sdelay $0x2  }
0x47: {  	v11 =	vadd.s32 v9, v11  }
0x48: {  	[tilespmem:s19+$0xFFFFFF60] =	vst v11  }
0x49: {  	s2 =	simm.s32 $0x1;
	v10 =	vld.idx.msk [tilespmem:v10+s4+$0x0], $0xffff  }
0x4a: {  	v11 =	vmov s2  }
0x4b: {  	v57 =	vand.u32 $0x3D, v11  }
0x4c: {  	v13 =	vadd.s32 v0, v57;
	_ =	sdelay $0x1  }
0x4d: {  	v9 =	vadd.s32 v9, v10  }
0x4e: {  	[tilespmem:s19+$0xFFFFFF70] =	vst v9  }
0x4f: {  	v9 =	vld.idx.msk [tilespmem:v11+s12+$0x0], $0xffff  }
0x50: {  	v10 =	vld.idx.msk [tilespmem:v13+s4+$0x0], $0xffff;
	_ =	sdelay $0x1  }
0x51: {  	v11 =	vadd.s32 v1, v57;
	_ =	sdelay $0x2  }
0x52: {  	v10 =	vadd.s32 v9, v10  }
0x53: {  	[tilespmem:s19+$0xFFFFFF80] =	vst v10  }
0x54: {  	v10 =	vld.idx.msk [tilespmem:v11+s4+$0x0], $0xffff;
	_ =	sdelay $0x1  }
0x55: {  	v11 =	vadd.s32 v2, v57;
	_ =	sdelay $0x2  }
0x56: {  	v10 =	vadd.s32 v9, v10  }
0x57: {  	[tilespmem:s19+$0xFFFFFF90] =	vst v10  }
0x58: {  	v10 =	vld.idx.msk [tilespmem:v11+s4+$0x0], $0xffff;
	_ =	sdelay $0x1  }
0x59: {  	v11 =	vadd.s32 v3, v57;
	_ =	sdelay $0x2  }
0x5a: {  	v10 =	vadd.s32 v9, v10  }
0x5b: {  	[tilespmem:s19+$0xFFFFFFA0] =	vst v10  }
0x5c: {  	v10 =	vld.idx.msk [tilespmem:v11+s4+$0x0], $0xffff;
	_ =	sdelay $0x1  }
0x5d: {  	v11 =	vadd.s32 v4, v57;
	_ =	sdelay $0x2  }
0x5e: {  	v10 =	vadd.s32 v9, v10  }
0x5f: {  	[tilespmem:s19+$0xFFFFFFB0] =	vst v10  }
0x60: {  	v10 =	vld.idx.msk [tilespmem:v11+s4+$0x0], $0xffff;
	_ =	sdelay $0x1  }
0x61: {  	v11 =	vadd.s32 v6, v57;
	_ =	sdelay $0x2  }
0x62: {  	v10 =	vadd.s32 v9, v10  }
0x63: {  	[tilespmem:s19+$0xFFFFFFC0] =	vst v10  }
0x64: {  	v10 =	vld.idx.msk [tilespmem:v11+s4+$0x0], $0xffff;
	_ =	sdelay $0x1  }
0x65: {  	v11 =	vadd.s32 v7, v57;
	_ =	sdelay $0x2  }
0x66: {  	v10 =	vadd.s32 v9, v10  }
0x67: {  	[tilespmem:s19+$0xFFFFFFD0] =	vst v10  }
0x68: {  	v10 =	vld.idx.msk [tilespmem:v11+s4+$0x0], $0xffff;
	_ =	sdelay $0x1  }
0x69: {  	v11 =	vadd.s32 v8, v57;
	_ =	sdelay $0x2  }
0x6a: {  	v10 =	vadd.s32 v9, v10  }
0x6b: {  	[tilespmem:s19+$0xFFFFFFE0] =	vst v10  }
0x6c: {  	s2 =	simm.s32 $0x2;
	v10 =	vld.idx.msk [tilespmem:v11+s4+$0x0], $0xffff  }
0x6d: {  	v11 =	vmov s2  }
0x6e: {  	v58 =	vand.u32 $0x3E, v11  }
0x6f: {  	v59 =	vadd.s32 v0, v58;
	_ =	sdelay $0x1  }
0x70: {  	v9 =	vadd.s32 v9, v10  }
0x71: {  	[tilespmem:s19+$0xFFFFFFF0] =	vst v9  }
0x72: {  	v9 =	vld.idx.msk [tilespmem:v11+s12+$0x0], $0xffff  }
0x73: {  	v10 =	vld.idx.msk [tilespmem:v59+s4+$0x0], $0xffff;
	_ =	sdelay $0x1  }
0x74: {  	v11 =	vadd.s32 v1, v58;
	_ =	sdelay $0x2  }
0x75: {  	v10 =	vadd.s32 v9, v10  }
0x76: {  	[tilespmem:s19+$0x0] =	vst v10  }
0x77: {  	v10 =	vld.idx.msk [tilespmem:v11+s4+$0x0], $0xffff;
	_ =	sdelay $0x1  }
0x78: {  	v11 =	vadd.s32 v2, v58;
	_ =	sdelay $0x2  }
0x79: {  	v10 =	vadd.s32 v9, v10  }
0x7a: {  	[tilespmem:s19+$0x10] =	vst v10  }
0x7b: {  	v10 =	vld.idx.msk [tilespmem:v11+s4+$0x0], $0xffff;
	_ =	sdelay $0x1  }
0x7c: {  	v11 =	vadd.s32 v3, v58;
	_ =	sdelay $0x2  }
0x7d: {  	v10 =	vadd.s32 v9, v10  }
0x7e: {  	[tilespmem:s19+$0x20] =	vst v10  }
0x7f: {  	v10 =	vld.idx.msk [tilespmem:v11+s4+$0x0], $0xffff;
	_ =	sdelay $0x1  }
0x80: {  	v11 =	vadd.s32 v4, v58;
	_ =	sdelay $0x2  }
0x81: {  	v10 =	vadd.s32 v9, v10  }
0x82: {  	[tilespmem:s19+$0x30] =	vst v10  }
0x83: {  	v10 =	vld.idx.msk [tilespmem:v11+s4+$0x0], $0xffff;
	_ =	sdelay $0x1  }
0x84: {  	v11 =	vadd.s32 v6, v58;
	_ =	sdelay $0x2  }
0x85: {  	v10 =	vadd.s32 v9, v10  }
0x86: {  	[tilespmem:s19+$0x40] =	vst v10  }
0x87: {  	v10 =	vld.idx.msk [tilespmem:v11+s4+$0x0], $0xffff;
	_ =	sdelay $0x1  }
0x88: {  	v11 =	vadd.s32 v7, v58;
	_ =	sdelay $0x2  }
0x89: {  	v10 =	vadd.s32 v9, v10  }
0x8a: {  	[tilespmem:s19+$0x50] =	vst v10  }
0x8b: {  	v10 =	vld.idx.msk [tilespmem:v11+s4+$0x0], $0xffff;
	_ =	sdelay $0x1  }
0x8c: {  	v11 =	vadd.s32 v8, v58;
	_ =	sdelay $0x2  }
0x8d: {  	v10 =	vadd.s32 v9, v10  }
0x8e: {  	[tilespmem:s19+$0x60] =	vst v10  }
0x8f: {  	s2 =	simm.s32 $0x3;
	v10 =	vld.idx.msk [tilespmem:v11+s4+$0x0], $0xffff  }
0x90: {  	v11 =	vmov s2  }
0x91: {  	v60 =	vand.u32 $0x3F, v11  }
0x92: {  	v61 =	vadd.s32 v0, v60;
	_ =	sdelay $0x1  }
0x93: {  	v9 =	vadd.s32 v9, v10  }
0x94: {  	[tilespmem:s19+$0x70] =	vst v9  }
0x95: {  	v51 =	vld.idx.msk [tilespmem:v11+s12+$0x0], $0xffff  }
0x96: {  	v9 =	vld.idx.msk [tilespmem:v61+s4+$0x0], $0xffff;
	_ =	sdelay $0x1  }
0x97: {  	v10 =	vadd.s32 v1, v60;
	_ =	sdelay $0x2  }
0x98: {  	v9 =	vadd.s32 v51, v9  }
0x99: {  	[tilespmem:s19+$0x80] =	vst v9  }
0x9a: {  	v9 =	vld.idx.msk [tilespmem:v10+s4+$0x0], $0xffff;
	_ =	sdelay $0x1  }
0x9b: {  	v10 =	vadd.s32 v2, v60;
	_ =	sdelay $0x2  }
0x9c: {  	v9 =	vadd.s32 v51, v9  }
0x9d: {  	[tilespmem:s19+$0x90] =	vst v9  }
0x9e: {  	v9 =	vld.idx.msk [tilespmem:v10+s4+$0x0], $0xffff;
	_ =	sdelay $0x1  }
0x9f: {  	v10 =	vadd.s32 v3, v60;
	_ =	sdelay $0x2  }
0xa0: {  	v9 =	vadd.s32 v51, v9  }
0xa1: {  	[tilespmem:s19+$0xA0] =	vst v9  }
0xa2: {  	v9 =	vld.idx.msk [tilespmem:v10+s4+$0x0], $0xffff;
	_ =	sdelay $0x1  }
0xa3: {  	v10 =	vadd.s32 v4, v60;
	_ =	sdelay $0x2  }
0xa4: {  	v9 =	vadd.s32 v51, v9  }
0xa5: {  	[tilespmem:s19+$0xB0] =	vst v9  }
0xa6: {  	v9 =	vld.idx.msk [tilespmem:v10+s4+$0x0], $0xffff;
	_ =	sdelay $0x1  }
0xa7: {  	v10 =	vadd.s32 v6, v60;
	_ =	sdelay $0x2  }
0xa8: {  	v9 =	vadd.s32 v51, v9  }
0xa9: {  	[tilespmem:s19+$0xC0] =	vst v9  }
0xaa: {  	v9 =	vld.idx.msk [tilespmem:v10+s4+$0x0], $0xffff;
	_ =	sdelay $0x1  }
0xab: {  	v10 =	vadd.s32 v7, v60;
	_ =	sdelay $0x2  }
0xac: {  	v9 =	vadd.s32 v51, v9  }
0xad: {  	[tilespmem:s19+$0xD0] =	vst v9  }
0xae: {  	v9 =	vld.idx.msk [tilespmem:v10+s4+$0x0], $0xffff;
	_ =	sdelay $0x1  }
0xaf: {  	v10 =	vadd.s32 v8, v60;
	_ =	sdelay $0x2  }
0xb0: {  	v9 =	vadd.s32 v51, v9  }
0xb1: {  	s28 =	simm.s32 $0x4;
	[tilespmem:s19+$0xE0] =	vst v9  }
0xb2: {  	v9 =	vmov s28;
	v10 =	vld.idx.msk [tilespmem:v10+s4+$0x0], $0xffff  }
0xb3: {  	s30 =	simm.s32 $0x8;
	s29 =	simm.s32 $0x2D58;
	s31 =	simm.s32 $0x2D58;
	v52 =	vand.u32 $0x3C, v9  }
.LBB2_2:
0xb4: {  	p0 =	slt.u32 s30, $0x30  }
0xb5: {  	v11 =	vadd.s32 v0, v52;
	s29 =	sadd.s32 $0x200, s29;
	s0 =	smov.u32 s30;
	s30 =	sadd.s32 $0x4, s30  }
0xb6: {  	_ = 	snop  }
0xb7: {  	v10 =	vadd.s32 v51, v10  }
0xb8: {  	[tilespmem:s31+$0xF0] =	vst v10;
	s31 =	smov.u32 s29  }
0xb9: {  	v9 =	vld.idx.msk [tilespmem:v9+s12+$0x0], $0xffff  }
0xba: {  	v10 =	vld.idx.msk [tilespmem:v11+s4+$0x0], $0xffff;
	_ =	sdelay $0x2  }
0xbb: {  	v11 =	vadd.s32 v1, v52;
	_ =	sdelay $0x2  }
0xbc: {  	v10 =	vadd.s32 v9, v10  }
0xbd: {  	[tilespmem:s29+$0xFFFFFF00] =	vst v10  }
0xbe: {  	v10 =	vld.idx.msk [tilespmem:v11+s4+$0x0], $0xffff;
	_ =	sdelay $0x2  }
0xbf: {  	v11 =	vadd.s32 v2, v52;
	_ =	sdelay $0x2  }
0xc0: {  	v10 =	vadd.s32 v9, v10  }
0xc1: {  	[tilespmem:s29+$0xFFFFFF10] =	vst v10  }
0xc2: {  	v10 =	vld.idx.msk [tilespmem:v11+s4+$0x0], $0xffff;
	_ =	sdelay $0x2  }
0xc3: {  	v11 =	vadd.s32 v3, v52;
	_ =	sdelay $0x2  }
0xc4: {  	v10 =	vadd.s32 v9, v10  }
0xc5: {  	[tilespmem:s29+$0xFFFFFF20] =	vst v10  }
0xc6: {  	v10 =	vld.idx.msk [tilespmem:v11+s4+$0x0], $0xffff;
	_ =	sdelay $0x2  }
0xc7: {  	v11 =	vadd.s32 v4, v52;
	_ =	sdelay $0x2  }
0xc8: {  	v10 =	vadd.s32 v9, v10  }
0xc9: {  	[tilespmem:s29+$0xFFFFFF30] =	vst v10  }
0xca: {  	v10 =	vld.idx.msk [tilespmem:v11+s4+$0x0], $0xffff;
	_ =	sdelay $0x2  }
0xcb: {  	v11 =	vadd.s32 v6, v52;
	_ =	sdelay $0x2  }
0xcc: {  	v10 =	vadd.s32 v9, v10  }
0xcd: {  	[tilespmem:s29+$0xFFFFFF40] =	vst v10  }
0xce: {  	v10 =	vld.idx.msk [tilespmem:v11+s4+$0x0], $0xffff;
	_ =	sdelay $0x2  }
0xcf: {  	v11 =	vadd.s32 v7, v52;
	_ =	sdelay $0x2  }
0xd0: {  	v10 =	vadd.s32 v9, v10  }
0xd1: {  	[tilespmem:s29+$0xFFFFFF50] =	vst v10  }
0xd2: {  	v10 =	vld.idx.msk [tilespmem:v11+s4+$0x0], $0xffff;
	_ =	sdelay $0x2  }
0xd3: {  	v11 =	vadd.s32 v8, v52;
	_ =	sdelay $0x2  }
0xd4: {  	v10 =	vadd.s32 v9, v10  }
0xd5: {  	[tilespmem:s29+$0xFFFFFF60] =	vst v10  }
0xd6: {  	s2 =	sadd.s32 $0x1, s28;
	v10 =	vld.idx.msk [tilespmem:v11+s4+$0x0], $0xffff  }
0xd7: {  	v11 =	vmov s2  }
0xd8: {  	v12 =	vand.u32 $0x3D, v11  }
0xd9: {  	v13 =	vadd.s32 v0, v12;
	_ =	sdelay $0x2  }
0xda: {  	v9 =	vadd.s32 v9, v10  }
0xdb: {  	[tilespmem:s29+$0xFFFFFF70] =	vst v9  }
0xdc: {  	v9 =	vld.idx.msk [tilespmem:v11+s12+$0x0], $0xffff  }
0xdd: {  	v10 =	vld.idx.msk [tilespmem:v13+s4+$0x0], $0xffff;
	_ =	sdelay $0x1  }
0xde: {  	v11 =	vadd.s32 v1, v12;
	_ =	sdelay $0x3  }
0xdf: {  	v10 =	vadd.s32 v9, v10  }
0xe0: {  	[tilespmem:s29+$0xFFFFFF80] =	vst v10  }
0xe1: {  	v10 =	vld.idx.msk [tilespmem:v11+s4+$0x0], $0xffff;
	_ =	sdelay $0x1  }
0xe2: {  	v11 =	vadd.s32 v2, v12;
	_ =	sdelay $0x3  }
0xe3: {  	v10 =	vadd.s32 v9, v10  }
0xe4: {  	[tilespmem:s29+$0xFFFFFF90] =	vst v10  }
0xe5: {  	v10 =	vld.idx.msk [tilespmem:v11+s4+$0x0], $0xffff;
	_ =	sdelay $0x1  }
0xe6: {  	v11 =	vadd.s32 v3, v12;
	_ =	sdelay $0x3  }
0xe7: {  	v10 =	vadd.s32 v9, v10  }
0xe8: {  	[tilespmem:s29+$0xFFFFFFA0] =	vst v10  }
0xe9: {  	v10 =	vld.idx.msk [tilespmem:v11+s4+$0x0], $0xffff;
	_ =	sdelay $0x1  }
0xea: {  	v11 =	vadd.s32 v4, v12;
	_ =	sdelay $0x3  }
0xeb: {  	v10 =	vadd.s32 v9, v10  }
0xec: {  	[tilespmem:s29+$0xFFFFFFB0] =	vst v10  }
0xed: {  	v10 =	vld.idx.msk [tilespmem:v11+s4+$0x0], $0xffff;
	_ =	sdelay $0x1  }
0xee: {  	v11 =	vadd.s32 v6, v12;
	_ =	sdelay $0x3  }
0xef: {  	v10 =	vadd.s32 v9, v10  }
0xf0: {  	[tilespmem:s29+$0xFFFFFFC0] =	vst v10  }
0xf1: {  	v10 =	vld.idx.msk [tilespmem:v11+s4+$0x0], $0xffff;
	_ =	sdelay $0x1  }
0xf2: {  	v11 =	vadd.s32 v7, v12;
	_ =	sdelay $0x3  }
0xf3: {  	v10 =	vadd.s32 v9, v10  }
0xf4: {  	[tilespmem:s29+$0xFFFFFFD0] =	vst v10  }
0xf5: {  	v10 =	vld.idx.msk [tilespmem:v11+s4+$0x0], $0xffff;
	_ =	sdelay $0x1  }
0xf6: {  	v11 =	vadd.s32 v8, v12;
	_ =	sdelay $0x3  }
0xf7: {  	v10 =	vadd.s32 v9, v10  }
0xf8: {  	[tilespmem:s29+$0xFFFFFFE0] =	vst v10  }
0xf9: {  	s2 =	sadd.s32 $0x2, s28;
	v10 =	vld.idx.msk [tilespmem:v11+s4+$0x0], $0xffff  }
0xfa: {  	v11 =	vmov s2  }
0xfb: {  	v12 =	vand.u32 $0x3E, v11  }
0xfc: {  	v13 =	vadd.s32 v0, v12;
	_ =	sdelay $0x2  }
0xfd: {  	v9 =	vadd.s32 v9, v10  }
0xfe: {  	[tilespmem:s29+$0xFFFFFFF0] =	vst v9  }
0xff: {  	v9 =	vld.idx.msk [tilespmem:v11+s12+$0x0], $0xffff  }
0x100: {  	v10 =	vld.idx.msk [tilespmem:v13+s4+$0x0], $0xffff  }
0x101: {  	v11 =	vadd.s32 v1, v12;
	_ =	sdelay $0x4  }
0x102: {  	v10 =	vadd.s32 v9, v10  }
0x103: {  	[tilespmem:s29+$0x0] =	vst v10  }
0x104: {  	v10 =	vld.idx.msk [tilespmem:v11+s4+$0x0], $0xffff  }
0x105: {  	v11 =	vadd.s32 v2, v12;
	_ =	sdelay $0x4  }
0x106: {  	v10 =	vadd.s32 v9, v10  }
0x107: {  	[tilespmem:s29+$0x10] =	vst v10  }
0x108: {  	v10 =	vld.idx.msk [tilespmem:v11+s4+$0x0], $0xffff  }
0x109: {  	v11 =	vadd.s32 v3, v12;
	_ =	sdelay $0x4  }
0x10a: {  	v10 =	vadd.s32 v9, v10  }
0x10b: {  	[tilespmem:s29+$0x20] =	vst v10  }
0x10c: {  	v10 =	vld.idx.msk [tilespmem:v11+s4+$0x0], $0xffff  }
0x10d: {  	v11 =	vadd.s32 v4, v12;
	_ =	sdelay $0x4  }
0x10e: {  	v10 =	vadd.s32 v9, v10  }
0x10f: {  	[tilespmem:s29+$0x30] =	vst v10  }
0x110: {  	v10 =	vld.idx.msk [tilespmem:v11+s4+$0x0], $0xffff  }
0x111: {  	v11 =	vadd.s32 v6, v12;
	_ =	sdelay $0x4  }
0x112: {  	v10 =	vadd.s32 v9, v10  }
0x113: {  	[tilespmem:s29+$0x40] =	vst v10  }
0x114: {  	v10 =	vld.idx.msk [tilespmem:v11+s4+$0x0], $0xffff  }
0x115: {  	v11 =	vadd.s32 v7, v12;
	_ =	sdelay $0x4  }
0x116: {  	v10 =	vadd.s32 v9, v10  }
0x117: {  	[tilespmem:s29+$0x50] =	vst v10  }
0x118: {  	v10 =	vld.idx.msk [tilespmem:v11+s4+$0x0], $0xffff  }
0x119: {  	v11 =	vadd.s32 v8, v12;
	_ =	sdelay $0x4  }
0x11a: {  	v10 =	vadd.s32 v9, v10  }
0x11b: {  	[tilespmem:s29+$0x60] =	vst v10  }
0x11c: {  	s2 =	sadd.s32 $0x3, s28;
	s28 =	smov.u32 s0;
	v10 =	vld.idx.msk [tilespmem:v11+s4+$0x0], $0xffff  }
0x11d: {  	v11 =	vmov s2  }
0x11e: {  	v12 =	vand.u32 $0x3F, v11  }
0x11f: {  	v13 =	vadd.s32 v0, v12;
	_ =	sdelay $0x2  }
0x120: {  	v9 =	vadd.s32 v9, v10  }
0x121: {  	[tilespmem:s29+$0x70] =	vst v9  }
0x122: {  	v51 =	vld.idx.msk [tilespmem:v11+s12+$0x0], $0xffff  }
0x123: {  	v10 =	vadd.s32 v1, v12;
	v9 =	vld.idx.msk [tilespmem:v13+s4+$0x0], $0xffff;
	_ =	sdelay $0x5  }
0x124: {  	v9 =	vadd.s32 v51, v9  }
0x125: {  	[tilespmem:s29+$0x80] =	vst v9  }
0x126: {  	v9 =	vld.idx.msk [tilespmem:v10+s4+$0x0], $0xffff;
	v10 =	vadd.s32 v2, v12;
	_ =	sdelay $0x5  }
0x127: {  	v9 =	vadd.s32 v51, v9  }
0x128: {  	[tilespmem:s29+$0x90] =	vst v9  }
0x129: {  	v9 =	vld.idx.msk [tilespmem:v10+s4+$0x0], $0xffff;
	v10 =	vadd.s32 v3, v12;
	_ =	sdelay $0x5  }
0x12a: {  	v9 =	vadd.s32 v51, v9  }
0x12b: {  	[tilespmem:s29+$0xA0] =	vst v9  }
0x12c: {  	v9 =	vld.idx.msk [tilespmem:v10+s4+$0x0], $0xffff;
	v10 =	vadd.s32 v4, v12;
	_ =	sdelay $0x5  }
0x12d: {  	v9 =	vadd.s32 v51, v9  }
0x12e: {  	[tilespmem:s29+$0xB0] =	vst v9  }
0x12f: {  	v9 =	vld.idx.msk [tilespmem:v10+s4+$0x0], $0xffff;
	v10 =	vadd.s32 v6, v12;
	_ =	sdelay $0x5  }
0x130: {  	v9 =	vadd.s32 v51, v9  }
0x131: {  	[tilespmem:s29+$0xC0] =	vst v9  }
0x132: {  	v9 =	vld.idx.msk [tilespmem:v10+s4+$0x0], $0xffff;
	v10 =	vadd.s32 v7, v12;
	_ =	sdelay $0x5  }
0x133: {  	v9 =	vadd.s32 v51, v9  }
0x134: {  	[tilespmem:s29+$0xD0] =	vst v9  }
0x135: {  	v9 =	vld.idx.msk [tilespmem:v10+s4+$0x0], $0xffff;
	v10 =	vadd.s32 v8, v12;
	_ =	sdelay $0x5  }
0x136: {  	v9 =	vadd.s32 v51, v9  }
.Ltmp0:
0x137: {  	[tilespmem:s29+$0xE0] =	vst v9;
	(pc) =	sbr.rel @p0 .LBB2_2-.Ltmp0, $3  }
0x138: {  	v10 =	vld.idx.msk [tilespmem:v10+s4+$0x0], $0xffff;
	_ =	sdelay $0x1  }
0x139: {  	v9 =	vmov s28  }
0x13a: {  	v52 =	vand.u32 $0x3C, v9  }
0x13b: {  	v11 =	vadd.s32 v0, v52;
	_ =	sdelay $0x1  }
0x13c: {  	v10 =	vadd.s32 v51, v10  }
0x13d: {  	[tilespmem:s31+$0xF0] =	vst v10  }
0x13e: {  	v9 =	vld.idx.msk [tilespmem:v9+s12+$0x0], $0xffff  }
0x13f: {  	v10 =	vld.idx.msk [tilespmem:v11+s4+$0x0], $0xffff;
	_ =	sdelay $0x1  }
0x140: {  	v11 =	vadd.s32 v1, v52;
	_ =	sdelay $0x2  }
0x141: {  	s0 =	sadd.s32 $0x200, s29;
	v10 =	vadd.s32 v9, v10  }
0x142: {  	[tilespmem:s0+$0xFFFFFF00] =	vst v10  }
0x143: {  	v10 =	vld.idx.msk [tilespmem:v11+s4+$0x0], $0xffff;
	_ =	sdelay $0x1  }
0x144: {  	v11 =	vadd.s32 v2, v52;
	_ =	sdelay $0x2  }
0x145: {  	v10 =	vadd.s32 v9, v10  }
0x146: {  	[tilespmem:s0+$0xFFFFFF10] =	vst v10  }
0x147: {  	v10 =	vld.idx.msk [tilespmem:v11+s4+$0x0], $0xffff;
	_ =	sdelay $0x1  }
0x148: {  	v11 =	vadd.s32 v3, v52;
	_ =	sdelay $0x2  }
0x149: {  	v10 =	vadd.s32 v9, v10  }
0x14a: {  	[tilespmem:s0+$0xFFFFFF20] =	vst v10  }
0x14b: {  	v10 =	vld.idx.msk [tilespmem:v11+s4+$0x0], $0xffff;
	_ =	sdelay $0x1  }
0x14c: {  	v11 =	vadd.s32 v4, v52;
	_ =	sdelay $0x2  }
0x14d: {  	v10 =	vadd.s32 v9, v10  }
0x14e: {  	[tilespmem:s0+$0xFFFFFF30] =	vst v10  }
0x14f: {  	v10 =	vld.idx.msk [tilespmem:v11+s4+$0x0], $0xffff;
	_ =	sdelay $0x1  }
0x150: {  	v11 =	vadd.s32 v6, v52;
	_ =	sdelay $0x2  }
0x151: {  	v10 =	vadd.s32 v9, v10  }
0x152: {  	[tilespmem:s0+$0xFFFFFF40] =	vst v10  }
0x153: {  	v10 =	vld.idx.msk [tilespmem:v11+s4+$0x0], $0xffff;
	_ =	sdelay $0x1  }
0x154: {  	v11 =	vadd.s32 v7, v52;
	_ =	sdelay $0x2  }
0x155: {  	v10 =	vadd.s32 v9, v10  }
0x156: {  	[tilespmem:s0+$0xFFFFFF50] =	vst v10  }
0x157: {  	v10 =	vld.idx.msk [tilespmem:v11+s4+$0x0], $0xffff;
	_ =	sdelay $0x1  }
0x158: {  	v11 =	vadd.s32 v8, v52;
	_ =	sdelay $0x2  }
0x159: {  	v10 =	vadd.s32 v9, v10  }
0x15a: {  	[tilespmem:s0+$0xFFFFFF60] =	vst v10  }
0x15b: {  	s2 =	sadd.s32 $0x1, s28;
	v10 =	vld.idx.msk [tilespmem:v11+s4+$0x0], $0xffff  }
0x15c: {  	v11 =	vmov s2  }
0x15d: {  	v12 =	vand.u32 $0x3D, v11  }
0x15e: {  	v13 =	vadd.s32 v0, v12;
	_ =	sdelay $0x1  }
0x15f: {  	v9 =	vadd.s32 v9, v10  }
0x160: {  	[tilespmem:s0+$0xFFFFFF70] =	vst v9  }
0x161: {  	v9 =	vld.idx.msk [tilespmem:v11+s12+$0x0], $0xffff  }
0x162: {  	v10 =	vld.idx.msk [tilespmem:v13+s4+$0x0], $0xffff;
	_ =	sdelay $0x1  }
0x163: {  	v11 =	vadd.s32 v1, v12;
	_ =	sdelay $0x2  }
0x164: {  	v10 =	vadd.s32 v9, v10  }
0x165: {  	[tilespmem:s0+$0xFFFFFF80] =	vst v10  }
0x166: {  	v10 =	vld.idx.msk [tilespmem:v11+s4+$0x0], $0xffff;
	_ =	sdelay $0x1  }
0x167: {  	v11 =	vadd.s32 v2, v12;
	_ =	sdelay $0x2  }
0x168: {  	v10 =	vadd.s32 v9, v10  }
0x169: {  	[tilespmem:s0+$0xFFFFFF90] =	vst v10  }
0x16a: {  	v10 =	vld.idx.msk [tilespmem:v11+s4+$0x0], $0xffff;
	_ =	sdelay $0x1  }
0x16b: {  	v11 =	vadd.s32 v3, v12;
	_ =	sdelay $0x2  }
0x16c: {  	v10 =	vadd.s32 v9, v10  }
0x16d: {  	[tilespmem:s0+$0xFFFFFFA0] =	vst v10  }
0x16e: {  	v10 =	vld.idx.msk [tilespmem:v11+s4+$0x0], $0xffff;
	_ =	sdelay $0x1  }
0x16f: {  	v11 =	vadd.s32 v4, v12;
	_ =	sdelay $0x2  }
0x170: {  	v10 =	vadd.s32 v9, v10  }
0x171: {  	[tilespmem:s0+$0xFFFFFFB0] =	vst v10  }
0x172: {  	v10 =	vld.idx.msk [tilespmem:v11+s4+$0x0], $0xffff;
	_ =	sdelay $0x1  }
0x173: {  	v11 =	vadd.s32 v6, v12;
	_ =	sdelay $0x2  }
0x174: {  	v10 =	vadd.s32 v9, v10  }
0x175: {  	[tilespmem:s0+$0xFFFFFFC0] =	vst v10  }
0x176: {  	v10 =	vld.idx.msk [tilespmem:v11+s4+$0x0], $0xffff;
	_ =	sdelay $0x1  }
0x177: {  	v11 =	vadd.s32 v7, v12;
	_ =	sdelay $0x2  }
0x178: {  	v10 =	vadd.s32 v9, v10  }
0x179: {  	[tilespmem:s0+$0xFFFFFFD0] =	vst v10  }
0x17a: {  	v10 =	vld.idx.msk [tilespmem:v11+s4+$0x0], $0xffff;
	_ =	sdelay $0x1  }
0x17b: {  	v11 =	vadd.s32 v8, v12;
	_ =	sdelay $0x2  }
0x17c: {  	v10 =	vadd.s32 v9, v10  }
0x17d: {  	[tilespmem:s0+$0xFFFFFFE0] =	vst v10  }
0x17e: {  	s30 =	sadd.s32 $0x2, s28;
	v10 =	vld.idx.msk [tilespmem:v11+s4+$0x0], $0xffff  }
0x17f: {  	v11 =	vmov s30  }
0x180: {  	v12 =	vand.u32 $0x3E, v11  }
0x181: {  	v13 =	vadd.s32 v0, v12;
	_ =	sdelay $0x1  }
0x182: {  	v9 =	vadd.s32 v9, v10  }
0x183: {  	[tilespmem:s0+$0xFFFFFFF0] =	vst v9  }
0x184: {  	v9 =	vld.idx.msk [tilespmem:v11+s12+$0x0], $0xffff  }
0x185: {  	v10 =	vld.idx.msk [tilespmem:v13+s4+$0x0], $0xffff;
	_ =	sdelay $0x1  }
0x186: {  	v11 =	vadd.s32 v1, v12;
	_ =	sdelay $0x2  }
0x187: {  	v10 =	vadd.s32 v9, v10  }
0x188: {  	[tilespmem:s0+$0x0] =	vst v10  }
0x189: {  	v10 =	vld.idx.msk [tilespmem:v11+s4+$0x0], $0xffff;
	_ =	sdelay $0x1  }
0x18a: {  	v11 =	vadd.s32 v2, v12;
	_ =	sdelay $0x2  }
0x18b: {  	v10 =	vadd.s32 v9, v10  }
0x18c: {  	[tilespmem:s0+$0x10] =	vst v10  }
0x18d: {  	v10 =	vld.idx.msk [tilespmem:v11+s4+$0x0], $0xffff;
	_ =	sdelay $0x1  }
0x18e: {  	v11 =	vadd.s32 v3, v12;
	_ =	sdelay $0x2  }
0x18f: {  	v10 =	vadd.s32 v9, v10  }
0x190: {  	[tilespmem:s0+$0x20] =	vst v10  }
0x191: {  	v10 =	vld.idx.msk [tilespmem:v11+s4+$0x0], $0xffff;
	_ =	sdelay $0x1  }
0x192: {  	v11 =	vadd.s32 v4, v12;
	_ =	sdelay $0x2  }
0x193: {  	v10 =	vadd.s32 v9, v10  }
0x194: {  	[tilespmem:s0+$0x30] =	vst v10  }
0x195: {  	v10 =	vld.idx.msk [tilespmem:v11+s4+$0x0], $0xffff;
	_ =	sdelay $0x1  }
0x196: {  	v11 =	vadd.s32 v6, v12;
	_ =	sdelay $0x2  }
0x197: {  	v10 =	vadd.s32 v9, v10  }
0x198: {  	[tilespmem:s0+$0x40] =	vst v10  }
0x199: {  	v10 =	vld.idx.msk [tilespmem:v11+s4+$0x0], $0xffff;
	_ =	sdelay $0x1  }
0x19a: {  	v11 =	vadd.s32 v7, v12;
	_ =	sdelay $0x2  }
0x19b: {  	v10 =	vadd.s32 v9, v10  }
0x19c: {  	[tilespmem:s0+$0x50] =	vst v10  }
0x19d: {  	v10 =	vld.idx.msk [tilespmem:v11+s4+$0x0], $0xffff;
	_ =	sdelay $0x1  }
0x19e: {  	v11 =	vadd.s32 v8, v12;
	_ =	sdelay $0x2  }
0x19f: {  	v10 =	vadd.s32 v9, v10  }
0x1a0: {  	[tilespmem:s0+$0x60] =	vst v10  }
0x1a1: {  	s31 =	sadd.s32 $0x3, s28;
	v10 =	vld.idx.msk [tilespmem:v11+s4+$0x0], $0xffff  }
0x1a2: {  	v11 =	vmov s31  }
0x1a3: {  	v12 =	vand.u32 $0x3F, v11  }
0x1a4: {  	v13 =	vadd.s32 v0, v12;
	_ =	sdelay $0x1  }
0x1a5: {  	v9 =	vadd.s32 v9, v10  }
0x1a6: {  	[tilespmem:s0+$0x70] =	vst v9  }
0x1a7: {  	v9 =	vld.idx.msk [tilespmem:v11+s12+$0x0], $0xffff  }
0x1a8: {  	v10 =	vld.idx.msk [tilespmem:v13+s4+$0x0], $0xffff;
	_ =	sdelay $0x1  }
0x1a9: {  	v11 =	vadd.s32 v1, v12;
	_ =	sdelay $0x2  }
0x1aa: {  	v10 =	vadd.s32 v9, v10  }
0x1ab: {  	[tilespmem:s0+$0x80] =	vst v10  }
0x1ac: {  	v10 =	vld.idx.msk [tilespmem:v11+s4+$0x0], $0xffff;
	_ =	sdelay $0x1  }
0x1ad: {  	v11 =	vadd.s32 v2, v12;
	_ =	sdelay $0x2  }
0x1ae: {  	v10 =	vadd.s32 v9, v10  }
0x1af: {  	[tilespmem:s0+$0x90] =	vst v10  }
0x1b0: {  	v10 =	vld.idx.msk [tilespmem:v11+s4+$0x0], $0xffff;
	_ =	sdelay $0x1  }
0x1b1: {  	v11 =	vadd.s32 v3, v12;
	_ =	sdelay $0x2  }
0x1b2: {  	v10 =	vadd.s32 v9, v10  }
0x1b3: {  	[tilespmem:s0+$0xA0] =	vst v10  }
0x1b4: {  	v10 =	vld.idx.msk [tilespmem:v11+s4+$0x0], $0xffff;
	_ =	sdelay $0x1  }
0x1b5: {  	v11 =	vadd.s32 v4, v12;
	_ =	sdelay $0x2  }
0x1b6: {  	v10 =	vadd.s32 v9, v10  }
0x1b7: {  	[tilespmem:s0+$0xB0] =	vst v10  }
0x1b8: {  	v10 =	vld.idx.msk [tilespmem:v11+s4+$0x0], $0xffff;
	_ =	sdelay $0x1  }
0x1b9: {  	v11 =	vadd.s32 v6, v12;
	_ =	sdelay $0x2  }
0x1ba: {  	v10 =	vadd.s32 v9, v10  }
0x1bb: {  	[tilespmem:s0+$0xC0] =	vst v10  }
0x1bc: {  	v10 =	vld.idx.msk [tilespmem:v11+s4+$0x0], $0xffff;
	_ =	sdelay $0x1  }
0x1bd: {  	v11 =	vadd.s32 v7, v12;
	_ =	sdelay $0x2  }
0x1be: {  	v10 =	vadd.s32 v9, v10  }
0x1bf: {  	[tilespmem:s0+$0xD0] =	vst v10  }
0x1c0: {  	v10 =	vld.idx.msk [tilespmem:v11+s4+$0x0], $0xffff;
	_ =	sdelay $0x1  }
0x1c1: {  	v11 =	vadd.s32 v8, v12;
	_ =	sdelay $0x2  }
0x1c2: {  	v10 =	vadd.s32 v9, v10  }
0x1c3: {  	[tilespmem:s0+$0xE0] =	vst v10  }
0x1c4: {  	v10 =	vld.idx.msk [tilespmem:v11+s4+$0x0], $0xffff;
	_ =	sdelay $0x4  }
0x1c5: {  	v9 =	vadd.s32 v9, v10  }
0x1c6: {  	s29 =	simm.s32 $0x4658;
	s28 =	simm.s32 $0x2C58;
	[tilespmem:s0+$0xF0] =	vst v9  }
0x1c7: {  	[tilespmem:s29], [sflag:$0x1] =	stream.indirect.gather [hbm4b:s5+s14], $0x1, s28, s14, $0xb8;
	[tilespmem:$0x60D8] =	vst v63  }
0x1c8: {  	s30 =	simm.s32 $0x2CD8;
	s31 =	simm.s32 $0x46D8  }
0x1c9: {  	[tilespmem:s31], [sflag:$0x1] =	stream.indirect.gather [hbm4b:s5+s14], $0x1, s30, s14, $0xb8;
	[tilespmem:$0x60D8] =	vst v63  }
0x1ca: {  	s2 =	simm.s32 $0x4758  }
0x1cb: {  	[tilespmem:s2], [sflag:$0x1] =	stream.indirect.gather [hbm4b:s5+s14], $0x1, s19, s14, $0xb8;
	[tilespmem:$0x60D8] =	vst v63  }
0x1cc: {  	s28 =	simm.s32 $0x2DD8;
	s29 =	simm.s32 $0x47D8  }
0x1cd: {  	[tilespmem:s29], [sflag:$0x1] =	stream.indirect.gather [hbm4b:s5+s14], $0x1, s28, s14, $0xb8;
	[tilespmem:$0x60D8] =	vst v63  }
0x1ce: {  	s30 =	simm.s32 $0x2E58;
	s31 =	simm.s32 $0x4858  }
0x1cf: {  	[tilespmem:s31], [sflag:$0x1] =	stream.indirect.gather [hbm4b:s5+s14], $0x1, s30, s14, $0xb8;
	[tilespmem:$0x60D8] =	vst v63  }
0x1d0: {  	s28 =	simm.s32 $0x2ED8;
	s29 =	simm.s32 $0x48D8  }
0x1d1: {  	[tilespmem:s29], [sflag:$0x1] =	stream.indirect.gather [hbm4b:s5+s14], $0x1, s28, s14, $0xb8;
	[tilespmem:$0x60D8] =	vst v63  }
0x1d2: {  	s30 =	simm.s32 $0x2F58;
	s31 =	simm.s32 $0x4958  }
0x1d3: {  	[tilespmem:s31], [sflag:$0x1] =	stream.indirect.gather [hbm4b:s5+s14], $0x1, s30, s14, $0xb8;
	[tilespmem:$0x60D8] =	vst v63  }
0x1d4: {  	s28 =	simm.s32 $0x2FD8;
	s29 =	simm.s32 $0x49D8  }
0x1d5: {  	[tilespmem:s29], [sflag:$0x1] =	stream.indirect.gather [hbm4b:s5+s14], $0x1, s28, s14, $0xb8;
	[tilespmem:$0x60D8] =	vst v63  }
0x1d6: {  	s30 =	simm.s32 $0x3058;
	s31 =	simm.s32 $0x4A58  }
0x1d7: {  	[tilespmem:s31], [sflag:$0x1] =	stream.indirect.gather [hbm4b:s5+s14], $0x1, s30, s14, $0xb8;
	[tilespmem:$0x60D8] =	vst v63  }
0x1d8: {  	s28 =	simm.s32 $0x30D8;
	s29 =	simm.s32 $0x4AD8  }
0x1d9: {  	[tilespmem:s29], [sflag:$0x1] =	stream.indirect.gather [hbm4b:s5+s14], $0x1, s28, s14, $0xb8;
	[tilespmem:$0x60D8] =	vst v63  }
0x1da: {  	s30 =	simm.s32 $0x3158;
	s31 =	simm.s32 $0x4B58  }
0x1db: {  	[tilespmem:s31], [sflag:$0x1] =	stream.indirect.gather [hbm4b:s5+s14], $0x1, s30, s14, $0xb8;
	[tilespmem:$0x60D8] =	vst v63  }
0x1dc: {  	s28 =	simm.s32 $0x31D8;
	s29 =	simm.s32 $0x4BD8  }
0x1dd: {  	[tilespmem:s29], [sflag:$0x1] =	stream.indirect.gather [hbm4b:s5+s14], $0x1, s28, s14, $0xb8;
	[tilespmem:$0x60D8] =	vst v63  }
0x1de: {  	s30 =	simm.s32 $0x3258;
	s31 =	simm.s32 $0x4C58  }
0x1df: {  	[tilespmem:s31], [sflag:$0x1] =	stream.indirect.gather [hbm4b:s5+s14], $0x1, s30, s14, $0xb8;
	[tilespmem:$0x60D8] =	vst v63  }
0x1e0: {  	s28 =	simm.s32 $0x32D8;
	s29 =	simm.s32 $0x4CD8  }
0x1e1: {  	[tilespmem:s29], [sflag:$0x1] =	stream.indirect.gather [hbm4b:s5+s14], $0x1, s28, s14, $0xb8;
	[tilespmem:$0x60D8] =	vst v63  }
0x1e2: {  	s30 =	simm.s32 $0x3358;
	s31 =	simm.s32 $0x4D58  }
0x1e3: {  	[tilespmem:s31], [sflag:$0x1] =	stream.indirect.gather [hbm4b:s5+s14], $0x1, s30, s14, $0xb8;
	[tilespmem:$0x60D8] =	vst v63  }
0x1e4: {  	s28 =	simm.s32 $0x33D8;
	s29 =	simm.s32 $0x4DD8  }
0x1e5: {  	[tilespmem:s29], [sflag:$0x1] =	stream.indirect.gather [hbm4b:s5+s14], $0x1, s28, s14, $0xb8;
	[tilespmem:$0x60D8] =	vst v63  }
0x1e6: {  	s30 =	simm.s32 $0x3458;
	s31 =	simm.s32 $0x4E58  }
0x1e7: {  	[tilespmem:s31], [sflag:$0x1] =	stream.indirect.gather [hbm4b:s5+s14], $0x1, s30, s14, $0xb8;
	[tilespmem:$0x60D8] =	vst v63  }
0x1e8: {  	s28 =	simm.s32 $0x34D8;
	s29 =	simm.s32 $0x4ED8  }
0x1e9: {  	[tilespmem:s29], [sflag:$0x1] =	stream.indirect.gather [hbm4b:s5+s14], $0x1, s28, s14, $0xb8;
	[tilespmem:$0x60D8] =	vst v63  }
0x1ea: {  	s30 =	simm.s32 $0x3558;
	s31 =	simm.s32 $0x4F58  }
0x1eb: {  	[tilespmem:s31], [sflag:$0x1] =	stream.indirect.gather [hbm4b:s5+s14], $0x1, s30, s14, $0xb8;
	[tilespmem:$0x60D8] =	vst v63  }
0x1ec: {  	s28 =	simm.s32 $0x35D8;
	s29 =	simm.s32 $0x4FD8  }
0x1ed: {  	[tilespmem:s29], [sflag:$0x1] =	stream.indirect.gather [hbm4b:s5+s14], $0x1, s28, s14, $0xb8;
	[tilespmem:$0x60D8] =	vst v63  }
0x1ee: {  	s30 =	simm.s32 $0x3658;
	s31 =	simm.s32 $0x5058  }
0x1ef: {  	[tilespmem:s31], [sflag:$0x1] =	stream.indirect.gather [hbm4b:s5+s14], $0x1, s30, s14, $0xb8;
	[tilespmem:$0x60D8] =	vst v63  }
0x1f0: {  	s28 =	simm.s32 $0x36D8;
	s29 =	simm.s32 $0x50D8  }
0x1f1: {  	[tilespmem:s29], [sflag:$0x1] =	stream.indirect.gather [hbm4b:s5+s14], $0x1, s28, s14, $0xb8;
	[tilespmem:$0x60D8] =	vst v63  }
0x1f2: {  	s30 =	simm.s32 $0x3758;
	s31 =	simm.s32 $0x5158  }
0x1f3: {  	[tilespmem:s31], [sflag:$0x1] =	stream.indirect.gather [hbm4b:s5+s14], $0x1, s30, s14, $0xb8;
	[tilespmem:$0x60D8] =	vst v63  }
0x1f4: {  	s28 =	simm.s32 $0x37D8;
	s29 =	simm.s32 $0x51D8  }
0x1f5: {  	[tilespmem:s29], [sflag:$0x1] =	stream.indirect.gather [hbm4b:s5+s14], $0x1, s28, s14, $0xb8;
	[tilespmem:$0x60D8] =	vst v63  }
0x1f6: {  	s30 =	simm.s32 $0x3858;
	s31 =	simm.s32 $0x5258  }
0x1f7: {  	[tilespmem:s31], [sflag:$0x1] =	stream.indirect.gather [hbm4b:s5+s14], $0x1, s30, s14, $0xb8;
	[tilespmem:$0x60D8] =	vst v63  }
0x1f8: {  	s28 =	simm.s32 $0x38D8;
	s29 =	simm.s32 $0x52D8  }
0x1f9: {  	[tilespmem:s29], [sflag:$0x1] =	stream.indirect.gather [hbm4b:s5+s14], $0x1, s28, s14, $0xb8;
	[tilespmem:$0x60D8] =	vst v63  }
0x1fa: {  	s30 =	simm.s32 $0x3958;
	s31 =	simm.s32 $0x5358  }
0x1fb: {  	[tilespmem:s31], [sflag:$0x1] =	stream.indirect.gather [hbm4b:s5+s14], $0x1, s30, s14, $0xb8;
	[tilespmem:$0x60D8] =	vst v63  }
0x1fc: {  	s28 =	simm.s32 $0x39D8;
	s29 =	simm.s32 $0x53D8  }
0x1fd: {  	[tilespmem:s29], [sflag:$0x1] =	stream.indirect.gather [hbm4b:s5+s14], $0x1, s28, s14, $0xb8;
	[tilespmem:$0x60D8] =	vst v63  }
0x1fe: {  	s30 =	simm.s32 $0x3A58;
	s31 =	simm.s32 $0x5458  }
0x1ff: {  	[tilespmem:s31], [sflag:$0x1] =	stream.indirect.gather [hbm4b:s5+s14], $0x1, s30, s14, $0xb8;
	[tilespmem:$0x60D8] =	vst v63  }
0x200: {  	s28 =	simm.s32 $0x3AD8;
	s29 =	simm.s32 $0x54D8  }
0x201: {  	[tilespmem:s29], [sflag:$0x1] =	stream.indirect.gather [hbm4b:s5+s14], $0x1, s28, s14, $0xb8;
	[tilespmem:$0x60D8] =	vst v63  }
0x202: {  	s30 =	simm.s32 $0x3B58;
	s31 =	simm.s32 $0x5558  }
0x203: {  	[tilespmem:s31], [sflag:$0x1] =	stream.indirect.gather [hbm4b:s5+s14], $0x1, s30, s14, $0xb8;
	[tilespmem:$0x60D8] =	vst v63  }
0x204: {  	s28 =	simm.s32 $0x3BD8;
	s29 =	simm.s32 $0x55D8  }
0x205: {  	[tilespmem:s29], [sflag:$0x1] =	stream.indirect.gather [hbm4b:s5+s14], $0x1, s28, s14, $0xb8;
	[tilespmem:$0x60D8] =	vst v63  }
0x206: {  	s30 =	simm.s32 $0x3C58;
	s31 =	simm.s32 $0x5658  }
0x207: {  	[tilespmem:s31], [sflag:$0x1] =	stream.indirect.gather [hbm4b:s5+s14], $0x1, s30, s14, $0xb8;
	[tilespmem:$0x60D8] =	vst v63  }
0x208: {  	s28 =	simm.s32 $0x3CD8;
	s29 =	simm.s32 $0x56D8  }
0x209: {  	[tilespmem:s29], [sflag:$0x1] =	stream.indirect.gather [hbm4b:s5+s14], $0x1, s28, s14, $0xb8;
	[tilespmem:$0x60D8] =	vst v63  }
0x20a: {  	s30 =	simm.s32 $0x3D58;
	s31 =	simm.s32 $0x5758  }
0x20b: {  	[tilespmem:s31], [sflag:$0x1] =	stream.indirect.gather [hbm4b:s5+s14], $0x1, s30, s14, $0xb8;
	[tilespmem:$0x60D8] =	vst v63  }
0x20c: {  	s28 =	simm.s32 $0x3DD8;
	s29 =	simm.s32 $0x57D8  }
0x20d: {  	[tilespmem:s29], [sflag:$0x1] =	stream.indirect.gather [hbm4b:s5+s14], $0x1, s28, s14, $0xb8;
	[tilespmem:$0x60D8] =	vst v63  }
0x20e: {  	s30 =	simm.s32 $0x3E58;
	s31 =	simm.s32 $0x5858  }
0x20f: {  	[tilespmem:s31], [sflag:$0x1] =	stream.indirect.gather [hbm4b:s5+s14], $0x1, s30, s14, $0xb8;
	[tilespmem:$0x60D8] =	vst v63  }
0x210: {  	s28 =	simm.s32 $0x3ED8;
	s29 =	simm.s32 $0x58D8  }
0x211: {  	[tilespmem:s29], [sflag:$0x1] =	stream.indirect.gather [hbm4b:s5+s14], $0x1, s28, s14, $0xb8;
	[tilespmem:$0x60D8] =	vst v63  }
0x212: {  	s30 =	simm.s32 $0x3F58;
	s31 =	simm.s32 $0x5958  }
0x213: {  	[tilespmem:s31], [sflag:$0x1] =	stream.indirect.gather [hbm4b:s5+s14], $0x1, s30, s14, $0xb8;
	[tilespmem:$0x60D8] =	vst v63  }
0x214: {  	s28 =	simm.s32 $0x3FD8;
	s29 =	simm.s32 $0x59D8  }
0x215: {  	[tilespmem:s29], [sflag:$0x1] =	stream.indirect.gather [hbm4b:s5+s14], $0x1, s28, s14, $0xb8;
	[tilespmem:$0x60D8] =	vst v63  }
0x216: {  	s30 =	simm.s32 $0x4058;
	s31 =	simm.s32 $0x5A58  }
0x217: {  	[tilespmem:s31], [sflag:$0x1] =	stream.indirect.gather [hbm4b:s5+s14], $0x1, s30, s14, $0xb8;
	[tilespmem:$0x60D8] =	vst v63  }
0x218: {  	s28 =	simm.s32 $0x40D8;
	s29 =	simm.s32 $0x5AD8  }
0x219: {  	[tilespmem:s29], [sflag:$0x1] =	stream.indirect.gather [hbm4b:s5+s14], $0x1, s28, s14, $0xb8;
	[tilespmem:$0x60D8] =	vst v63  }
0x21a: {  	s30 =	simm.s32 $0x4158;
	s31 =	simm.s32 $0x5B58  }
0x21b: {  	[tilespmem:s31], [sflag:$0x1] =	stream.indirect.gather [hbm4b:s5+s14], $0x1, s30, s14, $0xb8;
	[tilespmem:$0x60D8] =	vst v63  }
0x21c: {  	s28 =	simm.s32 $0x41D8;
	s29 =	simm.s32 $0x5BD8  }
0x21d: {  	[tilespmem:s29], [sflag:$0x1] =	stream.indirect.gather [hbm4b:s5+s14], $0x1, s28, s14, $0xb8;
	[tilespmem:$0x60D8] =	vst v63  }
0x21e: {  	s30 =	simm.s32 $0x4258;
	s31 =	simm.s32 $0x5C58  }
0x21f: {  	[tilespmem:s31], [sflag:$0x1] =	stream.indirect.gather [hbm4b:s5+s14], $0x1, s30, s14, $0xb8;
	[tilespmem:$0x60D8] =	vst v63  }
0x220: {  	s2 =	simm.s32 $0x42D8;
	s28 =	simm.s32 $0x5CD8  }
0x221: {  	[tilespmem:s28], [sflag:$0x1] =	stream.indirect.gather [hbm4b:s5+s14], $0x1, s2, s14, $0xb8;
	[tilespmem:$0x60D8] =	vst v63  }
0x222: {  	s29 =	simm.s32 $0x4358;
	s30 =	simm.s32 $0x5D58  }
0x223: {  	[tilespmem:s30], [sflag:$0x1] =	stream.indirect.gather [hbm4b:s5+s14], $0x1, s29, s14, $0xb8;
	[tilespmem:$0x60D8] =	vst v63  }
0x224: {  	_ = 	snop  }
0x225: {  	[tilespmem:s3], [sflag:$0x1] =	stream.indirect.gather [hbm4b:s5+s14], $0x1, s1, s14, $0xb8;
	[tilespmem:$0x60D8] =	vst v63  }
0x226: {  	_ = 	snop  }
0x227: {  	[tilespmem:s16], [sflag:$0x1] =	stream.indirect.gather [hbm4b:s5+s14], $0x1, s15, s14, $0xb8;
	[tilespmem:$0x60D8] =	vst v63  }
0x228: {  	_ = 	snop  }
0x229: {  	[tilespmem:s18], [sflag:$0x1] =	stream.indirect.gather [hbm4b:s5+s14], $0x1, s17, s14, $0xb8;
	[tilespmem:$0x60D8] =	vst v63  }
0x22a: {  	_ = 	snop  }
0x22b: {  	[tilespmem:s21], [sflag:$0x1] =	stream.indirect.gather [hbm4b:s5+s14], $0x1, s20, s14, $0xb8;
	[tilespmem:$0x60D8] =	vst v63  }
0x22c: {  	_ = 	snop  }
0x22d: {  	[tilespmem:s23], [sflag:$0x1] =	stream.indirect.gather [hbm4b:s5+s14], $0x1, s22, s14, $0xb8;
	[tilespmem:$0x60D8] =	vst v63  }
0x22e: {  	_ =	swait.ge [sflag:s13], $0x80  }
0x22f: {  	[sflag:s13] =	ssyncset.done $0x0  }
0x230: {  	[sflag:s13] =	ssyncadd.s32 $0xFFFFFF80  }
0x231: {  	_ =	swait.ge [sflag:s13], $0x80  }
0x232: {  	[sflag:s13] =	ssyncset.done $0x0  }
0x233: {  	[sflag:s13] =	ssyncadd.s32 $0xFFFFFF80  }
0x234: {  	_ =	swait.ge [sflag:s13], $0x80  }
0x235: {  	[sflag:s13] =	ssyncset.done $0x0  }
0x236: {  	[sflag:s13] =	ssyncadd.s32 $0xFFFFFF80  }
0x237: {  	_ =	swait.ge [sflag:s13], $0x80  }
0x238: {  	[sflag:s13] =	ssyncset.done $0x0  }
0x239: {  	[sflag:s13] =	ssyncadd.s32 $0xFFFFFF80  }
0x23a: {  	_ =	swait.ge [sflag:s13], $0x80  }
0x23b: {  	[sflag:s13] =	ssyncset.done $0x0  }
0x23c: {  	[sflag:s13] =	ssyncadd.s32 $0xFFFFFF80  }
0x23d: {  	_ =	swait.ge [sflag:s13], $0x80  }
0x23e: {  	[sflag:s13] =	ssyncset.done $0x0  }
0x23f: {  	[sflag:s13] =	ssyncadd.s32 $0xFFFFFF80  }
0x240: {  	_ =	swait.ge [sflag:s13], $0x80  }
0x241: {  	[sflag:s13] =	ssyncset.done $0x0  }
0x242: {  	[sflag:s13] =	ssyncadd.s32 $0xFFFFFF80  }
0x243: {  	_ =	swait.ge [sflag:s13], $0x80  }
0x244: {  	[sflag:s13] =	ssyncset.done $0x0  }
0x245: {  	[sflag:s13] =	ssyncadd.s32 $0xFFFFFF80  }
0x246: {  	_ =	swait.ge [sflag:s13], $0x80  }
0x247: {  	[sflag:s13] =	ssyncset.done $0x0  }
0x248: {  	[sflag:s13] =	ssyncadd.s32 $0xFFFFFF80  }
0x249: {  	_ =	swait.ge [sflag:s13], $0x80  }
0x24a: {  	[sflag:s13] =	ssyncset.done $0x0  }
0x24b: {  	[sflag:s13] =	ssyncadd.s32 $0xFFFFFF80  }
0x24c: {  	_ =	swait.ge [sflag:s13], $0x80  }
0x24d: {  	[sflag:s13] =	ssyncset.done $0x0  }
0x24e: {  	[sflag:s13] =	ssyncadd.s32 $0xFFFFFF80  }
0x24f: {  	_ =	swait.ge [sflag:s13], $0x80  }
0x250: {  	[sflag:s13] =	ssyncset.done $0x0  }
0x251: {  	[sflag:s13] =	ssyncadd.s32 $0xFFFFFF80  }
0x252: {  	_ =	swait.ge [sflag:s13], $0x80  }
0x253: {  	[sflag:s13] =	ssyncset.done $0x0  }
0x254: {  	[sflag:s13] =	ssyncadd.s32 $0xFFFFFF80  }
0x255: {  	_ =	swait.ge [sflag:s13], $0x80  }
0x256: {  	[sflag:s13] =	ssyncset.done $0x0  }
0x257: {  	[sflag:s13] =	ssyncadd.s32 $0xFFFFFF80  }
0x258: {  	_ =	swait.ge [sflag:s13], $0x80  }
0x259: {  	[sflag:s13] =	ssyncset.done $0x0  }
0x25a: {  	[sflag:s13] =	ssyncadd.s32 $0xFFFFFF80  }
0x25b: {  	_ =	swait.ge [sflag:s13], $0x80  }
0x25c: {  	[sflag:s13] =	ssyncset.done $0x0  }
0x25d: {  	[sflag:s13] =	ssyncadd.s32 $0xFFFFFF80  }
0x25e: {  	_ =	swait.ge [sflag:s13], $0x80  }
0x25f: {  	[sflag:s13] =	ssyncset.done $0x0  }
0x260: {  	[sflag:s13] =	ssyncadd.s32 $0xFFFFFF80  }
0x261: {  	_ =	swait.ge [sflag:s13], $0x80  }
0x262: {  	[sflag:s13] =	ssyncset.done $0x0  }
0x263: {  	[sflag:s13] =	ssyncadd.s32 $0xFFFFFF80  }
0x264: {  	_ =	swait.ge [sflag:s13], $0x80  }
0x265: {  	[sflag:s13] =	ssyncset.done $0x0  }
0x266: {  	[sflag:s13] =	ssyncadd.s32 $0xFFFFFF80  }
0x267: {  	_ =	swait.ge [sflag:s13], $0x80  }
0x268: {  	[sflag:s13] =	ssyncset.done $0x0  }
0x269: {  	[sflag:s13] =	ssyncadd.s32 $0xFFFFFF80  }
0x26a: {  	_ =	swait.ge [sflag:s13], $0x80  }
0x26b: {  	[sflag:s13] =	ssyncset.done $0x0  }
0x26c: {  	[sflag:s13] =	ssyncadd.s32 $0xFFFFFF80  }
0x26d: {  	_ =	swait.ge [sflag:s13], $0x80  }
0x26e: {  	[sflag:s13] =	ssyncset.done $0x0  }
0x26f: {  	[sflag:s13] =	ssyncadd.s32 $0xFFFFFF80  }
0x270: {  	_ =	swait.ge [sflag:s13], $0x80  }
0x271: {  	[sflag:s13] =	ssyncset.done $0x0  }
0x272: {  	[sflag:s13] =	ssyncadd.s32 $0xFFFFFF80  }
0x273: {  	_ =	swait.ge [sflag:s13], $0x80  }
0x274: {  	[sflag:s13] =	ssyncset.done $0x0  }
0x275: {  	[sflag:s13] =	ssyncadd.s32 $0xFFFFFF80  }
0x276: {  	_ =	swait.ge [sflag:s13], $0x80  }
0x277: {  	[sflag:s13] =	ssyncset.done $0x0  }
0x278: {  	[sflag:s13] =	ssyncadd.s32 $0xFFFFFF80  }
0x279: {  	_ =	swait.ge [sflag:s13], $0x80  }
0x27a: {  	[sflag:s13] =	ssyncset.done $0x0  }
0x27b: {  	[sflag:s13] =	ssyncadd.s32 $0xFFFFFF80  }
0x27c: {  	_ =	swait.ge [sflag:s13], $0x80  }
0x27d: {  	[sflag:s13] =	ssyncset.done $0x0  }
0x27e: {  	[sflag:s13] =	ssyncadd.s32 $0xFFFFFF80  }
0x27f: {  	_ =	swait.ge [sflag:s13], $0x80  }
0x280: {  	[sflag:s13] =	ssyncset.done $0x0  }
0x281: {  	[sflag:s13] =	ssyncadd.s32 $0xFFFFFF80  }
0x282: {  	_ =	swait.ge [sflag:s13], $0x80  }
0x283: {  	[sflag:s13] =	ssyncset.done $0x0  }
0x284: {  	[sflag:s13] =	ssyncadd.s32 $0xFFFFFF80  }
0x285: {  	_ =	swait.ge [sflag:s13], $0x80  }
0x286: {  	[sflag:s13] =	ssyncset.done $0x0  }
0x287: {  	[sflag:s13] =	ssyncadd.s32 $0xFFFFFF80  }
0x288: {  	_ =	swait.ge [sflag:s13], $0x80  }
0x289: {  	[sflag:s13] =	ssyncset.done $0x0  }
0x28a: {  	[sflag:s13] =	ssyncadd.s32 $0xFFFFFF80  }
0x28b: {  	_ =	swait.ge [sflag:s13], $0x80  }
0x28c: {  	[sflag:s13] =	ssyncset.done $0x0  }
0x28d: {  	[sflag:s13] =	ssyncadd.s32 $0xFFFFFF80  }
0x28e: {  	_ =	swait.ge [sflag:s13], $0x80  }
0x28f: {  	[sflag:s13] =	ssyncset.done $0x0  }
0x290: {  	[sflag:s13] =	ssyncadd.s32 $0xFFFFFF80  }
0x291: {  	_ =	swait.ge [sflag:s13], $0x80  }
0x292: {  	[sflag:s13] =	ssyncset.done $0x0  }
0x293: {  	[sflag:s13] =	ssyncadd.s32 $0xFFFFFF80  }
0x294: {  	_ =	swait.ge [sflag:s13], $0x80  }
0x295: {  	[sflag:s13] =	ssyncset.done $0x0  }
0x296: {  	[sflag:s13] =	ssyncadd.s32 $0xFFFFFF80  }
0x297: {  	_ =	swait.ge [sflag:s13], $0x80  }
0x298: {  	[sflag:s13] =	ssyncset.done $0x0  }
0x299: {  	[sflag:s13] =	ssyncadd.s32 $0xFFFFFF80  }
0x29a: {  	_ =	swait.ge [sflag:s13], $0x80  }
0x29b: {  	[sflag:s13] =	ssyncset.done $0x0  }
0x29c: {  	[sflag:s13] =	ssyncadd.s32 $0xFFFFFF80  }
0x29d: {  	_ =	swait.ge [sflag:s13], $0x80  }
0x29e: {  	[sflag:s13] =	ssyncset.done $0x0  }
0x29f: {  	[sflag:s13] =	ssyncadd.s32 $0xFFFFFF80  }
0x2a0: {  	_ =	swait.ge [sflag:s13], $0x80  }
0x2a1: {  	[sflag:s13] =	ssyncset.done $0x0  }
0x2a2: {  	[sflag:s13] =	ssyncadd.s32 $0xFFFFFF80  }
0x2a3: {  	_ =	swait.ge [sflag:s13], $0x80  }
0x2a4: {  	[sflag:s13] =	ssyncset.done $0x0  }
0x2a5: {  	[sflag:s13] =	ssyncadd.s32 $0xFFFFFF80  }
0x2a6: {  	_ =	swait.ge [sflag:s13], $0x80  }
0x2a7: {  	[sflag:s13] =	ssyncset.done $0x0  }
0x2a8: {  	[sflag:s13] =	ssyncadd.s32 $0xFFFFFF80  }
0x2a9: {  	_ =	swait.ge [sflag:s13], $0x80  }
0x2aa: {  	[sflag:s13] =	ssyncset.done $0x0  }
0x2ab: {  	[sflag:s13] =	ssyncadd.s32 $0xFFFFFF80  }
0x2ac: {  	_ =	swait.ge [sflag:s13], $0x80  }
0x2ad: {  	[sflag:s13] =	ssyncset.done $0x0  }
0x2ae: {  	[sflag:s13] =	ssyncadd.s32 $0xFFFFFF80  }
0x2af: {  	_ =	swait.ge [sflag:s13], $0x80  }
0x2b0: {  	[sflag:s13] =	ssyncset.done $0x0  }
0x2b1: {  	[sflag:s13] =	ssyncadd.s32 $0xFFFFFF80  }
0x2b2: {  	_ =	swait.ge [sflag:s13], $0x80  }
0x2b3: {  	[sflag:s13] =	ssyncset.done $0x0  }
0x2b4: {  	[sflag:s13] =	ssyncadd.s32 $0xFFFFFF80  }
0x2b5: {  	_ =	swait.ge [sflag:s13], $0x80  }
0x2b6: {  	[sflag:s13] =	ssyncset.done $0x0  }
0x2b7: {  	[sflag:s13] =	ssyncadd.s32 $0xFFFFFF80  }
0x2b8: {  	_ =	swait.ge [sflag:s13], $0x80  }
0x2b9: {  	[sflag:s13] =	ssyncset.done $0x0  }
0x2ba: {  	[sflag:s13] =	ssyncadd.s32 $0xFFFFFF80  }
0x2bb: {  	_ =	swait.ge [sflag:s13], $0x80  }
0x2bc: {  	[sflag:s13] =	ssyncset.done $0x0  }
0x2bd: {  	[sflag:s13] =	ssyncadd.s32 $0xFFFFFF80  }
0x2be: {  	_ =	swait.ge [sflag:s13], $0x80  }
0x2bf: {  	[sflag:s13] =	ssyncset.done $0x0  }
0x2c0: {  	[sflag:s13] =	ssyncadd.s32 $0xFFFFFF80  }
0x2c1: {  	_ =	swait.ge [sflag:s13], $0x80  }
0x2c2: {  	[sflag:s13] =	ssyncset.done $0x0  }
0x2c3: {  	[sflag:s13] =	ssyncadd.s32 $0xFFFFFF80  }
0x2c4: {  	_ =	swait.ge [sflag:s13], $0x80  }
0x2c5: {  	[sflag:s13] =	ssyncset.done $0x0  }
0x2c6: {  	[sflag:s13] =	ssyncadd.s32 $0xFFFFFF80  }
0x2c7: {  	_ =	swait.ge [sflag:s13], $0x80  }
0x2c8: {  	[sflag:s13] =	ssyncset.done $0x0  }
0x2c9: {  	[sflag:s13] =	ssyncadd.s32 $0xFFFFFF80  }
0x2ca: {  	v9 =	vld [tilespmem:$0x4658]  }
0x2cb: {  	v10 =	vld [tilespmem:$0x5358]  }
0x2cc: {  	v11 =	vld [tilespmem:$0x46D8]  }
0x2cd: {  	v12 =	vld [tilespmem:$0x53D8]  }
0x2ce: {  	v13 =	vld [tilespmem:$0x4758]  }
0x2cf: {  	v14 =	vld [tilespmem:$0x5458]  }
0x2d0: {  	v15 =	vld [tilespmem:$0x47D8];
	v10 =	vadd.f32 $0.0e+00, v10  }
0x2d1: {  	v16 =	vld [tilespmem:$0x54D8];
	v9 =	vadd.f32 $0.0e+00, v9  }
0x2d2: {  	v17 =	vld [tilespmem:$0x4858];
	v10 =	vadd.f32 v12, v10  }
0x2d3: {  	v9 =	vadd.f32 v11, v9;
	v11 =	vld [tilespmem:$0x5558]  }
0x2d4: {  	v18 =	vld [tilespmem:$0x5158];
	v10 =	vadd.f32 v14, v10  }
0x2d5: {  	v9 =	vadd.f32 v13, v9;
	v13 =	vld [tilespmem:$0x55D8]  }
0x2d6: {  	v12 =	vld [tilespmem:$0x48D8];
	v10 =	vadd.f32 v16, v10  }
0x2d7: {  	v9 =	vadd.f32 v15, v9;
	v15 =	vld [tilespmem:$0x5658]  }
0x2d8: {  	v14 =	vld [tilespmem:$0x4958];
	v10 =	vadd.f32 v11, v10  }
0x2d9: {  	v9 =	vadd.f32 v17, v9;
	v11 =	vld [tilespmem:$0x56D8]  }
0x2da: {  	v16 =	vld [tilespmem:$0x49D8];
	v10 =	vadd.f32 v13, v10  }
0x2db: {  	v9 =	vadd.f32 v12, v9;
	v12 =	vld [tilespmem:$0x5758]  }
0x2dc: {  	v17 =	vld [tilespmem:$0x4A58];
	v10 =	vadd.f32 v15, v10  }
0x2dd: {  	v9 =	vadd.f32 v14, v9;
	v14 =	vld [tilespmem:$0x57D8]  }
0x2de: {  	v13 =	vld [tilespmem:$0x4AD8];
	v10 =	vadd.f32 v11, v10  }
0x2df: {  	v9 =	vadd.f32 v16, v9;
	v11 =	vld [tilespmem:$0x5858]  }
0x2e0: {  	v15 =	vld [tilespmem:$0x4B58];
	v10 =	vadd.f32 v12, v10  }
0x2e1: {  	v9 =	vadd.f32 v17, v9;
	v12 =	vld [tilespmem:$0x58D8]  }
0x2e2: {  	v16 =	vld [tilespmem:$0x4BD8];
	v10 =	vadd.f32 v14, v10  }
0x2e3: {  	v9 =	vadd.f32 v13, v9;
	v13 =	vld [tilespmem:$0x5958]  }
0x2e4: {  	v17 =	vld [tilespmem:$0x4C58];
	v10 =	vadd.f32 v11, v10  }
0x2e5: {  	v9 =	vadd.f32 v15, v9;
	v11 =	vld [tilespmem:$0x59D8]  }
0x2e6: {  	v14 =	vld [tilespmem:$0x4CD8];
	v10 =	vadd.f32 v12, v10  }
0x2e7: {  	v9 =	vadd.f32 v16, v9;
	v12 =	vld [tilespmem:$0x5A58]  }
0x2e8: {  	v15 =	vld [tilespmem:$0x4D58];
	v10 =	vadd.f32 v13, v10  }
0x2e9: {  	v9 =	vadd.f32 v17, v9;
	v13 =	vld [tilespmem:$0x5AD8]  }
0x2ea: {  	v16 =	vld [tilespmem:$0x4DD8];
	v10 =	vadd.f32 v11, v10  }
0x2eb: {  	v9 =	vadd.f32 v14, v9;
	v11 =	vld [tilespmem:$0x5B58]  }
0x2ec: {  	v17 =	vld [tilespmem:$0x4E58];
	v10 =	vadd.f32 v12, v10  }
0x2ed: {  	v9 =	vadd.f32 v15, v9;
	v12 =	vld [tilespmem:$0x5BD8]  }
0x2ee: {  	v14 =	vld [tilespmem:$0x4ED8];
	v10 =	vadd.f32 v13, v10  }
0x2ef: {  	v9 =	vadd.f32 v16, v9;
	v13 =	vld [tilespmem:$0x5C58]  }
0x2f0: {  	v15 =	vld [tilespmem:$0x4F58];
	v10 =	vadd.f32 v11, v10  }
0x2f1: {  	v9 =	vadd.f32 v17, v9;
	v11 =	vld [tilespmem:$0x5CD8]  }
0x2f2: {  	v16 =	vld [tilespmem:$0x4FD8];
	v10 =	vadd.f32 v12, v10  }
0x2f3: {  	v9 =	vadd.f32 v14, v9;
	v12 =	vld [tilespmem:$0x5D58]  }
0x2f4: {  	s31 =	simm.s32 $0x0;
	v17 =	vld [tilespmem:$0x5058];
	v10 =	vadd.f32 v13, v10  }
0x2f5: {  	v9 =	vadd.f32 v15, v9;
	v13 =	vld [tilespmem:$0x5DD8];
	v15 =	vmov s31  }
0x2f6: {  	v14 =	vld [tilespmem:$0x50D8];
	v10 =	vadd.f32 v11, v10;
	v11 =	vshrl.u32 v15, $0x3  }
0x2f7: {  	v9 =	vadd.f32 v16, v9;
	v15 =	vld [tilespmem:$0x5E58];
	v11 =	vshll.u32 v11, $0x3  }
0x2f8: {  	v58 =	vld [tilespmem:$0x52D8];
	v10 =	vadd.f32 v12, v10;
	v11 =	vbroadcast v11, $0x0  }
0x2f9: {  	v9 =	vadd.f32 v17, v9;
	v12 =	vld [tilespmem:$0x5ED8]  }
0x2fa: {  	v16 =	vld [tilespmem:$0x51D8];
	v10 =	vadd.f32 v13, v10;
	v13 =	vor.u32 v5, v11  }
0x2fb: {  	v17 =	vld [tilespmem:$0x5258];
	v9 =	vadd.f32 v14, v9;
	v59 =	vor.u32 $0x4, v11  }
0x2fc: {  	v14 =	vld [tilespmem:$0x5F58];
	v57 =	vor.u32 $0x1, v11;
	v10 =	vadd.f32 v15, v10  }
0x2fd: {  	v9 =	vadd.f32 v18, v9;
	v15 =	vor.u32 v19, v11;
	v18 =	vld [tilespmem:$0x5FD8]  }
0x2fe: {  	v53 =	vor.u32 $0x2, v11;
	v10 =	vadd.f32 v12, v10;
	v12 =	vld.idx.msk [tilespmem:v11+s11+$0x0], $0xffff  }
0x2ff: {  	v9 =	vadd.f32 v16, v9;
	v16 =	vor.u32 v20, v11;
	v13 =	vld.idx.msk [tilespmem:v13+s10+$0x0], $0xffff  }
0x300: {  	v54 =	vor.u32 $0x3, v11;
	v51 =	vld.idx.msk [tilespmem:v59+s11+$0x0], $0xffff  }
0x301: {  	s0 =	simm.s32 $0x8;
	v10 =	vadd.f32 v14, v10;
	v9 =	vadd.f32 v17, v9;
	v14 =	vld.idx.msk [tilespmem:v57+s11+$0x0], $0xffff;
	v17 =	vor.u32 v21, v11  }
0x302: {  	v55 =	vmov s0;
	v61 =	vor.u32 v22, v11;
	v15 =	vld.idx.msk [tilespmem:v15+s10+$0x0], $0xffff  }
0x303: {  	v60 =	vor.u32 v23, v11;
	v10 =	vadd.f32 v18, v10;
	v9 =	vadd.f32 v58, v9;
	v18 =	vld.idx.msk [tilespmem:v53+s11+$0x0], $0xffff  }
0x304: {  	v55 =	vshrl.u32 v55, $0x3;
	v56 =	vor.u32 v62, v11;
	v16 =	vld.idx.msk [tilespmem:v16+s10+$0x0], $0xffff  }
0x305: {  	v53 =	vor.u32 $0x5, v11;
	v9 =	vsub.f32 v9, v10;
	v10 =	vld.idx.msk [tilespmem:v54+s11+$0x0], $0xffff;
	v12 =	vmul.f32 v13, v12  }
0x306: {  	v55 =	vshll.u32 v55, $0x3;
	v13 =	vld.idx.msk [tilespmem:v17+s10+$0x0], $0xffff;
	v17 =	vor.u32 $0x6, v11  }
0x307: {  	v58 =	vld.idx.msk [tilespmem:v61+s10+$0x0], $0xffff;
	v61 =	vor.u32 $0x7, v11;
	v12 =	vadd.f32 v12, v9;
	v14 =	vmul.f32 v15, v14  }
0x308: {  	v59 =	vld.idx.msk [tilespmem:v60+s10+$0x0], $0xffff;
	v11 =	vor.u32 v63, v11;
	v9 =	vbroadcast v55, $0x0  }
0x309: {  	v57 =	vld.idx.msk [tilespmem:v56+s10+$0x0], $0xffff;
	v12 =	vadd.f32 v14, v12;
	v14 =	vmul.f32 v16, v18  }
0x30a: {  	v15 =	vld.idx.msk [tilespmem:v53+s11+$0x0], $0xffff;
	v18 =	vor.u32 v5, v9  }
0x30b: {  	v54 =	vld.idx.msk [tilespmem:v17+s11+$0x0], $0xffff;
	v17 =	vor.u32 $0x1, v9;
	v12 =	vadd.f32 v14, v12;
	v10 =	vmul.f32 v13, v10  }
0x30c: {  	v52 =	vld.idx.msk [tilespmem:v61+s11+$0x0], $0xffff;
	v14 =	vor.u32 v19, v9  }
0x30d: {  	v55 =	vld.idx.msk [tilespmem:v11+s10+$0x0], $0xffff;
	v11 =	vmul.f32 v58, v51;
	v13 =	vor.u32 $0x2, v9;
	v10 =	vadd.f32 v10, v12  }
0x30e: {  	v16 =	vor.u32 v20, v9;
	v53 =	vld.idx.msk [tilespmem:v9+s11+$0x0], $0xffff  }
0x30f: {  	v12 =	vor.u32 $0x3, v9;
	v56 =	vld.idx.msk [tilespmem:v18+s10+$0x0], $0xffff;
	v10 =	vadd.f32 v11, v10;
	v11 =	vmul.f32 v59, v15  }
0x310: {  	v15 =	vor.u32 v21, v9;
	v51 =	vld.idx.msk [tilespmem:v17+s11+$0x0], $0xffff  }
.LBB2_4:
0x311: {  	s0 =	sadd.s32 $0x8, s0;
	v14 =	vld.idx.msk [tilespmem:v14+s10+$0x0], $0xffff;
	v17 =	vor.u32 $0x4, v9;
	v10 =	vadd.f32 v11, v10;
	v11 =	vmul.f32 v57, v54  }
0x312: {  	v54 =	vor.u32 v22, v9;
	v18 =	vmov s0;
	v13 =	vld.idx.msk [tilespmem:v13+s11+$0x0], $0xffff  }
0x313: {  	v57 =	vor.u32 $0x5, v9;
	v16 =	vld.idx.msk [tilespmem:v16+s10+$0x0], $0xffff;
	v10 =	vadd.f32 v11, v10;
	v11 =	vmul.f32 v55, v52  }
0x314: {  	p0 =	slt.u32 s0, $0x18;
	v18 =	vshrl.u32 v18, $0x3;
	v52 =	vor.u32 v23, v9;
	v12 =	vld.idx.msk [tilespmem:v12+s11+$0x0], $0xffff  }
0x315: {  	v55 =	vor.u32 $0x6, v9;
	v53 =	vmul.f32 v56, v53;
	v15 =	vld.idx.msk [tilespmem:v15+s10+$0x0], $0xffff;
	v10 =	vadd.f32 v11, v10  }
0x316: {  	v11 =	vshll.u32 v18, $0x3;
	v18 =	vor.u32 v62, v9;
	v17 =	vld.idx.msk [tilespmem:v17+s11+$0x0], $0xffff  }
0x317: {  	v14 =	vmul.f32 v14, v51;
	v10 =	vadd.f32 v53, v10;
	v51 =	vld.idx.msk [tilespmem:v54+s10+$0x0], $0xffff;
	v53 =	vor.u32 $0x7, v9  }
0x318: {  	v56 =	vor.u32 v63, v9;
	v9 =	vbroadcast v11, $0x0;
	v58 =	vld.idx.msk [tilespmem:v57+s11+$0x0], $0xffff  }
0x319: {  	v11 =	vmul.f32 v16, v13;
	v10 =	vadd.f32 v14, v10;
	v59 =	vld.idx.msk [tilespmem:v52+s10+$0x0], $0xffff  }
0x31a: {  	v60 =	vor.u32 v5, v9;
	v54 =	vld.idx.msk [tilespmem:v55+s11+$0x0], $0xffff  }
0x31b: {  	v61 =	vor.u32 $0x1, v9;
	v10 =	vadd.f32 v11, v10;
	v11 =	vmul.f32 v15, v12;
	v57 =	vld.idx.msk [tilespmem:v18+s10+$0x0], $0xffff  }
.Ltmp1:
0x31c: {  	v14 =	vor.u32 v19, v9;
	v52 =	vld.idx.msk [tilespmem:v53+s11+$0x0], $0xffff;
	(pc) =	sbr.rel @p0 .LBB2_4-.Ltmp1, $4  }
0x31d: {  	v13 =	vor.u32 $0x2, v9;
	v10 =	vadd.f32 v11, v10;
	v11 =	vmul.f32 v51, v17;
	v55 =	vld.idx.msk [tilespmem:v56+s10+$0x0], $0xffff  }
0x31e: {  	v16 =	vor.u32 v20, v9;
	v53 =	vld.idx.msk [tilespmem:v9+s11+$0x0], $0xffff  }
0x31f: {  	v12 =	vor.u32 $0x3, v9;
	v56 =	vld.idx.msk [tilespmem:v60+s10+$0x0], $0xffff;
	v10 =	vadd.f32 v11, v10;
	v11 =	vmul.f32 v59, v58  }
0x320: {  	v15 =	vor.u32 v21, v9;
	v51 =	vld.idx.msk [tilespmem:v61+s11+$0x0], $0xffff  }
0x321: {  	_ =	sdelay $0x3  }
0x322: {  	v14 =	vld.idx.msk [tilespmem:v14+s10+$0x0], $0xffff  }
0x323: {  	v28 =	vld.idx.msk [tilespmem:v13+s11+$0x0], $0xffff  }
0x324: {  	v13 =	vld.idx.msk [tilespmem:v16+s10+$0x0], $0xffff  }
0x325: {  	v26 =	vld.idx.msk [tilespmem:v12+s11+$0x0], $0xffff  }
0x326: {  	v17 =	vor.u32 $0x4, v9;
	v18 =	vor.u32 v22, v9;
	v29 =	vld.idx.msk [tilespmem:v15+s10+$0x0], $0xffff  }
0x327: {  	v58 =	vor.u32 $0x5, v9;
	v59 =	vor.u32 v23, v9;
	v60 =	vor.u32 $0x6, v9;
	v22 =	vld [tilespmem:$0x4668]  }
0x328: {  	v61 =	vor.u32 v62, v9;
	v21 =	vor.u32 $0x7, v9;
	v9 =	vor.u32 v63, v9;
	v15 =	vld [tilespmem:$0x46E8]  }
0x329: {  	v12 =	vld [tilespmem:$0x53E8]  }
0x32a: {  	v16 =	vld [tilespmem:$0x4768]  }
0x32b: {  	v23 =	vld [tilespmem:$0x5568]  }
0x32c: {  	v20 =	vld [tilespmem:$0x49E8];
	v10 =	vadd.f32 v11, v10;
	v11 =	vmul.f32 v57, v54  }
0x32d: {  	v62 =	vld.idx.msk [tilespmem:v9+s10+$0x0], $0xffff  }
0x32e: {  	v10 =	vadd.f32 v11, v10;
	v11 =	vmul.f32 v55, v52;
	v9 =	vld [tilespmem:$0x5368]  }
0x32f: {  	v57 =	vld [tilespmem:$0x4EE8]  }
0x330: {  	v10 =	vadd.f32 v11, v10;
	v11 =	vld [tilespmem:$0x5B68]  }
0x331: {  	v25 =	vld.idx.msk [tilespmem:v17+s11+$0x0], $0xffff  }
0x332: {  	[tilespmem:$0x1FEB0] =	vst v13;
	v13 =	vld [tilespmem:$0x5468];
	v63 =	vadd.f32 $0.0e+00, v22  }
0x333: {  	v17 =	vld [tilespmem:$0x47E8];
	v9 =	vadd.f32 $0.0e+00, v9  }
0x334: {  	[tilespmem:$0x1FEA0] =	vst v14;
	v14 =	vld [tilespmem:$0x54E8];
	v15 =	vadd.f32 v15, v63  }
0x335: {  	v9 =	vadd.f32 v12, v9;
	v12 =	vld [tilespmem:$0x4868]  }
0x336: {  	v18 =	vld.idx.msk [tilespmem:v18+s10+$0x0], $0xffff;
	v15 =	vadd.f32 v16, v15  }
0x337: {  	v9 =	vadd.f32 v13, v9;
	v13 =	vld [tilespmem:$0x48E8]  }
0x338: {  	v16 =	vld [tilespmem:$0x55E8];
	v15 =	vadd.f32 v17, v15  }
0x339: {  	v9 =	vadd.f32 v14, v9;
	v14 =	vld [tilespmem:$0x4968]  }
0x33a: {  	v17 =	vld [tilespmem:$0x5668];
	v12 =	vadd.f32 v12, v15  }
0x33b: {  	v58 =	vld.idx.msk [tilespmem:v58+s11+$0x0], $0xffff;
	v9 =	vadd.f32 v23, v9  }
0x33c: {  	v15 =	vld [tilespmem:$0x56E8];
	v12 =	vadd.f32 v13, v12  }
0x33d: {  	v9 =	vadd.f32 v16, v9;
	v16 =	vld [tilespmem:$0x4A68]  }
0x33e: {  	v13 =	vld [tilespmem:$0x5768];
	v12 =	vadd.f32 v14, v12  }
0x33f: {  	v9 =	vadd.f32 v17, v9;
	v17 =	vld [tilespmem:$0x4AE8]  }
0x340: {  	v14 =	vld [tilespmem:$0x57E8];
	v12 =	vadd.f32 v20, v12  }
0x341: {  	v9 =	vadd.f32 v15, v9;
	v15 =	vld [tilespmem:$0x4B68]  }
0x342: {  	v59 =	vld.idx.msk [tilespmem:v59+s10+$0x0], $0xffff;
	v12 =	vadd.f32 v16, v12  }
0x343: {  	v9 =	vadd.f32 v13, v9;
	v13 =	vld [tilespmem:$0x4BE8]  }
0x344: {  	v24 =	vld.idx.msk [tilespmem:v21+s11+$0x0], $0xffff;
	v12 =	vadd.f32 v17, v12  }
0x345: {  	v9 =	vadd.f32 v14, v9;
	v14 =	vld [tilespmem:$0x4C68]  }
0x346: {  	v21 =	vld [tilespmem:$0x5868];
	v12 =	vadd.f32 v15, v12  }
0x347: {  	v22 =	vld [tilespmem:$0x4CE8]  }
0x348: {  	v16 =	vld [tilespmem:$0x58E8];
	v12 =	vadd.f32 v13, v12  }
0x349: {  	v13 =	vld [tilespmem:$0x4D68]  }
0x34a: {  	v17 =	vld [tilespmem:$0x5968];
	v12 =	vadd.f32 v14, v12  }
0x34b: {  	v60 =	vld.idx.msk [tilespmem:v60+s11+$0x0], $0xffff;
	v9 =	vadd.f32 v21, v9  }
0x34c: {  	v15 =	vld [tilespmem:$0x59E8];
	v12 =	vadd.f32 v22, v12  }
0x34d: {  	v61 =	vld.idx.msk [tilespmem:v61+s10+$0x0], $0xffff;
	v9 =	vadd.f32 v16, v9  }
0x34e: {  	v12 =	vadd.f32 v13, v12;
	v13 =	vld [tilespmem:$0x1FEA0]  }
0x34f: {  	v63 =	vld [tilespmem:$0x5068];
	v9 =	vadd.f32 v17, v9  }
0x350: {  	v23 =	vld [tilespmem:$0x4E68]  }
0x351: {  	v21 =	vld [tilespmem:$0x5168];
	v9 =	vadd.f32 v15, v9;
	v15 =	vmul.f32 v56, v53  }
0x352: {  	v16 =	vld [tilespmem:$0x5A68]  }
0x353: {  	v14 =	vld [tilespmem:$0x5AE8];
	v10 =	vadd.f32 v15, v10;
	v13 =	vmul.f32 v13, v51  }
0x354: {  	v17 =	vld [tilespmem:$0x4DE8]  }
0x355: {  	v10 =	vadd.f32 v13, v10;
	v13 =	vld [tilespmem:$0x1FEB0]  }
0x356: {  	v22 =	vld [tilespmem:$0x5268]  }
0x357: {  	v9 =	vadd.f32 v16, v9;
	v15 =	vld [tilespmem:$0x5BE8]  }
0x358: {  	v16 =	vld [tilespmem:$0x4F68]  }
0x359: {  	v12 =	vadd.f32 v17, v12;
	v17 =	vld [tilespmem:$0x4FE8];
	v9 =	vadd.f32 v14, v9  }
0x35a: {  	v14 =	vld [tilespmem:$0x5C68];
	v13 =	vmul.f32 v13, v28  }
0x35b: {  	v9 =	vadd.f32 v11, v9;
	v11 =	vadd.f32 v23, v12;
	v23 =	vld [tilespmem:$0x52E8]  }
0x35c: {  	v12 =	vmul.f32 v29, v26;
	v26 =	vld [tilespmem:$0x1FFC0];
	v10 =	vadd.f32 v13, v10  }
0x35d: {  	v29 =	vld [tilespmem:$0x1FFE0];
	v11 =	vadd.f32 v57, v11  }
0x35e: {  	v9 =	vadd.f32 v15, v9;
	v13 =	vld [tilespmem:$0x5CE8];
	v10 =	vadd.f32 v12, v10;
	v12 =	vmul.f32 v18, v25  }
0x35f: {  	v15 =	vld [tilespmem:$0x5D68];
	v11 =	vadd.f32 v16, v11  }
0x360: {  	v9 =	vadd.f32 v14, v9;
	v14 =	vld [tilespmem:$0x5DE8];
	v10 =	vadd.f32 v12, v10;
	v12 =	vmul.f32 v59, v58  }
0x361: {  	v11 =	vadd.f32 v17, v11;
	v17 =	vld [tilespmem:$0x51E8]  }
0x362: {  	s0 =	simm.s32 $0x0;
	v28 =	vld [tilespmem:$0x1FFD0];
	v10 =	vadd.f32 v12, v10;
	v12 =	vmul.f32 v61, v60  }
0x363: {  	v16 =	vmov s0;
	v18 =	vld [tilespmem:$0x50E8];
	v9 =	vadd.f32 v13, v9  }
0x364: {  	v13 =	vshrl.u32 v16, $0x3;
	v10 =	vadd.f32 v12, v10;
	v12 =	vmul.f32 v62, v24;
	v62 =	vld [tilespmem:$0x1FEC0]  }
0x365: {  	v16 =	vld [tilespmem:$0x5E68];
	v13 =	vshll.u32 v13, $0x3  }
0x366: {  	v11 =	vadd.f32 v63, v11;
	v63 =	vld [tilespmem:$0x1FED0];
	v9 =	vadd.f32 v15, v9;
	v13 =	vbroadcast v13, $0x0  }
0x367: {  	v15 =	vld [tilespmem:$0x5EE8]  }
0x368: {  	v24 =	vld [tilespmem:$0x1FFA0];
	v9 =	vadd.f32 v14, v9;
	v59 =	vor.u32 $0x4, v13  }
0x369: {  	v25 =	vld [tilespmem:$0x1FFB0];
	v11 =	vadd.f32 v18, v11;
	v10 =	vadd.f32 v12, v10;
	v14 =	vor.u32 v62, v13  }
0x36a: {  	v18 =	vor.u32 $0x1, v13;
	v12 =	vld [tilespmem:$0x5F68];
	v9 =	vadd.f32 v16, v9  }
0x36b: {  	v11 =	vadd.f32 v21, v11;
	v16 =	vor.u32 v63, v13;
	[tilespmem:$0x6058] =	vst v10;
	v10 =	vld [tilespmem:$0x5FE8]  }
0x36c: {  	v57 =	vor.u32 $0x2, v13;
	v9 =	vadd.f32 v15, v9;
	v15 =	vld.idx.msk [tilespmem:v13+s11+$0x0], $0xffff  }
0x36d: {  	v11 =	vadd.f32 v17, v11;
	v17 =	vor.u32 v24, v13;
	v51 =	vld.idx.msk [tilespmem:v59+s11+$0x0], $0xffff  }
0x36e: {  	v58 =	vor.u32 $0x3, v13;
	v14 =	vld.idx.msk [tilespmem:v14+s10+$0x0], $0xffff  }
0x36f: {  	s0 =	simm.s32 $0x8;
	v11 =	vadd.f32 v22, v11;
	v9 =	vadd.f32 v12, v9;
	v12 =	vld.idx.msk [tilespmem:v18+s11+$0x0], $0xffff;
	v18 =	vor.u32 v25, v13  }
0x370: {  	v60 =	vmov s0;
	v21 =	vor.u32 v26, v13;
	v16 =	vld.idx.msk [tilespmem:v16+s10+$0x0], $0xffff  }
0x371: {  	v56 =	vor.u32 v28, v13;
	v9 =	vadd.f32 v10, v9;
	v10 =	vadd.f32 v23, v11;
	v11 =	vld.idx.msk [tilespmem:v57+s11+$0x0], $0xffff  }
0x372: {  	v55 =	vshrl.u32 v60, $0x3;
	v22 =	vor.u32 $0x5, v13;
	v17 =	vld.idx.msk [tilespmem:v17+s10+$0x0], $0xffff  }
0x373: {  	v23 =	vor.u32 v27, v13;
	v9 =	vsub.f32 v10, v9;
	v10 =	vld.idx.msk [tilespmem:v58+s11+$0x0], $0xffff;
	v14 =	vmul.f32 v14, v15  }
0x374: {  	v55 =	vshll.u32 v55, $0x3;
	v15 =	vld.idx.msk [tilespmem:v18+s10+$0x0], $0xffff;
	v18 =	vor.u32 $0x6, v13  }
0x375: {  	v58 =	vld.idx.msk [tilespmem:v21+s10+$0x0], $0xffff;
	v21 =	vor.u32 $0x7, v13;
	v12 =	vmul.f32 v16, v12;
	v14 =	vadd.f32 v14, v9  }
0x376: {  	v57 =	vld.idx.msk [tilespmem:v56+s10+$0x0], $0xffff;
	v13 =	vor.u32 v29, v13;
	v9 =	vbroadcast v55, $0x0  }
0x377: {  	v22 =	vld.idx.msk [tilespmem:v22+s11+$0x0], $0xffff;
	v11 =	vmul.f32 v17, v11;
	v12 =	vadd.f32 v12, v14  }
0x378: {  	v23 =	vld.idx.msk [tilespmem:v23+s10+$0x0], $0xffff;
	v17 =	vor.u32 v62, v9  }
0x379: {  	v54 =	vld.idx.msk [tilespmem:v18+s11+$0x0], $0xffff;
	v18 =	vor.u32 $0x1, v9;
	v10 =	vmul.f32 v15, v10;
	v11 =	vadd.f32 v11, v12  }
0x37a: {  	v52 =	vld.idx.msk [tilespmem:v21+s11+$0x0], $0xffff;
	v14 =	vor.u32 v63, v9  }
0x37b: {  	v55 =	vld.idx.msk [tilespmem:v13+s10+$0x0], $0xffff;
	v13 =	vor.u32 $0x2, v9;
	v10 =	vadd.f32 v10, v11;
	v11 =	vmul.f32 v58, v51  }
0x37c: {  	v16 =	vor.u32 v24, v9;
	v53 =	vld.idx.msk [tilespmem:v9+s11+$0x0], $0xffff  }
0x37d: {  	v12 =	vor.u32 $0x3, v9;
	v56 =	vld.idx.msk [tilespmem:v17+s10+$0x0], $0xffff;
	v10 =	vadd.f32 v11, v10;
	v11 =	vmul.f32 v23, v22  }
0x37e: {  	v61 =	vmov v27;
	v15 =	vor.u32 v25, v9;
	v51 =	vld.idx.msk [tilespmem:v18+s11+$0x0], $0xffff  }
.LBB2_6:
0x37f: {  	s0 =	sadd.s32 $0x8, s0;
	v14 =	vld.idx.msk [tilespmem:v14+s10+$0x0], $0xffff;
	v17 =	vor.u32 $0x4, v9;
	v10 =	vadd.f32 v11, v10;
	v11 =	vmul.f32 v57, v54  }
0x380: {  	v54 =	vor.u32 v26, v9;
	v18 =	vmov s0;
	v13 =	vld.idx.msk [tilespmem:v13+s11+$0x0], $0xffff  }
0x381: {  	v57 =	vor.u32 $0x5, v9;
	v16 =	vld.idx.msk [tilespmem:v16+s10+$0x0], $0xffff;
	v10 =	vadd.f32 v11, v10;
	v11 =	vmul.f32 v55, v52  }
0x382: {  	p0 =	slt.u32 s0, $0x18;
	v18 =	vshrl.u32 v18, $0x3;
	v52 =	vor.u32 v61, v9;
	v12 =	vld.idx.msk [tilespmem:v12+s11+$0x0], $0xffff  }
0x383: {  	v55 =	vor.u32 $0x6, v9;
	v53 =	vmul.f32 v56, v53;
	v15 =	vld.idx.msk [tilespmem:v15+s10+$0x0], $0xffff;
	v10 =	vadd.f32 v11, v10  }
0x384: {  	v11 =	vshll.u32 v18, $0x3;
	v18 =	vor.u32 v28, v9;
	v17 =	vld.idx.msk [tilespmem:v17+s11+$0x0], $0xffff  }
0x385: {  	v14 =	vmul.f32 v14, v51;
	v10 =	vadd.f32 v53, v10;
	v51 =	vld.idx.msk [tilespmem:v54+s10+$0x0], $0xffff;
	v53 =	vor.u32 $0x7, v9  }
0x386: {  	v56 =	vor.u32 v29, v9;
	v9 =	vbroadcast v11, $0x0;
	v58 =	vld.idx.msk [tilespmem:v57+s11+$0x0], $0xffff  }
0x387: {  	v11 =	vmul.f32 v16, v13;
	v10 =	vadd.f32 v14, v10;
	v59 =	vld.idx.msk [tilespmem:v52+s10+$0x0], $0xffff  }
0x388: {  	v60 =	vor.u32 v62, v9;
	v54 =	vld.idx.msk [tilespmem:v55+s11+$0x0], $0xffff  }
0x389: {  	v61 =	vor.u32 $0x1, v9;
	v10 =	vadd.f32 v11, v10;
	v11 =	vmul.f32 v15, v12;
	v57 =	vld.idx.msk [tilespmem:v18+s10+$0x0], $0xffff  }
.Ltmp2:
0x38a: {  	v14 =	vor.u32 v63, v9;
	v52 =	vld.idx.msk [tilespmem:v53+s11+$0x0], $0xffff;
	(pc) =	sbr.rel @p0 .LBB2_6-.Ltmp2, $4  }
0x38b: {  	v13 =	vor.u32 $0x2, v9;
	v10 =	vadd.f32 v11, v10;
	v11 =	vmul.f32 v51, v17;
	v55 =	vld.idx.msk [tilespmem:v56+s10+$0x0], $0xffff  }
0x38c: {  	v16 =	vor.u32 v24, v9;
	v53 =	vld.idx.msk [tilespmem:v9+s11+$0x0], $0xffff  }
0x38d: {  	v12 =	vor.u32 $0x3, v9;
	v56 =	vld.idx.msk [tilespmem:v60+s10+$0x0], $0xffff;
	v10 =	vadd.f32 v11, v10;
	v11 =	vmul.f32 v59, v58  }
0x38e: {  	v15 =	vor.u32 v25, v9;
	v51 =	vld.idx.msk [tilespmem:v61+s11+$0x0], $0xffff;
	v61 =	vmov v27  }
0x38f: {  	_ =	sdelay $0x3  }
0x390: {  	v13 =	vld.idx.msk [tilespmem:v13+s11+$0x0], $0xffff  }
0x391: {  	v12 =	vld.idx.msk [tilespmem:v12+s11+$0x0], $0xffff  }
0x392: {  	v17 =	vor.u32 $0x4, v9;
	v18 =	vor.u32 v26, v9  }
0x393: {  	v14 =	vld.idx.msk [tilespmem:v14+s10+$0x0], $0xffff;
	v58 =	vor.u32 $0x5, v9;
	v59 =	vor.u32 v61, v9;
	v62 =	vor.u32 $0x7, v9  }
0x394: {  	v60 =	vor.u32 $0x6, v9;
	v23 =	vor.u32 v28, v9;
	v9 =	vor.u32 v29, v9;
	v63 =	vld [tilespmem:$0x4678]  }
0x395: {  	[tilespmem:$0x1FE60] =	vst v13;
	v13 =	vld.idx.msk [tilespmem:v16+s10+$0x0], $0xffff  }
0x396: {  	[tilespmem:$0x1FE80] =	vst v12;
	v12 =	vld.idx.msk [tilespmem:v15+s10+$0x0], $0xffff  }
0x397: {  	v25 =	vld.idx.msk [tilespmem:v17+s11+$0x0], $0xffff  }
0x398: {  	v24 =	vld.idx.msk [tilespmem:v62+s11+$0x0], $0xffff  }
0x399: {  	v62 =	vld.idx.msk [tilespmem:v9+s10+$0x0], $0xffff  }
0x39a: {  	v9 =	vld [tilespmem:$0x5378]  }
0x39b: {  	v15 =	vld [tilespmem:$0x46F8]  }
0x39c: {  	[tilespmem:$0x1FE90] =	vst v12;
	v12 =	vld [tilespmem:$0x53F8]  }
0x39d: {  	v16 =	vld [tilespmem:$0x4778]  }
0x39e: {  	v63 =	vadd.f32 $0.0e+00, v63;
	[tilespmem:$0x1FE70] =	vst v13;
	v13 =	vld [tilespmem:$0x5478]  }
0x39f: {  	v17 =	vld [tilespmem:$0x47F8];
	v9 =	vadd.f32 $0.0e+00, v9  }
0x3a0: {  	[tilespmem:$0x1FE50] =	vst v14;
	v14 =	vld [tilespmem:$0x54F8];
	v15 =	vadd.f32 v15, v63  }
0x3a1: {  	v9 =	vadd.f32 v12, v9;
	v12 =	vld [tilespmem:$0x4878]  }
0x3a2: {  	v21 =	vld [tilespmem:$0x5578];
	v15 =	vadd.f32 v16, v15  }
0x3a3: {  	v9 =	vadd.f32 v13, v9;
	v13 =	vld [tilespmem:$0x48F8]  }
0x3a4: {  	v16 =	vld [tilespmem:$0x55F8];
	v15 =	vadd.f32 v17, v15  }
0x3a5: {  	v9 =	vadd.f32 v14, v9;
	v14 =	vld [tilespmem:$0x4978]  }
0x3a6: {  	v17 =	vld [tilespmem:$0x5678];
	v12 =	vadd.f32 v12, v15  }
0x3a7: {  	v22 =	vld [tilespmem:$0x49F8];
	v9 =	vadd.f32 v21, v9  }
0x3a8: {  	v15 =	vld [tilespmem:$0x56F8];
	v12 =	vadd.f32 v13, v12  }
0x3a9: {  	v9 =	vadd.f32 v16, v9;
	v16 =	vld [tilespmem:$0x4A78]  }
0x3aa: {  	v13 =	vld [tilespmem:$0x5778];
	v12 =	vadd.f32 v14, v12  }
0x3ab: {  	v9 =	vadd.f32 v17, v9;
	v17 =	vld [tilespmem:$0x4AF8]  }
0x3ac: {  	v14 =	vld [tilespmem:$0x57F8];
	v12 =	vadd.f32 v22, v12  }
0x3ad: {  	v9 =	vadd.f32 v15, v9;
	v15 =	vld [tilespmem:$0x4B78]  }
0x3ae: {  	v61 =	vld.idx.msk [tilespmem:v23+s10+$0x0], $0xffff;
	v12 =	vadd.f32 v16, v12  }
0x3af: {  	v9 =	vadd.f32 v13, v9;
	v13 =	vld [tilespmem:$0x4BF8]  }
0x3b0: {  	v23 =	vld [tilespmem:$0x5878];
	v12 =	vadd.f32 v17, v12  }
0x3b1: {  	v9 =	vadd.f32 v14, v9;
	v14 =	vld [tilespmem:$0x4C78]  }
0x3b2: {  	v20 =	vld [tilespmem:$0x4CF8];
	v12 =	vadd.f32 v15, v12  }
0x3b3: {  	v16 =	vld [tilespmem:$0x58F8]  }
0x3b4: {  	v17 =	vld [tilespmem:$0x5978];
	v12 =	vadd.f32 v13, v12  }
0x3b5: {  	v10 =	vadd.f32 v11, v10;
	v13 =	vld [tilespmem:$0x4D78]  }
0x3b6: {  	v11 =	vmul.f32 v57, v54;
	v57 =	vld [tilespmem:$0x5278];
	v9 =	vadd.f32 v23, v9;
	v12 =	vadd.f32 v14, v12  }
0x3b7: {  	v15 =	vld [tilespmem:$0x59F8]  }
0x3b8: {  	v29 =	vld [tilespmem:$0x1FFF0];
	v9 =	vadd.f32 v16, v9;
	v12 =	vadd.f32 v20, v12  }
0x3b9: {  	v16 =	vld [tilespmem:$0x5A78]  }
0x3ba: {  	v9 =	vadd.f32 v17, v9;
	v12 =	vadd.f32 v13, v12;
	v13 =	vld [tilespmem:$0x1FE50]  }
0x3bb: {  	v10 =	vadd.f32 v11, v10;
	v11 =	vmul.f32 v55, v52;
	v14 =	vld [tilespmem:$0x5AF8]  }
0x3bc: {  	v26 =	vld [tilespmem:$0x1FF10];
	v9 =	vadd.f32 v15, v9  }
0x3bd: {  	v10 =	vadd.f32 v11, v10;
	v11 =	vld [tilespmem:$0x5B78];
	v15 =	vmul.f32 v56, v53  }
0x3be: {  	v18 =	vld.idx.msk [tilespmem:v18+s10+$0x0], $0xffff;
	v9 =	vadd.f32 v16, v9  }
0x3bf: {  	v17 =	vld [tilespmem:$0x4DF8];
	v10 =	vadd.f32 v15, v10;
	v13 =	vmul.f32 v13, v51  }
0x3c0: {  	v9 =	vadd.f32 v14, v9;
	v14 =	vld [tilespmem:$0x1FE70]  }
0x3c1: {  	v10 =	vadd.f32 v13, v10;
	v13 =	vld [tilespmem:$0x1FE60]  }
0x3c2: {  	v21 =	vld [tilespmem:$0x4E78]  }
0x3c3: {  	v58 =	vld.idx.msk [tilespmem:v58+s11+$0x0], $0xffff  }
0x3c4: {  	v59 =	vld.idx.msk [tilespmem:v59+s10+$0x0], $0xffff  }
0x3c5: {  	v60 =	vld.idx.msk [tilespmem:v60+s11+$0x0], $0xffff;
	v12 =	vadd.f32 v17, v12  }
0x3c6: {  	v63 =	vld [tilespmem:$0x1FF00];
	v13 =	vmul.f32 v14, v13  }
0x3c7: {  	v9 =	vadd.f32 v11, v9;
	v11 =	vadd.f32 v21, v12;
	v12 =	vld [tilespmem:$0x1FE80]  }
0x3c8: {  	v10 =	vadd.f32 v13, v10;
	v13 =	vld [tilespmem:$0x1FE90]  }
0x3c9: {  	v22 =	vld [tilespmem:$0x4EF8]  }
0x3ca: {  	v15 =	vld [tilespmem:$0x5BF8]  }
0x3cb: {  	v16 =	vld [tilespmem:$0x4F78]  }
0x3cc: {  	v17 =	vld [tilespmem:$0x4FF8]  }
0x3cd: {  	v14 =	vld [tilespmem:$0x5C78];
	v12 =	vmul.f32 v13, v12  }
0x3ce: {  	v23 =	vld [tilespmem:$0x5078];
	v11 =	vadd.f32 v22, v11  }
0x3cf: {  	v13 =	vld [tilespmem:$0x5CF8];
	v10 =	vadd.f32 v12, v10;
	v12 =	vmul.f32 v18, v25  }
0x3d0: {  	v56 =	vld [tilespmem:$0x5178];
	v9 =	vadd.f32 v15, v9;
	v11 =	vadd.f32 v16, v11  }
0x3d1: {  	v15 =	vld [tilespmem:$0x5D78];
	v10 =	vadd.f32 v12, v10;
	v12 =	vmul.f32 v59, v58  }
0x3d2: {  	v11 =	vadd.f32 v17, v11;
	v17 =	vld [tilespmem:$0x51F8];
	v9 =	vadd.f32 v14, v9  }
0x3d3: {  	s0 =	simm.s32 $0x0;
	v14 =	vld [tilespmem:$0x5DF8];
	v10 =	vadd.f32 v12, v10;
	v12 =	vmul.f32 v61, v60  }
0x3d4: {  	v16 =	vmov s0;
	v18 =	vld [tilespmem:$0x50F8];
	v9 =	vadd.f32 v13, v9  }
0x3d5: {  	v13 =	vshrl.u32 v16, $0x3;
	v10 =	vadd.f32 v12, v10;
	v12 =	vmul.f32 v62, v24;
	v24 =	vld [tilespmem:$0x1FEE0]  }
0x3d6: {  	v16 =	vld [tilespmem:$0x5E78];
	v13 =	vshll.u32 v13, $0x3  }
0x3d7: {  	v11 =	vadd.f32 v23, v11;
	v9 =	vadd.f32 v15, v9;
	v13 =	vbroadcast v13, $0x0;
	v62 =	vld [tilespmem:$0x1FEF0]  }
0x3d8: {  	v15 =	vld [tilespmem:$0x5EF8]  }
0x3d9: {  	v25 =	vld [tilespmem:$0x1FF20];
	v11 =	vadd.f32 v18, v11;
	v9 =	vadd.f32 v14, v9;
	v21 =	vor.u32 $0x4, v13  }
0x3da: {  	v58 =	vld [tilespmem:$0x52F8];
	v10 =	vadd.f32 v12, v10;
	v14 =	vor.u32 v24, v13  }
0x3db: {  	v18 =	vor.u32 $0x1, v13;
	v11 =	vadd.f32 v56, v11;
	v12 =	vld [tilespmem:$0x5F78];
	v9 =	vadd.f32 v16, v9  }
0x3dc: {  	[tilespmem:$0x6068] =	vst v10;
	v10 =	vld [tilespmem:$0x5FF8];
	v16 =	vor.u32 v62, v13  }
0x3dd: {  	v11 =	vadd.f32 v17, v11;
	v17 =	vor.u32 v63, v13;
	v9 =	vadd.f32 v15, v9;
	v15 =	vld.idx.msk [tilespmem:v13+s11+$0x0], $0xffff  }
0x3de: {  	v59 =	vor.u32 $0x2, v13;
	v51 =	vld.idx.msk [tilespmem:v21+s11+$0x0], $0xffff  }
0x3df: {  	v61 =	vor.u32 $0x3, v13;
	v14 =	vld.idx.msk [tilespmem:v14+s10+$0x0], $0xffff  }
0x3e0: {  	v11 =	vadd.f32 v57, v11;
	v9 =	vadd.f32 v12, v9;
	v12 =	vld.idx.msk [tilespmem:v18+s11+$0x0], $0xffff;
	v18 =	vor.u32 v29, v13  }
0x3e1: {  	v56 =	vor.u32 v30, v13;
	v16 =	vld.idx.msk [tilespmem:v16+s10+$0x0], $0xffff  }
0x3e2: {  	v22 =	vor.u32 v26, v13;
	v17 =	vld.idx.msk [tilespmem:v17+s10+$0x0], $0xffff;
	v9 =	vadd.f32 v10, v9;
	v10 =	vadd.f32 v58, v11  }
0x3e3: {  	s0 =	simm.s32 $0x8;
	v23 =	vor.u32 $0x5, v13;
	v60 =	vor.u32 v25, v13;
	v11 =	vld.idx.msk [tilespmem:v59+s11+$0x0], $0xffff  }
0x3e4: {  	v9 =	vsub.f32 v10, v9;
	v10 =	vld.idx.msk [tilespmem:v61+s11+$0x0], $0xffff;
	v61 =	vmov s0;
	v14 =	vmul.f32 v14, v15  }
0x3e5: {  	v21 =	vor.u32 $0x7, v13;
	v55 =	vshrl.u32 v61, $0x3;
	v15 =	vld.idx.msk [tilespmem:v18+s10+$0x0], $0xffff;
	v18 =	vor.u32 $0x6, v13  }
0x3e6: {  	v57 =	vld.idx.msk [tilespmem:v56+s10+$0x0], $0xffff;
	v55 =	vshll.u32 v55, $0x3;
	v12 =	vmul.f32 v16, v12;
	v14 =	vadd.f32 v14, v9  }
0x3e7: {  	v58 =	vld.idx.msk [tilespmem:v22+s10+$0x0], $0xffff;
	v13 =	vor.u32 v31, v13;
	v9 =	vbroadcast v55, $0x0  }
0x3e8: {  	v22 =	vld.idx.msk [tilespmem:v23+s11+$0x0], $0xffff;
	v11 =	vmul.f32 v17, v11;
	v12 =	vadd.f32 v12, v14  }
0x3e9: {  	v23 =	vld.idx.msk [tilespmem:v60+s10+$0x0], $0xffff;
	v17 =	vor.u32 v24, v9  }
0x3ea: {  	v54 =	vld.idx.msk [tilespmem:v18+s11+$0x0], $0xffff;
	v18 =	vor.u32 $0x1, v9;
	v10 =	vmul.f32 v15, v10;
	v11 =	vadd.f32 v11, v12  }
0x3eb: {  	v52 =	vld.idx.msk [tilespmem:v21+s11+$0x0], $0xffff;
	v14 =	vor.u32 v62, v9  }
0x3ec: {  	v55 =	vld.idx.msk [tilespmem:v13+s10+$0x0], $0xffff;
	v13 =	vor.u32 $0x2, v9;
	v10 =	vadd.f32 v10, v11;
	v11 =	vmul.f32 v58, v51  }
0x3ed: {  	v16 =	vor.u32 v63, v9;
	v53 =	vld.idx.msk [tilespmem:v9+s11+$0x0], $0xffff  }
0x3ee: {  	v12 =	vor.u32 $0x3, v9;
	v56 =	vld.idx.msk [tilespmem:v17+s10+$0x0], $0xffff;
	v10 =	vadd.f32 v11, v10;
	v11 =	vmul.f32 v23, v22  }
0x3ef: {  	v15 =	vor.u32 v29, v9;
	v51 =	vld.idx.msk [tilespmem:v18+s11+$0x0], $0xffff  }
.LBB2_8:
0x3f0: {  	s0 =	sadd.s32 $0x8, s0;
	v14 =	vld.idx.msk [tilespmem:v14+s10+$0x0], $0xffff;
	v17 =	vor.u32 $0x4, v9;
	v10 =	vadd.f32 v11, v10;
	v11 =	vmul.f32 v57, v54  }
0x3f1: {  	v54 =	vor.u32 v26, v9;
	v18 =	vmov s0;
	v13 =	vld.idx.msk [tilespmem:v13+s11+$0x0], $0xffff  }
0x3f2: {  	v57 =	vor.u32 $0x5, v9;
	v16 =	vld.idx.msk [tilespmem:v16+s10+$0x0], $0xffff;
	v10 =	vadd.f32 v11, v10;
	v11 =	vmul.f32 v55, v52  }
0x3f3: {  	p0 =	slt.u32 s0, $0x18;
	v18 =	vshrl.u32 v18, $0x3;
	v52 =	vor.u32 v25, v9;
	v12 =	vld.idx.msk [tilespmem:v12+s11+$0x0], $0xffff  }
0x3f4: {  	v55 =	vor.u32 $0x6, v9;
	v53 =	vmul.f32 v56, v53;
	v15 =	vld.idx.msk [tilespmem:v15+s10+$0x0], $0xffff;
	v10 =	vadd.f32 v11, v10  }
0x3f5: {  	v11 =	vshll.u32 v18, $0x3;
	v18 =	vor.u32 v30, v9;
	v17 =	vld.idx.msk [tilespmem:v17+s11+$0x0], $0xffff  }
0x3f6: {  	v14 =	vmul.f32 v14, v51;
	v10 =	vadd.f32 v53, v10;
	v51 =	vld.idx.msk [tilespmem:v54+s10+$0x0], $0xffff;
	v53 =	vor.u32 $0x7, v9  }
0x3f7: {  	v56 =	vor.u32 v31, v9;
	v9 =	vbroadcast v11, $0x0;
	v58 =	vld.idx.msk [tilespmem:v57+s11+$0x0], $0xffff  }
0x3f8: {  	v11 =	vmul.f32 v16, v13;
	v10 =	vadd.f32 v14, v10;
	v59 =	vld.idx.msk [tilespmem:v52+s10+$0x0], $0xffff  }
0x3f9: {  	v60 =	vor.u32 v24, v9;
	v54 =	vld.idx.msk [tilespmem:v55+s11+$0x0], $0xffff  }
0x3fa: {  	v61 =	vor.u32 $0x1, v9;
	v10 =	vadd.f32 v11, v10;
	v11 =	vmul.f32 v15, v12;
	v57 =	vld.idx.msk [tilespmem:v18+s10+$0x0], $0xffff  }
.Ltmp3:
0x3fb: {  	v14 =	vor.u32 v62, v9;
	v52 =	vld.idx.msk [tilespmem:v53+s11+$0x0], $0xffff;
	(pc) =	sbr.rel @p0 .LBB2_8-.Ltmp3, $4  }
0x3fc: {  	v13 =	vor.u32 $0x2, v9;
	v10 =	vadd.f32 v11, v10;
	v11 =	vmul.f32 v51, v17;
	v55 =	vld.idx.msk [tilespmem:v56+s10+$0x0], $0xffff  }
0x3fd: {  	v16 =	vor.u32 v63, v9;
	v53 =	vld.idx.msk [tilespmem:v9+s11+$0x0], $0xffff  }
0x3fe: {  	v12 =	vor.u32 $0x3, v9;
	v56 =	vld.idx.msk [tilespmem:v60+s10+$0x0], $0xffff;
	v10 =	vadd.f32 v11, v10;
	v11 =	vmul.f32 v59, v58  }
0x3ff: {  	v15 =	vor.u32 v29, v9;
	v51 =	vld.idx.msk [tilespmem:v61+s11+$0x0], $0xffff  }
0x400: {  	_ =	sdelay $0x3  }
0x401: {  	v14 =	vld.idx.msk [tilespmem:v14+s10+$0x0], $0xffff  }
0x402: {  	v13 =	vld.idx.msk [tilespmem:v13+s11+$0x0], $0xffff  }
0x403: {  	v17 =	vor.u32 $0x4, v9;
	v18 =	vor.u32 v26, v9;
	v26 =	vld.idx.msk [tilespmem:v12+s11+$0x0], $0xffff  }
0x404: {  	v58 =	vor.u32 $0x5, v9;
	v59 =	vor.u32 v25, v9;
	v12 =	vld.idx.msk [tilespmem:v15+s10+$0x0], $0xffff;
	v62 =	vor.u32 $0x7, v9  }
0x405: {  	v60 =	vor.u32 $0x6, v9;
	v61 =	vor.u32 v30, v9;
	v9 =	vor.u32 v31, v9;
	v63 =	vld [tilespmem:$0x4688]  }
0x406: {  	v15 =	vld [tilespmem:$0x4708]  }
0x407: {  	v23 =	vld [tilespmem:$0x5588]  }
0x408: {  	[tilespmem:$0x1FE20] =	vst v13;
	v13 =	vld.idx.msk [tilespmem:v16+s10+$0x0], $0xffff  }
0x409: {  	v24 =	vld.idx.msk [tilespmem:v62+s11+$0x0], $0xffff  }
0x40a: {  	v62 =	vld.idx.msk [tilespmem:v9+s10+$0x0], $0xffff  }
0x40b: {  	v9 =	vld [tilespmem:$0x5388]  }
0x40c: {  	v25 =	vld.idx.msk [tilespmem:v17+s11+$0x0], $0xffff  }
0x40d: {  	[tilespmem:$0x1FE40] =	vst v12;
	v12 =	vld [tilespmem:$0x5408]  }
0x40e: {  	v16 =	vld [tilespmem:$0x4788]  }
0x40f: {  	v63 =	vadd.f32 $0.0e+00, v63;
	[tilespmem:$0x1FE30] =	vst v13;
	v13 =	vld [tilespmem:$0x5488]  }
0x410: {  	v17 =	vld [tilespmem:$0x4808];
	v9 =	vadd.f32 $0.0e+00, v9  }
0x411: {  	[tilespmem:$0x1FE10] =	vst v14;
	v14 =	vld [tilespmem:$0x5508];
	v15 =	vadd.f32 v15, v63  }
0x412: {  	v9 =	vadd.f32 v12, v9;
	v12 =	vld [tilespmem:$0x4888]  }
0x413: {  	v20 =	vld [tilespmem:$0x4A08];
	v15 =	vadd.f32 v16, v15  }
0x414: {  	v9 =	vadd.f32 v13, v9;
	v13 =	vld [tilespmem:$0x4908]  }
0x415: {  	v16 =	vld [tilespmem:$0x5608];
	v15 =	vadd.f32 v17, v15  }
0x416: {  	v9 =	vadd.f32 v14, v9;
	v14 =	vld [tilespmem:$0x4988]  }
0x417: {  	v17 =	vld [tilespmem:$0x5688];
	v12 =	vadd.f32 v12, v15  }
0x418: {  	v21 =	vld [tilespmem:$0x5888];
	v9 =	vadd.f32 v23, v9  }
0x419: {  	v15 =	vld [tilespmem:$0x5708];
	v12 =	vadd.f32 v13, v12  }
0x41a: {  	v9 =	vadd.f32 v16, v9;
	v16 =	vld [tilespmem:$0x4A88]  }
0x41b: {  	v13 =	vld [tilespmem:$0x5788];
	v12 =	vadd.f32 v14, v12  }
0x41c: {  	v9 =	vadd.f32 v17, v9;
	v17 =	vld [tilespmem:$0x4B08]  }
0x41d: {  	v14 =	vld [tilespmem:$0x5808];
	v12 =	vadd.f32 v20, v12  }
0x41e: {  	v9 =	vadd.f32 v15, v9;
	v15 =	vld [tilespmem:$0x4B88]  }
0x41f: {  	v22 =	vld [tilespmem:$0x4D08];
	v10 =	vadd.f32 v11, v10;
	v11 =	vmul.f32 v57, v54;
	v12 =	vadd.f32 v16, v12  }
0x420: {  	v9 =	vadd.f32 v13, v9;
	v13 =	vld [tilespmem:$0x4C08]  }
0x421: {  	v57 =	vld [tilespmem:$0x4F08];
	v10 =	vadd.f32 v11, v10;
	v11 =	vmul.f32 v55, v52;
	v12 =	vadd.f32 v17, v12  }
0x422: {  	v9 =	vadd.f32 v14, v9;
	v14 =	vld [tilespmem:$0x4C88]  }
0x423: {  	v10 =	vadd.f32 v11, v10;
	v11 =	vld [tilespmem:$0x5B88];
	v12 =	vadd.f32 v15, v12  }
0x424: {  	v16 =	vld [tilespmem:$0x5908]  }
0x425: {  	v17 =	vld [tilespmem:$0x5988];
	v12 =	vadd.f32 v13, v12  }
0x426: {  	v13 =	vld [tilespmem:$0x4D88]  }
0x427: {  	v18 =	vld.idx.msk [tilespmem:v18+s10+$0x0], $0xffff;
	v9 =	vadd.f32 v21, v9;
	v12 =	vadd.f32 v14, v12  }
0x428: {  	v15 =	vld [tilespmem:$0x5A08]  }
0x429: {  	v58 =	vld.idx.msk [tilespmem:v58+s11+$0x0], $0xffff;
	v9 =	vadd.f32 v16, v9;
	v12 =	vadd.f32 v22, v12  }
0x42a: {  	v16 =	vld [tilespmem:$0x5A88]  }
0x42b: {  	v9 =	vadd.f32 v17, v9;
	v12 =	vadd.f32 v13, v12;
	v13 =	vld [tilespmem:$0x1FE10]  }
0x42c: {  	v14 =	vld [tilespmem:$0x5B08]  }
0x42d: {  	v17 =	vld [tilespmem:$0x4E08];
	v9 =	vadd.f32 v15, v9  }
0x42e: {  	v59 =	vld.idx.msk [tilespmem:v59+s10+$0x0], $0xffff;
	v15 =	vmul.f32 v56, v53  }
0x42f: {  	v23 =	vld [tilespmem:$0x4E88];
	v9 =	vadd.f32 v16, v9  }
0x430: {  	v60 =	vld.idx.msk [tilespmem:v60+s11+$0x0], $0xffff;
	v10 =	vadd.f32 v15, v10;
	v13 =	vmul.f32 v13, v51  }
0x431: {  	v9 =	vadd.f32 v14, v9;
	v14 =	vld [tilespmem:$0x1FE30]  }
0x432: {  	v12 =	vadd.f32 v17, v12;
	v10 =	vadd.f32 v13, v10;
	v13 =	vld [tilespmem:$0x1FE20]  }
0x433: {  	v61 =	vld.idx.msk [tilespmem:v61+s10+$0x0], $0xffff  }
0x434: {  	v9 =	vadd.f32 v11, v9;
	v11 =	vadd.f32 v23, v12;
	v12 =	vld [tilespmem:$0x1FE40]  }
0x435: {  	v15 =	vld [tilespmem:$0x5C08]  }
0x436: {  	v16 =	vld [tilespmem:$0x4F88]  }
0x437: {  	v13 =	vmul.f32 v14, v13;
	v14 =	vld [tilespmem:$0x5C88]  }
0x438: {  	v17 =	vld [tilespmem:$0x5008]  }
0x439: {  	v12 =	vmul.f32 v12, v26;
	v10 =	vadd.f32 v13, v10;
	v13 =	vld [tilespmem:$0x5D08]  }
0x43a: {  	v63 =	vld [tilespmem:$0x5088];
	v9 =	vadd.f32 v15, v9;
	v11 =	vadd.f32 v57, v11  }
0x43b: {  	v15 =	vld [tilespmem:$0x5D88];
	v10 =	vadd.f32 v12, v10;
	v12 =	vmul.f32 v18, v25  }
0x43c: {  	s0 =	simm.s32 $0x0;
	v11 =	vadd.f32 v16, v11;
	v18 =	vld [tilespmem:$0x5108];
	v9 =	vadd.f32 v14, v9  }
0x43d: {  	v16 =	vmov s0;
	v14 =	vld [tilespmem:$0x5E08];
	v10 =	vadd.f32 v12, v10;
	v12 =	vmul.f32 v59, v58  }
0x43e: {  	v21 =	vld [tilespmem:$0x5188];
	v11 =	vadd.f32 v17, v11;
	v9 =	vadd.f32 v13, v9;
	v13 =	vshrl.u32 v16, $0x3  }
0x43f: {  	v16 =	vld [tilespmem:$0x5E88];
	v10 =	vadd.f32 v12, v10;
	v12 =	vmul.f32 v61, v60;
	v13 =	vshll.u32 v13, $0x3  }
0x440: {  	v17 =	vld [tilespmem:$0x5208];
	v11 =	vadd.f32 v63, v11;
	v9 =	vadd.f32 v15, v9;
	v13 =	vbroadcast v13, $0x0  }
0x441: {  	v15 =	vld [tilespmem:$0x5F08];
	v10 =	vadd.f32 v12, v10;
	v12 =	vmul.f32 v62, v24  }
0x442: {  	v22 =	vld [tilespmem:$0x5288];
	v11 =	vadd.f32 v18, v11;
	v9 =	vadd.f32 v14, v9;
	v14 =	vor.u32 v32, v13  }
0x443: {  	v23 =	vld [tilespmem:$0x5308];
	v59 =	vor.u32 $0x4, v13;
	v10 =	vadd.f32 v12, v10  }
0x444: {  	v18 =	vor.u32 $0x1, v13;
	v11 =	vadd.f32 v21, v11;
	v12 =	vld [tilespmem:$0x5F88];
	v9 =	vadd.f32 v16, v9  }
0x445: {  	v16 =	vor.u32 v33, v13;
	[tilespmem:$0x6078] =	vst v10;
	v10 =	vld [tilespmem:$0x6008]  }
0x446: {  	v11 =	vadd.f32 v17, v11;
	v17 =	vor.u32 v34, v13;
	v9 =	vadd.f32 v15, v9;
	v15 =	vld.idx.msk [tilespmem:v13+s11+$0x0], $0xffff  }
0x447: {  	v57 =	vor.u32 $0x2, v13;
	v14 =	vld.idx.msk [tilespmem:v14+s10+$0x0], $0xffff  }
0x448: {  	v58 =	vor.u32 $0x3, v13;
	v51 =	vld.idx.msk [tilespmem:v59+s11+$0x0], $0xffff  }
0x449: {  	s0 =	simm.s32 $0x8;
	v11 =	vadd.f32 v22, v11;
	v9 =	vadd.f32 v12, v9;
	v12 =	vld.idx.msk [tilespmem:v18+s11+$0x0], $0xffff;
	v18 =	vor.u32 v35, v13  }
0x44a: {  	v63 =	vmov s0;
	v61 =	vor.u32 $0x5, v13;
	v16 =	vld.idx.msk [tilespmem:v16+s10+$0x0], $0xffff  }
0x44b: {  	v60 =	vor.u32 v36, v13;
	v17 =	vld.idx.msk [tilespmem:v17+s10+$0x0], $0xffff;
	v9 =	vadd.f32 v10, v9;
	v10 =	vadd.f32 v23, v11  }
0x44c: {  	v55 =	vshrl.u32 v63, $0x3;
	v21 =	vor.u32 $0x7, v13;
	v11 =	vld.idx.msk [tilespmem:v57+s11+$0x0], $0xffff  }
0x44d: {  	v62 =	vor.u32 v37, v13;
	v9 =	vsub.f32 v10, v9;
	v10 =	vld.idx.msk [tilespmem:v58+s11+$0x0], $0xffff;
	v14 =	vmul.f32 v14, v15  }
0x44e: {  	v55 =	vshll.u32 v55, $0x3;
	v15 =	vld.idx.msk [tilespmem:v18+s10+$0x0], $0xffff;
	v18 =	vor.u32 $0x6, v13  }
0x44f: {  	v56 =	vor.u32 v38, v13;
	v22 =	vld.idx.msk [tilespmem:v61+s11+$0x0], $0xffff;
	v14 =	vadd.f32 v14, v9;
	v12 =	vmul.f32 v16, v12  }
0x450: {  	v58 =	vld.idx.msk [tilespmem:v60+s10+$0x0], $0xffff;
	v13 =	vor.u32 v39, v13;
	v9 =	vbroadcast v55, $0x0  }
0x451: {  	v52 =	vld.idx.msk [tilespmem:v21+s11+$0x0], $0xffff;
	v11 =	vmul.f32 v17, v11;
	v12 =	vadd.f32 v12, v14  }
0x452: {  	v23 =	vld.idx.msk [tilespmem:v62+s10+$0x0], $0xffff;
	v17 =	vor.u32 v32, v9  }
0x453: {  	v54 =	vld.idx.msk [tilespmem:v18+s11+$0x0], $0xffff;
	v18 =	vor.u32 $0x1, v9;
	v11 =	vadd.f32 v11, v12;
	v10 =	vmul.f32 v15, v10  }
0x454: {  	v57 =	vld.idx.msk [tilespmem:v56+s10+$0x0], $0xffff;
	v14 =	vor.u32 v33, v9  }
0x455: {  	v55 =	vld.idx.msk [tilespmem:v13+s10+$0x0], $0xffff;
	v13 =	vor.u32 $0x2, v9;
	v10 =	vadd.f32 v10, v11;
	v11 =	vmul.f32 v58, v51  }
0x456: {  	v16 =	vor.u32 v34, v9;
	v53 =	vld.idx.msk [tilespmem:v9+s11+$0x0], $0xffff  }
0x457: {  	v12 =	vor.u32 $0x3, v9;
	v56 =	vld.idx.msk [tilespmem:v17+s10+$0x0], $0xffff;
	v10 =	vadd.f32 v11, v10;
	v11 =	vmul.f32 v23, v22  }
0x458: {  	v15 =	vor.u32 v35, v9;
	v51 =	vld.idx.msk [tilespmem:v18+s11+$0x0], $0xffff  }
.LBB2_10:
0x459: {  	s0 =	sadd.s32 $0x8, s0;
	v14 =	vld.idx.msk [tilespmem:v14+s10+$0x0], $0xffff;
	v17 =	vor.u32 $0x4, v9;
	v10 =	vadd.f32 v11, v10;
	v11 =	vmul.f32 v57, v54  }
0x45a: {  	v54 =	vor.u32 v36, v9;
	v18 =	vmov s0;
	v13 =	vld.idx.msk [tilespmem:v13+s11+$0x0], $0xffff  }
0x45b: {  	v57 =	vor.u32 $0x5, v9;
	v16 =	vld.idx.msk [tilespmem:v16+s10+$0x0], $0xffff;
	v10 =	vadd.f32 v11, v10;
	v11 =	vmul.f32 v55, v52  }
0x45c: {  	p0 =	slt.u32 s0, $0x18;
	v18 =	vshrl.u32 v18, $0x3;
	v52 =	vor.u32 v37, v9;
	v12 =	vld.idx.msk [tilespmem:v12+s11+$0x0], $0xffff  }
0x45d: {  	v55 =	vor.u32 $0x6, v9;
	v53 =	vmul.f32 v56, v53;
	v15 =	vld.idx.msk [tilespmem:v15+s10+$0x0], $0xffff;
	v10 =	vadd.f32 v11, v10  }
0x45e: {  	v11 =	vshll.u32 v18, $0x3;
	v18 =	vor.u32 v38, v9;
	v17 =	vld.idx.msk [tilespmem:v17+s11+$0x0], $0xffff  }
0x45f: {  	v14 =	vmul.f32 v14, v51;
	v10 =	vadd.f32 v53, v10;
	v51 =	vld.idx.msk [tilespmem:v54+s10+$0x0], $0xffff;
	v53 =	vor.u32 $0x7, v9  }
0x460: {  	v56 =	vor.u32 v39, v9;
	v9 =	vbroadcast v11, $0x0;
	v58 =	vld.idx.msk [tilespmem:v57+s11+$0x0], $0xffff  }
0x461: {  	v11 =	vmul.f32 v16, v13;
	v10 =	vadd.f32 v14, v10;
	v59 =	vld.idx.msk [tilespmem:v52+s10+$0x0], $0xffff  }
0x462: {  	v60 =	vor.u32 v32, v9;
	v54 =	vld.idx.msk [tilespmem:v55+s11+$0x0], $0xffff  }
0x463: {  	v61 =	vor.u32 $0x1, v9;
	v10 =	vadd.f32 v11, v10;
	v11 =	vmul.f32 v15, v12;
	v57 =	vld.idx.msk [tilespmem:v18+s10+$0x0], $0xffff  }
.Ltmp4:
0x464: {  	v14 =	vor.u32 v33, v9;
	v52 =	vld.idx.msk [tilespmem:v53+s11+$0x0], $0xffff;
	(pc) =	sbr.rel @p0 .LBB2_10-.Ltmp4, $4  }
0x465: {  	v13 =	vor.u32 $0x2, v9;
	v10 =	vadd.f32 v11, v10;
	v11 =	vmul.f32 v51, v17;
	v55 =	vld.idx.msk [tilespmem:v56+s10+$0x0], $0xffff  }
0x466: {  	v16 =	vor.u32 v34, v9;
	v53 =	vld.idx.msk [tilespmem:v9+s11+$0x0], $0xffff  }
0x467: {  	v12 =	vor.u32 $0x3, v9;
	v56 =	vld.idx.msk [tilespmem:v60+s10+$0x0], $0xffff;
	v10 =	vadd.f32 v11, v10;
	v11 =	vmul.f32 v59, v58  }
0x468: {  	v15 =	vor.u32 v35, v9;
	v51 =	vld.idx.msk [tilespmem:v61+s11+$0x0], $0xffff  }
0x469: {  	_ =	sdelay $0x3  }
0x46a: {  	v14 =	vld.idx.msk [tilespmem:v14+s10+$0x0], $0xffff  }
0x46b: {  	v17 =	vor.u32 $0x4, v9;
	v26 =	vld.idx.msk [tilespmem:v13+s11+$0x0], $0xffff;
	v18 =	vor.u32 v36, v9  }
0x46c: {  	v13 =	vld.idx.msk [tilespmem:v16+s10+$0x0], $0xffff;
	v58 =	vor.u32 $0x5, v9;
	v59 =	vor.u32 v37, v9;
	v62 =	vor.u32 $0x7, v9  }
0x46d: {  	v25 =	vld.idx.msk [tilespmem:v12+s11+$0x0], $0xffff;
	v60 =	vor.u32 $0x6, v9;
	v61 =	vor.u32 v38, v9;
	v9 =	vor.u32 v39, v9  }
0x46e: {  	v12 =	vld.idx.msk [tilespmem:v15+s10+$0x0], $0xffff  }
0x46f: {  	v63 =	vld [tilespmem:$0x4698]  }
0x470: {  	v15 =	vld [tilespmem:$0x4718]  }
0x471: {  	v19 =	vld.idx.msk [tilespmem:v62+s11+$0x0], $0xffff  }
0x472: {  	v62 =	vld.idx.msk [tilespmem:v9+s10+$0x0], $0xffff  }
0x473: {  	v9 =	vld [tilespmem:$0x5398]  }
0x474: {  	v16 =	vld [tilespmem:$0x4798]  }
0x475: {  	[tilespmem:$0x1FE00] =	vst v12;
	v12 =	vld [tilespmem:$0x5418]  }
0x476: {  	v20 =	vld.idx.msk [tilespmem:v17+s11+$0x0], $0xffff  }
0x477: {  	[tilespmem:$0x1FDF0] =	vst v13;
	v13 =	vld [tilespmem:$0x5498];
	v63 =	vadd.f32 $0.0e+00, v63  }
0x478: {  	v17 =	vld [tilespmem:$0x4818];
	v9 =	vadd.f32 $0.0e+00, v9  }
0x479: {  	[tilespmem:$0x1FDE0] =	vst v14;
	v14 =	vld [tilespmem:$0x5518];
	v15 =	vadd.f32 v15, v63  }
0x47a: {  	v9 =	vadd.f32 v12, v9;
	v12 =	vld [tilespmem:$0x4898]  }
0x47b: {  	v22 =	vld [tilespmem:$0x5598];
	v15 =	vadd.f32 v16, v15  }
0x47c: {  	v9 =	vadd.f32 v13, v9;
	v13 =	vld [tilespmem:$0x4918]  }
0x47d: {  	v16 =	vld [tilespmem:$0x5618];
	v15 =	vadd.f32 v17, v15  }
0x47e: {  	v9 =	vadd.f32 v14, v9;
	v14 =	vld [tilespmem:$0x4998]  }
0x47f: {  	v17 =	vld [tilespmem:$0x5698];
	v12 =	vadd.f32 v12, v15  }
0x480: {  	v23 =	vld [tilespmem:$0x4A18];
	v9 =	vadd.f32 v22, v9  }
0x481: {  	v15 =	vld [tilespmem:$0x5718];
	v12 =	vadd.f32 v13, v12  }
0x482: {  	v9 =	vadd.f32 v16, v9;
	v16 =	vld [tilespmem:$0x4A98]  }
0x483: {  	v13 =	vld [tilespmem:$0x5798];
	v12 =	vadd.f32 v14, v12  }
0x484: {  	v9 =	vadd.f32 v17, v9;
	v17 =	vld [tilespmem:$0x4B18]  }
0x485: {  	v14 =	vld [tilespmem:$0x5818];
	v12 =	vadd.f32 v23, v12  }
0x486: {  	v9 =	vadd.f32 v15, v9;
	v15 =	vld [tilespmem:$0x4B98]  }
0x487: {  	v21 =	vld [tilespmem:$0x5898];
	v10 =	vadd.f32 v11, v10;
	v11 =	vmul.f32 v57, v54;
	v12 =	vadd.f32 v16, v12  }
0x488: {  	v9 =	vadd.f32 v13, v9;
	v13 =	vld [tilespmem:$0x4C18]  }
0x489: {  	v57 =	vld [tilespmem:$0x4F18];
	v10 =	vadd.f32 v11, v10;
	v11 =	vmul.f32 v55, v52;
	v12 =	vadd.f32 v17, v12  }
0x48a: {  	v9 =	vadd.f32 v14, v9;
	v14 =	vld [tilespmem:$0x4C98]  }
0x48b: {  	v10 =	vadd.f32 v11, v10;
	v11 =	vld [tilespmem:$0x5B98];
	v12 =	vadd.f32 v15, v12  }
0x48c: {  	v22 =	vld [tilespmem:$0x4D18]  }
0x48d: {  	v16 =	vld [tilespmem:$0x5918];
	v12 =	vadd.f32 v13, v12  }
0x48e: {  	v13 =	vld [tilespmem:$0x4D98]  }
0x48f: {  	v17 =	vld [tilespmem:$0x5998];
	v12 =	vadd.f32 v14, v12  }
0x490: {  	v18 =	vld.idx.msk [tilespmem:v18+s10+$0x0], $0xffff;
	v9 =	vadd.f32 v21, v9  }
0x491: {  	v15 =	vld [tilespmem:$0x5A18];
	v12 =	vadd.f32 v22, v12  }
0x492: {  	v9 =	vadd.f32 v16, v9;
	v16 =	vld [tilespmem:$0x5A98]  }
0x493: {  	v12 =	vadd.f32 v13, v12;
	v13 =	vld [tilespmem:$0x1FDE0]  }
0x494: {  	v9 =	vadd.f32 v17, v9;
	v17 =	vld [tilespmem:$0x4E18]  }
0x495: {  	v14 =	vld [tilespmem:$0x5B18]  }
0x496: {  	v58 =	vld.idx.msk [tilespmem:v58+s11+$0x0], $0xffff;
	v9 =	vadd.f32 v15, v9;
	v15 =	vmul.f32 v56, v53  }
0x497: {  	v23 =	vld [tilespmem:$0x4E98]  }
0x498: {  	v59 =	vld.idx.msk [tilespmem:v59+s10+$0x0], $0xffff;
	v9 =	vadd.f32 v16, v9;
	v10 =	vadd.f32 v15, v10;
	v13 =	vmul.f32 v13, v51  }
0x499: {  	v60 =	vld.idx.msk [tilespmem:v60+s11+$0x0], $0xffff;
	v12 =	vadd.f32 v17, v12  }
0x49a: {  	v9 =	vadd.f32 v14, v9;
	v10 =	vadd.f32 v13, v10;
	v13 =	vld [tilespmem:$0x1FDF0]  }
0x49b: {  	v61 =	vld.idx.msk [tilespmem:v61+s10+$0x0], $0xffff  }
0x49c: {  	v9 =	vadd.f32 v11, v9;
	v11 =	vadd.f32 v23, v12;
	v12 =	vld [tilespmem:$0x1FE00]  }
0x49d: {  	v15 =	vld [tilespmem:$0x5C18]  }
0x49e: {  	v16 =	vld [tilespmem:$0x4F98]  }
0x49f: {  	v14 =	vld [tilespmem:$0x5C98];
	v13 =	vmul.f32 v13, v26  }
0x4a0: {  	v17 =	vld [tilespmem:$0x5018]  }
0x4a1: {  	v12 =	vmul.f32 v12, v25;
	v10 =	vadd.f32 v13, v10;
	v13 =	vld [tilespmem:$0x5D18]  }
0x4a2: {  	v63 =	vld [tilespmem:$0x5098];
	v9 =	vadd.f32 v15, v9;
	v11 =	vadd.f32 v57, v11  }
0x4a3: {  	v15 =	vld [tilespmem:$0x5D98];
	v10 =	vadd.f32 v12, v10;
	v12 =	vmul.f32 v18, v20  }
0x4a4: {  	s0 =	simm.s32 $0x0;
	v9 =	vadd.f32 v14, v9;
	v11 =	vadd.f32 v16, v11;
	v14 =	vld [tilespmem:$0x5E18]  }
0x4a5: {  	v16 =	vmov s0;
	v18 =	vld [tilespmem:$0x5118];
	v10 =	vadd.f32 v12, v10;
	v12 =	vmul.f32 v59, v58  }
0x4a6: {  	v21 =	vld [tilespmem:$0x5198];
	v11 =	vadd.f32 v17, v11;
	v9 =	vadd.f32 v13, v9;
	v13 =	vshrl.u32 v16, $0x3  }
0x4a7: {  	v16 =	vld [tilespmem:$0x5E98];
	v10 =	vadd.f32 v12, v10;
	v12 =	vmul.f32 v61, v60;
	v13 =	vshll.u32 v13, $0x3  }
0x4a8: {  	v17 =	vld [tilespmem:$0x5218];
	v11 =	vadd.f32 v63, v11;
	v9 =	vadd.f32 v15, v9;
	v13 =	vbroadcast v13, $0x0  }
0x4a9: {  	v15 =	vld [tilespmem:$0x5F18];
	v10 =	vadd.f32 v12, v10;
	v12 =	vmul.f32 v62, v19  }
0x4aa: {  	v22 =	vld [tilespmem:$0x5298];
	v11 =	vadd.f32 v18, v11;
	v9 =	vadd.f32 v14, v9;
	v14 =	vor.u32 v40, v13  }
0x4ab: {  	v23 =	vld [tilespmem:$0x5318];
	v59 =	vor.u32 $0x4, v13;
	v10 =	vadd.f32 v12, v10  }
0x4ac: {  	v18 =	vor.u32 $0x1, v13;
	v11 =	vadd.f32 v21, v11;
	v12 =	vld [tilespmem:$0x5F98];
	v9 =	vadd.f32 v16, v9  }
0x4ad: {  	v16 =	vor.u32 v41, v13;
	[tilespmem:$0x6088] =	vst v10;
	v10 =	vld [tilespmem:$0x6018]  }
0x4ae: {  	v11 =	vadd.f32 v17, v11;
	v17 =	vor.u32 v42, v13;
	v9 =	vadd.f32 v15, v9;
	v15 =	vld.idx.msk [tilespmem:v13+s11+$0x0], $0xffff  }
0x4af: {  	v57 =	vor.u32 $0x2, v13;
	v14 =	vld.idx.msk [tilespmem:v14+s10+$0x0], $0xffff  }
0x4b0: {  	v58 =	vor.u32 $0x3, v13;
	v51 =	vld.idx.msk [tilespmem:v59+s11+$0x0], $0xffff  }
0x4b1: {  	s0 =	simm.s32 $0x8;
	v11 =	vadd.f32 v22, v11;
	v9 =	vadd.f32 v12, v9;
	v12 =	vld.idx.msk [tilespmem:v18+s11+$0x0], $0xffff;
	v18 =	vor.u32 v43, v13  }
0x4b2: {  	v63 =	vmov s0;
	v61 =	vor.u32 $0x5, v13;
	v16 =	vld.idx.msk [tilespmem:v16+s10+$0x0], $0xffff  }
0x4b3: {  	v60 =	vor.u32 v44, v13;
	v17 =	vld.idx.msk [tilespmem:v17+s10+$0x0], $0xffff;
	v9 =	vadd.f32 v10, v9;
	v10 =	vadd.f32 v23, v11  }
0x4b4: {  	v55 =	vshrl.u32 v63, $0x3;
	v21 =	vor.u32 $0x7, v13;
	v11 =	vld.idx.msk [tilespmem:v57+s11+$0x0], $0xffff  }
0x4b5: {  	v62 =	vor.u32 v45, v13;
	v9 =	vsub.f32 v10, v9;
	v10 =	vld.idx.msk [tilespmem:v58+s11+$0x0], $0xffff;
	v14 =	vmul.f32 v14, v15  }
0x4b6: {  	v55 =	vshll.u32 v55, $0x3;
	v15 =	vld.idx.msk [tilespmem:v18+s10+$0x0], $0xffff;
	v18 =	vor.u32 $0x6, v13  }
0x4b7: {  	v56 =	vor.u32 v46, v13;
	v22 =	vld.idx.msk [tilespmem:v61+s11+$0x0], $0xffff;
	v14 =	vadd.f32 v14, v9;
	v12 =	vmul.f32 v16, v12  }
0x4b8: {  	v58 =	vld.idx.msk [tilespmem:v60+s10+$0x0], $0xffff;
	v13 =	vor.u32 v47, v13;
	v9 =	vbroadcast v55, $0x0  }
0x4b9: {  	v52 =	vld.idx.msk [tilespmem:v21+s11+$0x0], $0xffff;
	v11 =	vmul.f32 v17, v11;
	v12 =	vadd.f32 v12, v14  }
0x4ba: {  	v23 =	vld.idx.msk [tilespmem:v62+s10+$0x0], $0xffff;
	v17 =	vor.u32 v40, v9  }
0x4bb: {  	v54 =	vld.idx.msk [tilespmem:v18+s11+$0x0], $0xffff;
	v18 =	vor.u32 $0x1, v9;
	v11 =	vadd.f32 v11, v12;
	v10 =	vmul.f32 v15, v10  }
0x4bc: {  	v57 =	vld.idx.msk [tilespmem:v56+s10+$0x0], $0xffff;
	v14 =	vor.u32 v41, v9  }
0x4bd: {  	v55 =	vld.idx.msk [tilespmem:v13+s10+$0x0], $0xffff;
	v13 =	vor.u32 $0x2, v9;
	v10 =	vadd.f32 v10, v11;
	v11 =	vmul.f32 v58, v51  }
0x4be: {  	v16 =	vor.u32 v42, v9;
	v53 =	vld.idx.msk [tilespmem:v9+s11+$0x0], $0xffff  }
0x4bf: {  	v12 =	vor.u32 $0x3, v9;
	v56 =	vld.idx.msk [tilespmem:v17+s10+$0x0], $0xffff;
	v10 =	vadd.f32 v11, v10;
	v11 =	vmul.f32 v23, v22  }
0x4c0: {  	v15 =	vor.u32 v43, v9;
	v51 =	vld.idx.msk [tilespmem:v18+s11+$0x0], $0xffff  }
.LBB2_12:
0x4c1: {  	s0 =	sadd.s32 $0x8, s0;
	v14 =	vld.idx.msk [tilespmem:v14+s10+$0x0], $0xffff;
	v17 =	vor.u32 $0x4, v9;
	v10 =	vadd.f32 v11, v10;
	v11 =	vmul.f32 v57, v54  }
0x4c2: {  	v54 =	vor.u32 v44, v9;
	v18 =	vmov s0;
	v13 =	vld.idx.msk [tilespmem:v13+s11+$0x0], $0xffff  }
0x4c3: {  	v57 =	vor.u32 $0x5, v9;
	v16 =	vld.idx.msk [tilespmem:v16+s10+$0x0], $0xffff;
	v10 =	vadd.f32 v11, v10;
	v11 =	vmul.f32 v55, v52  }
0x4c4: {  	p0 =	slt.u32 s0, $0x18;
	v18 =	vshrl.u32 v18, $0x3;
	v52 =	vor.u32 v45, v9;
	v12 =	vld.idx.msk [tilespmem:v12+s11+$0x0], $0xffff  }
0x4c5: {  	v55 =	vor.u32 $0x6, v9;
	v53 =	vmul.f32 v56, v53;
	v15 =	vld.idx.msk [tilespmem:v15+s10+$0x0], $0xffff;
	v10 =	vadd.f32 v11, v10  }
0x4c6: {  	v11 =	vshll.u32 v18, $0x3;
	v18 =	vor.u32 v46, v9;
	v17 =	vld.idx.msk [tilespmem:v17+s11+$0x0], $0xffff  }
0x4c7: {  	v14 =	vmul.f32 v14, v51;
	v10 =	vadd.f32 v53, v10;
	v51 =	vld.idx.msk [tilespmem:v54+s10+$0x0], $0xffff;
	v53 =	vor.u32 $0x7, v9  }
0x4c8: {  	v56 =	vor.u32 v47, v9;
	v9 =	vbroadcast v11, $0x0;
	v58 =	vld.idx.msk [tilespmem:v57+s11+$0x0], $0xffff  }
0x4c9: {  	v11 =	vmul.f32 v16, v13;
	v10 =	vadd.f32 v14, v10;
	v59 =	vld.idx.msk [tilespmem:v52+s10+$0x0], $0xffff  }
0x4ca: {  	v60 =	vor.u32 v40, v9;
	v54 =	vld.idx.msk [tilespmem:v55+s11+$0x0], $0xffff  }
0x4cb: {  	v61 =	vor.u32 $0x1, v9;
	v10 =	vadd.f32 v11, v10;
	v11 =	vmul.f32 v15, v12;
	v57 =	vld.idx.msk [tilespmem:v18+s10+$0x0], $0xffff  }
.Ltmp5:
0x4cc: {  	v14 =	vor.u32 v41, v9;
	v52 =	vld.idx.msk [tilespmem:v53+s11+$0x0], $0xffff;
	(pc) =	sbr.rel @p0 .LBB2_12-.Ltmp5, $4  }
0x4cd: {  	v13 =	vor.u32 $0x2, v9;
	v10 =	vadd.f32 v11, v10;
	v11 =	vmul.f32 v51, v17;
	v55 =	vld.idx.msk [tilespmem:v56+s10+$0x0], $0xffff  }
0x4ce: {  	v16 =	vor.u32 v42, v9;
	v53 =	vld.idx.msk [tilespmem:v9+s11+$0x0], $0xffff  }
0x4cf: {  	v12 =	vor.u32 $0x3, v9;
	v56 =	vld.idx.msk [tilespmem:v60+s10+$0x0], $0xffff;
	v10 =	vadd.f32 v11, v10;
	v11 =	vmul.f32 v59, v58  }
0x4d0: {  	v15 =	vor.u32 v43, v9;
	v51 =	vld.idx.msk [tilespmem:v61+s11+$0x0], $0xffff  }
0x4d1: {  	_ =	sdelay $0x3  }
0x4d2: {  	v14 =	vld.idx.msk [tilespmem:v14+s10+$0x0], $0xffff  }
0x4d3: {  	v22 =	vld.idx.msk [tilespmem:v13+s11+$0x0], $0xffff  }
0x4d4: {  	v25 =	vld.idx.msk [tilespmem:v16+s10+$0x0], $0xffff  }
0x4d5: {  	v21 =	vld.idx.msk [tilespmem:v12+s11+$0x0], $0xffff  }
0x4d6: {  	v17 =	vor.u32 $0x4, v9;
	v18 =	vor.u32 v44, v9;
	v23 =	vld.idx.msk [tilespmem:v15+s10+$0x0], $0xffff  }
0x4d7: {  	v58 =	vor.u32 $0x5, v9;
	v59 =	vor.u32 v45, v9;
	v62 =	vor.u32 $0x7, v9;
	v63 =	vld [tilespmem:$0x46A8]  }
0x4d8: {  	v60 =	vor.u32 $0x6, v9;
	v61 =	vor.u32 v46, v9;
	v9 =	vor.u32 v47, v9;
	v15 =	vld [tilespmem:$0x4728]  }
0x4d9: {  	v12 =	vld [tilespmem:$0x5428]  }
0x4da: {  	v16 =	vld [tilespmem:$0x47A8]  }
0x4db: {  	v13 =	vld [tilespmem:$0x54A8]  }
0x4dc: {  	v10 =	vadd.f32 v11, v10;
	v11 =	vmul.f32 v57, v54;
	v19 =	vld.idx.msk [tilespmem:v62+s11+$0x0], $0xffff  }
0x4dd: {  	v62 =	vld.idx.msk [tilespmem:v9+s10+$0x0], $0xffff  }
0x4de: {  	v10 =	vadd.f32 v11, v10;
	v11 =	vmul.f32 v55, v52;
	v9 =	vld [tilespmem:$0x53A8]  }
0x4df: {  	v57 =	vld [tilespmem:$0x4EA8]  }
0x4e0: {  	v10 =	vadd.f32 v11, v10;
	v11 =	vld [tilespmem:$0x5BA8]  }
0x4e1: {  	v20 =	vld.idx.msk [tilespmem:v17+s11+$0x0], $0xffff  }
0x4e2: {  	v18 =	vld.idx.msk [tilespmem:v18+s10+$0x0], $0xffff;
	v63 =	vadd.f32 $0.0e+00, v63  }
0x4e3: {  	v17 =	vld [tilespmem:$0x4828];
	v9 =	vadd.f32 $0.0e+00, v9  }
0x4e4: {  	[tilespmem:$0x1FDD0] =	vst v14;
	v14 =	vld [tilespmem:$0x5528];
	v15 =	vadd.f32 v15, v63  }
0x4e5: {  	v9 =	vadd.f32 v12, v9;
	v12 =	vld [tilespmem:$0x48A8]  }
0x4e6: {  	v63 =	vld [tilespmem:$0x55A8];
	v15 =	vadd.f32 v16, v15  }
0x4e7: {  	v9 =	vadd.f32 v13, v9;
	v13 =	vld [tilespmem:$0x4928]  }
0x4e8: {  	v16 =	vld [tilespmem:$0x5628];
	v15 =	vadd.f32 v17, v15  }
0x4e9: {  	v9 =	vadd.f32 v14, v9;
	v14 =	vld [tilespmem:$0x49A8]  }
0x4ea: {  	v17 =	vld [tilespmem:$0x56A8];
	v12 =	vadd.f32 v12, v15  }
0x4eb: {  	v9 =	vadd.f32 v63, v9;
	v63 =	vld [tilespmem:$0x4A28]  }
0x4ec: {  	v15 =	vld [tilespmem:$0x5728];
	v12 =	vadd.f32 v13, v12  }
0x4ed: {  	v9 =	vadd.f32 v16, v9;
	v16 =	vld [tilespmem:$0x4AA8]  }
0x4ee: {  	v13 =	vld [tilespmem:$0x57A8];
	v12 =	vadd.f32 v14, v12  }
0x4ef: {  	v9 =	vadd.f32 v17, v9;
	v17 =	vld [tilespmem:$0x4B28]  }
0x4f0: {  	v14 =	vld [tilespmem:$0x5828];
	v12 =	vadd.f32 v63, v12  }
0x4f1: {  	v9 =	vadd.f32 v15, v9;
	v15 =	vld [tilespmem:$0x4BA8]  }
0x4f2: {  	v63 =	vld [tilespmem:$0x58A8];
	v12 =	vadd.f32 v16, v12  }
0x4f3: {  	v9 =	vadd.f32 v13, v9;
	v13 =	vld [tilespmem:$0x4C28]  }
0x4f4: {  	v58 =	vld.idx.msk [tilespmem:v58+s11+$0x0], $0xffff;
	v12 =	vadd.f32 v17, v12  }
0x4f5: {  	v9 =	vadd.f32 v14, v9;
	v14 =	vld [tilespmem:$0x4CA8]  }
0x4f6: {  	v16 =	vld [tilespmem:$0x5928];
	v12 =	vadd.f32 v15, v12  }
0x4f7: {  	v9 =	vadd.f32 v63, v9;
	v63 =	vld [tilespmem:$0x4D28]  }
0x4f8: {  	v17 =	vld [tilespmem:$0x59A8];
	v12 =	vadd.f32 v13, v12  }
0x4f9: {  	v13 =	vld [tilespmem:$0x4DA8]  }
0x4fa: {  	v59 =	vld.idx.msk [tilespmem:v59+s10+$0x0], $0xffff;
	v12 =	vadd.f32 v14, v12  }
0x4fb: {  	v15 =	vld [tilespmem:$0x5A28]  }
0x4fc: {  	v9 =	vadd.f32 v16, v9;
	v16 =	vld [tilespmem:$0x5AA8];
	v12 =	vadd.f32 v63, v12  }
0x4fd: {  	v14 =	vld [tilespmem:$0x5B28]  }
0x4fe: {  	v9 =	vadd.f32 v17, v9;
	v12 =	vadd.f32 v13, v12;
	v13 =	vld [tilespmem:$0x1FDD0]  }
0x4ff: {  	v17 =	vld [tilespmem:$0x4E28]  }
0x500: {  	v60 =	vld.idx.msk [tilespmem:v60+s11+$0x0], $0xffff;
	v9 =	vadd.f32 v15, v9  }
0x501: {  	v61 =	vld.idx.msk [tilespmem:v61+s10+$0x0], $0xffff;
	v15 =	vmul.f32 v56, v53  }
0x502: {  	v56 =	vld [tilespmem:$0x4F28];
	v9 =	vadd.f32 v16, v9  }
0x503: {  	v10 =	vadd.f32 v15, v10;
	v15 =	vld [tilespmem:$0x5C28];
	v13 =	vmul.f32 v13, v51  }
0x504: {  	v16 =	vld [tilespmem:$0x4FA8];
	v12 =	vadd.f32 v17, v12;
	v9 =	vadd.f32 v14, v9  }
0x505: {  	v14 =	vld [tilespmem:$0x5CA8];
	v10 =	vadd.f32 v13, v10;
	v13 =	vmul.f32 v25, v22  }
0x506: {  	v17 =	vld [tilespmem:$0x5028];
	v9 =	vadd.f32 v11, v9;
	v11 =	vadd.f32 v57, v12  }
0x507: {  	v12 =	vmul.f32 v23, v21;
	v10 =	vadd.f32 v13, v10;
	v13 =	vld [tilespmem:$0x5D28]  }
0x508: {  	v57 =	vld [tilespmem:$0x50A8];
	v9 =	vadd.f32 v15, v9;
	v11 =	vadd.f32 v56, v11  }
0x509: {  	v15 =	vld [tilespmem:$0x5DA8];
	v10 =	vadd.f32 v12, v10;
	v12 =	vmul.f32 v18, v20  }
0x50a: {  	s0 =	simm.s32 $0x0;
	v9 =	vadd.f32 v14, v9;
	v11 =	vadd.f32 v16, v11;
	v14 =	vld [tilespmem:$0x5E28]  }
0x50b: {  	v16 =	vmov s0;
	v18 =	vld [tilespmem:$0x5128];
	v10 =	vadd.f32 v12, v10;
	v12 =	vmul.f32 v59, v58  }
0x50c: {  	v11 =	vadd.f32 v17, v11;
	v59 =	vld [tilespmem:$0x51A8];
	v9 =	vadd.f32 v13, v9;
	v13 =	vshrl.u32 v16, $0x3  }
0x50d: {  	v16 =	vld [tilespmem:$0x5EA8];
	v10 =	vadd.f32 v12, v10;
	v12 =	vmul.f32 v61, v60;
	v13 =	vshll.u32 v13, $0x3  }
0x50e: {  	v17 =	vld [tilespmem:$0x5228];
	v11 =	vadd.f32 v57, v11;
	v9 =	vadd.f32 v15, v9;
	v13 =	vbroadcast v13, $0x0  }
0x50f: {  	v15 =	vld [tilespmem:$0x5F28];
	v10 =	vadd.f32 v12, v10;
	v12 =	vmul.f32 v62, v19  }
0x510: {  	v60 =	vld [tilespmem:$0x52A8];
	v11 =	vadd.f32 v18, v11;
	v9 =	vadd.f32 v14, v9;
	v14 =	vor.u32 v48, v13  }
0x511: {  	v61 =	vld [tilespmem:$0x5328];
	v62 =	vor.u32 $0x2, v13;
	v10 =	vadd.f32 v12, v10  }
0x512: {  	v18 =	vor.u32 $0x1, v13;
	v11 =	vadd.f32 v59, v11;
	v12 =	vld [tilespmem:$0x5FA8];
	v9 =	vadd.f32 v16, v9  }
0x513: {  	v16 =	vor.u32 v49, v13;
	[tilespmem:$0x6098] =	vst v10;
	v10 =	vld [tilespmem:$0x6028]  }
0x514: {  	v11 =	vadd.f32 v17, v11;
	v17 =	vor.u32 v50, v13;
	v9 =	vadd.f32 v15, v9;
	v15 =	vld.idx.msk [tilespmem:v13+s11+$0x0], $0xffff  }
0x515: {  	v21 =	vor.u32 $0x4, v13;
	v14 =	vld.idx.msk [tilespmem:v14+s10+$0x0], $0xffff  }
0x516: {  	v53 =	vor.u32 $0xA04, v5;
	v51 =	vor.u32 $0xA03, v5;
	v63 =	vor.u32 $0x3, v13;
	v19 =	vld.idx.msk [tilespmem:v62+s11+$0x0], $0xffff  }
0x517: {  	v11 =	vadd.f32 v60, v11;
	v9 =	vadd.f32 v12, v9;
	v12 =	vld.idx.msk [tilespmem:v18+s11+$0x0], $0xffff;
	v18 =	vor.u32 v51, v13  }
0x518: {  	v57 =	vor.u32 $0xA05, v5;
	v52 =	vor.u32 v53, v13;
	v23 =	vor.u32 $0x5, v13;
	v16 =	vld.idx.msk [tilespmem:v16+s10+$0x0], $0xffff  }
0x519: {  	s0 =	simm.s32 $0x8;
	v60 =	vor.u32 $0xA06, v5;
	v17 =	vld.idx.msk [tilespmem:v17+s10+$0x0], $0xffff;
	v9 =	vadd.f32 v10, v9;
	v10 =	vadd.f32 v61, v11  }
0x51a: {  	v22 =	vmov s0;
	v55 =	vor.u32 v57, v13;
	v11 =	vld.idx.msk [tilespmem:v21+s11+$0x0], $0xffff;
	v21 =	vor.u32 v60, v13  }
0x51b: {  	v54 =	vld.idx.msk [tilespmem:v63+s11+$0x0], $0xffff;
	v10 =	vsub.f32 v10, v9;
	v9 =	vshrl.u32 v22, $0x3;
	v14 =	vmul.f32 v14, v15  }
0x51c: {  	v22 =	vor.u32 $0x7, v13;
	v15 =	vld.idx.msk [tilespmem:v18+s10+$0x0], $0xffff;
	v18 =	vor.u32 $0x6, v13;
	v20 =	vshll.u32 v9, $0x3  }
0x51d: {  	v52 =	vld.idx.msk [tilespmem:v52+s10+$0x0], $0xffff;
	v9 =	vor.u32 $0xA07, v5;
	v14 =	vadd.f32 v14, v10;
	v12 =	vmul.f32 v16, v12  }
0x51e: {  	v23 =	vld.idx.msk [tilespmem:v23+s11+$0x0], $0xffff;
	v10 =	vbroadcast v20, $0x0;
	v13 =	vor.u32 v9, v13  }
0x51f: {  	v16 =	vld.idx.msk [tilespmem:v55+s10+$0x0], $0xffff;
	v12 =	vadd.f32 v12, v14;
	v14 =	vmul.f32 v17, v19  }
0x520: {  	v61 =	vld.idx.msk [tilespmem:v21+s10+$0x0], $0xffff;
	v59 =	vor.u32 v48, v10  }
0x521: {  	v56 =	vld.idx.msk [tilespmem:v18+s11+$0x0], $0xffff;
	v18 =	vor.u32 $0x1, v10;
	v12 =	vadd.f32 v14, v12;
	v14 =	vmul.f32 v15, v54  }
0x522: {  	v54 =	vld.idx.msk [tilespmem:v22+s11+$0x0], $0xffff;
	v15 =	vor.u32 v49, v10  }
0x523: {  	v11 =	vmul.f32 v52, v11;
	v58 =	vld.idx.msk [tilespmem:v13+s10+$0x0], $0xffff;
	v12 =	vadd.f32 v14, v12;
	v14 =	vor.u32 $0x2, v10  }
0x524: {  	v17 =	vor.u32 v50, v10;
	v55 =	vld.idx.msk [tilespmem:v10+s11+$0x0], $0xffff  }
0x525: {  	v13 =	vor.u32 $0x3, v10;
	v59 =	vld.idx.msk [tilespmem:v59+s10+$0x0], $0xffff;
	v11 =	vadd.f32 v11, v12;
	v12 =	vmul.f32 v16, v23  }
0x526: {  	v16 =	vor.u32 v51, v10;
	v52 =	vld.idx.msk [tilespmem:v18+s11+$0x0], $0xffff  }
.LBB2_14:
0x527: {  	s0 =	sadd.s32 $0x8, s0;
	v15 =	vld.idx.msk [tilespmem:v15+s10+$0x0], $0xffff;
	v18 =	vor.u32 $0x4, v10;
	v11 =	vadd.f32 v12, v11;
	v12 =	vmul.f32 v61, v56  }
0x528: {  	v61 =	vor.u32 v53, v10;
	v56 =	vmov s0;
	v14 =	vld.idx.msk [tilespmem:v14+s11+$0x0], $0xffff  }
0x529: {  	v62 =	vor.u32 $0x5, v10;
	v17 =	vld.idx.msk [tilespmem:v17+s10+$0x0], $0xffff;
	v11 =	vadd.f32 v12, v11;
	v12 =	vmul.f32 v58, v54  }
0x52a: {  	p0 =	slt.u32 s0, $0x18;
	v54 =	vshrl.u32 v56, $0x3;
	v56 =	vor.u32 v57, v10;
	v13 =	vld.idx.msk [tilespmem:v13+s11+$0x0], $0xffff  }
0x52b: {  	v58 =	vor.u32 $0x6, v10;
	v55 =	vmul.f32 v59, v55;
	v16 =	vld.idx.msk [tilespmem:v16+s10+$0x0], $0xffff;
	v11 =	vadd.f32 v12, v11  }
0x52c: {  	v12 =	vshll.u32 v54, $0x3;
	v54 =	vor.u32 v60, v10;
	v18 =	vld.idx.msk [tilespmem:v18+s11+$0x0], $0xffff  }
0x52d: {  	v15 =	vmul.f32 v15, v52;
	v11 =	vadd.f32 v55, v11;
	v52 =	vld.idx.msk [tilespmem:v61+s10+$0x0], $0xffff;
	v55 =	vor.u32 $0x7, v10  }
0x52e: {  	v59 =	vor.u32 v9, v10;
	v10 =	vbroadcast v12, $0x0;
	v62 =	vld.idx.msk [tilespmem:v62+s11+$0x0], $0xffff  }
0x52f: {  	v12 =	vmul.f32 v17, v14;
	v11 =	vadd.f32 v15, v11;
	v63 =	vld.idx.msk [tilespmem:v56+s10+$0x0], $0xffff  }
0x530: {  	v19 =	vor.u32 v48, v10;
	v56 =	vld.idx.msk [tilespmem:v58+s11+$0x0], $0xffff  }
0x531: {  	v20 =	vor.u32 $0x1, v10;
	v11 =	vadd.f32 v12, v11;
	v12 =	vmul.f32 v16, v13;
	v61 =	vld.idx.msk [tilespmem:v54+s10+$0x0], $0xffff  }
.Ltmp6:
0x532: {  	v15 =	vor.u32 v49, v10;
	v54 =	vld.idx.msk [tilespmem:v55+s11+$0x0], $0xffff;
	(pc) =	sbr.rel @p0 .LBB2_14-.Ltmp6, $4  }
0x533: {  	v14 =	vor.u32 $0x2, v10;
	v11 =	vadd.f32 v12, v11;
	v12 =	vmul.f32 v52, v18;
	v58 =	vld.idx.msk [tilespmem:v59+s10+$0x0], $0xffff  }
0x534: {  	v17 =	vor.u32 v50, v10;
	v55 =	vld.idx.msk [tilespmem:v10+s11+$0x0], $0xffff  }
0x535: {  	v13 =	vor.u32 $0x3, v10;
	v59 =	vld.idx.msk [tilespmem:v19+s10+$0x0], $0xffff;
	v11 =	vadd.f32 v12, v11;
	v12 =	vmul.f32 v63, v62  }
0x536: {  	v16 =	vor.u32 v51, v10;
	v52 =	vld.idx.msk [tilespmem:v20+s11+$0x0], $0xffff  }
0x537: {  	_ =	sdelay $0x3  }
0x538: {  	v15 =	vld.idx.msk [tilespmem:v15+s10+$0x0], $0xffff  }
0x539: {  	v25 =	vld.idx.msk [tilespmem:v14+s11+$0x0], $0xffff  }
0x53a: {  	v17 =	vld.idx.msk [tilespmem:v17+s10+$0x0], $0xffff;
	v20 =	vor.u32 $0x5, v10  }
0x53b: {  	v23 =	vld.idx.msk [tilespmem:v13+s11+$0x0], $0xffff;
	v51 =	vor.u32 v57, v10  }
0x53c: {  	v19 =	vor.u32 v53, v10;
	v16 =	vld.idx.msk [tilespmem:v16+s10+$0x0], $0xffff;
	v53 =	vor.u32 $0x6, v10  }
0x53d: {  	v57 =	vor.u32 v60, v10;
	v60 =	vor.u32 $0x7, v10;
	v62 =	vld [tilespmem:$0x53B8]  }
0x53e: {  	v63 =	vld [tilespmem:$0x4738]  }
0x53f: {  	v22 =	vld.idx.msk [tilespmem:v20+s11+$0x0], $0xffff  }
0x540: {  	v9 =	vor.u32 v9, v10;
	v20 =	vld.idx.msk [tilespmem:v51+s10+$0x0], $0xffff  }
0x541: {  	v51 =	vld.idx.msk [tilespmem:v53+s11+$0x0], $0xffff  }
0x542: {  	v21 =	vld.idx.msk [tilespmem:v60+s11+$0x0], $0xffff  }
0x543: {  	v60 =	vld [tilespmem:$0x46B8]  }
0x544: {  	v53 =	vld.idx.msk [tilespmem:v57+s10+$0x0], $0xffff  }
0x545: {  	v57 =	vld.idx.msk [tilespmem:v9+s10+$0x0], $0xffff  }
0x546: {  	v9 =	vld [tilespmem:$0x5438]  }
0x547: {  	v14 =	vld [tilespmem:$0x47B8]  }
0x548: {  	v18 =	vor.u32 $0x4, v10;
	v10 =	vld [tilespmem:$0x54B8];
	v60 =	vadd.f32 $0.0e+00, v60  }
0x549: {  	[tilespmem:$0x1FDC0] =	vst v15;
	v15 =	vld [tilespmem:$0x4838];
	v62 =	vadd.f32 $0.0e+00, v62  }
0x54a: {  	v13 =	vld [tilespmem:$0x5538];
	v60 =	vadd.f32 v63, v60  }
0x54b: {  	v9 =	vadd.f32 v9, v62;
	v62 =	vld [tilespmem:$0x48B8]  }
0x54c: {  	v63 =	vld [tilespmem:$0x55B8];
	v14 =	vadd.f32 v14, v60  }
0x54d: {  	v9 =	vadd.f32 v10, v9;
	v10 =	vld [tilespmem:$0x4938]  }
0x54e: {  	v60 =	vld [tilespmem:$0x5638];
	v14 =	vadd.f32 v15, v14  }
0x54f: {  	v9 =	vadd.f32 v13, v9;
	v13 =	vld [tilespmem:$0x49B8]  }
0x550: {  	v15 =	vld [tilespmem:$0x56B8];
	v14 =	vadd.f32 v62, v14  }
0x551: {  	v9 =	vadd.f32 v63, v9;
	v63 =	vld [tilespmem:$0x4A38]  }
0x552: {  	v62 =	vld [tilespmem:$0x5738];
	v10 =	vadd.f32 v10, v14  }
0x553: {  	v9 =	vadd.f32 v60, v9;
	v60 =	vld [tilespmem:$0x4AB8]  }
0x554: {  	v14 =	vld [tilespmem:$0x57B8];
	v10 =	vadd.f32 v13, v10  }
0x555: {  	v9 =	vadd.f32 v15, v9;
	v15 =	vld [tilespmem:$0x4B38]  }
0x556: {  	v13 =	vld [tilespmem:$0x5838];
	v10 =	vadd.f32 v63, v10  }
0x557: {  	v9 =	vadd.f32 v62, v9;
	v62 =	vld [tilespmem:$0x4BB8]  }
0x558: {  	v63 =	vld [tilespmem:$0x58B8];
	v10 =	vadd.f32 v60, v10  }
0x559: {  	v9 =	vadd.f32 v14, v9;
	v14 =	vld [tilespmem:$0x4C38]  }
0x55a: {  	v11 =	vadd.f32 v12, v11;
	v12 =	vmul.f32 v61, v56;
	v61 =	vld [tilespmem:$0x5AB8];
	v10 =	vadd.f32 v15, v10  }
0x55b: {  	v9 =	vadd.f32 v13, v9;
	v13 =	vld [tilespmem:$0x4CB8]  }
0x55c: {  	v60 =	vld [tilespmem:$0x5938];
	v10 =	vadd.f32 v62, v10  }
0x55d: {  	v9 =	vadd.f32 v63, v9;
	v63 =	vld [tilespmem:$0x4D38]  }
0x55e: {  	v15 =	vld [tilespmem:$0x59B8];
	v10 =	vadd.f32 v14, v10  }
0x55f: {  	v14 =	vld [tilespmem:$0x4DB8]  }
0x560: {  	v11 =	vadd.f32 v12, v11;
	v12 =	vmul.f32 v58, v54;
	v54 =	vld [tilespmem:$0x4EB8];
	v10 =	vadd.f32 v13, v10  }
0x561: {  	v62 =	vld [tilespmem:$0x5A38];
	v9 =	vadd.f32 v60, v9  }
0x562: {  	v11 =	vadd.f32 v12, v11;
	v12 =	vld [tilespmem:$0x5BB8];
	v10 =	vadd.f32 v63, v10  }
0x563: {  	v9 =	vadd.f32 v15, v9;
	v15 =	vld [tilespmem:$0x4E38]  }
0x564: {  	v10 =	vadd.f32 v14, v10;
	v14 =	vld [tilespmem:$0x1FDC0]  }
0x565: {  	v13 =	vld [tilespmem:$0x5B38]  }
0x566: {  	v18 =	vld.idx.msk [tilespmem:v18+s11+$0x0], $0xffff;
	v9 =	vadd.f32 v62, v9  }
0x567: {  	v55 =	vmul.f32 v59, v55;
	v19 =	vld.idx.msk [tilespmem:v19+s10+$0x0], $0xffff  }
0x568: {  	v60 =	vld [tilespmem:$0x4F38];
	v9 =	vadd.f32 v61, v9  }
0x569: {  	v11 =	vadd.f32 v55, v11;
	v61 =	vld [tilespmem:$0x5C38];
	v14 =	vmul.f32 v14, v52  }
0x56a: {  	v62 =	vld [tilespmem:$0x4FB8];
	v9 =	vadd.f32 v13, v9;
	v10 =	vadd.f32 v15, v10  }
0x56b: {  	v13 =	vmul.f32 v17, v25;
	v11 =	vadd.f32 v14, v11;
	v14 =	vld [tilespmem:$0x5CB8]  }
0x56c: {  	v15 =	vld [tilespmem:$0x5038];
	v9 =	vadd.f32 v12, v9;
	v10 =	vadd.f32 v54, v10  }
0x56d: {  	v12 =	vmul.f32 v16, v23;
	v11 =	vadd.f32 v13, v11;
	v13 =	vld [tilespmem:$0x5D38]  }
0x56e: {  	v17 =	vld [tilespmem:$0x5DB8];
	v9 =	vadd.f32 v61, v9;
	v10 =	vadd.f32 v60, v10  }
0x56f: {  	v16 =	vld [tilespmem:$0x50B8];
	v11 =	vadd.f32 v12, v11;
	v12 =	vmul.f32 v19, v18  }
0x570: {  	s0 =	simm.s32 $0x0;
	v10 =	vadd.f32 v62, v10;
	v18 =	vld [tilespmem:$0x5138];
	v9 =	vadd.f32 v14, v9  }
0x571: {  	v19 =	vmov s0;
	v14 =	vld [tilespmem:$0x5E38];
	v11 =	vadd.f32 v12, v11;
	v12 =	vmul.f32 v20, v22  }
0x572: {  	v10 =	vadd.f32 v15, v10;
	v15 =	vld [tilespmem:$0x5EB8];
	v9 =	vadd.f32 v13, v9;
	v13 =	vshrl.u32 v19, $0x3  }
0x573: {  	v20 =	vld [tilespmem:$0x51B8];
	v11 =	vadd.f32 v12, v11;
	v12 =	vmul.f32 v53, v51;
	v13 =	vshll.u32 v13, $0x3  }
0x574: {  	v10 =	vadd.f32 v16, v10;
	v16 =	vld [tilespmem:$0x5F38];
	v9 =	vadd.f32 v17, v9;
	v13 =	vbroadcast v13, $0x0  }
0x575: {  	v19 =	vld [tilespmem:$0x5238];
	v51 =	vor.u32 $0xC00, v5;
	v11 =	vadd.f32 v12, v11;
	v12 =	vmul.f32 v57, v21  }
0x576: {  	v17 =	vld [tilespmem:$0x52B8];
	v10 =	vadd.f32 v18, v10;
	v9 =	vadd.f32 v14, v9;
	v14 =	vor.u32 v51, v13  }
0x577: {  	v52 =	vor.u32 $0xC01, v5;
	v18 =	vor.u32 $0x1, v13;
	v11 =	vadd.f32 v12, v11;
	v12 =	vld [tilespmem:$0x5FB8]  }
0x578: {  	v63 =	vld [tilespmem:$0x5338];
	v10 =	vadd.f32 v20, v10;
	v20 =	vor.u32 $0x2, v13;
	v9 =	vadd.f32 v15, v9  }
0x579: {  	v53 =	vor.u32 $0xC02, v5;
	v15 =	vor.u32 v52, v13;
	[tilespmem:$0x60A8] =	vst v11;
	v11 =	vld [tilespmem:$0x6038]  }
0x57a: {  	v58 =	vor.u32 $0x5, v13;
	v10 =	vadd.f32 v19, v10;
	v9 =	vadd.f32 v16, v9;
	v16 =	vld.idx.msk [tilespmem:v13+s11+$0x0], $0xffff  }
0x57b: {  	v54 =	vor.u32 $0xC03, v5;
	v19 =	vor.u32 v53, v13;
	v14 =	vld.idx.msk [tilespmem:v14+s10+$0x0], $0xffff  }
0x57c: {  	v57 =	vor.u32 $0x3, v13;
	v10 =	vadd.f32 v17, v10;
	v21 =	vld.idx.msk [tilespmem:v18+s11+$0x0], $0xffff;
	v9 =	vadd.f32 v12, v9  }
0x57d: {  	v56 =	vor.u32 $0xC04, v5;
	v17 =	vor.u32 v54, v13;
	v22 =	vld.idx.msk [tilespmem:v20+s11+$0x0], $0xffff  }
0x57e: {  	v18 =	vor.u32 $0x4, v13;
	v10 =	vadd.f32 v63, v10;
	v12 =	vld.idx.msk [tilespmem:v15+s10+$0x0], $0xffff;
	v9 =	vadd.f32 v11, v9  }
0x57f: {  	v60 =	vor.u32 $0xC05, v5;
	s0 =	simm.s32 $0x8;
	v20 =	vld.idx.msk [tilespmem:v58+s11+$0x0], $0xffff;
	v63 =	vor.u32 $0xC06, v5;
	v11 =	vor.u32 v56, v13  }
0x580: {  	v23 =	vmov s0;
	v15 =	vld.idx.msk [tilespmem:v19+s10+$0x0], $0xffff;
	v61 =	vor.u32 v63, v13;
	v9 =	vsub.f32 v10, v9  }
0x581: {  	v10 =	vshrl.u32 v23, $0x3;
	v23 =	vld.idx.msk [tilespmem:v57+s11+$0x0], $0xffff;
	v57 =	vor.u32 v60, v13;
	v14 =	vmul.f32 v14, v16  }
0x582: {  	v62 =	vor.u32 $0x7, v13;
	v16 =	vld.idx.msk [tilespmem:v17+s10+$0x0], $0xffff;
	v17 =	vor.u32 $0x6, v13;
	v59 =	vshll.u32 v10, $0x3  }
0x583: {  	v55 =	vld.idx.msk [tilespmem:v18+s11+$0x0], $0xffff;
	v10 =	vor.u32 $0xC07, v5;
	v9 =	vadd.f32 v14, v9;
	v12 =	vmul.f32 v12, v21  }
0x584: {  	v13 =	vor.u32 v10, v13;
	v18 =	vld.idx.msk [tilespmem:v11+s10+$0x0], $0xffff;
	v11 =	vbroadcast v59, $0x0  }
0x585: {  	v15 =	vmul.f32 v15, v22;
	v12 =	vadd.f32 v12, v9;
	v9 =	vld.idx.msk [tilespmem:v61+s10+$0x0], $0xffff  }
0x586: {  	v19 =	vld.idx.msk [tilespmem:v57+s10+$0x0], $0xffff;
	v14 =	vor.u32 v51, v11  }
0x587: {  	v59 =	vld.idx.msk [tilespmem:v17+s11+$0x0], $0xffff;
	v17 =	vor.u32 $0x1, v11;
	v12 =	vadd.f32 v15, v12;
	v15 =	vmul.f32 v16, v23  }
0x588: {  	v57 =	vld.idx.msk [tilespmem:v62+s11+$0x0], $0xffff;
	v16 =	vor.u32 v52, v11  }
0x589: {  	v61 =	vld.idx.msk [tilespmem:v13+s10+$0x0], $0xffff;
	v12 =	vadd.f32 v15, v12;
	v13 =	vmul.f32 v18, v55;
	v15 =	vor.u32 $0x2, v11  }
0x58a: {  	v18 =	vor.u32 v53, v11;
	v58 =	vld.idx.msk [tilespmem:v11+s11+$0x0], $0xffff  }
0x58b: {  	v62 =	vld.idx.msk [tilespmem:v14+s10+$0x0], $0xffff;
	v14 =	vor.u32 $0x3, v11;
	v12 =	vadd.f32 v13, v12;
	v13 =	vmul.f32 v19, v20  }
0x58c: {  	v55 =	vld.idx.msk [tilespmem:v17+s11+$0x0], $0xffff;
	v17 =	vor.u32 v54, v11  }
.LBB2_16:
0x58d: {  	s0 =	sadd.s32 $0x8, s0;
	v16 =	vld.idx.msk [tilespmem:v16+s10+$0x0], $0xffff;
	v19 =	vor.u32 $0x4, v11;
	v12 =	vadd.f32 v13, v12;
	v9 =	vmul.f32 v9, v59  }
0x58e: {  	v20 =	vor.u32 v56, v11;
	v13 =	vmov s0;
	v15 =	vld.idx.msk [tilespmem:v15+s11+$0x0], $0xffff  }
0x58f: {  	v59 =	vor.u32 $0x5, v11;
	v18 =	vld.idx.msk [tilespmem:v18+s10+$0x0], $0xffff;
	v9 =	vadd.f32 v9, v12;
	v12 =	vmul.f32 v61, v57  }
0x590: {  	p0 =	slt.u32 s0, $0x18;
	v13 =	vshrl.u32 v13, $0x3;
	v57 =	vor.u32 v60, v11;
	v14 =	vld.idx.msk [tilespmem:v14+s11+$0x0], $0xffff  }
0x591: {  	v61 =	vor.u32 $0x6, v11;
	v58 =	vmul.f32 v62, v58;
	v17 =	vld.idx.msk [tilespmem:v17+s10+$0x0], $0xffff;
	v9 =	vadd.f32 v12, v9  }
0x592: {  	v12 =	vshll.u32 v13, $0x3;
	v13 =	vld.idx.msk [tilespmem:v19+s11+$0x0], $0xffff;
	v19 =	vor.u32 v63, v11  }
0x593: {  	v16 =	vmul.f32 v16, v55;
	v55 =	vor.u32 $0x7, v11;
	v9 =	vadd.f32 v58, v9;
	v20 =	vld.idx.msk [tilespmem:v20+s10+$0x0], $0xffff  }
0x594: {  	v58 =	vor.u32 v10, v11;
	v11 =	vbroadcast v12, $0x0;
	v21 =	vld.idx.msk [tilespmem:v59+s11+$0x0], $0xffff  }
0x595: {  	v12 =	vmul.f32 v18, v15;
	v9 =	vadd.f32 v16, v9;
	v22 =	vld.idx.msk [tilespmem:v57+s10+$0x0], $0xffff  }
0x596: {  	v62 =	vor.u32 v51, v11;
	v59 =	vld.idx.msk [tilespmem:v61+s11+$0x0], $0xffff  }
0x597: {  	v23 =	vor.u32 $0x1, v11;
	v14 =	vmul.f32 v17, v14;
	v12 =	vadd.f32 v12, v9;
	v9 =	vld.idx.msk [tilespmem:v19+s10+$0x0], $0xffff  }
.Ltmp7:
0x598: {  	v16 =	vor.u32 v52, v11;
	v57 =	vld.idx.msk [tilespmem:v55+s11+$0x0], $0xffff;
	(pc) =	sbr.rel @p0 .LBB2_16-.Ltmp7, $4  }
0x599: {  	v15 =	vor.u32 $0x2, v11;
	v13 =	vmul.f32 v20, v13;
	v12 =	vadd.f32 v14, v12;
	v61 =	vld.idx.msk [tilespmem:v58+s10+$0x0], $0xffff  }
0x59a: {  	v18 =	vor.u32 v53, v11;
	v58 =	vld.idx.msk [tilespmem:v11+s11+$0x0], $0xffff  }
0x59b: {  	v14 =	vor.u32 $0x3, v11;
	v62 =	vld.idx.msk [tilespmem:v62+s10+$0x0], $0xffff;
	v12 =	vadd.f32 v13, v12;
	v13 =	vmul.f32 v22, v21  }
0x59c: {  	v17 =	vor.u32 v54, v11;
	v55 =	vld.idx.msk [tilespmem:v23+s11+$0x0], $0xffff  }
0x59d: {  	_ =	sdelay $0x3  }
0x59e: {  	v16 =	vld.idx.msk [tilespmem:v16+s10+$0x0], $0xffff  }
0x59f: {  	v15 =	vld.idx.msk [tilespmem:v15+s11+$0x0], $0xffff  }
0x5a0: {  	v18 =	vld.idx.msk [tilespmem:v18+s10+$0x0], $0xffff  }
0x5a1: {  	v21 =	vor.u32 $0x5, v11;
	v14 =	vld.idx.msk [tilespmem:v14+s11+$0x0], $0xffff  }
0x5a2: {  	v17 =	vld.idx.msk [tilespmem:v17+s10+$0x0], $0xffff  }
0x5a3: {  	v53 =	vld [tilespmem:$0x53C8]  }
0x5a4: {  	v52 =	vor.u32 $0x7, v11;
	v54 =	vld [tilespmem:$0x4748]  }
0x5a5: {  	v20 =	vor.u32 v56, v11;
	v56 =	vld [tilespmem:$0x5448]  }
0x5a6: {  	v22 =	vor.u32 v60, v11;
	v21 =	vld.idx.msk [tilespmem:v21+s11+$0x0], $0xffff  }
0x5a7: {  	v23 =	vor.u32 $0x6, v11;
	v60 =	vld [tilespmem:$0x47C8]  }
0x5a8: {  	v51 =	vor.u32 v63, v11;
	v63 =	vld [tilespmem:$0x54C8]  }
0x5a9: {  	v10 =	vor.u32 v10, v11;
	v25 =	vld.idx.msk [tilespmem:v52+s11+$0x0], $0xffff  }
0x5aa: {  	v52 =	vld [tilespmem:$0x46C8]  }
0x5ab: {  	[tilespmem:$0x1FDB0] =	vst v21;
	v21 =	vld.idx.msk [tilespmem:v22+s10+$0x0], $0xffff  }
0x5ac: {  	v22 =	vld.idx.msk [tilespmem:v23+s11+$0x0], $0xffff  }
0x5ad: {  	v23 =	vld.idx.msk [tilespmem:v51+s10+$0x0], $0xffff  }
0x5ae: {  	v53 =	vadd.f32 $0.0e+00, v53;
	v51 =	vld.idx.msk [tilespmem:v10+s10+$0x0], $0xffff  }
0x5af: {  	v52 =	vadd.f32 $0.0e+00, v52;
	v10 =	vld [tilespmem:$0x5548]  }
0x5b0: {  	v19 =	vor.u32 $0x4, v11;
	v11 =	vld [tilespmem:$0x4848];
	v53 =	vadd.f32 v56, v53  }
0x5b1: {  	v52 =	vadd.f32 v54, v52;
	v54 =	vld [tilespmem:$0x55C8]  }
0x5b2: {  	v56 =	vld [tilespmem:$0x48C8];
	v53 =	vadd.f32 v63, v53  }
0x5b3: {  	v52 =	vadd.f32 v60, v52;
	v60 =	vld [tilespmem:$0x5648]  }
0x5b4: {  	v63 =	vld [tilespmem:$0x4948];
	v10 =	vadd.f32 v10, v53  }
0x5b5: {  	v11 =	vadd.f32 v11, v52;
	v52 =	vld [tilespmem:$0x56C8]  }
0x5b6: {  	v53 =	vld [tilespmem:$0x49C8];
	v10 =	vadd.f32 v54, v10  }
0x5b7: {  	v11 =	vadd.f32 v56, v11;
	v56 =	vld [tilespmem:$0x5748]  }
0x5b8: {  	v54 =	vld [tilespmem:$0x4A48];
	v10 =	vadd.f32 v60, v10  }
0x5b9: {  	v11 =	vadd.f32 v63, v11;
	v63 =	vld [tilespmem:$0x57C8]  }
0x5ba: {  	v60 =	vld [tilespmem:$0x4AC8];
	v10 =	vadd.f32 v52, v10  }
0x5bb: {  	v11 =	vadd.f32 v53, v11;
	v53 =	vld [tilespmem:$0x5848]  }
0x5bc: {  	v52 =	vld [tilespmem:$0x4B48];
	v10 =	vadd.f32 v56, v10  }
0x5bd: {  	v11 =	vadd.f32 v54, v11;
	v54 =	vld [tilespmem:$0x58C8]  }
0x5be: {  	v56 =	vld [tilespmem:$0x4BC8];
	v10 =	vadd.f32 v63, v10  }
0x5bf: {  	v11 =	vadd.f32 v60, v11;
	v60 =	vld [tilespmem:$0x5948]  }
0x5c0: {  	v63 =	vld [tilespmem:$0x4C48];
	v10 =	vadd.f32 v53, v10  }
0x5c1: {  	v12 =	vadd.f32 v13, v12;
	v9 =	vmul.f32 v9, v59;
	v11 =	vadd.f32 v52, v11;
	v52 =	vld [tilespmem:$0x59C8]  }
0x5c2: {  	v53 =	vld [tilespmem:$0x4CC8];
	v10 =	vadd.f32 v54, v10  }
0x5c3: {  	v9 =	vadd.f32 v9, v12;
	v12 =	vmul.f32 v61, v57;
	v11 =	vadd.f32 v56, v11;
	v56 =	vld [tilespmem:$0x5A48]  }
0x5c4: {  	v13 =	vld [tilespmem:$0x5AC8];
	v10 =	vadd.f32 v60, v10  }
0x5c5: {  	v9 =	vadd.f32 v12, v9;
	v12 =	vld [tilespmem:$0x5BC8];
	v11 =	vadd.f32 v63, v11  }
0x5c6: {  	v54 =	vld [tilespmem:$0x4D48];
	v10 =	vadd.f32 v52, v10  }
0x5c7: {  	v11 =	vadd.f32 v53, v11;
	v53 =	vld [tilespmem:$0x5B48]  }
0x5c8: {  	v62 =	vmul.f32 v62, v58;
	v60 =	vld [tilespmem:$0x4DC8];
	v10 =	vadd.f32 v56, v10  }
0x5c9: {  	v19 =	vld.idx.msk [tilespmem:v19+s11+$0x0], $0xffff  }
0x5ca: {  	v20 =	vld.idx.msk [tilespmem:v20+s10+$0x0], $0xffff;
	v9 =	vadd.f32 v62, v9;
	v10 =	vadd.f32 v13, v10;
	v13 =	vmul.f32 v16, v55  }
0x5cb: {  	v52 =	vld [tilespmem:$0x4E48];
	v11 =	vadd.f32 v54, v11  }
0x5cc: {  	v61 =	vld [tilespmem:$0x4EC8];
	v10 =	vadd.f32 v53, v10;
	v9 =	vadd.f32 v13, v9;
	v13 =	vmul.f32 v18, v15  }
0x5cd: {  	v63 =	vld [tilespmem:$0x4F48];
	v11 =	vadd.f32 v60, v11  }
0x5ce: {  	v16 =	vld [tilespmem:$0x5C48];
	v10 =	vadd.f32 v12, v10;
	v9 =	vadd.f32 v13, v9;
	v12 =	vmul.f32 v17, v14  }
0x5cf: {  	v60 =	vld [tilespmem:$0x4FC8]  }
0x5d0: {  	v15 =	vld [tilespmem:$0x5CC8];
	v11 =	vadd.f32 v52, v11;
	v9 =	vadd.f32 v12, v9;
	v12 =	vmul.f32 v20, v19  }
0x5d1: {  	v18 =	vld [tilespmem:$0x5048]  }
0x5d2: {  	v11 =	vadd.f32 v61, v11;
	v9 =	vadd.f32 v12, v9;
	v12 =	vld [tilespmem:$0x1FDB0]  }
0x5d3: {  	v13 =	vld [tilespmem:$0x5D48]  }
0x5d4: {  	v14 =	vld [tilespmem:$0x50C8];
	v10 =	vadd.f32 v16, v10;
	v11 =	vadd.f32 v63, v11  }
0x5d5: {  	v16 =	vld [tilespmem:$0x5DC8]  }
0x5d6: {  	s0 =	simm.s32 $0x0;
	v17 =	vld [tilespmem:$0x5148];
	v10 =	vadd.f32 v15, v10;
	v11 =	vadd.f32 v60, v11  }
0x5d7: {  	v19 =	vmov s0;
	v15 =	vld [tilespmem:$0x5E48];
	v12 =	vmul.f32 v21, v12  }
0x5d8: {  	v61 =	vld [tilespmem:$0x5348];
	v10 =	vadd.f32 v13, v10;
	v13 =	vshrl.u32 v19, $0x3;
	v11 =	vadd.f32 v18, v11  }
0x5d9: {  	v18 =	vld [tilespmem:$0x5EC8];
	v13 =	vshll.u32 v13, $0x3;
	v9 =	vadd.f32 v12, v9;
	v12 =	vmul.f32 v23, v22  }
0x5da: {  	v20 =	vld [tilespmem:$0x51C8];
	v10 =	vadd.f32 v16, v10;
	v13 =	vbroadcast v13, $0x0  }
0x5db: {  	v11 =	vadd.f32 v14, v11;
	v14 =	vld [tilespmem:$0x5F48];
	v9 =	vadd.f32 v12, v9;
	v12 =	vmul.f32 v51, v25  }
0x5dc: {  	v19 =	vld [tilespmem:$0x5248];
	v10 =	vadd.f32 v15, v10;
	v62 =	vor.u32 $0x3, v13;
	v51 =	vor.u32 $0xE00, v5  }
0x5dd: {  	v16 =	vld [tilespmem:$0x52C8];
	v11 =	vadd.f32 v17, v11;
	v15 =	vor.u32 v51, v13;
	v9 =	vadd.f32 v12, v9  }
0x5de: {  	v52 =	vor.u32 $0xE01, v5;
	v17 =	vor.u32 $0x1, v13;
	v10 =	vadd.f32 v18, v10;
	v12 =	vld [tilespmem:$0x5FC8]  }
0x5df: {  	v18 =	vor.u32 v52, v13;
	v11 =	vadd.f32 v20, v11;
	[tilespmem:$0x60B8] =	vst v9;
	v9 =	vld [tilespmem:$0x6048]  }
0x5e0: {  	v53 =	vor.u32 $0xE02, v5;
	v20 =	vor.u32 $0x2, v13;
	v10 =	vadd.f32 v14, v10;
	v14 =	vld.idx.msk [tilespmem:v13+s11+$0x0], $0xffff  }
0x5e1: {  	v56 =	vor.u32 $0xE05, v5;
	v11 =	vadd.f32 v19, v11;
	v19 =	vor.u32 v53, v13;
	v21 =	vld.idx.msk [tilespmem:v62+s11+$0x0], $0xffff  }
0x5e2: {  	v54 =	vor.u32 $0xE03, v5;
	v22 =	vor.u32 v56, v13;
	v15 =	vld.idx.msk [tilespmem:v15+s10+$0x0], $0xffff  }
0x5e3: {  	v11 =	vadd.f32 v16, v11;
	v16 =	vor.u32 v54, v13;
	v10 =	vadd.f32 v12, v10;
	v12 =	vld.idx.msk [tilespmem:v17+s11+$0x0], $0xffff  }
0x5e4: {  	v57 =	vor.u32 $0xE06, v5;
	v55 =	vor.u32 $0xE04, v5;
	v17 =	vld.idx.msk [tilespmem:v18+s10+$0x0], $0xffff;
	v18 =	vor.u32 $0x4, v13  }
0x5e5: {  	s0 =	simm.s32 $0x8;
	v9 =	vadd.f32 v9, v10;
	v10 =	vadd.f32 v61, v11;
	v11 =	vld.idx.msk [tilespmem:v20+s11+$0x0], $0xffff;
	v20 =	vor.u32 v55, v13  }
0x5e6: {  	v58 =	vor.u32 $0xE07, v5;
	v63 =	vmov s0;
	v59 =	vor.u32 v57, v13;
	v19 =	vld.idx.msk [tilespmem:v19+s10+$0x0], $0xffff  }
0x5e7: {  	v23 =	vor.u32 $0x5, v13;
	v22 =	vld.idx.msk [tilespmem:v22+s10+$0x0], $0xffff;
	v9 =	vsub.f32 v10, v9;
	v14 =	vmul.f32 v15, v14  }
0x5e8: {  	v60 =	vor.u32 $0x7, v13;
	v10 =	vshrl.u32 v63, $0x3;
	v15 =	vld.idx.msk [tilespmem:v16+s10+$0x0], $0xffff;
	v16 =	vor.u32 $0x6, v13  }
0x5e9: {  	v10 =	vshll.u32 v10, $0x3;
	v18 =	vld.idx.msk [tilespmem:v18+s11+$0x0], $0xffff;
	v12 =	vmul.f32 v17, v12;
	v14 =	vadd.f32 v14, v9  }
0x5ea: {  	v17 =	vor.u32 v58, v13;
	v9 =	vbroadcast v10, $0x0;
	v20 =	vld.idx.msk [tilespmem:v20+s10+$0x0], $0xffff  }
0x5eb: {  	v61 =	vld.idx.msk [tilespmem:v59+s10+$0x0], $0xffff;
	v11 =	vmul.f32 v19, v11;
	v12 =	vadd.f32 v12, v14  }
0x5ec: {  	v10 =	vld.idx.msk [tilespmem:v23+s11+$0x0], $0xffff;
	v19 =	vor.u32 v51, v9  }
0x5ed: {  	v23 =	vor.u32 $0x1, v9;
	v13 =	vld.idx.msk [tilespmem:v16+s11+$0x0], $0xffff;
	v14 =	vmul.f32 v15, v21;
	v12 =	vadd.f32 v11, v12  }
0x5ee: {  	v16 =	vor.u32 v52, v9;
	v11 =	vld.idx.msk [tilespmem:v60+s11+$0x0], $0xffff  }
0x5ef: {  	v59 =	vld.idx.msk [tilespmem:v17+s10+$0x0], $0xffff;
	v17 =	vadd.f32 v14, v12;
	v18 =	vmul.f32 v20, v18;
	v14 =	vor.u32 $0x2, v9  }
0x5f0: {  	v15 =	vor.u32 v53, v9;
	v12 =	vld.idx.msk [tilespmem:v9+s11+$0x0], $0xffff  }
0x5f1: {  	v62 =	vor.u32 $0x3, v9;
	v60 =	vld.idx.msk [tilespmem:v19+s10+$0x0], $0xffff;
	v17 =	vadd.f32 v18, v17;
	v18 =	vmul.f32 v22, v10  }
0x5f2: {  	v63 =	vor.u32 v54, v9;
	v10 =	vld.idx.msk [tilespmem:v23+s11+$0x0], $0xffff  }
.LBB2_18:
0x5f3: {  	s0 =	sadd.s32 $0x8, s0;
	v16 =	vld.idx.msk [tilespmem:v16+s10+$0x0], $0xffff;
	v19 =	vor.u32 $0x4, v9;
	v17 =	vadd.f32 v18, v17;
	v13 =	vmul.f32 v61, v13  }
0x5f4: {  	v20 =	vor.u32 v55, v9;
	v18 =	vmov s0;
	v14 =	vld.idx.msk [tilespmem:v14+s11+$0x0], $0xffff  }
0x5f5: {  	v21 =	vor.u32 $0x5, v9;
	v11 =	vmul.f32 v59, v11;
	v15 =	vld.idx.msk [tilespmem:v15+s10+$0x0], $0xffff;
	v13 =	vadd.f32 v13, v17  }
0x5f6: {  	v22 =	vor.u32 v56, v9;
	p0 =	slt.u32 s0, $0x18;
	v17 =	vshrl.u32 v18, $0x3;
	v18 =	vld.idx.msk [tilespmem:v62+s11+$0x0], $0xffff  }
0x5f7: {  	v59 =	vor.u32 $0x6, v9;
	v12 =	vmul.f32 v60, v12;
	v23 =	vld.idx.msk [tilespmem:v63+s10+$0x0], $0xffff;
	v11 =	vadd.f32 v11, v13  }
0x5f8: {  	v13 =	vshll.u32 v17, $0x3;
	v17 =	vld.idx.msk [tilespmem:v19+s11+$0x0], $0xffff;
	v19 =	vor.u32 v57, v9  }
0x5f9: {  	v10 =	vmul.f32 v16, v10;
	v11 =	vadd.f32 v12, v11;
	v12 =	vld.idx.msk [tilespmem:v20+s10+$0x0], $0xffff;
	v20 =	vor.u32 $0x7, v9  }
0x5fa: {  	v60 =	vor.u32 v58, v9;
	v9 =	vbroadcast v13, $0x0;
	v21 =	vld.idx.msk [tilespmem:v21+s11+$0x0], $0xffff  }
0x5fb: {  	v10 =	vadd.f32 v10, v11;
	v11 =	vmul.f32 v15, v14;
	v22 =	vld.idx.msk [tilespmem:v22+s10+$0x0], $0xffff  }
0x5fc: {  	v62 =	vor.u32 v51, v9;
	v13 =	vld.idx.msk [tilespmem:v59+s11+$0x0], $0xffff  }
0x5fd: {  	v63 =	vor.u32 $0x1, v9;
	v15 =	vmul.f32 v23, v18;
	v10 =	vadd.f32 v11, v10;
	v61 =	vld.idx.msk [tilespmem:v19+s10+$0x0], $0xffff  }
.Ltmp8:
0x5fe: {  	v16 =	vor.u32 v52, v9;
	v11 =	vld.idx.msk [tilespmem:v20+s11+$0x0], $0xffff;
	(pc) =	sbr.rel @p0 .LBB2_18-.Ltmp8, $4  }
0x5ff: {  	v14 =	vor.u32 $0x2, v9;
	v17 =	vmul.f32 v12, v17;
	v10 =	vadd.f32 v15, v10;
	v59 =	vld.idx.msk [tilespmem:v60+s10+$0x0], $0xffff  }
0x600: {  	v15 =	vor.u32 v53, v9;
	v12 =	vld.idx.msk [tilespmem:v9+s11+$0x0], $0xffff  }
0x601: {  	v18 =	vmul.f32 v22, v21;
	v60 =	vld.idx.msk [tilespmem:v62+s10+$0x0], $0xffff;
	v62 =	vor.u32 $0x3, v9;
	v17 =	vadd.f32 v17, v10  }
0x602: {  	v10 =	vld.idx.msk [tilespmem:v63+s11+$0x0], $0xffff;
	v63 =	vor.u32 v54, v9  }
0x603: {  	_ =	sdelay $0x2  }
0x604: {  	v17 =	vadd.f32 v18, v17;
	v13 =	vmul.f32 v61, v13  }
0x605: {  	v16 =	vld.idx.msk [tilespmem:v16+s10+$0x0], $0xffff;
	v18 =	vor.u32 $0x4, v9  }
0x606: {  	v14 =	vld.idx.msk [tilespmem:v14+s11+$0x0], $0xffff;
	v19 =	vor.u32 v55, v9;
	v11 =	vmul.f32 v59, v11;
	v13 =	vadd.f32 v13, v17  }
0x607: {  	v15 =	vld.idx.msk [tilespmem:v15+s10+$0x0], $0xffff;
	v21 =	vor.u32 v56, v9  }
0x608: {  	v20 =	vld.idx.msk [tilespmem:v62+s11+$0x0], $0xffff;
	v17 =	vor.u32 $0x5, v9;
	v12 =	vmul.f32 v60, v12;
	v11 =	vadd.f32 v11, v13  }
0x609: {  	v22 =	vor.u32 $0x6, v9;
	v59 =	vld.idx.msk [tilespmem:v63+s10+$0x0], $0xffff  }
0x60a: {  	v23 =	vor.u32 v57, v9;
	v18 =	vld.idx.msk [tilespmem:v18+s11+$0x0], $0xffff;
	v10 =	vmul.f32 v16, v10;
	v11 =	vadd.f32 v12, v11  }
0x60b: {  	v60 =	vld.idx.msk [tilespmem:v19+s10+$0x0], $0xffff;
	v16 =	vor.u32 $0x7, v9  }
0x60c: {  	v9 =	vor.u32 v58, v9;
	v61 =	vld.idx.msk [tilespmem:v21+s10+$0x0], $0xffff;
	v10 =	vadd.f32 v10, v11;
	v11 =	vmul.f32 v15, v14  }
0x60d: {  	v17 =	vld.idx.msk [tilespmem:v17+s11+$0x0], $0xffff  }
0x60e: {  	v62 =	vld.idx.msk [tilespmem:v22+s11+$0x0], $0xffff;
	v10 =	vadd.f32 v11, v10;
	v11 =	vmul.f32 v59, v20  }
0x60f: {  	v63 =	vld.idx.msk [tilespmem:v23+s10+$0x0], $0xffff  }
0x610: {  	v16 =	vld.idx.msk [tilespmem:v16+s11+$0x0], $0xffff;
	v10 =	vadd.f32 v11, v10;
	v11 =	vmul.f32 v60, v18  }
0x611: {  	v9 =	vld.idx.msk [tilespmem:v9+s10+$0x0], $0xffff  }
0x612: {  	v10 =	vadd.f32 v11, v10;
	v11 =	vmul.f32 v61, v17;
	_ =	sdelay $0x1  }
0x613: {  	v10 =	vadd.f32 v11, v10;
	v11 =	vmul.f32 v63, v62;
	_ =	sdelay $0x1  }
0x614: {  	v9 =	vmul.f32 v9, v16;
	v10 =	vadd.f32 v11, v10;
	_ =	sdelay $0x1  }
0x615: {  	v9 =	vadd.f32 v9, v10;
	_ =	sdelay $0x1  }
0x616: {  	[tilespmem:$0x60C8] =	vst v9  }
0x617: {  	[hbm4b:s8+s4] =	stream.linear.scatter [tilespmem:s24], [sflag:$0x2], $0x80, $0x38;
	[tilespmem:$0x60D8] =	vst v63  }
0x618: {  	_ =	swait.ge [sflag:s25], $0x80  }
0x619: {  	s26 =	sadd.s32 $0x1, s26;
	v19 =	vld [tilespmem:$0x1FF30]  }
0x61a: {  	p0 =	sne.s32 s26, s9;
	v20 =	vld [tilespmem:$0x1FF40]  }
.Ltmp9:
0x61b: {  	v21 =	vld [tilespmem:$0x1FF50];
	(pc) =	sbr.rel @p0 .LBB2_1-.Ltmp9, $4  }
0x61c: {  	v22 =	vld [tilespmem:$0x1FF60]  }
0x61d: {  	v23 =	vld [tilespmem:$0x1FF70]  }
0x61e: {  	[sflag:s25] =	ssyncset.done $0x0;
	v62 =	vld [tilespmem:$0x1FF80]  }
0x61f: {  	v63 =	vld [tilespmem:$0x1FF90];
	[sflag:s25] =	ssyncadd.s32 $0xFFFFFF80  }
0x620: {  	_ =	sfence.sel $0x180000  }
0x621: {  	[bflag:$0x0] =	sbarrier.arrive $0xFFFF  }
0x622: {  	_ =	strace $0x90000047  }
0x623: {  	s0 =	stileid.u32;
	[bflag:$0x2] =	sbarrier.arrive $0xFFFF  }
0x624: {  	p0 =	sne.s32 s0, $0x0;
	s0 =	rddreg [dreg:$0x4]  }
0x625: {  	s0 =	sadd.s32 @!p0 $0x100000, s0  }
0x626: {  	[sflag:s0] =	ssyncadd.tile.s32 @!p0 $0x1;
	_ =	shalt  }
.Lfunc_end2:
_tile_overlayer_lowered:
.L_overlay_start_2:
0x627: {  	(tag) =	ssettag $0x2  }
0x628: {  	s0 =	rddreg [dreg:$0x0];
	s2 =	stileid.u32  }
0x629: {  	s1 =	rddreg [dreg:$0x1];
	p0 =	sne.s32 s2, $0x0  }
0x62a: {  	s3 =	rddreg [dreg:$0x2];
	[bflag:$0x3] =	sbarrier.arrive $0xFFFF;
	s2 =	simm.s32 @!p0 $0x1C02  }
0x62b: {  	[timem:s3], [sflag:s2] =	dma.local @!p0 [hbm:s0], s1  }
0x62c: {  	s0 =	simm.s32 @!p0 $0x2  }
0x62d: {  	_ =	swait.ge @!p0 [sflag:s0], s1  }
0x62e: {  	s1 =	ssub.s32 @!p0 $0x0, s1;
	[sflag:s0] =	ssyncset.done @!p0 $0x0  }
0x62f: {  	[sflag:s0] =	ssyncadd.s32 @!p0 s1  }
0x630: {  	[bflag:$0x3] =	sbarrier.arrive $0xFFFF  }
0x631: {  	_ =	shalt  }

</sc_bundles>
